<compile_context>
chip_gen: v7x
topology: tpu7x:2x2x1
jax: 0.10.2.dev20260603
libtpu: 0.0.44.dev20260713+nightly
codegen_flags: <defaults>
</compile_context>

<pallas_src>
import functools

import jax
import jax.numpy as jnp
from jax import lax
from jax.experimental import pallas as pl
from jax.experimental.pallas import tpu as pltpu
from jax.experimental.pallas import tpu_sc as plsc

_V = 1000
_B = 1024
_S = 50
_NW = 32
_RPW = _B // _NW


def _sc_onehot(x_hbm, z_hbm, out_hbm, idx_v, slab0, slab1, s0, s1):
    sid = lax.axis_index("s")
    cid = lax.axis_index("c")
    wid = sid * 2 + cid
    row0 = wid * _RPW

    pltpu.sync_copy(x_hbm.at[pl.ds(row0 * _S, _RPW * _S)], idx_v)
    pltpu.sync_copy(z_hbm, slab0)
    pltpu.sync_copy(z_hbm, slab1)

    ones16 = jnp.ones((16,), jnp.float32)
    zeros16 = jnp.zeros((16,), jnp.float32)
    z16 = jnp.zeros((16,), jnp.int32)
    iota16 = lax.iota(jnp.int32, 16)
    ntv = (_S + 15) // 16

    def put(slab, r, val16):
        for v in range(ntv):
            tok = iota16 + v * 16
            mask = tok < _S
            ids = idx_v[pl.ds(r * _S + v * 16, 16)] if v < 3 else (
                idx_v[pl.ds(r * _S + _S - 16, 16)]
            )
            if v == 3:
                tok = iota16 + (_S - 16)
                mask = iota16 >= (16 - (_S - 48))
            plsc.store_scatter(slab, [z16, tok, ids], val16, mask=mask)

    slabs = (slab0, slab1)
    sems = (s0, s1)
    handles = [None, None]
    for r in range(_RPW):
        b = r % 2
        slab = slabs[b]
        if handles[b] is not None:
            handles[b].wait()
            put(slab, r - 2, zeros16)
        put(slab, r, ones16)
        handles[b] = pltpu.async_copy(
            slab, out_hbm.at[pl.ds(row0 + r, 1)], sems[b]
        )
    handles[0].wait()
    handles[1].wait()


def kernel(x):
    xi = x.reshape(-1).astype(jnp.int32)
    z = jnp.zeros((1, _S, _V), jnp.float32)
    mesh = plsc.VectorSubcoreMesh(core_axis_name="c", subcore_axis_name="s")
    run = functools.partial(
        pl.kernel,
        mesh=mesh,
        out_type=jax.ShapeDtypeStruct((_B, _S, _V), jnp.float32),
        scratch_types=[
            pltpu.VMEM((_RPW * _S,), jnp.int32),
            pltpu.VMEM((1, _S, _V), jnp.float32),
            pltpu.VMEM((1, _S, _V), jnp.float32),
            pltpu.SemaphoreType.DMA,
            pltpu.SemaphoreType.DMA,
        ],
        compiler_params=pltpu.CompilerParams(
            needs_layout_passes=False, use_tc_tiling_on_sc=True
        ),
    )(_sc_onehot)
    return run(xi, z)

# --- scband reference (transcript-rebuilt; emitter-appended) ---
"""Pipeline reference for scband-one-hot-embedding-8186207666589 (READ-ONLY COPY).

The authoritative reference and input builder live on the scoring server;
editing this copy changes nothing except your own understanding.
"""

import jax, jax.numpy as jnp
import numpy as np

VOCAB_SIZE = 1000

def setup_inputs(seed: int = 0) -> dict:
    key = jax.random.key(seed)
    x = jax.random.randint(key, (1024, 50), 0, VOCAB_SIZE, dtype=jnp.int64)
    return {"x": x}

def reference(x) -> jnp.ndarray:
    # Faithful port of OneHotEmbedding.call: cast to int then one-hot to depth=vocab_size.
    x = x.astype(jnp.int64)
    y = jax.nn.one_hot(x, num_classes=VOCAB_SIZE, dtype=jnp.float32)
    return y

if __name__ == "__main__":
    import jax
    _d = setup_inputs()
    print(jax.jit(kernel)(*tuple(_d.values())))

</pallas_src>

<mosaic_0001>
#map = affine_map<(d0, d1) -> (0)>
#map1 = affine_map<(d0, d1) -> (0, 0, 0)>
module attributes {stable_mosaic.version = 14 : i64} {
  func.func @_sc_onehot(%arg0: i32, %arg1: i32, %arg2: memref<51200xi32, #tpu.memory_space<hbm>>, %arg3: memref<1x50x1000xf32, #tpu.memory_space<hbm>>, %arg4: memref<1024x50x1000xf32, #tpu.memory_space<hbm>>, %arg5: memref<1600xi32, #tpu.memory_space<vmem>>, %arg6: memref<1x50x1000xf32, #tpu.memory_space<vmem>>, %arg7: memref<1x50x1000xf32, #tpu.memory_space<vmem>>, %arg8: memref<!tpu.dma_semaphore, #tpu.memory_space<semaphore_mem>>, %arg9: memref<!tpu.dma_semaphore, #tpu.memory_space<semaphore_mem>>) attributes {dimension_semantics = [#tpu.dimension_semantics<core_parallel>, #tpu.dimension_semantics<subcore_parallel>], iteration_bounds = array<i64: 2, 16>, scalar_prefetch = 0 : i64, scratch_operands = 5 : i64, tpu.core_type = #tpu.core_type<sc_vector_subcore>, window_params = [{transform_indices = #map}, {transform_indices = #map1}, {transform_indices = #map1}]} {
    %mul3A = arith.constant 2 : i32
    %mul3A_0 = arith.muli %arg1, %mul3A : i32
    %add3A = arith.addi %mul3A_0, %arg0 : i32
    %mul3A_1 = arith.constant 32 : i32
    %mul3A_2 = arith.muli %add3A, %mul3A_1 : i32
    %mul3A_3 = arith.constant 50 : i32
    %mul3A_4 = arith.muli %mul3A_2, %mul3A_3 : i32
    "tpu.region"() ({
      %run_scoped3A = tpu.sem_alloc : memref<!tpu.dma_semaphore, #tpu.memory_space<semaphore_mem>>
      %dma_start3A_2809 = tpu.memref_slice %arg2[%mul3A_4] : memref<51200xi32, #tpu.memory_space<hbm>> -> memref<1600xi32, #tpu.memory_space<hbm>>
      %dma_start3A_2810 = tpu.memref_slice %arg2[%mul3A_4] : memref<51200xi32, #tpu.memory_space<hbm>> -> memref<1600xi32, #tpu.memory_space<hbm>>
      tpu.enqueue_dma source(%dma_start3A_2810 : memref<1600xi32, #tpu.memory_space<hbm>>) target(%arg5 : memref<1600xi32, #tpu.memory_space<vmem>>) target_semaphore(%run_scoped3A : memref<!tpu.dma_semaphore, #tpu.memory_space<semaphore_mem>>)
      %dma_wait3A_2811 = tpu.memref_slice %arg2[%mul3A_4] : memref<51200xi32, #tpu.memory_space<hbm>> -> memref<1600xi32, #tpu.memory_space<hbm>>
      %dma_wait3A_2812 = tpu.memref_slice %arg2[%mul3A_4] : memref<51200xi32, #tpu.memory_space<hbm>> -> memref<1600xi32, #tpu.memory_space<hbm>>
      tpu.wait_dma2 semaphore(%run_scoped3A : memref<!tpu.dma_semaphore, #tpu.memory_space<semaphore_mem>>) src(%dma_wait3A_2812 : memref<1600xi32, #tpu.memory_space<hbm>>) dst(%arg5 : memref<1600xi32, #tpu.memory_space<vmem>>)
      tpu.yield
    }) : () -> ()
    "tpu.region"() ({
      %run_scoped3A = tpu.sem_alloc : memref<!tpu.dma_semaphore, #tpu.memory_space<semaphore_mem>>
      tpu.enqueue_dma source(%arg3 : memref<1x50x1000xf32, #tpu.memory_space<hbm>>) target(%arg6 : memref<1x50x1000xf32, #tpu.memory_space<vmem>>) target_semaphore(%run_scoped3A : memref<!tpu.dma_semaphore, #tpu.memory_space<semaphore_mem>>)
      tpu.wait_dma2 semaphore(%run_scoped3A : memref<!tpu.dma_semaphore, #tpu.memory_space<semaphore_mem>>) src(%arg3 : memref<1x50x1000xf32, #tpu.memory_space<hbm>>) dst(%arg6 : memref<1x50x1000xf32, #tpu.memory_space<vmem>>)
      tpu.yield
    }) : () -> ()
    "tpu.region"() ({
      %run_scoped3A = tpu.sem_alloc : memref<!tpu.dma_semaphore, #tpu.memory_space<semaphore_mem>>
      tpu.enqueue_dma source(%arg3 : memref<1x50x1000xf32, #tpu.memory_space<hbm>>) target(%arg7 : memref<1x50x1000xf32, #tpu.memory_space<vmem>>) target_semaphore(%run_scoped3A : memref<!tpu.dma_semaphore, #tpu.memory_space<semaphore_mem>>)
      tpu.wait_dma2 semaphore(%run_scoped3A : memref<!tpu.dma_semaphore, #tpu.memory_space<semaphore_mem>>) src(%arg3 : memref<1x50x1000xf32, #tpu.memory_space<hbm>>) dst(%arg7 : memref<1x50x1000xf32, #tpu.memory_space<vmem>>)
      tpu.yield
    }) : () -> ()
    %broadcast_in_dim3A = arith.constant 1.000000e+00 : f32
    %broadcast_in_dim3A_5 = vector.broadcast %broadcast_in_dim3A : f32 to vector<16xf32>
    %broadcast_in_dim3A_6 = arith.constant 0.000000e+00 : f32
    %broadcast_in_dim3A_7 = vector.broadcast %broadcast_in_dim3A_6 : f32 to vector<16xf32>
    %broadcast_in_dim3A_8 = arith.constant 0 : i32
    %broadcast_in_dim3A_9 = vector.broadcast %broadcast_in_dim3A_8 : i32 to vector<16xi32>
    %iota3A = tpu.iota {dimensions = array<i32: 0>} : vector<16xi32>
    %add3A_10 = arith.constant 0 : i32
    %add3A_11 = vector.broadcast %add3A_10 : i32 to vector<16xi32>
    %add3A_12 = arith.addi %iota3A, %add3A_11 : vector<16xi32>
    %lt3A = arith.constant 50 : i32
    %lt3A_13 = vector.broadcast %lt3A : i32 to vector<16xi32>
    %lt3A_14 = arith.cmpi slt, %add3A_12, %lt3A_13 : vector<16xi32>
    %get3A = arith.constant 0 : index
    %get3A_15 = tpu.vector_load %arg5[%get3A] {strides = array<i32>} : memref<1600xi32, #tpu.memory_space<vmem>>, vector<16xi32>,
    tpu.vector_store_idx %arg6[%broadcast_in_dim3A_9, %add3A_12, %get3A_15], %broadcast_in_dim3A_5 masked %lt3A_14 : memref<1x50x1000xf32, #tpu.memory_space<vmem>>[vector<16xi32>, vector<16xi32>, vector<16xi32>], vector<16xf32>, vector<16xi1>
    %add3A_16 = arith.constant 16 : i32
    %add3A_17 = vector.broadcast %add3A_16 : i32 to vector<16xi32>
    %add3A_18 = arith.addi %iota3A, %add3A_17 : vector<16xi32>
    %lt3A_19 = arith.constant 50 : i32
    %lt3A_20 = vector.broadcast %lt3A_19 : i32 to vector<16xi32>
    %lt3A_21 = arith.cmpi slt, %add3A_18, %lt3A_20 : vector<16xi32>
    %get3A_22 = arith.constant 16 : index
    %get3A_23 = tpu.vector_load %arg5[%get3A_22] {strides = array<i32>} : memref<1600xi32, #tpu.memory_space<vmem>>, vector<16xi32>,
    tpu.vector_store_idx %arg6[%broadcast_in_dim3A_9, %add3A_18, %get3A_23], %broadcast_in_dim3A_5 masked %lt3A_21 : memref<1x50x1000xf32, #tpu.memory_space<vmem>>[vector<16xi32>, vector<16xi32>, vector<16xi32>], vector<16xf32>, vector<16xi1>
    %add3A_24 = arith.constant 32 : i32
    %add3A_25 = vector.broadcast %add3A_24 : i32 to vector<16xi32>
    %add3A_26 = arith.addi %iota3A, %add3A_25 : vector<16xi32>
    %lt3A_27 = arith.constant 50 : i32
    %lt3A_28 = vector.broadcast %lt3A_27 : i32 to vector<16xi32>
    %lt3A_29 = arith.cmpi slt, %add3A_26, %lt3A_28 : vector<16xi32>
    %get3A_30 = arith.constant 32 : index
    %get3A_31 = tpu.vector_load %arg5[%get3A_30] {strides = array<i32>} : memref<1600xi32, #tpu.memory_space<vmem>>, vector<16xi32>,
    tpu.vector_store_idx %arg6[%broadcast_in_dim3A_9, %add3A_26, %get3A_31], %broadcast_in_dim3A_5 masked %lt3A_29 : memref<1x50x1000xf32, #tpu.memory_space<vmem>>[vector<16xi32>, vector<16xi32>, vector<16xi32>], vector<16xf32>, vector<16xi1>
    %add3A_32 = arith.constant 48 : i32
    %add3A_33 = vector.broadcast %add3A_32 : i32 to vector<16xi32>
    %add3A_34 = arith.addi %iota3A, %add3A_33 : vector<16xi32>
    %lt3A_35 = arith.constant 50 : i32
    %lt3A_36 = vector.broadcast %lt3A_35 : i32 to vector<16xi32>
    %lt3A_37 = arith.cmpi slt, %add3A_34, %lt3A_36 : vector<16xi32>
    %get3A_38 = arith.constant 34 : index
    %get3A_39 = tpu.vector_load %arg5[%get3A_38] {strides = array<i32>} : memref<1600xi32, #tpu.memory_space<vmem>>, vector<16xi32>,
    %add3A_40 = arith.constant 34 : i32
    %add3A_41 = vector.broadcast %add3A_40 : i32 to vector<16xi32>
    %add3A_42 = arith.addi %iota3A, %add3A_41 : vector<16xi32>
    %ge3A = arith.constant 14 : i32
    %ge3A_43 = vector.broadcast %ge3A : i32 to vector<16xi32>
    %ge3A_44 = arith.cmpi sge, %iota3A, %ge3A_43 : vector<16xi32>
    tpu.vector_store_idx %arg6[%broadcast_in_dim3A_9, %add3A_42, %get3A_39], %broadcast_in_dim3A_5 masked %ge3A_44 : memref<1x50x1000xf32, #tpu.memory_space<vmem>>[vector<16xi32>, vector<16xi32>, vector<16xi32>], vector<16xf32>, vector<16xi1>
    %add3A_45 = arith.constant 0 : i32
    %add3A_46 = arith.addi %mul3A_2, %add3A_45 : i32
    %dma_start3A = arith.constant 0 : i32
    %dma_start3A_47 = arith.constant 0 : i32
    %dma_start3A_48 = tpu.memref_slice %arg4[%add3A_46, %dma_start3A, %dma_start3A_47] : memref<1024x50x1000xf32, #tpu.memory_space<hbm>> -> memref<1x50x1000xf32, #tpu.memory_space<hbm>>
    %dma_start3A_49 = arith.constant 0 : i32
    %dma_start3A_50 = arith.constant 0 : i32
    %dma_start3A_51 = tpu.memref_slice %arg4[%add3A_46, %dma_start3A_49, %dma_start3A_50] : memref<1024x50x1000xf32, #tpu.memory_space<hbm>> -> memref<1x50x1000xf32, #tpu.memory_space<hbm>>
    tpu.enqueue_dma source(%arg6 : memref<1x50x1000xf32, #tpu.memory_space<vmem>>) target(%dma_start3A_51 : memref<1x50x1000xf32, #tpu.memory_space<hbm>>) target_semaphore(%arg8 : memref<!tpu.dma_semaphore, #tpu.memory_space<semaphore_mem>>)
    %add3A_52 = arith.constant 0 : i32
    %add3A_53 = vector.broadcast %add3A_52 : i32 to vector<16xi32>
    %add3A_54 = arith.addi %iota3A, %add3A_53 : vector<16xi32>
    %lt3A_55 = arith.constant 50 : i32
    %lt3A_56 = vector.broadcast %lt3A_55 : i32 to vector<16xi32>
    %lt3A_57 = arith.cmpi slt, %add3A_54, %lt3A_56 : vector<16xi32>
    %get3A_58 = arith.constant 50 : index
    %get3A_59 = tpu.vector_load %arg5[%get3A_58] {strides = array<i32>} : memref<1600xi32, #tpu.memory_space<vmem>>, vector<16xi32>,
    tpu.vector_store_idx %arg7[%broadcast_in_dim3A_9, %add3A_54, %get3A_59], %broadcast_in_dim3A_5 masked %lt3A_57 : memref<1x50x1000xf32, #tpu.memory_space<vmem>>[vector<16xi32>, vector<16xi32>, vector<16xi32>], vector<16xf32>, vector<16xi1>
    %add3A_60 = arith.constant 16 : i32
    %add3A_61 = vector.broadcast %add3A_60 : i32 to vector<16xi32>
    %add3A_62 = arith.addi %iota3A, %add3A_61 : vector<16xi32>
    %lt3A_63 = arith.constant 50 : i32
    %lt3A_64 = vector.broadcast %lt3A_63 : i32 to vector<16xi32>
    %lt3A_65 = arith.cmpi slt, %add3A_62, %lt3A_64 : vector<16xi32>
    %get3A_66 = arith.constant 66 : index
    %get3A_67 = tpu.vector_load %arg5[%get3A_66] {strides = array<i32>} : memref<1600xi32, #tpu.memory_space<vmem>>, vector<16xi32>,
    tpu.vector_store_idx %arg7[%broadcast_in_dim3A_9, %add3A_62, %get3A_67], %broadcast_in_dim3A_5 masked %lt3A_65 : memref<1x50x1000xf32, #tpu.memory_space<vmem>>[vector<16xi32>, vector<16xi32>, vector<16xi32>], vector<16xf32>, vector<16xi1>
    %add3A_68 = arith.constant 32 : i32
    %add3A_69 = vector.broadcast %add3A_68 : i32 to vector<16xi32>
    %add3A_70 = arith.addi %iota3A, %add3A_69 : vector<16xi32>
    %lt3A_71 = arith.constant 50 : i32
    %lt3A_72 = vector.broadcast %lt3A_71 : i32 to vector<16xi32>
    %lt3A_73 = arith.cmpi slt, %add3A_70, %lt3A_72 : vector<16xi32>
    %get3A_74 = arith.constant 82 : index
    %get3A_75 = tpu.vector_load %arg5[%get3A_74] {strides = array<i32>} : memref<1600xi32, #tpu.memory_space<vmem>>, vector<16xi32>,
    tpu.vector_store_idx %arg7[%broadcast_in_dim3A_9, %add3A_70, %get3A_75], %broadcast_in_dim3A_5 masked %lt3A_73 : memref<1x50x1000xf32, #tpu.memory_space<vmem>>[vector<16xi32>, vector<16xi32>, vector<16xi32>], vector<16xf32>, vector<16xi1>
    %add3A_76 = arith.constant 48 : i32
    %add3A_77 = vector.broadcast %add3A_76 : i32 to vector<16xi32>
    %add3A_78 = arith.addi %iota3A, %add3A_77 : vector<16xi32>
    %lt3A_79 = arith.constant 50 : i32
    %lt3A_80 = vector.broadcast %lt3A_79 : i32 to vector<16xi32>
    %lt3A_81 = arith.cmpi slt, %add3A_78, %lt3A_80 : vector<16xi32>
    %get3A_82 = arith.constant 84 : index
    %get3A_83 = tpu.vector_load %arg5[%get3A_82] {strides = array<i32>} : memref<1600xi32, #tpu.memory_space<vmem>>, vector<16xi32>,
    %add3A_84 = arith.constant 34 : i32
    %add3A_85 = vector.broadcast %add3A_84 : i32 to vector<16xi32>
    %add3A_86 = arith.addi %iota3A, %add3A_85 : vector<16xi32>
    %ge3A_87 = arith.constant 14 : i32
    %ge3A_88 = vector.broadcast %ge3A_87 : i32 to vector<16xi32>
    %ge3A_89 = arith.cmpi sge, %iota3A, %ge3A_88 : vector<16xi32>
    tpu.vector_store_idx %arg7[%broadcast_in_dim3A_9, %add3A_86, %get3A_83], %broadcast_in_dim3A_5 masked %ge3A_89 : memref<1x50x1000xf32, #tpu.memory_space<vmem>>[vector<16xi32>, vector<16xi32>, vector<16xi32>], vector<16xf32>, vector<16xi1>
    %add3A_90 = arith.constant 1 : i32
    %add3A_91 = arith.addi %mul3A_2, %add3A_90 : i32
    %dma_start3A_92 = arith.constant 0 : i32
    %dma_start3A_93 = arith.constant 0 : i32
    %dma_start3A_94 = tpu.memref_slice %arg4[%add3A_91, %dma_start3A_92, %dma_start3A_93] : memref<1024x50x1000xf32, #tpu.memory_space<hbm>> -> memref<1x50x1000xf32, #tpu.memory_space<hbm>>
    %dma_start3A_95 = arith.constant 0 : i32
    %dma_start3A_96 = arith.constant 0 : i32
    %dma_start3A_97 = tpu.memref_slice %arg4[%add3A_91, %dma_start3A_95, %dma_start3A_96] : memref<1024x50x1000xf32, #tpu.memory_space<hbm>> -> memref<1x50x1000xf32, #tpu.memory_space<hbm>>
    tpu.enqueue_dma source(%arg7 : memref<1x50x1000xf32, #tpu.memory_space<vmem>>) target(%dma_start3A_97 : memref<1x50x1000xf32, #tpu.memory_space<hbm>>) target_semaphore(%arg9 : memref<!tpu.dma_semaphore, #tpu.memory_space<semaphore_mem>>)
    %dma_wait3A = arith.constant 0 : i32
    %dma_wait3A_98 = arith.constant 0 : i32
    %dma_wait3A_99 = tpu.memref_slice %arg4[%add3A_46, %dma_wait3A, %dma_wait3A_98] : memref<1024x50x1000xf32, #tpu.memory_space<hbm>> -> memref<1x50x1000xf32, #tpu.memory_space<hbm>>
    %dma_wait3A_100 = arith.constant 0 : i32
    %dma_wait3A_101 = arith.constant 0 : i32
    %dma_wait3A_102 = tpu.memref_slice %arg4[%add3A_46, %dma_wait3A_100, %dma_wait3A_101] : memref<1024x50x1000xf32, #tpu.memory_space<hbm>> -> memref<1x50x1000xf32, #tpu.memory_space<hbm>>
    tpu.wait_dma2 semaphore(%arg8 : memref<!tpu.dma_semaphore, #tpu.memory_space<semaphore_mem>>) src(%arg6 : memref<1x50x1000xf32, #tpu.memory_space<vmem>>) dst(%dma_wait3A_102 : memref<1x50x1000xf32, #tpu.memory_space<hbm>>)
    %add3A_103 = arith.constant 0 : i32
    %add3A_104 = vector.broadcast %add3A_103 : i32 to vector<16xi32>
    %add3A_105 = arith.addi %iota3A, %add3A_104 : vector<16xi32>
    %lt3A_106 = arith.constant 50 : i32
    %lt3A_107 = vector.broadcast %lt3A_106 : i32 to vector<16xi32>
    %lt3A_108 = arith.cmpi slt, %add3A_105, %lt3A_107 : vector<16xi32>
    %get3A_109 = arith.constant 0 : index
    %get3A_110 = tpu.vector_load %arg5[%get3A_109] {strides = array<i32>} : memref<1600xi32, #tpu.memory_space<vmem>>, vector<16xi32>,
    tpu.vector_store_idx %arg6[%broadcast_in_dim3A_9, %add3A_105, %get3A_110], %broadcast_in_dim3A_7 masked %lt3A_108 : memref<1x50x1000xf32, #tpu.memory_space<vmem>>[vector<16xi32>, vector<16xi32>, vector<16xi32>], vector<16xf32>, vector<16xi1>
    %add3A_111 = arith.constant 16 : i32
    %add3A_112 = vector.broadcast %add3A_111 : i32 to vector<16xi32>
    %add3A_113 = arith.addi %iota3A, %add3A_112 : vector<16xi32>
    %lt3A_114 = arith.constant 50 : i32
    %lt3A_115 = vector.broadcast %lt3A_114 : i32 to vector<16xi32>
    %lt3A_116 = arith.cmpi slt, %add3A_113, %lt3A_115 : vector<16xi32>
    %get3A_117 = arith.constant 16 : index
    %get3A_118 = tpu.vector_load %arg5[%get3A_117] {strides = array<i32>} : memref<1600xi32, #tpu.memory_space<vmem>>, vector<16xi32>,
    tpu.vector_store_idx %arg6[%broadcast_in_dim3A_9, %add3A_113, %get3A_118], %broadcast_in_dim3A_7 masked %lt3A_116 : memref<1x50x1000xf32, #tpu.memory_space<vmem>>[vector<16xi32>, vector<16xi32>, vector<16xi32>], vector<16xf32>, vector<16xi1>
    %add3A_119 = arith.constant 32 : i32
    %add3A_120 = vector.broadcast %add3A_119 : i32 to vector<16xi32>
    %add3A_121 = arith.addi %iota3A, %add3A_120 : vector<16xi32>
    %lt3A_122 = arith.constant 50 : i32
    %lt3A_123 = vector.broadcast %lt3A_122 : i32 to vector<16xi32>
    %lt3A_124 = arith.cmpi slt, %add3A_121, %lt3A_123 : vector<16xi32>
    %get3A_125 = arith.constant 32 : index
    %get3A_126 = tpu.vector_load %arg5[%get3A_125] {strides = array<i32>} : memref<1600xi32, #tpu.memory_space<vmem>>, vector<16xi32>,
    tpu.vector_store_idx %arg6[%broadcast_in_dim3A_9, %add3A_121, %get3A_126], %broadcast_in_dim3A_7 masked %lt3A_124 : memref<1x50x1000xf32, #tpu.memory_space<vmem>>[vector<16xi32>, vector<16xi32>, vector<16xi32>], vector<16xf32>, vector<16xi1>
    %add3A_127 = arith.constant 48 : i32
    %add3A_128 = vector.broadcast %add3A_127 : i32 to vector<16xi32>
    %add3A_129 = arith.addi %iota3A, %add3A_128 : vector<16xi32>
    %lt3A_130 = arith.constant 50 : i32
    %lt3A_131 = vector.broadcast %lt3A_130 : i32 to vector<16xi32>
    %lt3A_132 = arith.cmpi slt, %add3A_129, %lt3A_131 : vector<16xi32>
    %get3A_133 = arith.constant 34 : index
    %get3A_134 = tpu.vector_load %arg5[%get3A_133] {strides = array<i32>} : memref<1600xi32, #tpu.memory_space<vmem>>, vector<16xi32>,
    %add3A_135 = arith.constant 34 : i32
    %add3A_136 = vector.broadcast %add3A_135 : i32 to vector<16xi32>
    %add3A_137 = arith.addi %iota3A, %add3A_136 : vector<16xi32>
    %ge3A_138 = arith.constant 14 : i32
    %ge3A_139 = vector.broadcast %ge3A_138 : i32 to vector<16xi32>
    %ge3A_140 = arith.cmpi sge, %iota3A, %ge3A_139 : vector<16xi32>
    tpu.vector_store_idx %arg6[%broadcast_in_dim3A_9, %add3A_137, %get3A_134], %broadcast_in_dim3A_7 masked %ge3A_140 : memref<1x50x1000xf32, #tpu.memory_space<vmem>>[vector<16xi32>, vector<16xi32>, vector<16xi32>], vector<16xf32>, vector<16xi1>
    %add3A_141 = arith.constant 0 : i32
    %add3A_142 = vector.broadcast %add3A_141 : i32 to vector<16xi32>
    %add3A_143 = arith.addi %iota3A, %add3A_142 : vector<16xi32>
    %lt3A_144 = arith.constant 50 : i32
    %lt3A_145 = vector.broadcast %lt3A_144 : i32 to vector<16xi32>
    %lt3A_146 = arith.cmpi slt, %add3A_143, %lt3A_145 : vector<16xi32>
    %get3A_147 = arith.constant 100 : index
    %get3A_148 = tpu.vector_load %arg5[%get3A_147] {strides = array<i32>} : memref<1600xi32, #tpu.memory_space<vmem>>, vector<16xi32>,
    tpu.vector_store_idx %arg6[%broadcast_in_dim3A_9, %add3A_143, %get3A_148], %broadcast_in_dim3A_5 masked %lt3A_146 : memref<1x50x1000xf32, #tpu.memory_space<vmem>>[vector<16xi32>, vector<16xi32>, vector<16xi32>], vector<16xf32>, vector<16xi1>
    %add3A_149 = arith.constant 16 : i32
    %add3A_150 = vector.broadcast %add3A_149 : i32 to vector<16xi32>
    %add3A_151 = arith.addi %iota3A, %add3A_150 : vector<16xi32>
    %lt3A_152 = arith.constant 50 : i32
    %lt3A_153 = vector.broadcast %lt3A_152 : i32 to vector<16xi32>
    %lt3A_154 = arith.cmpi slt, %add3A_151, %lt3A_153 : vector<16xi32>
    %get3A_155 = arith.constant 116 : index
    %get3A_156 = tpu.vector_load %arg5[%get3A_155] {strides = array<i32>} : memref<1600xi32, #tpu.memory_space<vmem>>, vector<16xi32>,
    tpu.vector_store_idx %arg6[%broadcast_in_dim3A_9, %add3A_151, %get3A_156], %broadcast_in_dim3A_5 masked %lt3A_154 : memref<1x50x1000xf32, #tpu.memory_space<vmem>>[vector<16xi32>, vector<16xi32>, vector<16xi32>], vector<16xf32>, vector<16xi1>
    %add3A_157 = arith.constant 32 : i32
    %add3A_158 = vector.broadcast %add3A_157 : i32 to vector<16xi32>
    %add3A_159 = arith.addi %iota3A, %add3A_158 : vector<16xi32>
    %lt3A_160 = arith.constant 50 : i32
    %lt3A_161 = vector.broadcast %lt3A_160 : i32 to vector<16xi32>
    %lt3A_162 = arith.cmpi slt, %add3A_159, %lt3A_161 : vector<16xi32>
    %get3A_163 = arith.constant 132 : index
    %get3A_164 = tpu.vector_load %arg5[%get3A_163] {strides = array<i32>} : memref<1600xi32, #tpu.memory_space<vmem>>, vector<16xi32>,
    tpu.vector_store_idx %arg6[%broadcast_in_dim3A_9, %add3A_159, %get3A_164], %broadcast_in_dim3A_5 masked %lt3A_162 : memref<1x50x1000xf32, #tpu.memory_space<vmem>>[vector<16xi32>, vector<16xi32>, vector<16xi32>], vector<16xf32>, vector<16xi1>
    %add3A_165 = arith.constant 48 : i32
    %add3A_166 = vector.broadcast %add3A_165 : i32 to vector<16xi32>
    %add3A_167 = arith.addi %iota3A, %add3A_166 : vector<16xi32>
    %lt3A_168 = arith.constant 50 : i32
    %lt3A_169 = vector.broadcast %lt3A_168 : i32 to vector<16xi32>
    %lt3A_170 = arith.cmpi slt, %add3A_167, %lt3A_169 : vector<16xi32>
    %get3A_171 = arith.constant 134 : index
    %get3A_172 = tpu.vector_load %arg5[%get3A_171] {strides = array<i32>} : memref<1600xi32, #tpu.memory_space<vmem>>, vector<16xi32>,
    %add3A_173 = arith.constant 34 : i32
    %add3A_174 = vector.broadcast %add3A_173 : i32 to vector<16xi32>
    %add3A_175 = arith.addi %iota3A, %add3A_174 : vector<16xi32>
    %ge3A_176 = arith.constant 14 : i32
    %ge3A_177 = vector.broadcast %ge3A_176 : i32 to vector<16xi32>
    %ge3A_178 = arith.cmpi sge, %iota3A, %ge3A_177 : vector<16xi32>
    tpu.vector_store_idx %arg6[%broadcast_in_dim3A_9, %add3A_175, %get3A_172], %broadcast_in_dim3A_5 masked %ge3A_178 : memref<1x50x1000xf32, #tpu.memory_space<vmem>>[vector<16xi32>, vector<16xi32>, vector<16xi32>], vector<16xf32>, vector<16xi1>
    %add3A_179 = arith.constant 2 : i32
    %add3A_180 = arith.addi %mul3A_2, %add3A_179 : i32
    %dma_start3A_181 = arith.constant 0 : i32
    %dma_start3A_182 = arith.constant 0 : i32
    %dma_start3A_183 = tpu.memref_slice %arg4[%add3A_180, %dma_start3A_181, %dma_start3A_182] : memref<1024x50x1000xf32, #tpu.memory_space<hbm>> -> memref<1x50x1000xf32, #tpu.memory_space<hbm>>
    %dma_start3A_184 = arith.constant 0 : i32
    %dma_start3A_185 = arith.constant 0 : i32
    %dma_start3A_186 = tpu.memref_slice %arg4[%add3A_180, %dma_start3A_184, %dma_start3A_185] : memref<1024x50x1000xf32, #tpu.memory_space<hbm>> -> memref<1x50x1000xf32, #tpu.memory_space<hbm>>
    tpu.enqueue_dma source(%arg6 : memref<1x50x1000xf32, #tpu.memory_space<vmem>>) target(%dma_start3A_186 : memref<1x50x1000xf32, #tpu.memory_space<hbm>>) target_semaphore(%arg8 : memref<!tpu.dma_semaphore, #tpu.memory_space<semaphore_mem>>)
    %dma_wait3A_187 = arith.constant 0 : i32
    %dma_wait3A_188 = arith.constant 0 : i32
    %dma_wait3A_189 = tpu.memref_slice %arg4[%add3A_91, %dma_wait3A_187, %dma_wait3A_188] : memref<1024x50x1000xf32, #tpu.memory_space<hbm>> -> memref<1x50x1000xf32, #tpu.memory_space<hbm>>
    %dma_wait3A_190 = arith.constant 0 : i32
    %dma_wait3A_191 = arith.constant 0 : i32
    %dma_wait3A_192 = tpu.memref_slice %arg4[%add3A_91, %dma_wait3A_190, %dma_wait3A_191] : memref<1024x50x1000xf32, #tpu.memory_space<hbm>> -> memref<1x50x1000xf32, #tpu.memory_space<hbm>>
    tpu.wait_dma2 semaphore(%arg9 : memref<!tpu.dma_semaphore, #tpu.memory_space<semaphore_mem>>) src(%arg7 : memref<1x50x1000xf32, #tpu.memory_space<vmem>>) dst(%dma_wait3A_192 : memref<1x50x1000xf32, #tpu.memory_space<hbm>>)
    %add3A_193 = arith.constant 0 : i32
    %add3A_194 = vector.broadcast %add3A_193 : i32 to vector<16xi32>
    %add3A_195 = arith.addi %iota3A, %add3A_194 : vector<16xi32>
    %lt3A_196 = arith.constant 50 : i32
    %lt3A_197 = vector.broadcast %lt3A_196 : i32 to vector<16xi32>
    %lt3A_198 = arith.cmpi slt, %add3A_195, %lt3A_197 : vector<16xi32>
    %get3A_199 = arith.constant 50 : index
    %get3A_200 = tpu.vector_load %arg5[%get3A_199] {strides = array<i32>} : memref<1600xi32, #tpu.memory_space<vmem>>, vector<16xi32>,
    tpu.vector_store_idx %arg7[%broadcast_in_dim3A_9, %add3A_195, %get3A_200], %broadcast_in_dim3A_7 masked %lt3A_198 : memref<1x50x1000xf32, #tpu.memory_space<vmem>>[vector<16xi32>, vector<16xi32>, vector<16xi32>], vector<16xf32>, vector<16xi1>
    %add3A_201 = arith.constant 16 : i32
    %add3A_202 = vector.broadcast %add3A_201 : i32 to vector<16xi32>
    %add3A_203 = arith.addi %iota3A, %add3A_202 : vector<16xi32>
    %lt3A_204 = arith.constant 50 : i32
    %lt3A_205 = vector.broadcast %lt3A_204 : i32 to vector<16xi32>
    %lt3A_206 = arith.cmpi slt, %add3A_203, %lt3A_205 : vector<16xi32>
    %get3A_207 = arith.constant 66 : index
    %get3A_208 = tpu.vector_load %arg5[%get3A_207] {strides = array<i32>} : memref<1600xi32, #tpu.memory_space<vmem>>, vector<16xi32>,
    tpu.vector_store_idx %arg7[%broadcast_in_dim3A_9, %add3A_203, %get3A_208], %broadcast_in_dim3A_7 masked %lt3A_206 : memref<1x50x1000xf32, #tpu.memory_space<vmem>>[vector<16xi32>, vector<16xi32>, vector<16xi32>], vector<16xf32>, vector<16xi1>
    %add3A_209 = arith.constant 32 : i32
    %add3A_210 = vector.broadcast %add3A_209 : i32 to vector<16xi32>
    %add3A_211 = arith.addi %iota3A, %add3A_210 : vector<16xi32>
    %lt3A_212 = arith.constant 50 : i32
    %lt3A_213 = vector.broadcast %lt3A_212 : i32 to vector<16xi32>
    %lt3A_214 = arith.cmpi slt, %add3A_211, %lt3A_213 : vector<16xi32>
    %get3A_215 = arith.constant 82 : index
    %get3A_216 = tpu.vector_load %arg5[%get3A_215] {strides = array<i32>} : memref<1600xi32, #tpu.memory_space<vmem>>, vector<16xi32>,
    tpu.vector_store_idx %arg7[%broadcast_in_dim3A_9, %add3A_211, %get3A_216], %broadcast_in_dim3A_7 masked %lt3A_214 : memref<1x50x1000xf32, #tpu.memory_space<vmem>>[vector<16xi32>, vector<16xi32>, vector<16xi32>], vector<16xf32>, vector<16xi1>
    %add3A_217 = arith.constant 48 : i32
    %add3A_218 = vector.broadcast %add3A_217 : i32 to vector<16xi32>
    %add3A_219 = arith.addi %iota3A, %add3A_218 : vector<16xi32>
    %lt3A_220 = arith.constant 50 : i32
    %lt3A_221 = vector.broadcast %lt3A_220 : i32 to vector<16xi32>
    %lt3A_222 = arith.cmpi slt, %add3A_219, %lt3A_221 : vector<16xi32>
    %get3A_223 = arith.constant 84 : index
    %get3A_224 = tpu.vector_load %arg5[%get3A_223] {strides = array<i32>} : memref<1600xi32, #tpu.memory_space<vmem>>, vector<16xi32>,
    %add3A_225 = arith.constant 34 : i32
    %add3A_226 = vector.broadcast %add3A_225 : i32 to vector<16xi32>
    %add3A_227 = arith.addi %iota3A, %add3A_226 : vector<16xi32>
    %ge3A_228 = arith.constant 14 : i32
    %ge3A_229 = vector.broadcast %ge3A_228 : i32 to vector<16xi32>
    %ge3A_230 = arith.cmpi sge, %iota3A, %ge3A_229 : vector<16xi32>
    tpu.vector_store_idx %arg7[%broadcast_in_dim3A_9, %add3A_227, %get3A_224], %broadcast_in_dim3A_7 masked %ge3A_230 : memref<1x50x1000xf32, #tpu.memory_space<vmem>>[vector<16xi32>, vector<16xi32>, vector<16xi32>], vector<16xf32>, vector<16xi1>
    %add3A_231 = arith.constant 0 : i32
    %add3A_232 = vector.broadcast %add3A_231 : i32 to vector<16xi32>
    %add3A_233 = arith.addi %iota3A, %add3A_232 : vector<16xi32>
    %lt3A_234 = arith.constant 50 : i32
    %lt3A_235 = vector.broadcast %lt3A_234 : i32 to vector<16xi32>
    %lt3A_236 = arith.cmpi slt, %add3A_233, %lt3A_235 : vector<16xi32>
    %get3A_237 = arith.constant 150 : index
    %get3A_238 = tpu.vector_load %arg5[%get3A_237] {strides = array<i32>} : memref<1600xi32, #tpu.memory_space<vmem>>, vector<16xi32>,
    tpu.vector_store_idx %arg7[%broadcast_in_dim3A_9, %add3A_233, %get3A_238], %broadcast_in_dim3A_5 masked %lt3A_236 : memref<1x50x1000xf32, #tpu.memory_space<vmem>>[vector<16xi32>, vector<16xi32>, vector<16xi32>], vector<16xf32>, vector<16xi1>
    %add3A_239 = arith.constant 16 : i32
    %add3A_240 = vector.broadcast %add3A_239 : i32 to vector<16xi32>
    %add3A_241 = arith.addi %iota3A, %add3A_240 : vector<16xi32>
    %lt3A_242 = arith.constant 50 : i32
    %lt3A_243 = vector.broadcast %lt3A_242 : i32 to vector<16xi32>
    %lt3A_244 = arith.cmpi slt, %add3A_241, %lt3A_243 : vector<16xi32>
    %get3A_245 = arith.constant 166 : index
    %get3A_246 = tpu.vector_load %arg5[%get3A_245] {strides = array<i32>} : memref<1600xi32, #tpu.memory_space<vmem>>, vector<16xi32>,
    tpu.vector_store_idx %arg7[%broadcast_in_dim3A_9, %add3A_241, %get3A_246], %broadcast_in_dim3A_5 masked %lt3A_244 : memref<1x50x1000xf32, #tpu.memory_space<vmem>>[vector<16xi32>, vector<16xi32>, vector<16xi32>], vector<16xf32>, vector<16xi1>
    %add3A_247 = arith.constant 32 : i32
    %add3A_248 = vector.broadcast %add3A_247 : i32 to vector<16xi32>
    %add3A_249 = arith.addi %iota3A, %add3A_248 : vector<16xi32>
    %lt3A_250 = arith.constant 50 : i32
    %lt3A_251 = vector.broadcast %lt3A_250 : i32 to vector<16xi32>
    %lt3A_252 = arith.cmpi slt, %add3A_249, %lt3A_251 : vector<16xi32>
    %get3A_253 = arith.constant 182 : index
    %get3A_254 = tpu.vector_load %arg5[%get3A_253] {strides = array<i32>} : memref<1600xi32, #tpu.memory_space<vmem>>, vector<16xi32>,
    tpu.vector_store_idx %arg7[%broadcast_in_dim3A_9, %add3A_249, %get3A_254], %broadcast_in_dim3A_5 masked %lt3A_252 : memref<1x50x1000xf32, #tpu.memory_space<vmem>>[vector<16xi32>, vector<16xi32>, vector<16xi32>], vector<16xf32>, vector<16xi1>
    %add3A_255 = arith.constant 48 : i32
    %add3A_256 = vector.broadcast %add3A_255 : i32 to vector<16xi32>
    %add3A_257 = arith.addi %iota3A, %add3A_256 : vector<16xi32>
    %lt3A_258 = arith.constant 50 : i32
    %lt3A_259 = vector.broadcast %lt3A_258 : i32 to vector<16xi32>
    %lt3A_260 = arith.cmpi slt, %add3A_257, %lt3A_259 : vector<16xi32>
    %get3A_261 = arith.constant 184 : index
    %get3A_262 = tpu.vector_load %arg5[%get3A_261] {strides = array<i32>} : memref<1600xi32, #tpu.memory_space<vmem>>, vector<16xi32>,
    %add3A_263 = arith.constant 34 : i32
    %add3A_264 = vector.broadcast %add3A_263 : i32 to vector<16xi32>
    %add3A_265 = arith.addi %iota3A, %add3A_264 : vector<16xi32>
    %ge3A_266 = arith.constant 14 : i32
    %ge3A_267 = vector.broadcast %ge3A_266 : i32 to vector<16xi32>
    %ge3A_268 = arith.cmpi sge, %iota3A, %ge3A_267 : vector<16xi32>
    tpu.vector_store_idx %arg7[%broadcast_in_dim3A_9, %add3A_265, %get3A_262], %broadcast_in_dim3A_5 masked %ge3A_268 : memref<1x50x1000xf32, #tpu.memory_space<vmem>>[vector<16xi32>, vector<16xi32>, vector<16xi32>], vector<16xf32>, vector<16xi1>
    %add3A_269 = arith.constant 3 : i32
    %add3A_270 = arith.addi %mul3A_2, %add3A_269 : i32
    %dma_start3A_271 = arith.constant 0 : i32
    %dma_start3A_272 = arith.constant 0 : i32
    %dma_start3A_273 = tpu.memref_slice %arg4[%add3A_270, %dma_start3A_271, %dma_start3A_272] : memref<1024x50x1000xf32, #tpu.memory_space<hbm>> -> memref<1x50x1000xf32, #tpu.memory_space<hbm>>
    %dma_start3A_274 = arith.constant 0 : i32
    %dma_start3A_275 = arith.constant 0 : i32
    %dma_start3A_276 = tpu.memref_slice %arg4[%add3A_270, %dma_start3A_274, %dma_start3A_275] : memref<1024x50x1000xf32, #tpu.memory_space<hbm>> -> memref<1x50x1000xf32, #tpu.memory_space<hbm>>
    tpu.enqueue_dma source(%arg7 : memref<1x50x1000xf32, #tpu.memory_space<vmem>>) target(%dma_start3A_276 : memref<1x50x1000xf32, #tpu.memory_space<hbm>>) target_semaphore(%arg9 : memref<!tpu.dma_semaphore, #tpu.memory_space<semaphore_mem>>)
    %dma_wait3A_277 = arith.constant 0 : i32
    %dma_wait3A_278 = arith.constant 0 : i32
    %dma_wait3A_279 = tpu.memref_slice %arg4[%add3A_180, %dma_wait3A_277, %dma_wait3A_278] : memref<1024x50x1000xf32, #tpu.memory_space<hbm>> -> memref<1x50x1000xf32, #tpu.memory_space<hbm>>
    %dma_wait3A_280 = arith.constant 0 : i32
    %dma_wait3A_281 = arith.constant 0 : i32
    %dma_wait3A_282 = tpu.memref_slice %arg4[%add3A_180, %dma_wait3A_280, %dma_wait3A_281] : memref<1024x50x1000xf32, #tpu.memory_space<hbm>> -> memref<1x50x1000xf32, #tpu.memory_space<hbm>>
    tpu.wait_dma2 semaphore(%arg8 : memref<!tpu.dma_semaphore, #tpu.memory_space<semaphore_mem>>) src(%arg6 : memref<1x50x1000xf32, #tpu.memory_space<vmem>>) dst(%dma_wait3A_282 : memref<1x50x1000xf32, #tpu.memory_space<hbm>>)
    %add3A_283 = arith.constant 0 : i32
    %add3A_284 = vector.broadcast %add3A_283 : i32 to vector<16xi32>
    %add3A_285 = arith.addi %iota3A, %add3A_284 : vector<16xi32>
    %lt3A_286 = arith.constant 50 : i32
    %lt3A_287 = vector.broadcast %lt3A_286 : i32 to vector<16xi32>
    %lt3A_288 = arith.cmpi slt, %add3A_285, %lt3A_287 : vector<16xi32>
    %get3A_289 = arith.constant 100 : index
    %get3A_290 = tpu.vector_load %arg5[%get3A_289] {strides = array<i32>} : memref<1600xi32, #tpu.memory_space<vmem>>, vector<16xi32>,
    tpu.vector_store_idx %arg6[%broadcast_in_dim3A_9, %add3A_285, %get3A_290], %broadcast_in_dim3A_7 masked %lt3A_288 : memref<1x50x1000xf32, #tpu.memory_space<vmem>>[vector<16xi32>, vector<16xi32>, vector<16xi32>], vector<16xf32>, vector<16xi1>
    %add3A_291 = arith.constant 16 : i32
    %add3A_292 = vector.broadcast %add3A_291 : i32 to vector<16xi32>
    %add3A_293 = arith.addi %iota3A, %add3A_292 : vector<16xi32>
    %lt3A_294 = arith.constant 50 : i32
    %lt3A_295 = vector.broadcast %lt3A_294 : i32 to vector<16xi32>
    %lt3A_296 = arith.cmpi slt, %add3A_293, %lt3A_295 : vector<16xi32>
    %get3A_297 = arith.constant 116 : index
    %get3A_298 = tpu.vector_load %arg5[%get3A_297] {strides = array<i32>} : memref<1600xi32, #tpu.memory_space<vmem>>, vector<16xi32>,
    tpu.vector_store_idx %arg6[%broadcast_in_dim3A_9, %add3A_293, %get3A_298], %broadcast_in_dim3A_7 masked %lt3A_296 : memref<1x50x1000xf32, #tpu.memory_space<vmem>>[vector<16xi32>, vector<16xi32>, vector<16xi32>], vector<16xf32>, vector<16xi1>
    %add3A_299 = arith.constant 32 : i32
    %add3A_300 = vector.broadcast %add3A_299 : i32 to vector<16xi32>
    %add3A_301 = arith.addi %iota3A, %add3A_300 : vector<16xi32>
    %lt3A_302 = arith.constant 50 : i32
    %lt3A_303 = vector.broadcast %lt3A_302 : i32 to vector<16xi32>
    %lt3A_304 = arith.cmpi slt, %add3A_301, %lt3A_303 : vector<16xi32>
    %get3A_305 = arith.constant 132 : index
    %get3A_306 = tpu.vector_load %arg5[%get3A_305] {strides = array<i32>} : memref<1600xi32, #tpu.memory_space<vmem>>, vector<16xi32>,
    tpu.vector_store_idx %arg6[%broadcast_in_dim3A_9, %add3A_301, %get3A_306], %broadcast_in_dim3A_7 masked %lt3A_304 : memref<1x50x1000xf32, #tpu.memory_space<vmem>>[vector<16xi32>, vector<16xi32>, vector<16xi32>], vector<16xf32>, vector<16xi1>
    %add3A_307 = arith.constant 48 : i32
    %add3A_308 = vector.broadcast %add3A_307 : i32 to vector<16xi32>
    %add3A_309 = arith.addi %iota3A, %add3A_308 : vector<16xi32>
    %lt3A_310 = arith.constant 50 : i32
    %lt3A_311 = vector.broadcast %lt3A_310 : i32 to vector<16xi32>
    %lt3A_312 = arith.cmpi slt, %add3A_309, %lt3A_311 : vector<16xi32>
    %get3A_313 = arith.constant 134 : index
    %get3A_314 = tpu.vector_load %arg5[%get3A_313] {strides = array<i32>} : memref<1600xi32, #tpu.memory_space<vmem>>, vector<16xi32>,
    %add3A_315 = arith.constant 34 : i32
    %add3A_316 = vector.broadcast %add3A_315 : i32 to vector<16xi32>
    %add3A_317 = arith.addi %iota3A, %add3A_316 : vector<16xi32>
    %ge3A_318 = arith.constant 14 : i32
    %ge3A_319 = vector.broadcast %ge3A_318 : i32 to vector<16xi32>
    %ge3A_320 = arith.cmpi sge, %iota3A, %ge3A_319 : vector<16xi32>
    tpu.vector_store_idx %arg6[%broadcast_in_dim3A_9, %add3A_317, %get3A_314], %broadcast_in_dim3A_7 masked %ge3A_320 : memref<1x50x1000xf32, #tpu.memory_space<vmem>>[vector<16xi32>, vector<16xi32>, vector<16xi32>], vector<16xf32>, vector<16xi1>
    %add3A_321 = arith.constant 0 : i32
    %add3A_322 = vector.broadcast %add3A_321 : i32 to vector<16xi32>
    %add3A_323 = arith.addi %iota3A, %add3A_322 : vector<16xi32>
    %lt3A_324 = arith.constant 50 : i32
    %lt3A_325 = vector.broadcast %lt3A_324 : i32 to vector<16xi32>
    %lt3A_326 = arith.cmpi slt, %add3A_323, %lt3A_325 : vector<16xi32>
    %get3A_327 = arith.constant 200 : index
    %get3A_328 = tpu.vector_load %arg5[%get3A_327] {strides = array<i32>} : memref<1600xi32, #tpu.memory_space<vmem>>, vector<16xi32>,
    tpu.vector_store_idx %arg6[%broadcast_in_dim3A_9, %add3A_323, %get3A_328], %broadcast_in_dim3A_5 masked %lt3A_326 : memref<1x50x1000xf32, #tpu.memory_space<vmem>>[vector<16xi32>, vector<16xi32>, vector<16xi32>], vector<16xf32>, vector<16xi1>
    %add3A_329 = arith.constant 16 : i32
    %add3A_330 = vector.broadcast %add3A_329 : i32 to vector<16xi32>
    %add3A_331 = arith.addi %iota3A, %add3A_330 : vector<16xi32>
    %lt3A_332 = arith.constant 50 : i32
    %lt3A_333 = vector.broadcast %lt3A_332 : i32 to vector<16xi32>
    %lt3A_334 = arith.cmpi slt, %add3A_331, %lt3A_333 : vector<16xi32>
    %get3A_335 = arith.constant 216 : index
    %get3A_336 = tpu.vector_load %arg5[%get3A_335] {strides = array<i32>} : memref<1600xi32, #tpu.memory_space<vmem>>, vector<16xi32>,
    tpu.vector_store_idx %arg6[%broadcast_in_dim3A_9, %add3A_331, %get3A_336], %broadcast_in_dim3A_5 masked %lt3A_334 : memref<1x50x1000xf32, #tpu.memory_space<vmem>>[vector<16xi32>, vector<16xi32>, vector<16xi32>], vector<16xf32>, vector<16xi1>
    %add3A_337 = arith.constant 32 : i32
    %add3A_338 = vector.broadcast %add3A_337 : i32 to vector<16xi32>
    %add3A_339 = arith.addi %iota3A, %add3A_338 : vector<16xi32>
    %lt3A_340 = arith.constant 50 : i32
    %lt3A_341 = vector.broadcast %lt3A_340 : i32 to vector<16xi32>
    %lt3A_342 = arith.cmpi slt, %add3A_339, %lt3A_341 : vector<16xi32>
    %get3A_343 = arith.constant 232 : index
    %get3A_344 = tpu.vector_load %arg5[%get3A_343] {strides = array<i32>} : memref<1600xi32, #tpu.memory_space<vmem>>, vector<16xi32>,
    tpu.vector_store_idx %arg6[%broadcast_in_dim3A_9, %add3A_339, %get3A_344], %broadcast_in_dim3A_5 masked %lt3A_342 : memref<1x50x1000xf32, #tpu.memory_space<vmem>>[vector<16xi32>, vector<16xi32>, vector<16xi32>], vector<16xf32>, vector<16xi1>
    %add3A_345 = arith.constant 48 : i32
    %add3A_346 = vector.broadcast %add3A_345 : i32 to vector<16xi32>
    %add3A_347 = arith.addi %iota3A, %add3A_346 : vector<16xi32>
    %lt3A_348 = arith.constant 50 : i32
    %lt3A_349 = vector.broadcast %lt3A_348 : i32 to vector<16xi32>
    %lt3A_350 = arith.cmpi slt, %add3A_347, %lt3A_349 : vector<16xi32>
    %get3A_351 = arith.constant 234 : index
    %get3A_352 = tpu.vector_load %arg5[%get3A_351] {strides = array<i32>} : memref<1600xi32, #tpu.memory_space<vmem>>, vector<16xi32>,
    %add3A_353 = arith.constant 34 : i32
    %add3A_354 = vector.broadcast %add3A_353 : i32 to vector<16xi32>
    %add3A_355 = arith.addi %iota3A, %add3A_354 : vector<16xi32>
    %ge3A_356 = arith.constant 14 : i32
    %ge3A_357 = vector.broadcast %ge3A_356 : i32 to vector<16xi32>
    %ge3A_358 = arith.cmpi sge, %iota3A, %ge3A_357 : vector<16xi32>
    tpu.vector_store_idx %arg6[%broadcast_in_dim3A_9, %add3A_355, %get3A_352], %broadcast_in_dim3A_5 masked %ge3A_358 : memref<1x50x1000xf32, #tpu.memory_space<vmem>>[vector<16xi32>, vector<16xi32>, vector<16xi32>], vector<16xf32>, vector<16xi1>
    %add3A_359 = arith.constant 4 : i32
    %add3A_360 = arith.addi %mul3A_2, %add3A_359 : i32
    %dma_start3A_361 = arith.constant 0 : i32
    %dma_start3A_362 = arith.constant 0 : i32
    %dma_start3A_363 = tpu.memref_slice %arg4[%add3A_360, %dma_start3A_361, %dma_start3A_362] : memref<1024x50x1000xf32, #tpu.memory_space<hbm>> -> memref<1x50x1000xf32, #tpu.memory_space<hbm>>
    %dma_start3A_364 = arith.constant 0 : i32
    %dma_start3A_365 = arith.constant 0 : i32
    %dma_start3A_366 = tpu.memref_slice %arg4[%add3A_360, %dma_start3A_364, %dma_start3A_365] : memref<1024x50x1000xf32, #tpu.memory_space<hbm>> -> memref<1x50x1000xf32, #tpu.memory_space<hbm>>
    tpu.enqueue_dma source(%arg6 : memref<1x50x1000xf32, #tpu.memory_space<vmem>>) target(%dma_start3A_366 : memref<1x50x1000xf32, #tpu.memory_space<hbm>>) target_semaphore(%arg8 : memref<!tpu.dma_semaphore, #tpu.memory_space<semaphore_mem>>)
    %dma_wait3A_367 = arith.constant 0 : i32
    %dma_wait3A_368 = arith.constant 0 : i32
    %dma_wait3A_369 = tpu.memref_slice %arg4[%add3A_270, %dma_wait3A_367, %dma_wait3A_368] : memref<1024x50x1000xf32, #tpu.memory_space<hbm>> -> memref<1x50x1000xf32, #tpu.memory_space<hbm>>
    %dma_wait3A_370 = arith.constant 0 : i32
    %dma_wait3A_371 = arith.constant 0 : i32
    %dma_wait3A_372 = tpu.memref_slice %arg4[%add3A_270, %dma_wait3A_370, %dma_wait3A_371] : memref<1024x50x1000xf32, #tpu.memory_space<hbm>> -> memref<1x50x1000xf32, #tpu.memory_space<hbm>>
    tpu.wait_dma2 semaphore(%arg9 : memref<!tpu.dma_semaphore, #tpu.memory_space<semaphore_mem>>) src(%arg7 : memref<1x50x1000xf32, #tpu.memory_space<vmem>>) dst(%dma_wait3A_372 : memref<1x50x1000xf32, #tpu.memory_space<hbm>>)
    %add3A_373 = arith.constant 0 : i32
    %add3A_374 = vector.broadcast %add3A_373 : i32 to vector<16xi32>
    %add3A_375 = arith.addi %iota3A, %add3A_374 : vector<16xi32>
    %lt3A_376 = arith.constant 50 : i32
    %lt3A_377 = vector.broadcast %lt3A_376 : i32 to vector<16xi32>
    %lt3A_378 = arith.cmpi slt, %add3A_375, %lt3A_377 : vector<16xi32>
    %get3A_379 = arith.constant 150 : index
    %get3A_380 = tpu.vector_load %arg5[%get3A_379] {strides = array<i32>} : memref<1600xi32, #tpu.memory_space<vmem>>, vector<16xi32>,
    tpu.vector_store_idx %arg7[%broadcast_in_dim3A_9, %add3A_375, %get3A_380], %broadcast_in_dim3A_7 masked %lt3A_378 : memref<1x50x1000xf32, #tpu.memory_space<vmem>>[vector<16xi32>, vector<16xi32>, vector<16xi32>], vector<16xf32>, vector<16xi1>
    %add3A_381 = arith.constant 16 : i32
    %add3A_382 = vector.broadcast %add3A_381 : i32 to vector<16xi32>
    %add3A_383 = arith.addi %iota3A, %add3A_382 : vector<16xi32>
    %lt3A_384 = arith.constant 50 : i32
    %lt3A_385 = vector.broadcast %lt3A_384 : i32 to vector<16xi32>
    %lt3A_386 = arith.cmpi slt, %add3A_383, %lt3A_385 : vector<16xi32>
    %get3A_387 = arith.constant 166 : index
    %get3A_388 = tpu.vector_load %arg5[%get3A_387] {strides = array<i32>} : memref<1600xi32, #tpu.memory_space<vmem>>, vector<16xi32>,
    tpu.vector_store_idx %arg7[%broadcast_in_dim3A_9, %add3A_383, %get3A_388], %broadcast_in_dim3A_7 masked %lt3A_386 : memref<1x50x1000xf32, #tpu.memory_space<vmem>>[vector<16xi32>, vector<16xi32>, vector<16xi32>], vector<16xf32>, vector<16xi1>
    %add3A_389 = arith.constant 32 : i32
    %add3A_390 = vector.broadcast %add3A_389 : i32 to vector<16xi32>
    %add3A_391 = arith.addi %iota3A, %add3A_390 : vector<16xi32>
    %lt3A_392 = arith.constant 50 : i32
    %lt3A_393 = vector.broadcast %lt3A_392 : i32 to vector<16xi32>
    %lt3A_394 = arith.cmpi slt, %add3A_391, %lt3A_393 : vector<16xi32>
    %get3A_395 = arith.constant 182 : index
    %get3A_396 = tpu.vector_load %arg5[%get3A_395] {strides = array<i32>} : memref<1600xi32, #tpu.memory_space<vmem>>, vector<16xi32>,
    tpu.vector_store_idx %arg7[%broadcast_in_dim3A_9, %add3A_391, %get3A_396], %broadcast_in_dim3A_7 masked %lt3A_394 : memref<1x50x1000xf32, #tpu.memory_space<vmem>>[vector<16xi32>, vector<16xi32>, vector<16xi32>], vector<16xf32>, vector<16xi1>
    %add3A_397 = arith.constant 48 : i32
    %add3A_398 = vector.broadcast %add3A_397 : i32 to vector<16xi32>
    %add3A_399 = arith.addi %iota3A, %add3A_398 : vector<16xi32>
    %lt3A_400 = arith.constant 50 : i32
    %lt3A_401 = vector.broadcast %lt3A_400 : i32 to vector<16xi32>
    %lt3A_402 = arith.cmpi slt, %add3A_399, %lt3A_401 : vector<16xi32>
    %get3A_403 = arith.constant 184 : index
    %get3A_404 = tpu.vector_load %arg5[%get3A_403] {strides = array<i32>} : memref<1600xi32, #tpu.memory_space<vmem>>, vector<16xi32>,
    %add3A_405 = arith.constant 34 : i32
    %add3A_406 = vector.broadcast %add3A_405 : i32 to vector<16xi32>
    %add3A_407 = arith.addi %iota3A, %add3A_406 : vector<16xi32>
    %ge3A_408 = arith.constant 14 : i32
    %ge3A_409 = vector.broadcast %ge3A_408 : i32 to vector<16xi32>
    %ge3A_410 = arith.cmpi sge, %iota3A, %ge3A_409 : vector<16xi32>
    tpu.vector_store_idx %arg7[%broadcast_in_dim3A_9, %add3A_407, %get3A_404], %broadcast_in_dim3A_7 masked %ge3A_410 : memref<1x50x1000xf32, #tpu.memory_space<vmem>>[vector<16xi32>, vector<16xi32>, vector<16xi32>], vector<16xf32>, vector<16xi1>
    %add3A_411 = arith.constant 0 : i32
    %add3A_412 = vector.broadcast %add3A_411 : i32 to vector<16xi32>
    %add3A_413 = arith.addi %iota3A, %add3A_412 : vector<16xi32>
    %lt3A_414 = arith.constant 50 : i32
    %lt3A_415 = vector.broadcast %lt3A_414 : i32 to vector<16xi32>
    %lt3A_416 = arith.cmpi slt, %add3A_413, %lt3A_415 : vector<16xi32>
    %get3A_417 = arith.constant 250 : index
    %get3A_418 = tpu.vector_load %arg5[%get3A_417] {strides = array<i32>} : memref<1600xi32, #tpu.memory_space<vmem>>, vector<16xi32>,
    tpu.vector_store_idx %arg7[%broadcast_in_dim3A_9, %add3A_413, %get3A_418], %broadcast_in_dim3A_5 masked %lt3A_416 : memref<1x50x1000xf32, #tpu.memory_space<vmem>>[vector<16xi32>, vector<16xi32>, vector<16xi32>], vector<16xf32>, vector<16xi1>
    %add3A_419 = arith.constant 16 : i32
    %add3A_420 = vector.broadcast %add3A_419 : i32 to vector<16xi32>
    %add3A_421 = arith.addi %iota3A, %add3A_420 : vector<16xi32>
    %lt3A_422 = arith.constant 50 : i32
    %lt3A_423 = vector.broadcast %lt3A_422 : i32 to vector<16xi32>
    %lt3A_424 = arith.cmpi slt, %add3A_421, %lt3A_423 : vector<16xi32>
    %get3A_425 = arith.constant 266 : index
    %get3A_426 = tpu.vector_load %arg5[%get3A_425] {strides = array<i32>} : memref<1600xi32, #tpu.memory_space<vmem>>, vector<16xi32>,
    tpu.vector_store_idx %arg7[%broadcast_in_dim3A_9, %add3A_421, %get3A_426], %broadcast_in_dim3A_5 masked %lt3A_424 : memref<1x50x1000xf32, #tpu.memory_space<vmem>>[vector<16xi32>, vector<16xi32>, vector<16xi32>], vector<16xf32>, vector<16xi1>
    %add3A_427 = arith.constant 32 : i32
    %add3A_428 = vector.broadcast %add3A_427 : i32 to vector<16xi32>
    %add3A_429 = arith.addi %iota3A, %add3A_428 : vector<16xi32>
    %lt3A_430 = arith.constant 50 : i32
    %lt3A_431 = vector.broadcast %lt3A_430 : i32 to vector<16xi32>
    %lt3A_432 = arith.cmpi slt, %add3A_429, %lt3A_431 : vector<16xi32>
    %get3A_433 = arith.constant 282 : index
    %get3A_434 = tpu.vector_load %arg5[%get3A_433] {strides = array<i32>} : memref<1600xi32, #tpu.memory_space<vmem>>, vector<16xi32>,
    tpu.vector_store_idx %arg7[%broadcast_in_dim3A_9, %add3A_429, %get3A_434], %broadcast_in_dim3A_5 masked %lt3A_432 : memref<1x50x1000xf32, #tpu.memory_space<vmem>>[vector<16xi32>, vector<16xi32>, vector<16xi32>], vector<16xf32>, vector<16xi1>
    %add3A_435 = arith.constant 48 : i32
    %add3A_436 = vector.broadcast %add3A_435 : i32 to vector<16xi32>
    %add3A_437 = arith.addi %iota3A, %add3A_436 : vector<16xi32>
    %lt3A_438 = arith.constant 50 : i32
    %lt3A_439 = vector.broadcast %lt3A_438 : i32 to vector<16xi32>
    %lt3A_440 = arith.cmpi slt, %add3A_437, %lt3A_439 : vector<16xi32>
    %get3A_441 = arith.constant 284 : index
    %get3A_442 = tpu.vector_load %arg5[%get3A_441] {strides = array<i32>} : memref<1600xi32, #tpu.memory_space<vmem>>, vector<16xi32>,
    %add3A_443 = arith.constant 34 : i32
    %add3A_444 = vector.broadcast %add3A_443 : i32 to vector<16xi32>
    %add3A_445 = arith.addi %iota3A, %add3A_444 : vector<16xi32>
    %ge3A_446 = arith.constant 14 : i32
    %ge3A_447 = vector.broadcast %ge3A_446 : i32 to vector<16xi32>
    %ge3A_448 = arith.cmpi sge, %iota3A, %ge3A_447 : vector<16xi32>
    tpu.vector_store_idx %arg7[%broadcast_in_dim3A_9, %add3A_445, %get3A_442], %broadcast_in_dim3A_5 masked %ge3A_448 : memref<1x50x1000xf32, #tpu.memory_space<vmem>>[vector<16xi32>, vector<16xi32>, vector<16xi32>], vector<16xf32>, vector<16xi1>
    %add3A_449 = arith.constant 5 : i32
    %add3A_450 = arith.addi %mul3A_2, %add3A_449 : i32
    %dma_start3A_451 = arith.constant 0 : i32
    %dma_start3A_452 = arith.constant 0 : i32
    %dma_start3A_453 = tpu.memref_slice %arg4[%add3A_450, %dma_start3A_451, %dma_start3A_452] : memref<1024x50x1000xf32, #tpu.memory_space<hbm>> -> memref<1x50x1000xf32, #tpu.memory_space<hbm>>
    %dma_start3A_454 = arith.constant 0 : i32
    %dma_start3A_455 = arith.constant 0 : i32
    %dma_start3A_456 = tpu.memref_slice %arg4[%add3A_450, %dma_start3A_454, %dma_start3A_455] : memref<1024x50x1000xf32, #tpu.memory_space<hbm>> -> memref<1x50x1000xf32, #tpu.memory_space<hbm>>
    tpu.enqueue_dma source(%arg7 : memref<1x50x1000xf32, #tpu.memory_space<vmem>>) target(%dma_start3A_456 : memref<1x50x1000xf32, #tpu.memory_space<hbm>>) target_semaphore(%arg9 : memref<!tpu.dma_semaphore, #tpu.memory_space<semaphore_mem>>)
    %dma_wait3A_457 = arith.constant 0 : i32
    %dma_wait3A_458 = arith.constant 0 : i32
    %dma_wait3A_459 = tpu.memref_slice %arg4[%add3A_360, %dma_wait3A_457, %dma_wait3A_458] : memref<1024x50x1000xf32, #tpu.memory_space<hbm>> -> memref<1x50x1000xf32, #tpu.memory_space<hbm>>
    %dma_wait3A_460 = arith.constant 0 : i32
    %dma_wait3A_461 = arith.constant 0 : i32
    %dma_wait3A_462 = tpu.memref_slice %arg4[%add3A_360, %dma_wait3A_460, %dma_wait3A_461] : memref<1024x50x1000xf32, #tpu.memory_space<hbm>> -> memref<1x50x1000xf32, #tpu.memory_space<hbm>>
    tpu.wait_dma2 semaphore(%arg8 : memref<!tpu.dma_semaphore, #tpu.memory_space<semaphore_mem>>) src(%arg6 : memref<1x50x1000xf32, #tpu.memory_space<vmem>>) dst(%dma_wait3A_462 : memref<1x50x1000xf32, #tpu.memory_space<hbm>>)
    %add3A_463 = arith.constant 0 : i32
    %add3A_464 = vector.broadcast %add3A_463 : i32 to vector<16xi32>
    %add3A_465 = arith.addi %iota3A, %add3A_464 : vector<16xi32>
    %lt3A_466 = arith.constant 50 : i32
    %lt3A_467 = vector.broadcast %lt3A_466 : i32 to vector<16xi32>
    %lt3A_468 = arith.cmpi slt, %add3A_465, %lt3A_467 : vector<16xi32>
    %get3A_469 = arith.constant 200 : index
    %get3A_470 = tpu.vector_load %arg5[%get3A_469] {strides = array<i32>} : memref<1600xi32, #tpu.memory_space<vmem>>, vector<16xi32>,
    tpu.vector_store_idx %arg6[%broadcast_in_dim3A_9, %add3A_465, %get3A_470], %broadcast_in_dim3A_7 masked %lt3A_468 : memref<1x50x1000xf32, #tpu.memory_space<vmem>>[vector<16xi32>, vector<16xi32>, vector<16xi32>], vector<16xf32>, vector<16xi1>
    %add3A_471 = arith.constant 16 : i32
    %add3A_472 = vector.broadcast %add3A_471 : i32 to vector<16xi32>
    %add3A_473 = arith.addi %iota3A, %add3A_472 : vector<16xi32>
    %lt3A_474 = arith.constant 50 : i32
    %lt3A_475 = vector.broadcast %lt3A_474 : i32 to vector<16xi32>
    %lt3A_476 = arith.cmpi slt, %add3A_473, %lt3A_475 : vector<16xi32>
    %get3A_477 = arith.constant 216 : index
    %get3A_478 = tpu.vector_load %arg5[%get3A_477] {strides = array<i32>} : memref<1600xi32, #tpu.memory_space<vmem>>, vector<16xi32>,
    tpu.vector_store_idx %arg6[%broadcast_in_dim3A_9, %add3A_473, %get3A_478], %broadcast_in_dim3A_7 masked %lt3A_476 : memref<1x50x1000xf32, #tpu.memory_space<vmem>>[vector<16xi32>, vector<16xi32>, vector<16xi32>], vector<16xf32>, vector<16xi1>
    %add3A_479 = arith.constant 32 : i32
    %add3A_480 = vector.broadcast %add3A_479 : i32 to vector<16xi32>
    %add3A_481 = arith.addi %iota3A, %add3A_480 : vector<16xi32>
    %lt3A_482 = arith.constant 50 : i32
    %lt3A_483 = vector.broadcast %lt3A_482 : i32 to vector<16xi32>
    %lt3A_484 = arith.cmpi slt, %add3A_481, %lt3A_483 : vector<16xi32>
    %get3A_485 = arith.constant 232 : index
    %get3A_486 = tpu.vector_load %arg5[%get3A_485] {strides = array<i32>} : memref<1600xi32, #tpu.memory_space<vmem>>, vector<16xi32>,
    tpu.vector_store_idx %arg6[%broadcast_in_dim3A_9, %add3A_481, %get3A_486], %broadcast_in_dim3A_7 masked %lt3A_484 : memref<1x50x1000xf32, #tpu.memory_space<vmem>>[vector<16xi32>, vector<16xi32>, vector<16xi32>], vector<16xf32>, vector<16xi1>
    %add3A_487 = arith.constant 48 : i32
    %add3A_488 = vector.broadcast %add3A_487 : i32 to vector<16xi32>
    %add3A_489 = arith.addi %iota3A, %add3A_488 : vector<16xi32>
    %lt3A_490 = arith.constant 50 : i32
    %lt3A_491 = vector.broadcast %lt3A_490 : i32 to vector<16xi32>
    %lt3A_492 = arith.cmpi slt, %add3A_489, %lt3A_491 : vector<16xi32>
    %get3A_493 = arith.constant 234 : index
    %get3A_494 = tpu.vector_load %arg5[%get3A_493] {strides = array<i32>} : memref<1600xi32, #tpu.memory_space<vmem>>, vector<16xi32>,
    %add3A_495 = arith.constant 34 : i32
    %add3A_496 = vector.broadcast %add3A_495 : i32 to vector<16xi32>
    %add3A_497 = arith.addi %iota3A, %add3A_496 : vector<16xi32>
    %ge3A_498 = arith.constant 14 : i32
    %ge3A_499 = vector.broadcast %ge3A_498 : i32 to vector<16xi32>
    %ge3A_500 = arith.cmpi sge, %iota3A, %ge3A_499 : vector<16xi32>
    tpu.vector_store_idx %arg6[%broadcast_in_dim3A_9, %add3A_497, %get3A_494], %broadcast_in_dim3A_7 masked %ge3A_500 : memref<1x50x1000xf32, #tpu.memory_space<vmem>>[vector<16xi32>, vector<16xi32>, vector<16xi32>], vector<16xf32>, vector<16xi1>
    %add3A_501 = arith.constant 0 : i32
    %add3A_502 = vector.broadcast %add3A_501 : i32 to vector<16xi32>
    %add3A_503 = arith.addi %iota3A, %add3A_502 : vector<16xi32>
    %lt3A_504 = arith.constant 50 : i32
    %lt3A_505 = vector.broadcast %lt3A_504 : i32 to vector<16xi32>
    %lt3A_506 = arith.cmpi slt, %add3A_503, %lt3A_505 : vector<16xi32>
    %get3A_507 = arith.constant 300 : index
    %get3A_508 = tpu.vector_load %arg5[%get3A_507] {strides = array<i32>} : memref<1600xi32, #tpu.memory_space<vmem>>, vector<16xi32>,
    tpu.vector_store_idx %arg6[%broadcast_in_dim3A_9, %add3A_503, %get3A_508], %broadcast_in_dim3A_5 masked %lt3A_506 : memref<1x50x1000xf32, #tpu.memory_space<vmem>>[vector<16xi32>, vector<16xi32>, vector<16xi32>], vector<16xf32>, vector<16xi1>
    %add3A_509 = arith.constant 16 : i32
    %add3A_510 = vector.broadcast %add3A_509 : i32 to vector<16xi32>
    %add3A_511 = arith.addi %iota3A, %add3A_510 : vector<16xi32>
    %lt3A_512 = arith.constant 50 : i32
    %lt3A_513 = vector.broadcast %lt3A_512 : i32 to vector<16xi32>
    %lt3A_514 = arith.cmpi slt, %add3A_511, %lt3A_513 : vector<16xi32>
    %get3A_515 = arith.constant 316 : index
    %get3A_516 = tpu.vector_load %arg5[%get3A_515] {strides = array<i32>} : memref<1600xi32, #tpu.memory_space<vmem>>, vector<16xi32>,
    tpu.vector_store_idx %arg6[%broadcast_in_dim3A_9, %add3A_511, %get3A_516], %broadcast_in_dim3A_5 masked %lt3A_514 : memref<1x50x1000xf32, #tpu.memory_space<vmem>>[vector<16xi32>, vector<16xi32>, vector<16xi32>], vector<16xf32>, vector<16xi1>
    %add3A_517 = arith.constant 32 : i32
    %add3A_518 = vector.broadcast %add3A_517 : i32 to vector<16xi32>
    %add3A_519 = arith.addi %iota3A, %add3A_518 : vector<16xi32>
    %lt3A_520 = arith.constant 50 : i32
    %lt3A_521 = vector.broadcast %lt3A_520 : i32 to vector<16xi32>
    %lt3A_522 = arith.cmpi slt, %add3A_519, %lt3A_521 : vector<16xi32>
    %get3A_523 = arith.constant 332 : index
    %get3A_524 = tpu.vector_load %arg5[%get3A_523] {strides = array<i32>} : memref<1600xi32, #tpu.memory_space<vmem>>, vector<16xi32>,
    tpu.vector_store_idx %arg6[%broadcast_in_dim3A_9, %add3A_519, %get3A_524], %broadcast_in_dim3A_5 masked %lt3A_522 : memref<1x50x1000xf32, #tpu.memory_space<vmem>>[vector<16xi32>, vector<16xi32>, vector<16xi32>], vector<16xf32>, vector<16xi1>
    %add3A_525 = arith.constant 48 : i32
    %add3A_526 = vector.broadcast %add3A_525 : i32 to vector<16xi32>
    %add3A_527 = arith.addi %iota3A, %add3A_526 : vector<16xi32>
    %lt3A_528 = arith.constant 50 : i32
    %lt3A_529 = vector.broadcast %lt3A_528 : i32 to vector<16xi32>
    %lt3A_530 = arith.cmpi slt, %add3A_527, %lt3A_529 : vector<16xi32>
    %get3A_531 = arith.constant 334 : index
    %get3A_532 = tpu.vector_load %arg5[%get3A_531] {strides = array<i32>} : memref<1600xi32, #tpu.memory_space<vmem>>, vector<16xi32>,
    %add3A_533 = arith.constant 34 : i32
    %add3A_534 = vector.broadcast %add3A_533 : i32 to vector<16xi32>
    %add3A_535 = arith.addi %iota3A, %add3A_534 : vector<16xi32>
    %ge3A_536 = arith.constant 14 : i32
    %ge3A_537 = vector.broadcast %ge3A_536 : i32 to vector<16xi32>
    %ge3A_538 = arith.cmpi sge, %iota3A, %ge3A_537 : vector<16xi32>
    tpu.vector_store_idx %arg6[%broadcast_in_dim3A_9, %add3A_535, %get3A_532], %broadcast_in_dim3A_5 masked %ge3A_538 : memref<1x50x1000xf32, #tpu.memory_space<vmem>>[vector<16xi32>, vector<16xi32>, vector<16xi32>], vector<16xf32>, vector<16xi1>
    %add3A_539 = arith.constant 6 : i32
    %add3A_540 = arith.addi %mul3A_2, %add3A_539 : i32
    %dma_start3A_541 = arith.constant 0 : i32
    %dma_start3A_542 = arith.constant 0 : i32
    %dma_start3A_543 = tpu.memref_slice %arg4[%add3A_540, %dma_start3A_541, %dma_start3A_542] : memref<1024x50x1000xf32, #tpu.memory_space<hbm>> -> memref<1x50x1000xf32, #tpu.memory_space<hbm>>
    %dma_start3A_544 = arith.constant 0 : i32
    %dma_start3A_545 = arith.constant 0 : i32
    %dma_start3A_546 = tpu.memref_slice %arg4[%add3A_540, %dma_start3A_544, %dma_start3A_545] : memref<1024x50x1000xf32, #tpu.memory_space<hbm>> -> memref<1x50x1000xf32, #tpu.memory_space<hbm>>
    tpu.enqueue_dma source(%arg6 : memref<1x50x1000xf32, #tpu.memory_space<vmem>>) target(%dma_start3A_546 : memref<1x50x1000xf32, #tpu.memory_space<hbm>>) target_semaphore(%arg8 : memref<!tpu.dma_semaphore, #tpu.memory_space<semaphore_mem>>)
    %dma_wait3A_547 = arith.constant 0 : i32
    %dma_wait3A_548 = arith.constant 0 : i32
    %dma_wait3A_549 = tpu.memref_slice %arg4[%add3A_450, %dma_wait3A_547, %dma_wait3A_548] : memref<1024x50x1000xf32, #tpu.memory_space<hbm>> -> memref<1x50x1000xf32, #tpu.memory_space<hbm>>
    %dma_wait3A_550 = arith.constant 0 : i32
    %dma_wait3A_551 = arith.constant 0 : i32
    %dma_wait3A_552 = tpu.memref_slice %arg4[%add3A_450, %dma_wait3A_550, %dma_wait3A_551] : memref<1024x50x1000xf32, #tpu.memory_space<hbm>> -> memref<1x50x1000xf32, #tpu.memory_space<hbm>>
    tpu.wait_dma2 semaphore(%arg9 : memref<!tpu.dma_semaphore, #tpu.memory_space<semaphore_mem>>) src(%arg7 : memref<1x50x1000xf32, #tpu.memory_space<vmem>>) dst(%dma_wait3A_552 : memref<1x50x1000xf32, #tpu.memory_space<hbm>>)
    %add3A_553 = arith.constant 0 : i32
    %add3A_554 = vector.broadcast %add3A_553 : i32 to vector<16xi32>
    %add3A_555 = arith.addi %iota3A, %add3A_554 : vector<16xi32>
    %lt3A_556 = arith.constant 50 : i32
    %lt3A_557 = vector.broadcast %lt3A_556 : i32 to vector<16xi32>
    %lt3A_558 = arith.cmpi slt, %add3A_555, %lt3A_557 : vector<16xi32>
    %get3A_559 = arith.constant 250 : index
    %get3A_560 = tpu.vector_load %arg5[%get3A_559] {strides = array<i32>} : memref<1600xi32, #tpu.memory_space<vmem>>, vector<16xi32>,
    tpu.vector_store_idx %arg7[%broadcast_in_dim3A_9, %add3A_555, %get3A_560], %broadcast_in_dim3A_7 masked %lt3A_558 : memref<1x50x1000xf32, #tpu.memory_space<vmem>>[vector<16xi32>, vector<16xi32>, vector<16xi32>], vector<16xf32>, vector<16xi1>
    %add3A_561 = arith.constant 16 : i32
    %add3A_562 = vector.broadcast %add3A_561 : i32 to vector<16xi32>
    %add3A_563 = arith.addi %iota3A, %add3A_562 : vector<16xi32>
    %lt3A_564 = arith.constant 50 : i32
    %lt3A_565 = vector.broadcast %lt3A_564 : i32 to vector<16xi32>
    %lt3A_566 = arith.cmpi slt, %add3A_563, %lt3A_565 : vector<16xi32>
    %get3A_567 = arith.constant 266 : index
    %get3A_568 = tpu.vector_load %arg5[%get3A_567] {strides = array<i32>} : memref<1600xi32, #tpu.memory_space<vmem>>, vector<16xi32>,
    tpu.vector_store_idx %arg7[%broadcast_in_dim3A_9, %add3A_563, %get3A_568], %broadcast_in_dim3A_7 masked %lt3A_566 : memref<1x50x1000xf32, #tpu.memory_space<vmem>>[vector<16xi32>, vector<16xi32>, vector<16xi32>], vector<16xf32>, vector<16xi1>
    %add3A_569 = arith.constant 32 : i32
    %add3A_570 = vector.broadcast %add3A_569 : i32 to vector<16xi32>
    %add3A_571 = arith.addi %iota3A, %add3A_570 : vector<16xi32>
    %lt3A_572 = arith.constant 50 : i32
    %lt3A_573 = vector.broadcast %lt3A_572 : i32 to vector<16xi32>
    %lt3A_574 = arith.cmpi slt, %add3A_571, %lt3A_573 : vector<16xi32>
    %get3A_575 = arith.constant 282 : index
    %get3A_576 = tpu.vector_load %arg5[%get3A_575] {strides = array<i32>} : memref<1600xi32, #tpu.memory_space<vmem>>, vector<16xi32>,
    tpu.vector_store_idx %arg7[%broadcast_in_dim3A_9, %add3A_571, %get3A_576], %broadcast_in_dim3A_7 masked %lt3A_574 : memref<1x50x1000xf32, #tpu.memory_space<vmem>>[vector<16xi32>, vector<16xi32>, vector<16xi32>], vector<16xf32>, vector<16xi1>
    %add3A_577 = arith.constant 48 : i32
    %add3A_578 = vector.broadcast %add3A_577 : i32 to vector<16xi32>
    %add3A_579 = arith.addi %iota3A, %add3A_578 : vector<16xi32>
    %lt3A_580 = arith.constant 50 : i32
    %lt3A_581 = vector.broadcast %lt3A_580 : i32 to vector<16xi32>
    %lt3A_582 = arith.cmpi slt, %add3A_579, %lt3A_581 : vector<16xi32>
    %get3A_583 = arith.constant 284 : index
    %get3A_584 = tpu.vector_load %arg5[%get3A_583] {strides = array<i32>} : memref<1600xi32, #tpu.memory_space<vmem>>, vector<16xi32>,
    %add3A_585 = arith.constant 34 : i32
    %add3A_586 = vector.broadcast %add3A_585 : i32 to vector<16xi32>
    %add3A_587 = arith.addi %iota3A, %add3A_586 : vector<16xi32>
    %ge3A_588 = arith.constant 14 : i32
    %ge3A_589 = vector.broadcast %ge3A_588 : i32 to vector<16xi32>
    %ge3A_590 = arith.cmpi sge, %iota3A, %ge3A_589 : vector<16xi32>
    tpu.vector_store_idx %arg7[%broadcast_in_dim3A_9, %add3A_587, %get3A_584], %broadcast_in_dim3A_7 masked %ge3A_590 : memref<1x50x1000xf32, #tpu.memory_space<vmem>>[vector<16xi32>, vector<16xi32>, vector<16xi32>], vector<16xf32>, vector<16xi1>
    %add3A_591 = arith.constant 0 : i32
    %add3A_592 = vector.broadcast %add3A_591 : i32 to vector<16xi32>
    %add3A_593 = arith.addi %iota3A, %add3A_592 : vector<16xi32>
    %lt3A_594 = arith.constant 50 : i32
    %lt3A_595 = vector.broadcast %lt3A_594 : i32 to vector<16xi32>
    %lt3A_596 = arith.cmpi slt, %add3A_593, %lt3A_595 : vector<16xi32>
    %get3A_597 = arith.constant 350 : index
    %get3A_598 = tpu.vector_load %arg5[%get3A_597] {strides = array<i32>} : memref<1600xi32, #tpu.memory_space<vmem>>, vector<16xi32>,
    tpu.vector_store_idx %arg7[%broadcast_in_dim3A_9, %add3A_593, %get3A_598], %broadcast_in_dim3A_5 masked %lt3A_596 : memref<1x50x1000xf32, #tpu.memory_space<vmem>>[vector<16xi32>, vector<16xi32>, vector<16xi32>], vector<16xf32>, vector<16xi1>
    %add3A_599 = arith.constant 16 : i32
    %add3A_600 = vector.broadcast %add3A_599 : i32 to vector<16xi32>
    %add3A_601 = arith.addi %iota3A, %add3A_600 : vector<16xi32>
    %lt3A_602 = arith.constant 50 : i32
    %lt3A_603 = vector.broadcast %lt3A_602 : i32 to vector<16xi32>
    %lt3A_604 = arith.cmpi slt, %add3A_601, %lt3A_603 : vector<16xi32>
    %get3A_605 = arith.constant 366 : index
    %get3A_606 = tpu.vector_load %arg5[%get3A_605] {strides = array<i32>} : memref<1600xi32, #tpu.memory_space<vmem>>, vector<16xi32>,
    tpu.vector_store_idx %arg7[%broadcast_in_dim3A_9, %add3A_601, %get3A_606], %broadcast_in_dim3A_5 masked %lt3A_604 : memref<1x50x1000xf32, #tpu.memory_space<vmem>>[vector<16xi32>, vector<16xi32>, vector<16xi32>], vector<16xf32>, vector<16xi1>
    %add3A_607 = arith.constant 32 : i32
    %add3A_608 = vector.broadcast %add3A_607 : i32 to vector<16xi32>
    %add3A_609 = arith.addi %iota3A, %add3A_608 : vector<16xi32>
    %lt3A_610 = arith.constant 50 : i32
    %lt3A_611 = vector.broadcast %lt3A_610 : i32 to vector<16xi32>
    %lt3A_612 = arith.cmpi slt, %add3A_609, %lt3A_611 : vector<16xi32>
    %get3A_613 = arith.constant 382 : index
    %get3A_614 = tpu.vector_load %arg5[%get3A_613] {strides = array<i32>} : memref<1600xi32, #tpu.memory_space<vmem>>, vector<16xi32>,
    tpu.vector_store_idx %arg7[%broadcast_in_dim3A_9, %add3A_609, %get3A_614], %broadcast_in_dim3A_5 masked %lt3A_612 : memref<1x50x1000xf32, #tpu.memory_space<vmem>>[vector<16xi32>, vector<16xi32>, vector<16xi32>], vector<16xf32>, vector<16xi1>
    %add3A_615 = arith.constant 48 : i32
    %add3A_616 = vector.broadcast %add3A_615 : i32 to vector<16xi32>
    %add3A_617 = arith.addi %iota3A, %add3A_616 : vector<16xi32>
    %lt3A_618 = arith.constant 50 : i32
    %lt3A_619 = vector.broadcast %lt3A_618 : i32 to vector<16xi32>
    %lt3A_620 = arith.cmpi slt, %add3A_617, %lt3A_619 : vector<16xi32>
    %get3A_621 = arith.constant 384 : index
    %get3A_622 = tpu.vector_load %arg5[%get3A_621] {strides = array<i32>} : memref<1600xi32, #tpu.memory_space<vmem>>, vector<16xi32>,
    %add3A_623 = arith.constant 34 : i32
    %add3A_624 = vector.broadcast %add3A_623 : i32 to vector<16xi32>
    %add3A_625 = arith.addi %iota3A, %add3A_624 : vector<16xi32>
    %ge3A_626 = arith.constant 14 : i32
    %ge3A_627 = vector.broadcast %ge3A_626 : i32 to vector<16xi32>
    %ge3A_628 = arith.cmpi sge, %iota3A, %ge3A_627 : vector<16xi32>
    tpu.vector_store_idx %arg7[%broadcast_in_dim3A_9, %add3A_625, %get3A_622], %broadcast_in_dim3A_5 masked %ge3A_628 : memref<1x50x1000xf32, #tpu.memory_space<vmem>>[vector<16xi32>, vector<16xi32>, vector<16xi32>], vector<16xf32>, vector<16xi1>
    %add3A_629 = arith.constant 7 : i32
    %add3A_630 = arith.addi %mul3A_2, %add3A_629 : i32
    %dma_start3A_631 = arith.constant 0 : i32
    %dma_start3A_632 = arith.constant 0 : i32
    %dma_start3A_633 = tpu.memref_slice %arg4[%add3A_630, %dma_start3A_631, %dma_start3A_632] : memref<1024x50x1000xf32, #tpu.memory_space<hbm>> -> memref<1x50x1000xf32, #tpu.memory_space<hbm>>
    %dma_start3A_634 = arith.constant 0 : i32
    %dma_start3A_635 = arith.constant 0 : i32
    %dma_start3A_636 = tpu.memref_slice %arg4[%add3A_630, %dma_start3A_634, %dma_start3A_635] : memref<1024x50x1000xf32, #tpu.memory_space<hbm>> -> memref<1x50x1000xf32, #tpu.memory_space<hbm>>
    tpu.enqueue_dma source(%arg7 : memref<1x50x1000xf32, #tpu.memory_space<vmem>>) target(%dma_start3A_636 : memref<1x50x1000xf32, #tpu.memory_space<hbm>>) target_semaphore(%arg9 : memref<!tpu.dma_semaphore, #tpu.memory_space<semaphore_mem>>)
    %dma_wait3A_637 = arith.constant 0 : i32
    %dma_wait3A_638 = arith.constant 0 : i32
    %dma_wait3A_639 = tpu.memref_slice %arg4[%add3A_540, %dma_wait3A_637, %dma_wait3A_638] : memref<1024x50x1000xf32, #tpu.memory_space<hbm>> -> memref<1x50x1000xf32, #tpu.memory_space<hbm>>
    %dma_wait3A_640 = arith.constant 0 : i32
    %dma_wait3A_641 = arith.constant 0 : i32
    %dma_wait3A_642 = tpu.memref_slice %arg4[%add3A_540, %dma_wait3A_640, %dma_wait3A_641] : memref<1024x50x1000xf32, #tpu.memory_space<hbm>> -> memref<1x50x1000xf32, #tpu.memory_space<hbm>>
    tpu.wait_dma2 semaphore(%arg8 : memref<!tpu.dma_semaphore, #tpu.memory_space<semaphore_mem>>) src(%arg6 : memref<1x50x1000xf32, #tpu.memory_space<vmem>>) dst(%dma_wait3A_642 : memref<1x50x1000xf32, #tpu.memory_space<hbm>>)
    %add3A_643 = arith.constant 0 : i32
    %add3A_644 = vector.broadcast %add3A_643 : i32 to vector<16xi32>
    %add3A_645 = arith.addi %iota3A, %add3A_644 : vector<16xi32>
    %lt3A_646 = arith.constant 50 : i32
    %lt3A_647 = vector.broadcast %lt3A_646 : i32 to vector<16xi32>
    %lt3A_648 = arith.cmpi slt, %add3A_645, %lt3A_647 : vector<16xi32>
    %get3A_649 = arith.constant 300 : index
    %get3A_650 = tpu.vector_load %arg5[%get3A_649] {strides = array<i32>} : memref<1600xi32, #tpu.memory_space<vmem>>, vector<16xi32>,
    tpu.vector_store_idx %arg6[%broadcast_in_dim3A_9, %add3A_645, %get3A_650], %broadcast_in_dim3A_7 masked %lt3A_648 : memref<1x50x1000xf32, #tpu.memory_space<vmem>>[vector<16xi32>, vector<16xi32>, vector<16xi32>], vector<16xf32>, vector<16xi1>
    %add3A_651 = arith.constant 16 : i32
    %add3A_652 = vector.broadcast %add3A_651 : i32 to vector<16xi32>
    %add3A_653 = arith.addi %iota3A, %add3A_652 : vector<16xi32>
    %lt3A_654 = arith.constant 50 : i32
    %lt3A_655 = vector.broadcast %lt3A_654 : i32 to vector<16xi32>
    %lt3A_656 = arith.cmpi slt, %add3A_653, %lt3A_655 : vector<16xi32>
    %get3A_657 = arith.constant 316 : index
    %get3A_658 = tpu.vector_load %arg5[%get3A_657] {strides = array<i32>} : memref<1600xi32, #tpu.memory_space<vmem>>, vector<16xi32>,
    tpu.vector_store_idx %arg6[%broadcast_in_dim3A_9, %add3A_653, %get3A_658], %broadcast_in_dim3A_7 masked %lt3A_656 : memref<1x50x1000xf32, #tpu.memory_space<vmem>>[vector<16xi32>, vector<16xi32>, vector<16xi32>], vector<16xf32>, vector<16xi1>
    %add3A_659 = arith.constant 32 : i32
    %add3A_660 = vector.broadcast %add3A_659 : i32 to vector<16xi32>
    %add3A_661 = arith.addi %iota3A, %add3A_660 : vector<16xi32>
    %lt3A_662 = arith.constant 50 : i32
    %lt3A_663 = vector.broadcast %lt3A_662 : i32 to vector<16xi32>
    %lt3A_664 = arith.cmpi slt, %add3A_661, %lt3A_663 : vector<16xi32>
    %get3A_665 = arith.constant 332 : index
    %get3A_666 = tpu.vector_load %arg5[%get3A_665] {strides = array<i32>} : memref<1600xi32, #tpu.memory_space<vmem>>, vector<16xi32>,
    tpu.vector_store_idx %arg6[%broadcast_in_dim3A_9, %add3A_661, %get3A_666], %broadcast_in_dim3A_7 masked %lt3A_664 : memref<1x50x1000xf32, #tpu.memory_space<vmem>>[vector<16xi32>, vector<16xi32>, vector<16xi32>], vector<16xf32>, vector<16xi1>
    %add3A_667 = arith.constant 48 : i32
    %add3A_668 = vector.broadcast %add3A_667 : i32 to vector<16xi32>
    %add3A_669 = arith.addi %iota3A, %add3A_668 : vector<16xi32>
    %lt3A_670 = arith.constant 50 : i32
    %lt3A_671 = vector.broadcast %lt3A_670 : i32 to vector<16xi32>
    %lt3A_672 = arith.cmpi slt, %add3A_669, %lt3A_671 : vector<16xi32>
    %get3A_673 = arith.constant 334 : index
    %get3A_674 = tpu.vector_load %arg5[%get3A_673] {strides = array<i32>} : memref<1600xi32, #tpu.memory_space<vmem>>, vector<16xi32>,
    %add3A_675 = arith.constant 34 : i32
    %add3A_676 = vector.broadcast %add3A_675 : i32 to vector<16xi32>
    %add3A_677 = arith.addi %iota3A, %add3A_676 : vector<16xi32>
    %ge3A_678 = arith.constant 14 : i32
    %ge3A_679 = vector.broadcast %ge3A_678 : i32 to vector<16xi32>
    %ge3A_680 = arith.cmpi sge, %iota3A, %ge3A_679 : vector<16xi32>
    tpu.vector_store_idx %arg6[%broadcast_in_dim3A_9, %add3A_677, %get3A_674], %broadcast_in_dim3A_7 masked %ge3A_680 : memref<1x50x1000xf32, #tpu.memory_space<vmem>>[vector<16xi32>, vector<16xi32>, vector<16xi32>], vector<16xf32>, vector<16xi1>
    %add3A_681 = arith.constant 0 : i32
    %add3A_682 = vector.broadcast %add3A_681 : i32 to vector<16xi32>
    %add3A_683 = arith.addi %iota3A, %add3A_682 : vector<16xi32>
    %lt3A_684 = arith.constant 50 : i32
    %lt3A_685 = vector.broadcast %lt3A_684 : i32 to vector<16xi32>
    %lt3A_686 = arith.cmpi slt, %add3A_683, %lt3A_685 : vector<16xi32>
    %get3A_687 = arith.constant 400 : index
    %get3A_688 = tpu.vector_load %arg5[%get3A_687] {strides = array<i32>} : memref<1600xi32, #tpu.memory_space<vmem>>, vector<16xi32>,
    tpu.vector_store_idx %arg6[%broadcast_in_dim3A_9, %add3A_683, %get3A_688], %broadcast_in_dim3A_5 masked %lt3A_686 : memref<1x50x1000xf32, #tpu.memory_space<vmem>>[vector<16xi32>, vector<16xi32>, vector<16xi32>], vector<16xf32>, vector<16xi1>
    %add3A_689 = arith.constant 16 : i32
    %add3A_690 = vector.broadcast %add3A_689 : i32 to vector<16xi32>
    %add3A_691 = arith.addi %iota3A, %add3A_690 : vector<16xi32>
    %lt3A_692 = arith.constant 50 : i32
    %lt3A_693 = vector.broadcast %lt3A_692 : i32 to vector<16xi32>
    %lt3A_694 = arith.cmpi slt, %add3A_691, %lt3A_693 : vector<16xi32>
    %get3A_695 = arith.constant 416 : index
    %get3A_696 = tpu.vector_load %arg5[%get3A_695] {strides = array<i32>} : memref<1600xi32, #tpu.memory_space<vmem>>, vector<16xi32>,
    tpu.vector_store_idx %arg6[%broadcast_in_dim3A_9, %add3A_691, %get3A_696], %broadcast_in_dim3A_5 masked %lt3A_694 : memref<1x50x1000xf32, #tpu.memory_space<vmem>>[vector<16xi32>, vector<16xi32>, vector<16xi32>], vector<16xf32>, vector<16xi1>
    %add3A_697 = arith.constant 32 : i32
    %add3A_698 = vector.broadcast %add3A_697 : i32 to vector<16xi32>
    %add3A_699 = arith.addi %iota3A, %add3A_698 : vector<16xi32>
    %lt3A_700 = arith.constant 50 : i32
    %lt3A_701 = vector.broadcast %lt3A_700 : i32 to vector<16xi32>
    %lt3A_702 = arith.cmpi slt, %add3A_699, %lt3A_701 : vector<16xi32>
    %get3A_703 = arith.constant 432 : index
    %get3A_704 = tpu.vector_load %arg5[%get3A_703] {strides = array<i32>} : memref<1600xi32, #tpu.memory_space<vmem>>, vector<16xi32>,
    tpu.vector_store_idx %arg6[%broadcast_in_dim3A_9, %add3A_699, %get3A_704], %broadcast_in_dim3A_5 masked %lt3A_702 : memref<1x50x1000xf32, #tpu.memory_space<vmem>>[vector<16xi32>, vector<16xi32>, vector<16xi32>], vector<16xf32>, vector<16xi1>
    %add3A_705 = arith.constant 48 : i32
    %add3A_706 = vector.broadcast %add3A_705 : i32 to vector<16xi32>
    %add3A_707 = arith.addi %iota3A, %add3A_706 : vector<16xi32>
    %lt3A_708 = arith.constant 50 : i32
    %lt3A_709 = vector.broadcast %lt3A_708 : i32 to vector<16xi32>
    %lt3A_710 = arith.cmpi slt, %add3A_707, %lt3A_709 : vector<16xi32>
    %get3A_711 = arith.constant 434 : index
    %get3A_712 = tpu.vector_load %arg5[%get3A_711] {strides = array<i32>} : memref<1600xi32, #tpu.memory_space<vmem>>, vector<16xi32>,
    %add3A_713 = arith.constant 34 : i32
    %add3A_714 = vector.broadcast %add3A_713 : i32 to vector<16xi32>
    %add3A_715 = arith.addi %iota3A, %add3A_714 : vector<16xi32>
    %ge3A_716 = arith.constant 14 : i32
    %ge3A_717 = vector.broadcast %ge3A_716 : i32 to vector<16xi32>
    %ge3A_718 = arith.cmpi sge, %iota3A, %ge3A_717 : vector<16xi32>
    tpu.vector_store_idx %arg6[%broadcast_in_dim3A_9, %add3A_715, %get3A_712], %broadcast_in_dim3A_5 masked %ge3A_718 : memref<1x50x1000xf32, #tpu.memory_space<vmem>>[vector<16xi32>, vector<16xi32>, vector<16xi32>], vector<16xf32>, vector<16xi1>
    %add3A_719 = arith.constant 8 : i32
    %add3A_720 = arith.addi %mul3A_2, %add3A_719 : i32
    %dma_start3A_721 = arith.constant 0 : i32
    %dma_start3A_722 = arith.constant 0 : i32
    %dma_start3A_723 = tpu.memref_slice %arg4[%add3A_720, %dma_start3A_721, %dma_start3A_722] : memref<1024x50x1000xf32, #tpu.memory_space<hbm>> -> memref<1x50x1000xf32, #tpu.memory_space<hbm>>
    %dma_start3A_724 = arith.constant 0 : i32
    %dma_start3A_725 = arith.constant 0 : i32
    %dma_start3A_726 = tpu.memref_slice %arg4[%add3A_720, %dma_start3A_724, %dma_start3A_725] : memref<1024x50x1000xf32, #tpu.memory_space<hbm>> -> memref<1x50x1000xf32, #tpu.memory_space<hbm>>
    tpu.enqueue_dma source(%arg6 : memref<1x50x1000xf32, #tpu.memory_space<vmem>>) target(%dma_start3A_726 : memref<1x50x1000xf32, #tpu.memory_space<hbm>>) target_semaphore(%arg8 : memref<!tpu.dma_semaphore, #tpu.memory_space<semaphore_mem>>)
    %dma_wait3A_727 = arith.constant 0 : i32
    %dma_wait3A_728 = arith.constant 0 : i32
    %dma_wait3A_729 = tpu.memref_slice %arg4[%add3A_630, %dma_wait3A_727, %dma_wait3A_728] : memref<1024x50x1000xf32, #tpu.memory_space<hbm>> -> memref<1x50x1000xf32, #tpu.memory_space<hbm>>
    %dma_wait3A_730 = arith.constant 0 : i32
    %dma_wait3A_731 = arith.constant 0 : i32
    %dma_wait3A_732 = tpu.memref_slice %arg4[%add3A_630, %dma_wait3A_730, %dma_wait3A_731] : memref<1024x50x1000xf32, #tpu.memory_space<hbm>> -> memref<1x50x1000xf32, #tpu.memory_space<hbm>>
    tpu.wait_dma2 semaphore(%arg9 : memref<!tpu.dma_semaphore, #tpu.memory_space<semaphore_mem>>) src(%arg7 : memref<1x50x1000xf32, #tpu.memory_space<vmem>>) dst(%dma_wait3A_732 : memref<1x50x1000xf32, #tpu.memory_space<hbm>>)
    %add3A_733 = arith.constant 0 : i32
    %add3A_734 = vector.broadcast %add3A_733 : i32 to vector<16xi32>
    %add3A_735 = arith.addi %iota3A, %add3A_734 : vector<16xi32>
    %lt3A_736 = arith.constant 50 : i32
    %lt3A_737 = vector.broadcast %lt3A_736 : i32 to vector<16xi32>
    %lt3A_738 = arith.cmpi slt, %add3A_735, %lt3A_737 : vector<16xi32>
    %get3A_739 = arith.constant 350 : index
    %get3A_740 = tpu.vector_load %arg5[%get3A_739] {strides = array<i32>} : memref<1600xi32, #tpu.memory_space<vmem>>, vector<16xi32>,
    tpu.vector_store_idx %arg7[%broadcast_in_dim3A_9, %add3A_735, %get3A_740], %broadcast_in_dim3A_7 masked %lt3A_738 : memref<1x50x1000xf32, #tpu.memory_space<vmem>>[vector<16xi32>, vector<16xi32>, vector<16xi32>], vector<16xf32>, vector<16xi1>
    %add3A_741 = arith.constant 16 : i32
    %add3A_742 = vector.broadcast %add3A_741 : i32 to vector<16xi32>
    %add3A_743 = arith.addi %iota3A, %add3A_742 : vector<16xi32>
    %lt3A_744 = arith.constant 50 : i32
    %lt3A_745 = vector.broadcast %lt3A_744 : i32 to vector<16xi32>
    %lt3A_746 = arith.cmpi slt, %add3A_743, %lt3A_745 : vector<16xi32>
    %get3A_747 = arith.constant 366 : index
    %get3A_748 = tpu.vector_load %arg5[%get3A_747] {strides = array<i32>} : memref<1600xi32, #tpu.memory_space<vmem>>, vector<16xi32>,
    tpu.vector_store_idx %arg7[%broadcast_in_dim3A_9, %add3A_743, %get3A_748], %broadcast_in_dim3A_7 masked %lt3A_746 : memref<1x50x1000xf32, #tpu.memory_space<vmem>>[vector<16xi32>, vector<16xi32>, vector<16xi32>], vector<16xf32>, vector<16xi1>
    %add3A_749 = arith.constant 32 : i32
    %add3A_750 = vector.broadcast %add3A_749 : i32 to vector<16xi32>
    %add3A_751 = arith.addi %iota3A, %add3A_750 : vector<16xi32>
    %lt3A_752 = arith.constant 50 : i32
    %lt3A_753 = vector.broadcast %lt3A_752 : i32 to vector<16xi32>
    %lt3A_754 = arith.cmpi slt, %add3A_751, %lt3A_753 : vector<16xi32>
    %get3A_755 = arith.constant 382 : index
    %get3A_756 = tpu.vector_load %arg5[%get3A_755] {strides = array<i32>} : memref<1600xi32, #tpu.memory_space<vmem>>, vector<16xi32>,
    tpu.vector_store_idx %arg7[%broadcast_in_dim3A_9, %add3A_751, %get3A_756], %broadcast_in_dim3A_7 masked %lt3A_754 : memref<1x50x1000xf32, #tpu.memory_space<vmem>>[vector<16xi32>, vector<16xi32>, vector<16xi32>], vector<16xf32>, vector<16xi1>
    %add3A_757 = arith.constant 48 : i32
    %add3A_758 = vector.broadcast %add3A_757 : i32 to vector<16xi32>
    %add3A_759 = arith.addi %iota3A, %add3A_758 : vector<16xi32>
    %lt3A_760 = arith.constant 50 : i32
    %lt3A_761 = vector.broadcast %lt3A_760 : i32 to vector<16xi32>
    %lt3A_762 = arith.cmpi slt, %add3A_759, %lt3A_761 : vector<16xi32>
    %get3A_763 = arith.constant 384 : index
    %get3A_764 = tpu.vector_load %arg5[%get3A_763] {strides = array<i32>} : memref<1600xi32, #tpu.memory_space<vmem>>, vector<16xi32>,
    %add3A_765 = arith.constant 34 : i32
    %add3A_766 = vector.broadcast %add3A_765 : i32 to vector<16xi32>
    %add3A_767 = arith.addi %iota3A, %add3A_766 : vector<16xi32>
    %ge3A_768 = arith.constant 14 : i32
    %ge3A_769 = vector.broadcast %ge3A_768 : i32 to vector<16xi32>
    %ge3A_770 = arith.cmpi sge, %iota3A, %ge3A_769 : vector<16xi32>
    tpu.vector_store_idx %arg7[%broadcast_in_dim3A_9, %add3A_767, %get3A_764], %broadcast_in_dim3A_7 masked %ge3A_770 : memref<1x50x1000xf32, #tpu.memory_space<vmem>>[vector<16xi32>, vector<16xi32>, vector<16xi32>], vector<16xf32>, vector<16xi1>
    %add3A_771 = arith.constant 0 : i32
    %add3A_772 = vector.broadcast %add3A_771 : i32 to vector<16xi32>
    %add3A_773 = arith.addi %iota3A, %add3A_772 : vector<16xi32>
    %lt3A_774 = arith.constant 50 : i32
    %lt3A_775 = vector.broadcast %lt3A_774 : i32 to vector<16xi32>
    %lt3A_776 = arith.cmpi slt, %add3A_773, %lt3A_775 : vector<16xi32>
    %get3A_777 = arith.constant 450 : index
    %get3A_778 = tpu.vector_load %arg5[%get3A_777] {strides = array<i32>} : memref<1600xi32, #tpu.memory_space<vmem>>, vector<16xi32>,
    tpu.vector_store_idx %arg7[%broadcast_in_dim3A_9, %add3A_773, %get3A_778], %broadcast_in_dim3A_5 masked %lt3A_776 : memref<1x50x1000xf32, #tpu.memory_space<vmem>>[vector<16xi32>, vector<16xi32>, vector<16xi32>], vector<16xf32>, vector<16xi1>
    %add3A_779 = arith.constant 16 : i32
    %add3A_780 = vector.broadcast %add3A_779 : i32 to vector<16xi32>
    %add3A_781 = arith.addi %iota3A, %add3A_780 : vector<16xi32>
    %lt3A_782 = arith.constant 50 : i32
    %lt3A_783 = vector.broadcast %lt3A_782 : i32 to vector<16xi32>
    %lt3A_784 = arith.cmpi slt, %add3A_781, %lt3A_783 : vector<16xi32>
    %get3A_785 = arith.constant 466 : index
    %get3A_786 = tpu.vector_load %arg5[%get3A_785] {strides = array<i32>} : memref<1600xi32, #tpu.memory_space<vmem>>, vector<16xi32>,
    tpu.vector_store_idx %arg7[%broadcast_in_dim3A_9, %add3A_781, %get3A_786], %broadcast_in_dim3A_5 masked %lt3A_784 : memref<1x50x1000xf32, #tpu.memory_space<vmem>>[vector<16xi32>, vector<16xi32>, vector<16xi32>], vector<16xf32>, vector<16xi1>
    %add3A_787 = arith.constant 32 : i32
    %add3A_788 = vector.broadcast %add3A_787 : i32 to vector<16xi32>
    %add3A_789 = arith.addi %iota3A, %add3A_788 : vector<16xi32>
    %lt3A_790 = arith.constant 50 : i32
    %lt3A_791 = vector.broadcast %lt3A_790 : i32 to vector<16xi32>
    %lt3A_792 = arith.cmpi slt, %add3A_789, %lt3A_791 : vector<16xi32>
    %get3A_793 = arith.constant 482 : index
    %get3A_794 = tpu.vector_load %arg5[%get3A_793] {strides = array<i32>} : memref<1600xi32, #tpu.memory_space<vmem>>, vector<16xi32>,
    tpu.vector_store_idx %arg7[%broadcast_in_dim3A_9, %add3A_789, %get3A_794], %broadcast_in_dim3A_5 masked %lt3A_792 : memref<1x50x1000xf32, #tpu.memory_space<vmem>>[vector<16xi32>, vector<16xi32>, vector<16xi32>], vector<16xf32>, vector<16xi1>
    %add3A_795 = arith.constant 48 : i32
    %add3A_796 = vector.broadcast %add3A_795 : i32 to vector<16xi32>
    %add3A_797 = arith.addi %iota3A, %add3A_796 : vector<16xi32>
    %lt3A_798 = arith.constant 50 : i32
    %lt3A_799 = vector.broadcast %lt3A_798 : i32 to vector<16xi32>
    %lt3A_800 = arith.cmpi slt, %add3A_797, %lt3A_799 : vector<16xi32>
    %get3A_801 = arith.constant 484 : index
    %get3A_802 = tpu.vector_load %arg5[%get3A_801] {strides = array<i32>} : memref<1600xi32, #tpu.memory_space<vmem>>, vector<16xi32>,
    %add3A_803 = arith.constant 34 : i32
    %add3A_804 = vector.broadcast %add3A_803 : i32 to vector<16xi32>
    %add3A_805 = arith.addi %iota3A, %add3A_804 : vector<16xi32>
    %ge3A_806 = arith.constant 14 : i32
    %ge3A_807 = vector.broadcast %ge3A_806 : i32 to vector<16xi32>
    %ge3A_808 = arith.cmpi sge, %iota3A, %ge3A_807 : vector<16xi32>
    tpu.vector_store_idx %arg7[%broadcast_in_dim3A_9, %add3A_805, %get3A_802], %broadcast_in_dim3A_5 masked %ge3A_808 : memref<1x50x1000xf32, #tpu.memory_space<vmem>>[vector<16xi32>, vector<16xi32>, vector<16xi32>], vector<16xf32>, vector<16xi1>
    %add3A_809 = arith.constant 9 : i32
    %add3A_810 = arith.addi %mul3A_2, %add3A_809 : i32
    %dma_start3A_811 = arith.constant 0 : i32
    %dma_start3A_812 = arith.constant 0 : i32
    %dma_start3A_813 = tpu.memref_slice %arg4[%add3A_810, %dma_start3A_811, %dma_start3A_812] : memref<1024x50x1000xf32, #tpu.memory_space<hbm>> -> memref<1x50x1000xf32, #tpu.memory_space<hbm>>
    %dma_start3A_814 = arith.constant 0 : i32
    %dma_start3A_815 = arith.constant 0 : i32
    %dma_start3A_816 = tpu.memref_slice %arg4[%add3A_810, %dma_start3A_814, %dma_start3A_815] : memref<1024x50x1000xf32, #tpu.memory_space<hbm>> -> memref<1x50x1000xf32, #tpu.memory_space<hbm>>
    tpu.enqueue_dma source(%arg7 : memref<1x50x1000xf32, #tpu.memory_space<vmem>>) target(%dma_start3A_816 : memref<1x50x1000xf32, #tpu.memory_space<hbm>>) target_semaphore(%arg9 : memref<!tpu.dma_semaphore, #tpu.memory_space<semaphore_mem>>)
    %dma_wait3A_817 = arith.constant 0 : i32
    %dma_wait3A_818 = arith.constant 0 : i32
    %dma_wait3A_819 = tpu.memref_slice %arg4[%add3A_720, %dma_wait3A_817, %dma_wait3A_818] : memref<1024x50x1000xf32, #tpu.memory_space<hbm>> -> memref<1x50x1000xf32, #tpu.memory_space<hbm>>
    %dma_wait3A_820 = arith.constant 0 : i32
    %dma_wait3A_821 = arith.constant 0 : i32
    %dma_wait3A_822 = tpu.memref_slice %arg4[%add3A_720, %dma_wait3A_820, %dma_wait3A_821] : memref<1024x50x1000xf32, #tpu.memory_space<hbm>> -> memref<1x50x1000xf32, #tpu.memory_space<hbm>>
    tpu.wait_dma2 semaphore(%arg8 : memref<!tpu.dma_semaphore, #tpu.memory_space<semaphore_mem>>) src(%arg6 : memref<1x50x1000xf32, #tpu.memory_space<vmem>>) dst(%dma_wait3A_822 : memref<1x50x1000xf32, #tpu.memory_space<hbm>>)
    %add3A_823 = arith.constant 0 : i32
    %add3A_824 = vector.broadcast %add3A_823 : i32 to vector<16xi32>
    %add3A_825 = arith.addi %iota3A, %add3A_824 : vector<16xi32>
    %lt3A_826 = arith.constant 50 : i32
    %lt3A_827 = vector.broadcast %lt3A_826 : i32 to vector<16xi32>
    %lt3A_828 = arith.cmpi slt, %add3A_825, %lt3A_827 : vector<16xi32>
    %get3A_829 = arith.constant 400 : index
    %get3A_830 = tpu.vector_load %arg5[%get3A_829] {strides = array<i32>} : memref<1600xi32, #tpu.memory_space<vmem>>, vector<16xi32>,
    tpu.vector_store_idx %arg6[%broadcast_in_dim3A_9, %add3A_825, %get3A_830], %broadcast_in_dim3A_7 masked %lt3A_828 : memref<1x50x1000xf32, #tpu.memory_space<vmem>>[vector<16xi32>, vector<16xi32>, vector<16xi32>], vector<16xf32>, vector<16xi1>
    %add3A_831 = arith.constant 16 : i32
    %add3A_832 = vector.broadcast %add3A_831 : i32 to vector<16xi32>
    %add3A_833 = arith.addi %iota3A, %add3A_832 : vector<16xi32>
    %lt3A_834 = arith.constant 50 : i32
    %lt3A_835 = vector.broadcast %lt3A_834 : i32 to vector<16xi32>
    %lt3A_836 = arith.cmpi slt, %add3A_833, %lt3A_835 : vector<16xi32>
    %get3A_837 = arith.constant 416 : index
    %get3A_838 = tpu.vector_load %arg5[%get3A_837] {strides = array<i32>} : memref<1600xi32, #tpu.memory_space<vmem>>, vector<16xi32>,
    tpu.vector_store_idx %arg6[%broadcast_in_dim3A_9, %add3A_833, %get3A_838], %broadcast_in_dim3A_7 masked %lt3A_836 : memref<1x50x1000xf32, #tpu.memory_space<vmem>>[vector<16xi32>, vector<16xi32>, vector<16xi32>], vector<16xf32>, vector<16xi1>
    %add3A_839 = arith.constant 32 : i32
    %add3A_840 = vector.broadcast %add3A_839 : i32 to vector<16xi32>
    %add3A_841 = arith.addi %iota3A, %add3A_840 : vector<16xi32>
    %lt3A_842 = arith.constant 50 : i32
    %lt3A_843 = vector.broadcast %lt3A_842 : i32 to vector<16xi32>
    %lt3A_844 = arith.cmpi slt, %add3A_841, %lt3A_843 : vector<16xi32>
    %get3A_845 = arith.constant 432 : index
    %get3A_846 = tpu.vector_load %arg5[%get3A_845] {strides = array<i32>} : memref<1600xi32, #tpu.memory_space<vmem>>, vector<16xi32>,
    tpu.vector_store_idx %arg6[%broadcast_in_dim3A_9, %add3A_841, %get3A_846], %broadcast_in_dim3A_7 masked %lt3A_844 : memref<1x50x1000xf32, #tpu.memory_space<vmem>>[vector<16xi32>, vector<16xi32>, vector<16xi32>], vector<16xf32>, vector<16xi1>
    %add3A_847 = arith.constant 48 : i32
    %add3A_848 = vector.broadcast %add3A_847 : i32 to vector<16xi32>
    %add3A_849 = arith.addi %iota3A, %add3A_848 : vector<16xi32>
    %lt3A_850 = arith.constant 50 : i32
    %lt3A_851 = vector.broadcast %lt3A_850 : i32 to vector<16xi32>
    %lt3A_852 = arith.cmpi slt, %add3A_849, %lt3A_851 : vector<16xi32>
    %get3A_853 = arith.constant 434 : index
    %get3A_854 = tpu.vector_load %arg5[%get3A_853] {strides = array<i32>} : memref<1600xi32, #tpu.memory_space<vmem>>, vector<16xi32>,
    %add3A_855 = arith.constant 34 : i32
    %add3A_856 = vector.broadcast %add3A_855 : i32 to vector<16xi32>
    %add3A_857 = arith.addi %iota3A, %add3A_856 : vector<16xi32>
    %ge3A_858 = arith.constant 14 : i32
    %ge3A_859 = vector.broadcast %ge3A_858 : i32 to vector<16xi32>
    %ge3A_860 = arith.cmpi sge, %iota3A, %ge3A_859 : vector<16xi32>
    tpu.vector_store_idx %arg6[%broadcast_in_dim3A_9, %add3A_857, %get3A_854], %broadcast_in_dim3A_7 masked %ge3A_860 : memref<1x50x1000xf32, #tpu.memory_space<vmem>>[vector<16xi32>, vector<16xi32>, vector<16xi32>], vector<16xf32>, vector<16xi1>
    %add3A_861 = arith.constant 0 : i32
    %add3A_862 = vector.broadcast %add3A_861 : i32 to vector<16xi32>
    %add3A_863 = arith.addi %iota3A, %add3A_862 : vector<16xi32>
    %lt3A_864 = arith.constant 50 : i32
    %lt3A_865 = vector.broadcast %lt3A_864 : i32 to vector<16xi32>
    %lt3A_866 = arith.cmpi slt, %add3A_863, %lt3A_865 : vector<16xi32>
    %get3A_867 = arith.constant 500 : index
    %get3A_868 = tpu.vector_load %arg5[%get3A_867] {strides = array<i32>} : memref<1600xi32, #tpu.memory_space<vmem>>, vector<16xi32>,
    tpu.vector_store_idx %arg6[%broadcast_in_dim3A_9, %add3A_863, %get3A_868], %broadcast_in_dim3A_5 masked %lt3A_866 : memref<1x50x1000xf32, #tpu.memory_space<vmem>>[vector<16xi32>, vector<16xi32>, vector<16xi32>], vector<16xf32>, vector<16xi1>
    %add3A_869 = arith.constant 16 : i32
    %add3A_870 = vector.broadcast %add3A_869 : i32 to vector<16xi32>
    %add3A_871 = arith.addi %iota3A, %add3A_870 : vector<16xi32>
    %lt3A_872 = arith.constant 50 : i32
    %lt3A_873 = vector.broadcast %lt3A_872 : i32 to vector<16xi32>
    %lt3A_874 = arith.cmpi slt, %add3A_871, %lt3A_873 : vector<16xi32>
    %get3A_875 = arith.constant 516 : index
    %get3A_876 = tpu.vector_load %arg5[%get3A_875] {strides = array<i32>} : memref<1600xi32, #tpu.memory_space<vmem>>, vector<16xi32>,
    tpu.vector_store_idx %arg6[%broadcast_in_dim3A_9, %add3A_871, %get3A_876], %broadcast_in_dim3A_5 masked %lt3A_874 : memref<1x50x1000xf32, #tpu.memory_space<vmem>>[vector<16xi32>, vector<16xi32>, vector<16xi32>], vector<16xf32>, vector<16xi1>
    %add3A_877 = arith.constant 32 : i32
    %add3A_878 = vector.broadcast %add3A_877 : i32 to vector<16xi32>
    %add3A_879 = arith.addi %iota3A, %add3A_878 : vector<16xi32>
    %lt3A_880 = arith.constant 50 : i32
    %lt3A_881 = vector.broadcast %lt3A_880 : i32 to vector<16xi32>
    %lt3A_882 = arith.cmpi slt, %add3A_879, %lt3A_881 : vector<16xi32>
    %get3A_883 = arith.constant 532 : index
    %get3A_884 = tpu.vector_load %arg5[%get3A_883] {strides = array<i32>} : memref<1600xi32, #tpu.memory_space<vmem>>, vector<16xi32>,
    tpu.vector_store_idx %arg6[%broadcast_in_dim3A_9, %add3A_879, %get3A_884], %broadcast_in_dim3A_5 masked %lt3A_882 : memref<1x50x1000xf32, #tpu.memory_space<vmem>>[vector<16xi32>, vector<16xi32>, vector<16xi32>], vector<16xf32>, vector<16xi1>
    %add3A_885 = arith.constant 48 : i32
    %add3A_886 = vector.broadcast %add3A_885 : i32 to vector<16xi32>
    %add3A_887 = arith.addi %iota3A, %add3A_886 : vector<16xi32>
    %lt3A_888 = arith.constant 50 : i32
    %lt3A_889 = vector.broadcast %lt3A_888 : i32 to vector<16xi32>
    %lt3A_890 = arith.cmpi slt, %add3A_887, %lt3A_889 : vector<16xi32>
    %get3A_891 = arith.constant 534 : index
    %get3A_892 = tpu.vector_load %arg5[%get3A_891] {strides = array<i32>} : memref<1600xi32, #tpu.memory_space<vmem>>, vector<16xi32>,
    %add3A_893 = arith.constant 34 : i32
    %add3A_894 = vector.broadcast %add3A_893 : i32 to vector<16xi32>
    %add3A_895 = arith.addi %iota3A, %add3A_894 : vector<16xi32>
    %ge3A_896 = arith.constant 14 : i32
    %ge3A_897 = vector.broadcast %ge3A_896 : i32 to vector<16xi32>
    %ge3A_898 = arith.cmpi sge, %iota3A, %ge3A_897 : vector<16xi32>
    tpu.vector_store_idx %arg6[%broadcast_in_dim3A_9, %add3A_895, %get3A_892], %broadcast_in_dim3A_5 masked %ge3A_898 : memref<1x50x1000xf32, #tpu.memory_space<vmem>>[vector<16xi32>, vector<16xi32>, vector<16xi32>], vector<16xf32>, vector<16xi1>
    %add3A_899 = arith.constant 10 : i32
    %add3A_900 = arith.addi %mul3A_2, %add3A_899 : i32
    %dma_start3A_901 = arith.constant 0 : i32
    %dma_start3A_902 = arith.constant 0 : i32
    %dma_start3A_903 = tpu.memref_slice %arg4[%add3A_900, %dma_start3A_901, %dma_start3A_902] : memref<1024x50x1000xf32, #tpu.memory_space<hbm>> -> memref<1x50x1000xf32, #tpu.memory_space<hbm>>
    %dma_start3A_904 = arith.constant 0 : i32
    %dma_start3A_905 = arith.constant 0 : i32
    %dma_start3A_906 = tpu.memref_slice %arg4[%add3A_900, %dma_start3A_904, %dma_start3A_905] : memref<1024x50x1000xf32, #tpu.memory_space<hbm>> -> memref<1x50x1000xf32, #tpu.memory_space<hbm>>
    tpu.enqueue_dma source(%arg6 : memref<1x50x1000xf32, #tpu.memory_space<vmem>>) target(%dma_start3A_906 : memref<1x50x1000xf32, #tpu.memory_space<hbm>>) target_semaphore(%arg8 : memref<!tpu.dma_semaphore, #tpu.memory_space<semaphore_mem>>)
    %dma_wait3A_907 = arith.constant 0 : i32
    %dma_wait3A_908 = arith.constant 0 : i32
    %dma_wait3A_909 = tpu.memref_slice %arg4[%add3A_810, %dma_wait3A_907, %dma_wait3A_908] : memref<1024x50x1000xf32, #tpu.memory_space<hbm>> -> memref<1x50x1000xf32, #tpu.memory_space<hbm>>
    %dma_wait3A_910 = arith.constant 0 : i32
    %dma_wait3A_911 = arith.constant 0 : i32
    %dma_wait3A_912 = tpu.memref_slice %arg4[%add3A_810, %dma_wait3A_910, %dma_wait3A_911] : memref<1024x50x1000xf32, #tpu.memory_space<hbm>> -> memref<1x50x1000xf32, #tpu.memory_space<hbm>>
    tpu.wait_dma2 semaphore(%arg9 : memref<!tpu.dma_semaphore, #tpu.memory_space<semaphore_mem>>) src(%arg7 : memref<1x50x1000xf32, #tpu.memory_space<vmem>>) dst(%dma_wait3A_912 : memref<1x50x1000xf32, #tpu.memory_space<hbm>>)
    %add3A_913 = arith.constant 0 : i32
    %add3A_914 = vector.broadcast %add3A_913 : i32 to vector<16xi32>
    %add3A_915 = arith.addi %iota3A, %add3A_914 : vector<16xi32>
    %lt3A_916 = arith.constant 50 : i32
    %lt3A_917 = vector.broadcast %lt3A_916 : i32 to vector<16xi32>
    %lt3A_918 = arith.cmpi slt, %add3A_915, %lt3A_917 : vector<16xi32>
    %get3A_919 = arith.constant 450 : index
    %get3A_920 = tpu.vector_load %arg5[%get3A_919] {strides = array<i32>} : memref<1600xi32, #tpu.memory_space<vmem>>, vector<16xi32>,
    tpu.vector_store_idx %arg7[%broadcast_in_dim3A_9, %add3A_915, %get3A_920], %broadcast_in_dim3A_7 masked %lt3A_918 : memref<1x50x1000xf32, #tpu.memory_space<vmem>>[vector<16xi32>, vector<16xi32>, vector<16xi32>], vector<16xf32>, vector<16xi1>
    %add3A_921 = arith.constant 16 : i32
    %add3A_922 = vector.broadcast %add3A_921 : i32 to vector<16xi32>
    %add3A_923 = arith.addi %iota3A, %add3A_922 : vector<16xi32>
    %lt3A_924 = arith.constant 50 : i32
    %lt3A_925 = vector.broadcast %lt3A_924 : i32 to vector<16xi32>
    %lt3A_926 = arith.cmpi slt, %add3A_923, %lt3A_925 : vector<16xi32>
    %get3A_927 = arith.constant 466 : index
    %get3A_928 = tpu.vector_load %arg5[%get3A_927] {strides = array<i32>} : memref<1600xi32, #tpu.memory_space<vmem>>, vector<16xi32>,
    tpu.vector_store_idx %arg7[%broadcast_in_dim3A_9, %add3A_923, %get3A_928], %broadcast_in_dim3A_7 masked %lt3A_926 : memref<1x50x1000xf32, #tpu.memory_space<vmem>>[vector<16xi32>, vector<16xi32>, vector<16xi32>], vector<16xf32>, vector<16xi1>
    %add3A_929 = arith.constant 32 : i32
    %add3A_930 = vector.broadcast %add3A_929 : i32 to vector<16xi32>
    %add3A_931 = arith.addi %iota3A, %add3A_930 : vector<16xi32>
    %lt3A_932 = arith.constant 50 : i32
    %lt3A_933 = vector.broadcast %lt3A_932 : i32 to vector<16xi32>
    %lt3A_934 = arith.cmpi slt, %add3A_931, %lt3A_933 : vector<16xi32>
    %get3A_935 = arith.constant 482 : index
    %get3A_936 = tpu.vector_load %arg5[%get3A_935] {strides = array<i32>} : memref<1600xi32, #tpu.memory_space<vmem>>, vector<16xi32>,
    tpu.vector_store_idx %arg7[%broadcast_in_dim3A_9, %add3A_931, %get3A_936], %broadcast_in_dim3A_7 masked %lt3A_934 : memref<1x50x1000xf32, #tpu.memory_space<vmem>>[vector<16xi32>, vector<16xi32>, vector<16xi32>], vector<16xf32>, vector<16xi1>
    %add3A_937 = arith.constant 48 : i32
    %add3A_938 = vector.broadcast %add3A_937 : i32 to vector<16xi32>
    %add3A_939 = arith.addi %iota3A, %add3A_938 : vector<16xi32>
    %lt3A_940 = arith.constant 50 : i32
    %lt3A_941 = vector.broadcast %lt3A_940 : i32 to vector<16xi32>
    %lt3A_942 = arith.cmpi slt, %add3A_939, %lt3A_941 : vector<16xi32>
    %get3A_943 = arith.constant 484 : index
    %get3A_944 = tpu.vector_load %arg5[%get3A_943] {strides = array<i32>} : memref<1600xi32, #tpu.memory_space<vmem>>, vector<16xi32>,
    %add3A_945 = arith.constant 34 : i32
    %add3A_946 = vector.broadcast %add3A_945 : i32 to vector<16xi32>
    %add3A_947 = arith.addi %iota3A, %add3A_946 : vector<16xi32>
    %ge3A_948 = arith.constant 14 : i32
    %ge3A_949 = vector.broadcast %ge3A_948 : i32 to vector<16xi32>
    %ge3A_950 = arith.cmpi sge, %iota3A, %ge3A_949 : vector<16xi32>
    tpu.vector_store_idx %arg7[%broadcast_in_dim3A_9, %add3A_947, %get3A_944], %broadcast_in_dim3A_7 masked %ge3A_950 : memref<1x50x1000xf32, #tpu.memory_space<vmem>>[vector<16xi32>, vector<16xi32>, vector<16xi32>], vector<16xf32>, vector<16xi1>
    %add3A_951 = arith.constant 0 : i32
    %add3A_952 = vector.broadcast %add3A_951 : i32 to vector<16xi32>
    %add3A_953 = arith.addi %iota3A, %add3A_952 : vector<16xi32>
    %lt3A_954 = arith.constant 50 : i32
    %lt3A_955 = vector.broadcast %lt3A_954 : i32 to vector<16xi32>
    %lt3A_956 = arith.cmpi slt, %add3A_953, %lt3A_955 : vector<16xi32>
    %get3A_957 = arith.constant 550 : index
    %get3A_958 = tpu.vector_load %arg5[%get3A_957] {strides = array<i32>} : memref<1600xi32, #tpu.memory_space<vmem>>, vector<16xi32>,
    tpu.vector_store_idx %arg7[%broadcast_in_dim3A_9, %add3A_953, %get3A_958], %broadcast_in_dim3A_5 masked %lt3A_956 : memref<1x50x1000xf32, #tpu.memory_space<vmem>>[vector<16xi32>, vector<16xi32>, vector<16xi32>], vector<16xf32>, vector<16xi1>
    %add3A_959 = arith.constant 16 : i32
    %add3A_960 = vector.broadcast %add3A_959 : i32 to vector<16xi32>
    %add3A_961 = arith.addi %iota3A, %add3A_960 : vector<16xi32>
    %lt3A_962 = arith.constant 50 : i32
    %lt3A_963 = vector.broadcast %lt3A_962 : i32 to vector<16xi32>
    %lt3A_964 = arith.cmpi slt, %add3A_961, %lt3A_963 : vector<16xi32>
    %get3A_965 = arith.constant 566 : index
    %get3A_966 = tpu.vector_load %arg5[%get3A_965] {strides = array<i32>} : memref<1600xi32, #tpu.memory_space<vmem>>, vector<16xi32>,
    tpu.vector_store_idx %arg7[%broadcast_in_dim3A_9, %add3A_961, %get3A_966], %broadcast_in_dim3A_5 masked %lt3A_964 : memref<1x50x1000xf32, #tpu.memory_space<vmem>>[vector<16xi32>, vector<16xi32>, vector<16xi32>], vector<16xf32>, vector<16xi1>
    %add3A_967 = arith.constant 32 : i32
    %add3A_968 = vector.broadcast %add3A_967 : i32 to vector<16xi32>
    %add3A_969 = arith.addi %iota3A, %add3A_968 : vector<16xi32>
    %lt3A_970 = arith.constant 50 : i32
    %lt3A_971 = vector.broadcast %lt3A_970 : i32 to vector<16xi32>
    %lt3A_972 = arith.cmpi slt, %add3A_969, %lt3A_971 : vector<16xi32>
    %get3A_973 = arith.constant 582 : index
    %get3A_974 = tpu.vector_load %arg5[%get3A_973] {strides = array<i32>} : memref<1600xi32, #tpu.memory_space<vmem>>, vector<16xi32>,
    tpu.vector_store_idx %arg7[%broadcast_in_dim3A_9, %add3A_969, %get3A_974], %broadcast_in_dim3A_5 masked %lt3A_972 : memref<1x50x1000xf32, #tpu.memory_space<vmem>>[vector<16xi32>, vector<16xi32>, vector<16xi32>], vector<16xf32>, vector<16xi1>
    %add3A_975 = arith.constant 48 : i32
    %add3A_976 = vector.broadcast %add3A_975 : i32 to vector<16xi32>
    %add3A_977 = arith.addi %iota3A, %add3A_976 : vector<16xi32>
    %lt3A_978 = arith.constant 50 : i32
    %lt3A_979 = vector.broadcast %lt3A_978 : i32 to vector<16xi32>
    %lt3A_980 = arith.cmpi slt, %add3A_977, %lt3A_979 : vector<16xi32>
    %get3A_981 = arith.constant 584 : index
    %get3A_982 = tpu.vector_load %arg5[%get3A_981] {strides = array<i32>} : memref<1600xi32, #tpu.memory_space<vmem>>, vector<16xi32>,
    %add3A_983 = arith.constant 34 : i32
    %add3A_984 = vector.broadcast %add3A_983 : i32 to vector<16xi32>
    %add3A_985 = arith.addi %iota3A, %add3A_984 : vector<16xi32>
    %ge3A_986 = arith.constant 14 : i32
    %ge3A_987 = vector.broadcast %ge3A_986 : i32 to vector<16xi32>
    %ge3A_988 = arith.cmpi sge, %iota3A, %ge3A_987 : vector<16xi32>
    tpu.vector_store_idx %arg7[%broadcast_in_dim3A_9, %add3A_985, %get3A_982], %broadcast_in_dim3A_5 masked %ge3A_988 : memref<1x50x1000xf32, #tpu.memory_space<vmem>>[vector<16xi32>, vector<16xi32>, vector<16xi32>], vector<16xf32>, vector<16xi1>
    %add3A_989 = arith.constant 11 : i32
    %add3A_990 = arith.addi %mul3A_2, %add3A_989 : i32
    %dma_start3A_991 = arith.constant 0 : i32
    %dma_start3A_992 = arith.constant 0 : i32
    %dma_start3A_993 = tpu.memref_slice %arg4[%add3A_990, %dma_start3A_991, %dma_start3A_992] : memref<1024x50x1000xf32, #tpu.memory_space<hbm>> -> memref<1x50x1000xf32, #tpu.memory_space<hbm>>
    %dma_start3A_994 = arith.constant 0 : i32
    %dma_start3A_995 = arith.constant 0 : i32
    %dma_start3A_996 = tpu.memref_slice %arg4[%add3A_990, %dma_start3A_994, %dma_start3A_995] : memref<1024x50x1000xf32, #tpu.memory_space<hbm>> -> memref<1x50x1000xf32, #tpu.memory_space<hbm>>
    tpu.enqueue_dma source(%arg7 : memref<1x50x1000xf32, #tpu.memory_space<vmem>>) target(%dma_start3A_996 : memref<1x50x1000xf32, #tpu.memory_space<hbm>>) target_semaphore(%arg9 : memref<!tpu.dma_semaphore, #tpu.memory_space<semaphore_mem>>)
    %dma_wait3A_997 = arith.constant 0 : i32
    %dma_wait3A_998 = arith.constant 0 : i32
    %dma_wait3A_999 = tpu.memref_slice %arg4[%add3A_900, %dma_wait3A_997, %dma_wait3A_998] : memref<1024x50x1000xf32, #tpu.memory_space<hbm>> -> memref<1x50x1000xf32, #tpu.memory_space<hbm>>
    %dma_wait3A_1000 = arith.constant 0 : i32
    %dma_wait3A_1001 = arith.constant 0 : i32
    %dma_wait3A_1002 = tpu.memref_slice %arg4[%add3A_900, %dma_wait3A_1000, %dma_wait3A_1001] : memref<1024x50x1000xf32, #tpu.memory_space<hbm>> -> memref<1x50x1000xf32, #tpu.memory_space<hbm>>
    tpu.wait_dma2 semaphore(%arg8 : memref<!tpu.dma_semaphore, #tpu.memory_space<semaphore_mem>>) src(%arg6 : memref<1x50x1000xf32, #tpu.memory_space<vmem>>) dst(%dma_wait3A_1002 : memref<1x50x1000xf32, #tpu.memory_space<hbm>>)
    %add3A_1003 = arith.constant 0 : i32
    %add3A_1004 = vector.broadcast %add3A_1003 : i32 to vector<16xi32>
    %add3A_1005 = arith.addi %iota3A, %add3A_1004 : vector<16xi32>
    %lt3A_1006 = arith.constant 50 : i32
    %lt3A_1007 = vector.broadcast %lt3A_1006 : i32 to vector<16xi32>
    %lt3A_1008 = arith.cmpi slt, %add3A_1005, %lt3A_1007 : vector<16xi32>
    %get3A_1009 = arith.constant 500 : index
    %get3A_1010 = tpu.vector_load %arg5[%get3A_1009] {strides = array<i32>} : memref<1600xi32, #tpu.memory_space<vmem>>, vector<16xi32>,
    tpu.vector_store_idx %arg6[%broadcast_in_dim3A_9, %add3A_1005, %get3A_1010], %broadcast_in_dim3A_7 masked %lt3A_1008 : memref<1x50x1000xf32, #tpu.memory_space<vmem>>[vector<16xi32>, vector<16xi32>, vector<16xi32>], vector<16xf32>, vector<16xi1>
    %add3A_1011 = arith.constant 16 : i32
    %add3A_1012 = vector.broadcast %add3A_1011 : i32 to vector<16xi32>
    %add3A_1013 = arith.addi %iota3A, %add3A_1012 : vector<16xi32>
    %lt3A_1014 = arith.constant 50 : i32
    %lt3A_1015 = vector.broadcast %lt3A_1014 : i32 to vector<16xi32>
    %lt3A_1016 = arith.cmpi slt, %add3A_1013, %lt3A_1015 : vector<16xi32>
    %get3A_1017 = arith.constant 516 : index
    %get3A_1018 = tpu.vector_load %arg5[%get3A_1017] {strides = array<i32>} : memref<1600xi32, #tpu.memory_space<vmem>>, vector<16xi32>,
    tpu.vector_store_idx %arg6[%broadcast_in_dim3A_9, %add3A_1013, %get3A_1018], %broadcast_in_dim3A_7 masked %lt3A_1016 : memref<1x50x1000xf32, #tpu.memory_space<vmem>>[vector<16xi32>, vector<16xi32>, vector<16xi32>], vector<16xf32>, vector<16xi1>
    %add3A_1019 = arith.constant 32 : i32
    %add3A_1020 = vector.broadcast %add3A_1019 : i32 to vector<16xi32>
    %add3A_1021 = arith.addi %iota3A, %add3A_1020 : vector<16xi32>
    %lt3A_1022 = arith.constant 50 : i32
    %lt3A_1023 = vector.broadcast %lt3A_1022 : i32 to vector<16xi32>
    %lt3A_1024 = arith.cmpi slt, %add3A_1021, %lt3A_1023 : vector<16xi32>
    %get3A_1025 = arith.constant 532 : index
    %get3A_1026 = tpu.vector_load %arg5[%get3A_1025] {strides = array<i32>} : memref<1600xi32, #tpu.memory_space<vmem>>, vector<16xi32>,
    tpu.vector_store_idx %arg6[%broadcast_in_dim3A_9, %add3A_1021, %get3A_1026], %broadcast_in_dim3A_7 masked %lt3A_1024 : memref<1x50x1000xf32, #tpu.memory_space<vmem>>[vector<16xi32>, vector<16xi32>, vector<16xi32>], vector<16xf32>, vector<16xi1>
    %add3A_1027 = arith.constant 48 : i32
    %add3A_1028 = vector.broadcast %add3A_1027 : i32 to vector<16xi32>
    %add3A_1029 = arith.addi %iota3A, %add3A_1028 : vector<16xi32>
    %lt3A_1030 = arith.constant 50 : i32
    %lt3A_1031 = vector.broadcast %lt3A_1030 : i32 to vector<16xi32>
    %lt3A_1032 = arith.cmpi slt, %add3A_1029, %lt3A_1031 : vector<16xi32>
    %get3A_1033 = arith.constant 534 : index
    %get3A_1034 = tpu.vector_load %arg5[%get3A_1033] {strides = array<i32>} : memref<1600xi32, #tpu.memory_space<vmem>>, vector<16xi32>,
    %add3A_1035 = arith.constant 34 : i32
    %add3A_1036 = vector.broadcast %add3A_1035 : i32 to vector<16xi32>
    %add3A_1037 = arith.addi %iota3A, %add3A_1036 : vector<16xi32>
    %ge3A_1038 = arith.constant 14 : i32
    %ge3A_1039 = vector.broadcast %ge3A_1038 : i32 to vector<16xi32>
    %ge3A_1040 = arith.cmpi sge, %iota3A, %ge3A_1039 : vector<16xi32>
    tpu.vector_store_idx %arg6[%broadcast_in_dim3A_9, %add3A_1037, %get3A_1034], %broadcast_in_dim3A_7 masked %ge3A_1040 : memref<1x50x1000xf32, #tpu.memory_space<vmem>>[vector<16xi32>, vector<16xi32>, vector<16xi32>], vector<16xf32>, vector<16xi1>
    %add3A_1041 = arith.constant 0 : i32
    %add3A_1042 = vector.broadcast %add3A_1041 : i32 to vector<16xi32>
    %add3A_1043 = arith.addi %iota3A, %add3A_1042 : vector<16xi32>
    %lt3A_1044 = arith.constant 50 : i32
    %lt3A_1045 = vector.broadcast %lt3A_1044 : i32 to vector<16xi32>
    %lt3A_1046 = arith.cmpi slt, %add3A_1043, %lt3A_1045 : vector<16xi32>
    %get3A_1047 = arith.constant 600 : index
    %get3A_1048 = tpu.vector_load %arg5[%get3A_1047] {strides = array<i32>} : memref<1600xi32, #tpu.memory_space<vmem>>, vector<16xi32>,
    tpu.vector_store_idx %arg6[%broadcast_in_dim3A_9, %add3A_1043, %get3A_1048], %broadcast_in_dim3A_5 masked %lt3A_1046 : memref<1x50x1000xf32, #tpu.memory_space<vmem>>[vector<16xi32>, vector<16xi32>, vector<16xi32>], vector<16xf32>, vector<16xi1>
    %add3A_1049 = arith.constant 16 : i32
    %add3A_1050 = vector.broadcast %add3A_1049 : i32 to vector<16xi32>
    %add3A_1051 = arith.addi %iota3A, %add3A_1050 : vector<16xi32>
    %lt3A_1052 = arith.constant 50 : i32
    %lt3A_1053 = vector.broadcast %lt3A_1052 : i32 to vector<16xi32>
    %lt3A_1054 = arith.cmpi slt, %add3A_1051, %lt3A_1053 : vector<16xi32>
    %get3A_1055 = arith.constant 616 : index
    %get3A_1056 = tpu.vector_load %arg5[%get3A_1055] {strides = array<i32>} : memref<1600xi32, #tpu.memory_space<vmem>>, vector<16xi32>,
    tpu.vector_store_idx %arg6[%broadcast_in_dim3A_9, %add3A_1051, %get3A_1056], %broadcast_in_dim3A_5 masked %lt3A_1054 : memref<1x50x1000xf32, #tpu.memory_space<vmem>>[vector<16xi32>, vector<16xi32>, vector<16xi32>], vector<16xf32>, vector<16xi1>
    %add3A_1057 = arith.constant 32 : i32
    %add3A_1058 = vector.broadcast %add3A_1057 : i32 to vector<16xi32>
    %add3A_1059 = arith.addi %iota3A, %add3A_1058 : vector<16xi32>
    %lt3A_1060 = arith.constant 50 : i32
    %lt3A_1061 = vector.broadcast %lt3A_1060 : i32 to vector<16xi32>
    %lt3A_1062 = arith.cmpi slt, %add3A_1059, %lt3A_1061 : vector<16xi32>
    %get3A_1063 = arith.constant 632 : index
    %get3A_1064 = tpu.vector_load %arg5[%get3A_1063] {strides = array<i32>} : memref<1600xi32, #tpu.memory_space<vmem>>, vector<16xi32>,
    tpu.vector_store_idx %arg6[%broadcast_in_dim3A_9, %add3A_1059, %get3A_1064], %broadcast_in_dim3A_5 masked %lt3A_1062 : memref<1x50x1000xf32, #tpu.memory_space<vmem>>[vector<16xi32>, vector<16xi32>, vector<16xi32>], vector<16xf32>, vector<16xi1>
    %add3A_1065 = arith.constant 48 : i32
    %add3A_1066 = vector.broadcast %add3A_1065 : i32 to vector<16xi32>
    %add3A_1067 = arith.addi %iota3A, %add3A_1066 : vector<16xi32>
    %lt3A_1068 = arith.constant 50 : i32
    %lt3A_1069 = vector.broadcast %lt3A_1068 : i32 to vector<16xi32>
    %lt3A_1070 = arith.cmpi slt, %add3A_1067, %lt3A_1069 : vector<16xi32>
    %get3A_1071 = arith.constant 634 : index
    %get3A_1072 = tpu.vector_load %arg5[%get3A_1071] {strides = array<i32>} : memref<1600xi32, #tpu.memory_space<vmem>>, vector<16xi32>,
    %add3A_1073 = arith.constant 34 : i32
    %add3A_1074 = vector.broadcast %add3A_1073 : i32 to vector<16xi32>
    %add3A_1075 = arith.addi %iota3A, %add3A_1074 : vector<16xi32>
    %ge3A_1076 = arith.constant 14 : i32
    %ge3A_1077 = vector.broadcast %ge3A_1076 : i32 to vector<16xi32>
    %ge3A_1078 = arith.cmpi sge, %iota3A, %ge3A_1077 : vector<16xi32>
    tpu.vector_store_idx %arg6[%broadcast_in_dim3A_9, %add3A_1075, %get3A_1072], %broadcast_in_dim3A_5 masked %ge3A_1078 : memref<1x50x1000xf32, #tpu.memory_space<vmem>>[vector<16xi32>, vector<16xi32>, vector<16xi32>], vector<16xf32>, vector<16xi1>
    %add3A_1079 = arith.constant 12 : i32
    %add3A_1080 = arith.addi %mul3A_2, %add3A_1079 : i32
    %dma_start3A_1081 = arith.constant 0 : i32
    %dma_start3A_1082 = arith.constant 0 : i32
    %dma_start3A_1083 = tpu.memref_slice %arg4[%add3A_1080, %dma_start3A_1081, %dma_start3A_1082] : memref<1024x50x1000xf32, #tpu.memory_space<hbm>> -> memref<1x50x1000xf32, #tpu.memory_space<hbm>>
    %dma_start3A_1084 = arith.constant 0 : i32
    %dma_start3A_1085 = arith.constant 0 : i32
    %dma_start3A_1086 = tpu.memref_slice %arg4[%add3A_1080, %dma_start3A_1084, %dma_start3A_1085] : memref<1024x50x1000xf32, #tpu.memory_space<hbm>> -> memref<1x50x1000xf32, #tpu.memory_space<hbm>>
    tpu.enqueue_dma source(%arg6 : memref<1x50x1000xf32, #tpu.memory_space<vmem>>) target(%dma_start3A_1086 : memref<1x50x1000xf32, #tpu.memory_space<hbm>>) target_semaphore(%arg8 : memref<!tpu.dma_semaphore, #tpu.memory_space<semaphore_mem>>)
    %dma_wait3A_1087 = arith.constant 0 : i32
    %dma_wait3A_1088 = arith.constant 0 : i32
    %dma_wait3A_1089 = tpu.memref_slice %arg4[%add3A_990, %dma_wait3A_1087, %dma_wait3A_1088] : memref<1024x50x1000xf32, #tpu.memory_space<hbm>> -> memref<1x50x1000xf32, #tpu.memory_space<hbm>>
    %dma_wait3A_1090 = arith.constant 0 : i32
    %dma_wait3A_1091 = arith.constant 0 : i32
    %dma_wait3A_1092 = tpu.memref_slice %arg4[%add3A_990, %dma_wait3A_1090, %dma_wait3A_1091] : memref<1024x50x1000xf32, #tpu.memory_space<hbm>> -> memref<1x50x1000xf32, #tpu.memory_space<hbm>>
    tpu.wait_dma2 semaphore(%arg9 : memref<!tpu.dma_semaphore, #tpu.memory_space<semaphore_mem>>) src(%arg7 : memref<1x50x1000xf32, #tpu.memory_space<vmem>>) dst(%dma_wait3A_1092 : memref<1x50x1000xf32, #tpu.memory_space<hbm>>)
    %add3A_1093 = arith.constant 0 : i32
    %add3A_1094 = vector.broadcast %add3A_1093 : i32 to vector<16xi32>
    %add3A_1095 = arith.addi %iota3A, %add3A_1094 : vector<16xi32>
    %lt3A_1096 = arith.constant 50 : i32
    %lt3A_1097 = vector.broadcast %lt3A_1096 : i32 to vector<16xi32>
    %lt3A_1098 = arith.cmpi slt, %add3A_1095, %lt3A_1097 : vector<16xi32>
    %get3A_1099 = arith.constant 550 : index
    %get3A_1100 = tpu.vector_load %arg5[%get3A_1099] {strides = array<i32>} : memref<1600xi32, #tpu.memory_space<vmem>>, vector<16xi32>,
    tpu.vector_store_idx %arg7[%broadcast_in_dim3A_9, %add3A_1095, %get3A_1100], %broadcast_in_dim3A_7 masked %lt3A_1098 : memref<1x50x1000xf32, #tpu.memory_space<vmem>>[vector<16xi32>, vector<16xi32>, vector<16xi32>], vector<16xf32>, vector<16xi1>
    %add3A_1101 = arith.constant 16 : i32
    %add3A_1102 = vector.broadcast %add3A_1101 : i32 to vector<16xi32>
    %add3A_1103 = arith.addi %iota3A, %add3A_1102 : vector<16xi32>
    %lt3A_1104 = arith.constant 50 : i32
    %lt3A_1105 = vector.broadcast %lt3A_1104 : i32 to vector<16xi32>
    %lt3A_1106 = arith.cmpi slt, %add3A_1103, %lt3A_1105 : vector<16xi32>
    %get3A_1107 = arith.constant 566 : index
    %get3A_1108 = tpu.vector_load %arg5[%get3A_1107] {strides = array<i32>} : memref<1600xi32, #tpu.memory_space<vmem>>, vector<16xi32>,
    tpu.vector_store_idx %arg7[%broadcast_in_dim3A_9, %add3A_1103, %get3A_1108], %broadcast_in_dim3A_7 masked %lt3A_1106 : memref<1x50x1000xf32, #tpu.memory_space<vmem>>[vector<16xi32>, vector<16xi32>, vector<16xi32>], vector<16xf32>, vector<16xi1>
    %add3A_1109 = arith.constant 32 : i32
    %add3A_1110 = vector.broadcast %add3A_1109 : i32 to vector<16xi32>
    %add3A_1111 = arith.addi %iota3A, %add3A_1110 : vector<16xi32>
    %lt3A_1112 = arith.constant 50 : i32
    %lt3A_1113 = vector.broadcast %lt3A_1112 : i32 to vector<16xi32>
    %lt3A_1114 = arith.cmpi slt, %add3A_1111, %lt3A_1113 : vector<16xi32>
    %get3A_1115 = arith.constant 582 : index
    %get3A_1116 = tpu.vector_load %arg5[%get3A_1115] {strides = array<i32>} : memref<1600xi32, #tpu.memory_space<vmem>>, vector<16xi32>,
    tpu.vector_store_idx %arg7[%broadcast_in_dim3A_9, %add3A_1111, %get3A_1116], %broadcast_in_dim3A_7 masked %lt3A_1114 : memref<1x50x1000xf32, #tpu.memory_space<vmem>>[vector<16xi32>, vector<16xi32>, vector<16xi32>], vector<16xf32>, vector<16xi1>
    %add3A_1117 = arith.constant 48 : i32
    %add3A_1118 = vector.broadcast %add3A_1117 : i32 to vector<16xi32>
    %add3A_1119 = arith.addi %iota3A, %add3A_1118 : vector<16xi32>
    %lt3A_1120 = arith.constant 50 : i32
    %lt3A_1121 = vector.broadcast %lt3A_1120 : i32 to vector<16xi32>
    %lt3A_1122 = arith.cmpi slt, %add3A_1119, %lt3A_1121 : vector<16xi32>
    %get3A_1123 = arith.constant 584 : index
    %get3A_1124 = tpu.vector_load %arg5[%get3A_1123] {strides = array<i32>} : memref<1600xi32, #tpu.memory_space<vmem>>, vector<16xi32>,
    %add3A_1125 = arith.constant 34 : i32
    %add3A_1126 = vector.broadcast %add3A_1125 : i32 to vector<16xi32>
    %add3A_1127 = arith.addi %iota3A, %add3A_1126 : vector<16xi32>
    %ge3A_1128 = arith.constant 14 : i32
    %ge3A_1129 = vector.broadcast %ge3A_1128 : i32 to vector<16xi32>
    %ge3A_1130 = arith.cmpi sge, %iota3A, %ge3A_1129 : vector<16xi32>
    tpu.vector_store_idx %arg7[%broadcast_in_dim3A_9, %add3A_1127, %get3A_1124], %broadcast_in_dim3A_7 masked %ge3A_1130 : memref<1x50x1000xf32, #tpu.memory_space<vmem>>[vector<16xi32>, vector<16xi32>, vector<16xi32>], vector<16xf32>, vector<16xi1>
    %add3A_1131 = arith.constant 0 : i32
    %add3A_1132 = vector.broadcast %add3A_1131 : i32 to vector<16xi32>
    %add3A_1133 = arith.addi %iota3A, %add3A_1132 : vector<16xi32>
    %lt3A_1134 = arith.constant 50 : i32
    %lt3A_1135 = vector.broadcast %lt3A_1134 : i32 to vector<16xi32>
    %lt3A_1136 = arith.cmpi slt, %add3A_1133, %lt3A_1135 : vector<16xi32>
    %get3A_1137 = arith.constant 650 : index
    %get3A_1138 = tpu.vector_load %arg5[%get3A_1137] {strides = array<i32>} : memref<1600xi32, #tpu.memory_space<vmem>>, vector<16xi32>,
    tpu.vector_store_idx %arg7[%broadcast_in_dim3A_9, %add3A_1133, %get3A_1138], %broadcast_in_dim3A_5 masked %lt3A_1136 : memref<1x50x1000xf32, #tpu.memory_space<vmem>>[vector<16xi32>, vector<16xi32>, vector<16xi32>], vector<16xf32>, vector<16xi1>
    %add3A_1139 = arith.constant 16 : i32
    %add3A_1140 = vector.broadcast %add3A_1139 : i32 to vector<16xi32>
    %add3A_1141 = arith.addi %iota3A, %add3A_1140 : vector<16xi32>
    %lt3A_1142 = arith.constant 50 : i32
    %lt3A_1143 = vector.broadcast %lt3A_1142 : i32 to vector<16xi32>
    %lt3A_1144 = arith.cmpi slt, %add3A_1141, %lt3A_1143 : vector<16xi32>
    %get3A_1145 = arith.constant 666 : index
    %get3A_1146 = tpu.vector_load %arg5[%get3A_1145] {strides = array<i32>} : memref<1600xi32, #tpu.memory_space<vmem>>, vector<16xi32>,
    tpu.vector_store_idx %arg7[%broadcast_in_dim3A_9, %add3A_1141, %get3A_1146], %broadcast_in_dim3A_5 masked %lt3A_1144 : memref<1x50x1000xf32, #tpu.memory_space<vmem>>[vector<16xi32>, vector<16xi32>, vector<16xi32>], vector<16xf32>, vector<16xi1>
    %add3A_1147 = arith.constant 32 : i32
    %add3A_1148 = vector.broadcast %add3A_1147 : i32 to vector<16xi32>
    %add3A_1149 = arith.addi %iota3A, %add3A_1148 : vector<16xi32>
    %lt3A_1150 = arith.constant 50 : i32
    %lt3A_1151 = vector.broadcast %lt3A_1150 : i32 to vector<16xi32>
    %lt3A_1152 = arith.cmpi slt, %add3A_1149, %lt3A_1151 : vector<16xi32>
    %get3A_1153 = arith.constant 682 : index
    %get3A_1154 = tpu.vector_load %arg5[%get3A_1153] {strides = array<i32>} : memref<1600xi32, #tpu.memory_space<vmem>>, vector<16xi32>,
    tpu.vector_store_idx %arg7[%broadcast_in_dim3A_9, %add3A_1149, %get3A_1154], %broadcast_in_dim3A_5 masked %lt3A_1152 : memref<1x50x1000xf32, #tpu.memory_space<vmem>>[vector<16xi32>, vector<16xi32>, vector<16xi32>], vector<16xf32>, vector<16xi1>
    %add3A_1155 = arith.constant 48 : i32
    %add3A_1156 = vector.broadcast %add3A_1155 : i32 to vector<16xi32>
    %add3A_1157 = arith.addi %iota3A, %add3A_1156 : vector<16xi32>
    %lt3A_1158 = arith.constant 50 : i32
    %lt3A_1159 = vector.broadcast %lt3A_1158 : i32 to vector<16xi32>
    %lt3A_1160 = arith.cmpi slt, %add3A_1157, %lt3A_1159 : vector<16xi32>
    %get3A_1161 = arith.constant 684 : index
    %get3A_1162 = tpu.vector_load %arg5[%get3A_1161] {strides = array<i32>} : memref<1600xi32, #tpu.memory_space<vmem>>, vector<16xi32>,
    %add3A_1163 = arith.constant 34 : i32
    %add3A_1164 = vector.broadcast %add3A_1163 : i32 to vector<16xi32>
    %add3A_1165 = arith.addi %iota3A, %add3A_1164 : vector<16xi32>
    %ge3A_1166 = arith.constant 14 : i32
    %ge3A_1167 = vector.broadcast %ge3A_1166 : i32 to vector<16xi32>
    %ge3A_1168 = arith.cmpi sge, %iota3A, %ge3A_1167 : vector<16xi32>
    tpu.vector_store_idx %arg7[%broadcast_in_dim3A_9, %add3A_1165, %get3A_1162], %broadcast_in_dim3A_5 masked %ge3A_1168 : memref<1x50x1000xf32, #tpu.memory_space<vmem>>[vector<16xi32>, vector<16xi32>, vector<16xi32>], vector<16xf32>, vector<16xi1>
    %add3A_1169 = arith.constant 13 : i32
    %add3A_1170 = arith.addi %mul3A_2, %add3A_1169 : i32
    %dma_start3A_1171 = arith.constant 0 : i32
    %dma_start3A_1172 = arith.constant 0 : i32
    %dma_start3A_1173 = tpu.memref_slice %arg4[%add3A_1170, %dma_start3A_1171, %dma_start3A_1172] : memref<1024x50x1000xf32, #tpu.memory_space<hbm>> -> memref<1x50x1000xf32, #tpu.memory_space<hbm>>
    %dma_start3A_1174 = arith.constant 0 : i32
    %dma_start3A_1175 = arith.constant 0 : i32
    %dma_start3A_1176 = tpu.memref_slice %arg4[%add3A_1170, %dma_start3A_1174, %dma_start3A_1175] : memref<1024x50x1000xf32, #tpu.memory_space<hbm>> -> memref<1x50x1000xf32, #tpu.memory_space<hbm>>
    tpu.enqueue_dma source(%arg7 : memref<1x50x1000xf32, #tpu.memory_space<vmem>>) target(%dma_start3A_1176 : memref<1x50x1000xf32, #tpu.memory_space<hbm>>) target_semaphore(%arg9 : memref<!tpu.dma_semaphore, #tpu.memory_space<semaphore_mem>>)
    %dma_wait3A_1177 = arith.constant 0 : i32
    %dma_wait3A_1178 = arith.constant 0 : i32
    %dma_wait3A_1179 = tpu.memref_slice %arg4[%add3A_1080, %dma_wait3A_1177, %dma_wait3A_1178] : memref<1024x50x1000xf32, #tpu.memory_space<hbm>> -> memref<1x50x1000xf32, #tpu.memory_space<hbm>>
    %dma_wait3A_1180 = arith.constant 0 : i32
    %dma_wait3A_1181 = arith.constant 0 : i32
    %dma_wait3A_1182 = tpu.memref_slice %arg4[%add3A_1080, %dma_wait3A_1180, %dma_wait3A_1181] : memref<1024x50x1000xf32, #tpu.memory_space<hbm>> -> memref<1x50x1000xf32, #tpu.memory_space<hbm>>
    tpu.wait_dma2 semaphore(%arg8 : memref<!tpu.dma_semaphore, #tpu.memory_space<semaphore_mem>>) src(%arg6 : memref<1x50x1000xf32, #tpu.memory_space<vmem>>) dst(%dma_wait3A_1182 : memref<1x50x1000xf32, #tpu.memory_space<hbm>>)
    %add3A_1183 = arith.constant 0 : i32
    %add3A_1184 = vector.broadcast %add3A_1183 : i32 to vector<16xi32>
    %add3A_1185 = arith.addi %iota3A, %add3A_1184 : vector<16xi32>
    %lt3A_1186 = arith.constant 50 : i32
    %lt3A_1187 = vector.broadcast %lt3A_1186 : i32 to vector<16xi32>
    %lt3A_1188 = arith.cmpi slt, %add3A_1185, %lt3A_1187 : vector<16xi32>
    %get3A_1189 = arith.constant 600 : index
    %get3A_1190 = tpu.vector_load %arg5[%get3A_1189] {strides = array<i32>} : memref<1600xi32, #tpu.memory_space<vmem>>, vector<16xi32>,
    tpu.vector_store_idx %arg6[%broadcast_in_dim3A_9, %add3A_1185, %get3A_1190], %broadcast_in_dim3A_7 masked %lt3A_1188 : memref<1x50x1000xf32, #tpu.memory_space<vmem>>[vector<16xi32>, vector<16xi32>, vector<16xi32>], vector<16xf32>, vector<16xi1>
    %add3A_1191 = arith.constant 16 : i32
    %add3A_1192 = vector.broadcast %add3A_1191 : i32 to vector<16xi32>
    %add3A_1193 = arith.addi %iota3A, %add3A_1192 : vector<16xi32>
    %lt3A_1194 = arith.constant 50 : i32
    %lt3A_1195 = vector.broadcast %lt3A_1194 : i32 to vector<16xi32>
    %lt3A_1196 = arith.cmpi slt, %add3A_1193, %lt3A_1195 : vector<16xi32>
    %get3A_1197 = arith.constant 616 : index
    %get3A_1198 = tpu.vector_load %arg5[%get3A_1197] {strides = array<i32>} : memref<1600xi32, #tpu.memory_space<vmem>>, vector<16xi32>,
    tpu.vector_store_idx %arg6[%broadcast_in_dim3A_9, %add3A_1193, %get3A_1198], %broadcast_in_dim3A_7 masked %lt3A_1196 : memref<1x50x1000xf32, #tpu.memory_space<vmem>>[vector<16xi32>, vector<16xi32>, vector<16xi32>], vector<16xf32>, vector<16xi1>
    %add3A_1199 = arith.constant 32 : i32
    %add3A_1200 = vector.broadcast %add3A_1199 : i32 to vector<16xi32>
    %add3A_1201 = arith.addi %iota3A, %add3A_1200 : vector<16xi32>
    %lt3A_1202 = arith.constant 50 : i32
    %lt3A_1203 = vector.broadcast %lt3A_1202 : i32 to vector<16xi32>
    %lt3A_1204 = arith.cmpi slt, %add3A_1201, %lt3A_1203 : vector<16xi32>
    %get3A_1205 = arith.constant 632 : index
    %get3A_1206 = tpu.vector_load %arg5[%get3A_1205] {strides = array<i32>} : memref<1600xi32, #tpu.memory_space<vmem>>, vector<16xi32>,
    tpu.vector_store_idx %arg6[%broadcast_in_dim3A_9, %add3A_1201, %get3A_1206], %broadcast_in_dim3A_7 masked %lt3A_1204 : memref<1x50x1000xf32, #tpu.memory_space<vmem>>[vector<16xi32>, vector<16xi32>, vector<16xi32>], vector<16xf32>, vector<16xi1>
    %add3A_1207 = arith.constant 48 : i32
    %add3A_1208 = vector.broadcast %add3A_1207 : i32 to vector<16xi32>
    %add3A_1209 = arith.addi %iota3A, %add3A_1208 : vector<16xi32>
    %lt3A_1210 = arith.constant 50 : i32
    %lt3A_1211 = vector.broadcast %lt3A_1210 : i32 to vector<16xi32>
    %lt3A_1212 = arith.cmpi slt, %add3A_1209, %lt3A_1211 : vector<16xi32>
    %get3A_1213 = arith.constant 634 : index
    %get3A_1214 = tpu.vector_load %arg5[%get3A_1213] {strides = array<i32>} : memref<1600xi32, #tpu.memory_space<vmem>>, vector<16xi32>,
    %add3A_1215 = arith.constant 34 : i32
    %add3A_1216 = vector.broadcast %add3A_1215 : i32 to vector<16xi32>
    %add3A_1217 = arith.addi %iota3A, %add3A_1216 : vector<16xi32>
    %ge3A_1218 = arith.constant 14 : i32
    %ge3A_1219 = vector.broadcast %ge3A_1218 : i32 to vector<16xi32>
    %ge3A_1220 = arith.cmpi sge, %iota3A, %ge3A_1219 : vector<16xi32>
    tpu.vector_store_idx %arg6[%broadcast_in_dim3A_9, %add3A_1217, %get3A_1214], %broadcast_in_dim3A_7 masked %ge3A_1220 : memref<1x50x1000xf32, #tpu.memory_space<vmem>>[vector<16xi32>, vector<16xi32>, vector<16xi32>], vector<16xf32>, vector<16xi1>
    %add3A_1221 = arith.constant 0 : i32
    %add3A_1222 = vector.broadcast %add3A_1221 : i32 to vector<16xi32>
    %add3A_1223 = arith.addi %iota3A, %add3A_1222 : vector<16xi32>
    %lt3A_1224 = arith.constant 50 : i32
    %lt3A_1225 = vector.broadcast %lt3A_1224 : i32 to vector<16xi32>
    %lt3A_1226 = arith.cmpi slt, %add3A_1223, %lt3A_1225 : vector<16xi32>
    %get3A_1227 = arith.constant 700 : index
    %get3A_1228 = tpu.vector_load %arg5[%get3A_1227] {strides = array<i32>} : memref<1600xi32, #tpu.memory_space<vmem>>, vector<16xi32>,
    tpu.vector_store_idx %arg6[%broadcast_in_dim3A_9, %add3A_1223, %get3A_1228], %broadcast_in_dim3A_5 masked %lt3A_1226 : memref<1x50x1000xf32, #tpu.memory_space<vmem>>[vector<16xi32>, vector<16xi32>, vector<16xi32>], vector<16xf32>, vector<16xi1>
    %add3A_1229 = arith.constant 16 : i32
    %add3A_1230 = vector.broadcast %add3A_1229 : i32 to vector<16xi32>
    %add3A_1231 = arith.addi %iota3A, %add3A_1230 : vector<16xi32>
    %lt3A_1232 = arith.constant 50 : i32
    %lt3A_1233 = vector.broadcast %lt3A_1232 : i32 to vector<16xi32>
    %lt3A_1234 = arith.cmpi slt, %add3A_1231, %lt3A_1233 : vector<16xi32>
    %get3A_1235 = arith.constant 716 : index
    %get3A_1236 = tpu.vector_load %arg5[%get3A_1235] {strides = array<i32>} : memref<1600xi32, #tpu.memory_space<vmem>>, vector<16xi32>,
    tpu.vector_store_idx %arg6[%broadcast_in_dim3A_9, %add3A_1231, %get3A_1236], %broadcast_in_dim3A_5 masked %lt3A_1234 : memref<1x50x1000xf32, #tpu.memory_space<vmem>>[vector<16xi32>, vector<16xi32>, vector<16xi32>], vector<16xf32>, vector<16xi1>
    %add3A_1237 = arith.constant 32 : i32
    %add3A_1238 = vector.broadcast %add3A_1237 : i32 to vector<16xi32>
    %add3A_1239 = arith.addi %iota3A, %add3A_1238 : vector<16xi32>
    %lt3A_1240 = arith.constant 50 : i32
    %lt3A_1241 = vector.broadcast %lt3A_1240 : i32 to vector<16xi32>
    %lt3A_1242 = arith.cmpi slt, %add3A_1239, %lt3A_1241 : vector<16xi32>
    %get3A_1243 = arith.constant 732 : index
    %get3A_1244 = tpu.vector_load %arg5[%get3A_1243] {strides = array<i32>} : memref<1600xi32, #tpu.memory_space<vmem>>, vector<16xi32>,
    tpu.vector_store_idx %arg6[%broadcast_in_dim3A_9, %add3A_1239, %get3A_1244], %broadcast_in_dim3A_5 masked %lt3A_1242 : memref<1x50x1000xf32, #tpu.memory_space<vmem>>[vector<16xi32>, vector<16xi32>, vector<16xi32>], vector<16xf32>, vector<16xi1>
    %add3A_1245 = arith.constant 48 : i32
    %add3A_1246 = vector.broadcast %add3A_1245 : i32 to vector<16xi32>
    %add3A_1247 = arith.addi %iota3A, %add3A_1246 : vector<16xi32>
    %lt3A_1248 = arith.constant 50 : i32
    %lt3A_1249 = vector.broadcast %lt3A_1248 : i32 to vector<16xi32>
    %lt3A_1250 = arith.cmpi slt, %add3A_1247, %lt3A_1249 : vector<16xi32>
    %get3A_1251 = arith.constant 734 : index
    %get3A_1252 = tpu.vector_load %arg5[%get3A_1251] {strides = array<i32>} : memref<1600xi32, #tpu.memory_space<vmem>>, vector<16xi32>,
    %add3A_1253 = arith.constant 34 : i32
    %add3A_1254 = vector.broadcast %add3A_1253 : i32 to vector<16xi32>
    %add3A_1255 = arith.addi %iota3A, %add3A_1254 : vector<16xi32>
    %ge3A_1256 = arith.constant 14 : i32
    %ge3A_1257 = vector.broadcast %ge3A_1256 : i32 to vector<16xi32>
    %ge3A_1258 = arith.cmpi sge, %iota3A, %ge3A_1257 : vector<16xi32>
    tpu.vector_store_idx %arg6[%broadcast_in_dim3A_9, %add3A_1255, %get3A_1252], %broadcast_in_dim3A_5 masked %ge3A_1258 : memref<1x50x1000xf32, #tpu.memory_space<vmem>>[vector<16xi32>, vector<16xi32>, vector<16xi32>], vector<16xf32>, vector<16xi1>
    %add3A_1259 = arith.constant 14 : i32
    %add3A_1260 = arith.addi %mul3A_2, %add3A_1259 : i32
    %dma_start3A_1261 = arith.constant 0 : i32
    %dma_start3A_1262 = arith.constant 0 : i32
    %dma_start3A_1263 = tpu.memref_slice %arg4[%add3A_1260, %dma_start3A_1261, %dma_start3A_1262] : memref<1024x50x1000xf32, #tpu.memory_space<hbm>> -> memref<1x50x1000xf32, #tpu.memory_space<hbm>>
    %dma_start3A_1264 = arith.constant 0 : i32
    %dma_start3A_1265 = arith.constant 0 : i32
    %dma_start3A_1266 = tpu.memref_slice %arg4[%add3A_1260, %dma_start3A_1264, %dma_start3A_1265] : memref<1024x50x1000xf32, #tpu.memory_space<hbm>> -> memref<1x50x1000xf32, #tpu.memory_space<hbm>>
    tpu.enqueue_dma source(%arg6 : memref<1x50x1000xf32, #tpu.memory_space<vmem>>) target(%dma_start3A_1266 : memref<1x50x1000xf32, #tpu.memory_space<hbm>>) target_semaphore(%arg8 : memref<!tpu.dma_semaphore, #tpu.memory_space<semaphore_mem>>)
    %dma_wait3A_1267 = arith.constant 0 : i32
    %dma_wait3A_1268 = arith.constant 0 : i32
    %dma_wait3A_1269 = tpu.memref_slice %arg4[%add3A_1170, %dma_wait3A_1267, %dma_wait3A_1268] : memref<1024x50x1000xf32, #tpu.memory_space<hbm>> -> memref<1x50x1000xf32, #tpu.memory_space<hbm>>
    %dma_wait3A_1270 = arith.constant 0 : i32
    %dma_wait3A_1271 = arith.constant 0 : i32
    %dma_wait3A_1272 = tpu.memref_slice %arg4[%add3A_1170, %dma_wait3A_1270, %dma_wait3A_1271] : memref<1024x50x1000xf32, #tpu.memory_space<hbm>> -> memref<1x50x1000xf32, #tpu.memory_space<hbm>>
    tpu.wait_dma2 semaphore(%arg9 : memref<!tpu.dma_semaphore, #tpu.memory_space<semaphore_mem>>) src(%arg7 : memref<1x50x1000xf32, #tpu.memory_space<vmem>>) dst(%dma_wait3A_1272 : memref<1x50x1000xf32, #tpu.memory_space<hbm>>)
    %add3A_1273 = arith.constant 0 : i32
    %add3A_1274 = vector.broadcast %add3A_1273 : i32 to vector<16xi32>
    %add3A_1275 = arith.addi %iota3A, %add3A_1274 : vector<16xi32>
    %lt3A_1276 = arith.constant 50 : i32
    %lt3A_1277 = vector.broadcast %lt3A_1276 : i32 to vector<16xi32>
    %lt3A_1278 = arith.cmpi slt, %add3A_1275, %lt3A_1277 : vector<16xi32>
    %get3A_1279 = arith.constant 650 : index
    %get3A_1280 = tpu.vector_load %arg5[%get3A_1279] {strides = array<i32>} : memref<1600xi32, #tpu.memory_space<vmem>>, vector<16xi32>,
    tpu.vector_store_idx %arg7[%broadcast_in_dim3A_9, %add3A_1275, %get3A_1280], %broadcast_in_dim3A_7 masked %lt3A_1278 : memref<1x50x1000xf32, #tpu.memory_space<vmem>>[vector<16xi32>, vector<16xi32>, vector<16xi32>], vector<16xf32>, vector<16xi1>
    %add3A_1281 = arith.constant 16 : i32
    %add3A_1282 = vector.broadcast %add3A_1281 : i32 to vector<16xi32>
    %add3A_1283 = arith.addi %iota3A, %add3A_1282 : vector<16xi32>
    %lt3A_1284 = arith.constant 50 : i32
    %lt3A_1285 = vector.broadcast %lt3A_1284 : i32 to vector<16xi32>
    %lt3A_1286 = arith.cmpi slt, %add3A_1283, %lt3A_1285 : vector<16xi32>
    %get3A_1287 = arith.constant 666 : index
    %get3A_1288 = tpu.vector_load %arg5[%get3A_1287] {strides = array<i32>} : memref<1600xi32, #tpu.memory_space<vmem>>, vector<16xi32>,
    tpu.vector_store_idx %arg7[%broadcast_in_dim3A_9, %add3A_1283, %get3A_1288], %broadcast_in_dim3A_7 masked %lt3A_1286 : memref<1x50x1000xf32, #tpu.memory_space<vmem>>[vector<16xi32>, vector<16xi32>, vector<16xi32>], vector<16xf32>, vector<16xi1>
    %add3A_1289 = arith.constant 32 : i32
    %add3A_1290 = vector.broadcast %add3A_1289 : i32 to vector<16xi32>
    %add3A_1291 = arith.addi %iota3A, %add3A_1290 : vector<16xi32>
    %lt3A_1292 = arith.constant 50 : i32
    %lt3A_1293 = vector.broadcast %lt3A_1292 : i32 to vector<16xi32>
    %lt3A_1294 = arith.cmpi slt, %add3A_1291, %lt3A_1293 : vector<16xi32>
    %get3A_1295 = arith.constant 682 : index
    %get3A_1296 = tpu.vector_load %arg5[%get3A_1295] {strides = array<i32>} : memref<1600xi32, #tpu.memory_space<vmem>>, vector<16xi32>,
    tpu.vector_store_idx %arg7[%broadcast_in_dim3A_9, %add3A_1291, %get3A_1296], %broadcast_in_dim3A_7 masked %lt3A_1294 : memref<1x50x1000xf32, #tpu.memory_space<vmem>>[vector<16xi32>, vector<16xi32>, vector<16xi32>], vector<16xf32>, vector<16xi1>
    %add3A_1297 = arith.constant 48 : i32
    %add3A_1298 = vector.broadcast %add3A_1297 : i32 to vector<16xi32>
    %add3A_1299 = arith.addi %iota3A, %add3A_1298 : vector<16xi32>
    %lt3A_1300 = arith.constant 50 : i32
    %lt3A_1301 = vector.broadcast %lt3A_1300 : i32 to vector<16xi32>
    %lt3A_1302 = arith.cmpi slt, %add3A_1299, %lt3A_1301 : vector<16xi32>
    %get3A_1303 = arith.constant 684 : index
    %get3A_1304 = tpu.vector_load %arg5[%get3A_1303] {strides = array<i32>} : memref<1600xi32, #tpu.memory_space<vmem>>, vector<16xi32>,
    %add3A_1305 = arith.constant 34 : i32
    %add3A_1306 = vector.broadcast %add3A_1305 : i32 to vector<16xi32>
    %add3A_1307 = arith.addi %iota3A, %add3A_1306 : vector<16xi32>
    %ge3A_1308 = arith.constant 14 : i32
    %ge3A_1309 = vector.broadcast %ge3A_1308 : i32 to vector<16xi32>
    %ge3A_1310 = arith.cmpi sge, %iota3A, %ge3A_1309 : vector<16xi32>
    tpu.vector_store_idx %arg7[%broadcast_in_dim3A_9, %add3A_1307, %get3A_1304], %broadcast_in_dim3A_7 masked %ge3A_1310 : memref<1x50x1000xf32, #tpu.memory_space<vmem>>[vector<16xi32>, vector<16xi32>, vector<16xi32>], vector<16xf32>, vector<16xi1>
    %add3A_1311 = arith.constant 0 : i32
    %add3A_1312 = vector.broadcast %add3A_1311 : i32 to vector<16xi32>
    %add3A_1313 = arith.addi %iota3A, %add3A_1312 : vector<16xi32>
    %lt3A_1314 = arith.constant 50 : i32
    %lt3A_1315 = vector.broadcast %lt3A_1314 : i32 to vector<16xi32>
    %lt3A_1316 = arith.cmpi slt, %add3A_1313, %lt3A_1315 : vector<16xi32>
    %get3A_1317 = arith.constant 750 : index
    %get3A_1318 = tpu.vector_load %arg5[%get3A_1317] {strides = array<i32>} : memref<1600xi32, #tpu.memory_space<vmem>>, vector<16xi32>,
    tpu.vector_store_idx %arg7[%broadcast_in_dim3A_9, %add3A_1313, %get3A_1318], %broadcast_in_dim3A_5 masked %lt3A_1316 : memref<1x50x1000xf32, #tpu.memory_space<vmem>>[vector<16xi32>, vector<16xi32>, vector<16xi32>], vector<16xf32>, vector<16xi1>
    %add3A_1319 = arith.constant 16 : i32
    %add3A_1320 = vector.broadcast %add3A_1319 : i32 to vector<16xi32>
    %add3A_1321 = arith.addi %iota3A, %add3A_1320 : vector<16xi32>
    %lt3A_1322 = arith.constant 50 : i32
    %lt3A_1323 = vector.broadcast %lt3A_1322 : i32 to vector<16xi32>
    %lt3A_1324 = arith.cmpi slt, %add3A_1321, %lt3A_1323 : vector<16xi32>
    %get3A_1325 = arith.constant 766 : index
    %get3A_1326 = tpu.vector_load %arg5[%get3A_1325] {strides = array<i32>} : memref<1600xi32, #tpu.memory_space<vmem>>, vector<16xi32>,
    tpu.vector_store_idx %arg7[%broadcast_in_dim3A_9, %add3A_1321, %get3A_1326], %broadcast_in_dim3A_5 masked %lt3A_1324 : memref<1x50x1000xf32, #tpu.memory_space<vmem>>[vector<16xi32>, vector<16xi32>, vector<16xi32>], vector<16xf32>, vector<16xi1>
    %add3A_1327 = arith.constant 32 : i32
    %add3A_1328 = vector.broadcast %add3A_1327 : i32 to vector<16xi32>
    %add3A_1329 = arith.addi %iota3A, %add3A_1328 : vector<16xi32>
    %lt3A_1330 = arith.constant 50 : i32
    %lt3A_1331 = vector.broadcast %lt3A_1330 : i32 to vector<16xi32>
    %lt3A_1332 = arith.cmpi slt, %add3A_1329, %lt3A_1331 : vector<16xi32>
    %get3A_1333 = arith.constant 782 : index
    %get3A_1334 = tpu.vector_load %arg5[%get3A_1333] {strides = array<i32>} : memref<1600xi32, #tpu.memory_space<vmem>>, vector<16xi32>,
    tpu.vector_store_idx %arg7[%broadcast_in_dim3A_9, %add3A_1329, %get3A_1334], %broadcast_in_dim3A_5 masked %lt3A_1332 : memref<1x50x1000xf32, #tpu.memory_space<vmem>>[vector<16xi32>, vector<16xi32>, vector<16xi32>], vector<16xf32>, vector<16xi1>
    %add3A_1335 = arith.constant 48 : i32
    %add3A_1336 = vector.broadcast %add3A_1335 : i32 to vector<16xi32>
    %add3A_1337 = arith.addi %iota3A, %add3A_1336 : vector<16xi32>
    %lt3A_1338 = arith.constant 50 : i32
    %lt3A_1339 = vector.broadcast %lt3A_1338 : i32 to vector<16xi32>
    %lt3A_1340 = arith.cmpi slt, %add3A_1337, %lt3A_1339 : vector<16xi32>
    %get3A_1341 = arith.constant 784 : index
    %get3A_1342 = tpu.vector_load %arg5[%get3A_1341] {strides = array<i32>} : memref<1600xi32, #tpu.memory_space<vmem>>, vector<16xi32>,
    %add3A_1343 = arith.constant 34 : i32
    %add3A_1344 = vector.broadcast %add3A_1343 : i32 to vector<16xi32>
    %add3A_1345 = arith.addi %iota3A, %add3A_1344 : vector<16xi32>
    %ge3A_1346 = arith.constant 14 : i32
    %ge3A_1347 = vector.broadcast %ge3A_1346 : i32 to vector<16xi32>
    %ge3A_1348 = arith.cmpi sge, %iota3A, %ge3A_1347 : vector<16xi32>
    tpu.vector_store_idx %arg7[%broadcast_in_dim3A_9, %add3A_1345, %get3A_1342], %broadcast_in_dim3A_5 masked %ge3A_1348 : memref<1x50x1000xf32, #tpu.memory_space<vmem>>[vector<16xi32>, vector<16xi32>, vector<16xi32>], vector<16xf32>, vector<16xi1>
    %add3A_1349 = arith.constant 15 : i32
    %add3A_1350 = arith.addi %mul3A_2, %add3A_1349 : i32
    %dma_start3A_1351 = arith.constant 0 : i32
    %dma_start3A_1352 = arith.constant 0 : i32
    %dma_start3A_1353 = tpu.memref_slice %arg4[%add3A_1350, %dma_start3A_1351, %dma_start3A_1352] : memref<1024x50x1000xf32, #tpu.memory_space<hbm>> -> memref<1x50x1000xf32, #tpu.memory_space<hbm>>
    %dma_start3A_1354 = arith.constant 0 : i32
    %dma_start3A_1355 = arith.constant 0 : i32
    %dma_start3A_1356 = tpu.memref_slice %arg4[%add3A_1350, %dma_start3A_1354, %dma_start3A_1355] : memref<1024x50x1000xf32, #tpu.memory_space<hbm>> -> memref<1x50x1000xf32, #tpu.memory_space<hbm>>
    tpu.enqueue_dma source(%arg7 : memref<1x50x1000xf32, #tpu.memory_space<vmem>>) target(%dma_start3A_1356 : memref<1x50x1000xf32, #tpu.memory_space<hbm>>) target_semaphore(%arg9 : memref<!tpu.dma_semaphore, #tpu.memory_space<semaphore_mem>>)
    %dma_wait3A_1357 = arith.constant 0 : i32
    %dma_wait3A_1358 = arith.constant 0 : i32
    %dma_wait3A_1359 = tpu.memref_slice %arg4[%add3A_1260, %dma_wait3A_1357, %dma_wait3A_1358] : memref<1024x50x1000xf32, #tpu.memory_space<hbm>> -> memref<1x50x1000xf32, #tpu.memory_space<hbm>>
    %dma_wait3A_1360 = arith.constant 0 : i32
    %dma_wait3A_1361 = arith.constant 0 : i32
    %dma_wait3A_1362 = tpu.memref_slice %arg4[%add3A_1260, %dma_wait3A_1360, %dma_wait3A_1361] : memref<1024x50x1000xf32, #tpu.memory_space<hbm>> -> memref<1x50x1000xf32, #tpu.memory_space<hbm>>
    tpu.wait_dma2 semaphore(%arg8 : memref<!tpu.dma_semaphore, #tpu.memory_space<semaphore_mem>>) src(%arg6 : memref<1x50x1000xf32, #tpu.memory_space<vmem>>) dst(%dma_wait3A_1362 : memref<1x50x1000xf32, #tpu.memory_space<hbm>>)
    %add3A_1363 = arith.constant 0 : i32
    %add3A_1364 = vector.broadcast %add3A_1363 : i32 to vector<16xi32>
    %add3A_1365 = arith.addi %iota3A, %add3A_1364 : vector<16xi32>
    %lt3A_1366 = arith.constant 50 : i32
    %lt3A_1367 = vector.broadcast %lt3A_1366 : i32 to vector<16xi32>
    %lt3A_1368 = arith.cmpi slt, %add3A_1365, %lt3A_1367 : vector<16xi32>
    %get3A_1369 = arith.constant 700 : index
    %get3A_1370 = tpu.vector_load %arg5[%get3A_1369] {strides = array<i32>} : memref<1600xi32, #tpu.memory_space<vmem>>, vector<16xi32>,
    tpu.vector_store_idx %arg6[%broadcast_in_dim3A_9, %add3A_1365, %get3A_1370], %broadcast_in_dim3A_7 masked %lt3A_1368 : memref<1x50x1000xf32, #tpu.memory_space<vmem>>[vector<16xi32>, vector<16xi32>, vector<16xi32>], vector<16xf32>, vector<16xi1>
    %add3A_1371 = arith.constant 16 : i32
    %add3A_1372 = vector.broadcast %add3A_1371 : i32 to vector<16xi32>
    %add3A_1373 = arith.addi %iota3A, %add3A_1372 : vector<16xi32>
    %lt3A_1374 = arith.constant 50 : i32
    %lt3A_1375 = vector.broadcast %lt3A_1374 : i32 to vector<16xi32>
    %lt3A_1376 = arith.cmpi slt, %add3A_1373, %lt3A_1375 : vector<16xi32>
    %get3A_1377 = arith.constant 716 : index
    %get3A_1378 = tpu.vector_load %arg5[%get3A_1377] {strides = array<i32>} : memref<1600xi32, #tpu.memory_space<vmem>>, vector<16xi32>,
    tpu.vector_store_idx %arg6[%broadcast_in_dim3A_9, %add3A_1373, %get3A_1378], %broadcast_in_dim3A_7 masked %lt3A_1376 : memref<1x50x1000xf32, #tpu.memory_space<vmem>>[vector<16xi32>, vector<16xi32>, vector<16xi32>], vector<16xf32>, vector<16xi1>
    %add3A_1379 = arith.constant 32 : i32
    %add3A_1380 = vector.broadcast %add3A_1379 : i32 to vector<16xi32>
    %add3A_1381 = arith.addi %iota3A, %add3A_1380 : vector<16xi32>
    %lt3A_1382 = arith.constant 50 : i32
    %lt3A_1383 = vector.broadcast %lt3A_1382 : i32 to vector<16xi32>
    %lt3A_1384 = arith.cmpi slt, %add3A_1381, %lt3A_1383 : vector<16xi32>
    %get3A_1385 = arith.constant 732 : index
    %get3A_1386 = tpu.vector_load %arg5[%get3A_1385] {strides = array<i32>} : memref<1600xi32, #tpu.memory_space<vmem>>, vector<16xi32>,
    tpu.vector_store_idx %arg6[%broadcast_in_dim3A_9, %add3A_1381, %get3A_1386], %broadcast_in_dim3A_7 masked %lt3A_1384 : memref<1x50x1000xf32, #tpu.memory_space<vmem>>[vector<16xi32>, vector<16xi32>, vector<16xi32>], vector<16xf32>, vector<16xi1>
    %add3A_1387 = arith.constant 48 : i32
    %add3A_1388 = vector.broadcast %add3A_1387 : i32 to vector<16xi32>
    %add3A_1389 = arith.addi %iota3A, %add3A_1388 : vector<16xi32>
    %lt3A_1390 = arith.constant 50 : i32
    %lt3A_1391 = vector.broadcast %lt3A_1390 : i32 to vector<16xi32>
    %lt3A_1392 = arith.cmpi slt, %add3A_1389, %lt3A_1391 : vector<16xi32>
    %get3A_1393 = arith.constant 734 : index
    %get3A_1394 = tpu.vector_load %arg5[%get3A_1393] {strides = array<i32>} : memref<1600xi32, #tpu.memory_space<vmem>>, vector<16xi32>,
    %add3A_1395 = arith.constant 34 : i32
    %add3A_1396 = vector.broadcast %add3A_1395 : i32 to vector<16xi32>
    %add3A_1397 = arith.addi %iota3A, %add3A_1396 : vector<16xi32>
    %ge3A_1398 = arith.constant 14 : i32
    %ge3A_1399 = vector.broadcast %ge3A_1398 : i32 to vector<16xi32>
    %ge3A_1400 = arith.cmpi sge, %iota3A, %ge3A_1399 : vector<16xi32>
    tpu.vector_store_idx %arg6[%broadcast_in_dim3A_9, %add3A_1397, %get3A_1394], %broadcast_in_dim3A_7 masked %ge3A_1400 : memref<1x50x1000xf32, #tpu.memory_space<vmem>>[vector<16xi32>, vector<16xi32>, vector<16xi32>], vector<16xf32>, vector<16xi1>
    %add3A_1401 = arith.constant 0 : i32
    %add3A_1402 = vector.broadcast %add3A_1401 : i32 to vector<16xi32>
    %add3A_1403 = arith.addi %iota3A, %add3A_1402 : vector<16xi32>
    %lt3A_1404 = arith.constant 50 : i32
    %lt3A_1405 = vector.broadcast %lt3A_1404 : i32 to vector<16xi32>
    %lt3A_1406 = arith.cmpi slt, %add3A_1403, %lt3A_1405 : vector<16xi32>
    %get3A_1407 = arith.constant 800 : index
    %get3A_1408 = tpu.vector_load %arg5[%get3A_1407] {strides = array<i32>} : memref<1600xi32, #tpu.memory_space<vmem>>, vector<16xi32>,
    tpu.vector_store_idx %arg6[%broadcast_in_dim3A_9, %add3A_1403, %get3A_1408], %broadcast_in_dim3A_5 masked %lt3A_1406 : memref<1x50x1000xf32, #tpu.memory_space<vmem>>[vector<16xi32>, vector<16xi32>, vector<16xi32>], vector<16xf32>, vector<16xi1>
    %add3A_1409 = arith.constant 16 : i32
    %add3A_1410 = vector.broadcast %add3A_1409 : i32 to vector<16xi32>
    %add3A_1411 = arith.addi %iota3A, %add3A_1410 : vector<16xi32>
    %lt3A_1412 = arith.constant 50 : i32
    %lt3A_1413 = vector.broadcast %lt3A_1412 : i32 to vector<16xi32>
    %lt3A_1414 = arith.cmpi slt, %add3A_1411, %lt3A_1413 : vector<16xi32>
    %get3A_1415 = arith.constant 816 : index
    %get3A_1416 = tpu.vector_load %arg5[%get3A_1415] {strides = array<i32>} : memref<1600xi32, #tpu.memory_space<vmem>>, vector<16xi32>,
    tpu.vector_store_idx %arg6[%broadcast_in_dim3A_9, %add3A_1411, %get3A_1416], %broadcast_in_dim3A_5 masked %lt3A_1414 : memref<1x50x1000xf32, #tpu.memory_space<vmem>>[vector<16xi32>, vector<16xi32>, vector<16xi32>], vector<16xf32>, vector<16xi1>
    %add3A_1417 = arith.constant 32 : i32
    %add3A_1418 = vector.broadcast %add3A_1417 : i32 to vector<16xi32>
    %add3A_1419 = arith.addi %iota3A, %add3A_1418 : vector<16xi32>
    %lt3A_1420 = arith.constant 50 : i32
    %lt3A_1421 = vector.broadcast %lt3A_1420 : i32 to vector<16xi32>
    %lt3A_1422 = arith.cmpi slt, %add3A_1419, %lt3A_1421 : vector<16xi32>
    %get3A_1423 = arith.constant 832 : index
    %get3A_1424 = tpu.vector_load %arg5[%get3A_1423] {strides = array<i32>} : memref<1600xi32, #tpu.memory_space<vmem>>, vector<16xi32>,
    tpu.vector_store_idx %arg6[%broadcast_in_dim3A_9, %add3A_1419, %get3A_1424], %broadcast_in_dim3A_5 masked %lt3A_1422 : memref<1x50x1000xf32, #tpu.memory_space<vmem>>[vector<16xi32>, vector<16xi32>, vector<16xi32>], vector<16xf32>, vector<16xi1>
    %add3A_1425 = arith.constant 48 : i32
    %add3A_1426 = vector.broadcast %add3A_1425 : i32 to vector<16xi32>
    %add3A_1427 = arith.addi %iota3A, %add3A_1426 : vector<16xi32>
    %lt3A_1428 = arith.constant 50 : i32
    %lt3A_1429 = vector.broadcast %lt3A_1428 : i32 to vector<16xi32>
    %lt3A_1430 = arith.cmpi slt, %add3A_1427, %lt3A_1429 : vector<16xi32>
    %get3A_1431 = arith.constant 834 : index
    %get3A_1432 = tpu.vector_load %arg5[%get3A_1431] {strides = array<i32>} : memref<1600xi32, #tpu.memory_space<vmem>>, vector<16xi32>,
    %add3A_1433 = arith.constant 34 : i32
    %add3A_1434 = vector.broadcast %add3A_1433 : i32 to vector<16xi32>
    %add3A_1435 = arith.addi %iota3A, %add3A_1434 : vector<16xi32>
    %ge3A_1436 = arith.constant 14 : i32
    %ge3A_1437 = vector.broadcast %ge3A_1436 : i32 to vector<16xi32>
    %ge3A_1438 = arith.cmpi sge, %iota3A, %ge3A_1437 : vector<16xi32>
    tpu.vector_store_idx %arg6[%broadcast_in_dim3A_9, %add3A_1435, %get3A_1432], %broadcast_in_dim3A_5 masked %ge3A_1438 : memref<1x50x1000xf32, #tpu.memory_space<vmem>>[vector<16xi32>, vector<16xi32>, vector<16xi32>], vector<16xf32>, vector<16xi1>
    %add3A_1439 = arith.constant 16 : i32
    %add3A_1440 = arith.addi %mul3A_2, %add3A_1439 : i32
    %dma_start3A_1441 = arith.constant 0 : i32
    %dma_start3A_1442 = arith.constant 0 : i32
    %dma_start3A_1443 = tpu.memref_slice %arg4[%add3A_1440, %dma_start3A_1441, %dma_start3A_1442] : memref<1024x50x1000xf32, #tpu.memory_space<hbm>> -> memref<1x50x1000xf32, #tpu.memory_space<hbm>>
    %dma_start3A_1444 = arith.constant 0 : i32
    %dma_start3A_1445 = arith.constant 0 : i32
    %dma_start3A_1446 = tpu.memref_slice %arg4[%add3A_1440, %dma_start3A_1444, %dma_start3A_1445] : memref<1024x50x1000xf32, #tpu.memory_space<hbm>> -> memref<1x50x1000xf32, #tpu.memory_space<hbm>>
    tpu.enqueue_dma source(%arg6 : memref<1x50x1000xf32, #tpu.memory_space<vmem>>) target(%dma_start3A_1446 : memref<1x50x1000xf32, #tpu.memory_space<hbm>>) target_semaphore(%arg8 : memref<!tpu.dma_semaphore, #tpu.memory_space<semaphore_mem>>)
    %dma_wait3A_1447 = arith.constant 0 : i32
    %dma_wait3A_1448 = arith.constant 0 : i32
    %dma_wait3A_1449 = tpu.memref_slice %arg4[%add3A_1350, %dma_wait3A_1447, %dma_wait3A_1448] : memref<1024x50x1000xf32, #tpu.memory_space<hbm>> -> memref<1x50x1000xf32, #tpu.memory_space<hbm>>
    %dma_wait3A_1450 = arith.constant 0 : i32
    %dma_wait3A_1451 = arith.constant 0 : i32
    %dma_wait3A_1452 = tpu.memref_slice %arg4[%add3A_1350, %dma_wait3A_1450, %dma_wait3A_1451] : memref<1024x50x1000xf32, #tpu.memory_space<hbm>> -> memref<1x50x1000xf32, #tpu.memory_space<hbm>>
    tpu.wait_dma2 semaphore(%arg9 : memref<!tpu.dma_semaphore, #tpu.memory_space<semaphore_mem>>) src(%arg7 : memref<1x50x1000xf32, #tpu.memory_space<vmem>>) dst(%dma_wait3A_1452 : memref<1x50x1000xf32, #tpu.memory_space<hbm>>)
    %add3A_1453 = arith.constant 0 : i32
    %add3A_1454 = vector.broadcast %add3A_1453 : i32 to vector<16xi32>
    %add3A_1455 = arith.addi %iota3A, %add3A_1454 : vector<16xi32>
    %lt3A_1456 = arith.constant 50 : i32
    %lt3A_1457 = vector.broadcast %lt3A_1456 : i32 to vector<16xi32>
    %lt3A_1458 = arith.cmpi slt, %add3A_1455, %lt3A_1457 : vector<16xi32>
    %get3A_1459 = arith.constant 750 : index
    %get3A_1460 = tpu.vector_load %arg5[%get3A_1459] {strides = array<i32>} : memref<1600xi32, #tpu.memory_space<vmem>>, vector<16xi32>,
    tpu.vector_store_idx %arg7[%broadcast_in_dim3A_9, %add3A_1455, %get3A_1460], %broadcast_in_dim3A_7 masked %lt3A_1458 : memref<1x50x1000xf32, #tpu.memory_space<vmem>>[vector<16xi32>, vector<16xi32>, vector<16xi32>], vector<16xf32>, vector<16xi1>
    %add3A_1461 = arith.constant 16 : i32
    %add3A_1462 = vector.broadcast %add3A_1461 : i32 to vector<16xi32>
    %add3A_1463 = arith.addi %iota3A, %add3A_1462 : vector<16xi32>
    %lt3A_1464 = arith.constant 50 : i32
    %lt3A_1465 = vector.broadcast %lt3A_1464 : i32 to vector<16xi32>
    %lt3A_1466 = arith.cmpi slt, %add3A_1463, %lt3A_1465 : vector<16xi32>
    %get3A_1467 = arith.constant 766 : index
    %get3A_1468 = tpu.vector_load %arg5[%get3A_1467] {strides = array<i32>} : memref<1600xi32, #tpu.memory_space<vmem>>, vector<16xi32>,
    tpu.vector_store_idx %arg7[%broadcast_in_dim3A_9, %add3A_1463, %get3A_1468], %broadcast_in_dim3A_7 masked %lt3A_1466 : memref<1x50x1000xf32, #tpu.memory_space<vmem>>[vector<16xi32>, vector<16xi32>, vector<16xi32>], vector<16xf32>, vector<16xi1>
    %add3A_1469 = arith.constant 32 : i32
    %add3A_1470 = vector.broadcast %add3A_1469 : i32 to vector<16xi32>
    %add3A_1471 = arith.addi %iota3A, %add3A_1470 : vector<16xi32>
    %lt3A_1472 = arith.constant 50 : i32
    %lt3A_1473 = vector.broadcast %lt3A_1472 : i32 to vector<16xi32>
    %lt3A_1474 = arith.cmpi slt, %add3A_1471, %lt3A_1473 : vector<16xi32>
    %get3A_1475 = arith.constant 782 : index
    %get3A_1476 = tpu.vector_load %arg5[%get3A_1475] {strides = array<i32>} : memref<1600xi32, #tpu.memory_space<vmem>>, vector<16xi32>,
    tpu.vector_store_idx %arg7[%broadcast_in_dim3A_9, %add3A_1471, %get3A_1476], %broadcast_in_dim3A_7 masked %lt3A_1474 : memref<1x50x1000xf32, #tpu.memory_space<vmem>>[vector<16xi32>, vector<16xi32>, vector<16xi32>], vector<16xf32>, vector<16xi1>
    %add3A_1477 = arith.constant 48 : i32
    %add3A_1478 = vector.broadcast %add3A_1477 : i32 to vector<16xi32>
    %add3A_1479 = arith.addi %iota3A, %add3A_1478 : vector<16xi32>
    %lt3A_1480 = arith.constant 50 : i32
    %lt3A_1481 = vector.broadcast %lt3A_1480 : i32 to vector<16xi32>
    %lt3A_1482 = arith.cmpi slt, %add3A_1479, %lt3A_1481 : vector<16xi32>
    %get3A_1483 = arith.constant 784 : index
    %get3A_1484 = tpu.vector_load %arg5[%get3A_1483] {strides = array<i32>} : memref<1600xi32, #tpu.memory_space<vmem>>, vector<16xi32>,
    %add3A_1485 = arith.constant 34 : i32
    %add3A_1486 = vector.broadcast %add3A_1485 : i32 to vector<16xi32>
    %add3A_1487 = arith.addi %iota3A, %add3A_1486 : vector<16xi32>
    %ge3A_1488 = arith.constant 14 : i32
    %ge3A_1489 = vector.broadcast %ge3A_1488 : i32 to vector<16xi32>
    %ge3A_1490 = arith.cmpi sge, %iota3A, %ge3A_1489 : vector<16xi32>
    tpu.vector_store_idx %arg7[%broadcast_in_dim3A_9, %add3A_1487, %get3A_1484], %broadcast_in_dim3A_7 masked %ge3A_1490 : memref<1x50x1000xf32, #tpu.memory_space<vmem>>[vector<16xi32>, vector<16xi32>, vector<16xi32>], vector<16xf32>, vector<16xi1>
    %add3A_1491 = arith.constant 0 : i32
    %add3A_1492 = vector.broadcast %add3A_1491 : i32 to vector<16xi32>
    %add3A_1493 = arith.addi %iota3A, %add3A_1492 : vector<16xi32>
    %lt3A_1494 = arith.constant 50 : i32
    %lt3A_1495 = vector.broadcast %lt3A_1494 : i32 to vector<16xi32>
    %lt3A_1496 = arith.cmpi slt, %add3A_1493, %lt3A_1495 : vector<16xi32>
    %get3A_1497 = arith.constant 850 : index
    %get3A_1498 = tpu.vector_load %arg5[%get3A_1497] {strides = array<i32>} : memref<1600xi32, #tpu.memory_space<vmem>>, vector<16xi32>,
    tpu.vector_store_idx %arg7[%broadcast_in_dim3A_9, %add3A_1493, %get3A_1498], %broadcast_in_dim3A_5 masked %lt3A_1496 : memref<1x50x1000xf32, #tpu.memory_space<vmem>>[vector<16xi32>, vector<16xi32>, vector<16xi32>], vector<16xf32>, vector<16xi1>
    %add3A_1499 = arith.constant 16 : i32
    %add3A_1500 = vector.broadcast %add3A_1499 : i32 to vector<16xi32>
    %add3A_1501 = arith.addi %iota3A, %add3A_1500 : vector<16xi32>
    %lt3A_1502 = arith.constant 50 : i32
    %lt3A_1503 = vector.broadcast %lt3A_1502 : i32 to vector<16xi32>
    %lt3A_1504 = arith.cmpi slt, %add3A_1501, %lt3A_1503 : vector<16xi32>
    %get3A_1505 = arith.constant 866 : index
    %get3A_1506 = tpu.vector_load %arg5[%get3A_1505] {strides = array<i32>} : memref<1600xi32, #tpu.memory_space<vmem>>, vector<16xi32>,
    tpu.vector_store_idx %arg7[%broadcast_in_dim3A_9, %add3A_1501, %get3A_1506], %broadcast_in_dim3A_5 masked %lt3A_1504 : memref<1x50x1000xf32, #tpu.memory_space<vmem>>[vector<16xi32>, vector<16xi32>, vector<16xi32>], vector<16xf32>, vector<16xi1>
    %add3A_1507 = arith.constant 32 : i32
    %add3A_1508 = vector.broadcast %add3A_1507 : i32 to vector<16xi32>
    %add3A_1509 = arith.addi %iota3A, %add3A_1508 : vector<16xi32>
    %lt3A_1510 = arith.constant 50 : i32
    %lt3A_1511 = vector.broadcast %lt3A_1510 : i32 to vector<16xi32>
    %lt3A_1512 = arith.cmpi slt, %add3A_1509, %lt3A_1511 : vector<16xi32>
    %get3A_1513 = arith.constant 882 : index
    %get3A_1514 = tpu.vector_load %arg5[%get3A_1513] {strides = array<i32>} : memref<1600xi32, #tpu.memory_space<vmem>>, vector<16xi32>,
    tpu.vector_store_idx %arg7[%broadcast_in_dim3A_9, %add3A_1509, %get3A_1514], %broadcast_in_dim3A_5 masked %lt3A_1512 : memref<1x50x1000xf32, #tpu.memory_space<vmem>>[vector<16xi32>, vector<16xi32>, vector<16xi32>], vector<16xf32>, vector<16xi1>
    %add3A_1515 = arith.constant 48 : i32
    %add3A_1516 = vector.broadcast %add3A_1515 : i32 to vector<16xi32>
    %add3A_1517 = arith.addi %iota3A, %add3A_1516 : vector<16xi32>
    %lt3A_1518 = arith.constant 50 : i32
    %lt3A_1519 = vector.broadcast %lt3A_1518 : i32 to vector<16xi32>
    %lt3A_1520 = arith.cmpi slt, %add3A_1517, %lt3A_1519 : vector<16xi32>
    %get3A_1521 = arith.constant 884 : index
    %get3A_1522 = tpu.vector_load %arg5[%get3A_1521] {strides = array<i32>} : memref<1600xi32, #tpu.memory_space<vmem>>, vector<16xi32>,
    %add3A_1523 = arith.constant 34 : i32
    %add3A_1524 = vector.broadcast %add3A_1523 : i32 to vector<16xi32>
    %add3A_1525 = arith.addi %iota3A, %add3A_1524 : vector<16xi32>
    %ge3A_1526 = arith.constant 14 : i32
    %ge3A_1527 = vector.broadcast %ge3A_1526 : i32 to vector<16xi32>
    %ge3A_1528 = arith.cmpi sge, %iota3A, %ge3A_1527 : vector<16xi32>
    tpu.vector_store_idx %arg7[%broadcast_in_dim3A_9, %add3A_1525, %get3A_1522], %broadcast_in_dim3A_5 masked %ge3A_1528 : memref<1x50x1000xf32, #tpu.memory_space<vmem>>[vector<16xi32>, vector<16xi32>, vector<16xi32>], vector<16xf32>, vector<16xi1>
    %add3A_1529 = arith.constant 17 : i32
    %add3A_1530 = arith.addi %mul3A_2, %add3A_1529 : i32
    %dma_start3A_1531 = arith.constant 0 : i32
    %dma_start3A_1532 = arith.constant 0 : i32
    %dma_start3A_1533 = tpu.memref_slice %arg4[%add3A_1530, %dma_start3A_1531, %dma_start3A_1532] : memref<1024x50x1000xf32, #tpu.memory_space<hbm>> -> memref<1x50x1000xf32, #tpu.memory_space<hbm>>
    %dma_start3A_1534 = arith.constant 0 : i32
    %dma_start3A_1535 = arith.constant 0 : i32
    %dma_start3A_1536 = tpu.memref_slice %arg4[%add3A_1530, %dma_start3A_1534, %dma_start3A_1535] : memref<1024x50x1000xf32, #tpu.memory_space<hbm>> -> memref<1x50x1000xf32, #tpu.memory_space<hbm>>
    tpu.enqueue_dma source(%arg7 : memref<1x50x1000xf32, #tpu.memory_space<vmem>>) target(%dma_start3A_1536 : memref<1x50x1000xf32, #tpu.memory_space<hbm>>) target_semaphore(%arg9 : memref<!tpu.dma_semaphore, #tpu.memory_space<semaphore_mem>>)
    %dma_wait3A_1537 = arith.constant 0 : i32
    %dma_wait3A_1538 = arith.constant 0 : i32
    %dma_wait3A_1539 = tpu.memref_slice %arg4[%add3A_1440, %dma_wait3A_1537, %dma_wait3A_1538] : memref<1024x50x1000xf32, #tpu.memory_space<hbm>> -> memref<1x50x1000xf32, #tpu.memory_space<hbm>>
    %dma_wait3A_1540 = arith.constant 0 : i32
    %dma_wait3A_1541 = arith.constant 0 : i32
    %dma_wait3A_1542 = tpu.memref_slice %arg4[%add3A_1440, %dma_wait3A_1540, %dma_wait3A_1541] : memref<1024x50x1000xf32, #tpu.memory_space<hbm>> -> memref<1x50x1000xf32, #tpu.memory_space<hbm>>
    tpu.wait_dma2 semaphore(%arg8 : memref<!tpu.dma_semaphore, #tpu.memory_space<semaphore_mem>>) src(%arg6 : memref<1x50x1000xf32, #tpu.memory_space<vmem>>) dst(%dma_wait3A_1542 : memref<1x50x1000xf32, #tpu.memory_space<hbm>>)
    %add3A_1543 = arith.constant 0 : i32
    %add3A_1544 = vector.broadcast %add3A_1543 : i32 to vector<16xi32>
    %add3A_1545 = arith.addi %iota3A, %add3A_1544 : vector<16xi32>
    %lt3A_1546 = arith.constant 50 : i32
    %lt3A_1547 = vector.broadcast %lt3A_1546 : i32 to vector<16xi32>
    %lt3A_1548 = arith.cmpi slt, %add3A_1545, %lt3A_1547 : vector<16xi32>
    %get3A_1549 = arith.constant 800 : index
    %get3A_1550 = tpu.vector_load %arg5[%get3A_1549] {strides = array<i32>} : memref<1600xi32, #tpu.memory_space<vmem>>, vector<16xi32>,
    tpu.vector_store_idx %arg6[%broadcast_in_dim3A_9, %add3A_1545, %get3A_1550], %broadcast_in_dim3A_7 masked %lt3A_1548 : memref<1x50x1000xf32, #tpu.memory_space<vmem>>[vector<16xi32>, vector<16xi32>, vector<16xi32>], vector<16xf32>, vector<16xi1>
    %add3A_1551 = arith.constant 16 : i32
    %add3A_1552 = vector.broadcast %add3A_1551 : i32 to vector<16xi32>
    %add3A_1553 = arith.addi %iota3A, %add3A_1552 : vector<16xi32>
    %lt3A_1554 = arith.constant 50 : i32
    %lt3A_1555 = vector.broadcast %lt3A_1554 : i32 to vector<16xi32>
    %lt3A_1556 = arith.cmpi slt, %add3A_1553, %lt3A_1555 : vector<16xi32>
    %get3A_1557 = arith.constant 816 : index
    %get3A_1558 = tpu.vector_load %arg5[%get3A_1557] {strides = array<i32>} : memref<1600xi32, #tpu.memory_space<vmem>>, vector<16xi32>,
    tpu.vector_store_idx %arg6[%broadcast_in_dim3A_9, %add3A_1553, %get3A_1558], %broadcast_in_dim3A_7 masked %lt3A_1556 : memref<1x50x1000xf32, #tpu.memory_space<vmem>>[vector<16xi32>, vector<16xi32>, vector<16xi32>], vector<16xf32>, vector<16xi1>
    %add3A_1559 = arith.constant 32 : i32
    %add3A_1560 = vector.broadcast %add3A_1559 : i32 to vector<16xi32>
    %add3A_1561 = arith.addi %iota3A, %add3A_1560 : vector<16xi32>
    %lt3A_1562 = arith.constant 50 : i32
    %lt3A_1563 = vector.broadcast %lt3A_1562 : i32 to vector<16xi32>
    %lt3A_1564 = arith.cmpi slt, %add3A_1561, %lt3A_1563 : vector<16xi32>
    %get3A_1565 = arith.constant 832 : index
    %get3A_1566 = tpu.vector_load %arg5[%get3A_1565] {strides = array<i32>} : memref<1600xi32, #tpu.memory_space<vmem>>, vector<16xi32>,
    tpu.vector_store_idx %arg6[%broadcast_in_dim3A_9, %add3A_1561, %get3A_1566], %broadcast_in_dim3A_7 masked %lt3A_1564 : memref<1x50x1000xf32, #tpu.memory_space<vmem>>[vector<16xi32>, vector<16xi32>, vector<16xi32>], vector<16xf32>, vector<16xi1>
    %add3A_1567 = arith.constant 48 : i32
    %add3A_1568 = vector.broadcast %add3A_1567 : i32 to vector<16xi32>
    %add3A_1569 = arith.addi %iota3A, %add3A_1568 : vector<16xi32>
    %lt3A_1570 = arith.constant 50 : i32
    %lt3A_1571 = vector.broadcast %lt3A_1570 : i32 to vector<16xi32>
    %lt3A_1572 = arith.cmpi slt, %add3A_1569, %lt3A_1571 : vector<16xi32>
    %get3A_1573 = arith.constant 834 : index
    %get3A_1574 = tpu.vector_load %arg5[%get3A_1573] {strides = array<i32>} : memref<1600xi32, #tpu.memory_space<vmem>>, vector<16xi32>,
    %add3A_1575 = arith.constant 34 : i32
    %add3A_1576 = vector.broadcast %add3A_1575 : i32 to vector<16xi32>
    %add3A_1577 = arith.addi %iota3A, %add3A_1576 : vector<16xi32>
    %ge3A_1578 = arith.constant 14 : i32
    %ge3A_1579 = vector.broadcast %ge3A_1578 : i32 to vector<16xi32>
    %ge3A_1580 = arith.cmpi sge, %iota3A, %ge3A_1579 : vector<16xi32>
    tpu.vector_store_idx %arg6[%broadcast_in_dim3A_9, %add3A_1577, %get3A_1574], %broadcast_in_dim3A_7 masked %ge3A_1580 : memref<1x50x1000xf32, #tpu.memory_space<vmem>>[vector<16xi32>, vector<16xi32>, vector<16xi32>], vector<16xf32>, vector<16xi1>
    %add3A_1581 = arith.constant 0 : i32
    %add3A_1582 = vector.broadcast %add3A_1581 : i32 to vector<16xi32>
    %add3A_1583 = arith.addi %iota3A, %add3A_1582 : vector<16xi32>
    %lt3A_1584 = arith.constant 50 : i32
    %lt3A_1585 = vector.broadcast %lt3A_1584 : i32 to vector<16xi32>
    %lt3A_1586 = arith.cmpi slt, %add3A_1583, %lt3A_1585 : vector<16xi32>
    %get3A_1587 = arith.constant 900 : index
    %get3A_1588 = tpu.vector_load %arg5[%get3A_1587] {strides = array<i32>} : memref<1600xi32, #tpu.memory_space<vmem>>, vector<16xi32>,
    tpu.vector_store_idx %arg6[%broadcast_in_dim3A_9, %add3A_1583, %get3A_1588], %broadcast_in_dim3A_5 masked %lt3A_1586 : memref<1x50x1000xf32, #tpu.memory_space<vmem>>[vector<16xi32>, vector<16xi32>, vector<16xi32>], vector<16xf32>, vector<16xi1>
    %add3A_1589 = arith.constant 16 : i32
    %add3A_1590 = vector.broadcast %add3A_1589 : i32 to vector<16xi32>
    %add3A_1591 = arith.addi %iota3A, %add3A_1590 : vector<16xi32>
    %lt3A_1592 = arith.constant 50 : i32
    %lt3A_1593 = vector.broadcast %lt3A_1592 : i32 to vector<16xi32>
    %lt3A_1594 = arith.cmpi slt, %add3A_1591, %lt3A_1593 : vector<16xi32>
    %get3A_1595 = arith.constant 916 : index
    %get3A_1596 = tpu.vector_load %arg5[%get3A_1595] {strides = array<i32>} : memref<1600xi32, #tpu.memory_space<vmem>>, vector<16xi32>,
    tpu.vector_store_idx %arg6[%broadcast_in_dim3A_9, %add3A_1591, %get3A_1596], %broadcast_in_dim3A_5 masked %lt3A_1594 : memref<1x50x1000xf32, #tpu.memory_space<vmem>>[vector<16xi32>, vector<16xi32>, vector<16xi32>], vector<16xf32>, vector<16xi1>
    %add3A_1597 = arith.constant 32 : i32
    %add3A_1598 = vector.broadcast %add3A_1597 : i32 to vector<16xi32>
    %add3A_1599 = arith.addi %iota3A, %add3A_1598 : vector<16xi32>
    %lt3A_1600 = arith.constant 50 : i32
    %lt3A_1601 = vector.broadcast %lt3A_1600 : i32 to vector<16xi32>
    %lt3A_1602 = arith.cmpi slt, %add3A_1599, %lt3A_1601 : vector<16xi32>
    %get3A_1603 = arith.constant 932 : index
    %get3A_1604 = tpu.vector_load %arg5[%get3A_1603] {strides = array<i32>} : memref<1600xi32, #tpu.memory_space<vmem>>, vector<16xi32>,
    tpu.vector_store_idx %arg6[%broadcast_in_dim3A_9, %add3A_1599, %get3A_1604], %broadcast_in_dim3A_5 masked %lt3A_1602 : memref<1x50x1000xf32, #tpu.memory_space<vmem>>[vector<16xi32>, vector<16xi32>, vector<16xi32>], vector<16xf32>, vector<16xi1>
    %add3A_1605 = arith.constant 48 : i32
    %add3A_1606 = vector.broadcast %add3A_1605 : i32 to vector<16xi32>
    %add3A_1607 = arith.addi %iota3A, %add3A_1606 : vector<16xi32>
    %lt3A_1608 = arith.constant 50 : i32
    %lt3A_1609 = vector.broadcast %lt3A_1608 : i32 to vector<16xi32>
    %lt3A_1610 = arith.cmpi slt, %add3A_1607, %lt3A_1609 : vector<16xi32>
    %get3A_1611 = arith.constant 934 : index
    %get3A_1612 = tpu.vector_load %arg5[%get3A_1611] {strides = array<i32>} : memref<1600xi32, #tpu.memory_space<vmem>>, vector<16xi32>,
    %add3A_1613 = arith.constant 34 : i32
    %add3A_1614 = vector.broadcast %add3A_1613 : i32 to vector<16xi32>
    %add3A_1615 = arith.addi %iota3A, %add3A_1614 : vector<16xi32>
    %ge3A_1616 = arith.constant 14 : i32
    %ge3A_1617 = vector.broadcast %ge3A_1616 : i32 to vector<16xi32>
    %ge3A_1618 = arith.cmpi sge, %iota3A, %ge3A_1617 : vector<16xi32>
    tpu.vector_store_idx %arg6[%broadcast_in_dim3A_9, %add3A_1615, %get3A_1612], %broadcast_in_dim3A_5 masked %ge3A_1618 : memref<1x50x1000xf32, #tpu.memory_space<vmem>>[vector<16xi32>, vector<16xi32>, vector<16xi32>], vector<16xf32>, vector<16xi1>
    %add3A_1619 = arith.constant 18 : i32
    %add3A_1620 = arith.addi %mul3A_2, %add3A_1619 : i32
    %dma_start3A_1621 = arith.constant 0 : i32
    %dma_start3A_1622 = arith.constant 0 : i32
    %dma_start3A_1623 = tpu.memref_slice %arg4[%add3A_1620, %dma_start3A_1621, %dma_start3A_1622] : memref<1024x50x1000xf32, #tpu.memory_space<hbm>> -> memref<1x50x1000xf32, #tpu.memory_space<hbm>>
    %dma_start3A_1624 = arith.constant 0 : i32
    %dma_start3A_1625 = arith.constant 0 : i32
    %dma_start3A_1626 = tpu.memref_slice %arg4[%add3A_1620, %dma_start3A_1624, %dma_start3A_1625] : memref<1024x50x1000xf32, #tpu.memory_space<hbm>> -> memref<1x50x1000xf32, #tpu.memory_space<hbm>>
    tpu.enqueue_dma source(%arg6 : memref<1x50x1000xf32, #tpu.memory_space<vmem>>) target(%dma_start3A_1626 : memref<1x50x1000xf32, #tpu.memory_space<hbm>>) target_semaphore(%arg8 : memref<!tpu.dma_semaphore, #tpu.memory_space<semaphore_mem>>)
    %dma_wait3A_1627 = arith.constant 0 : i32
    %dma_wait3A_1628 = arith.constant 0 : i32
    %dma_wait3A_1629 = tpu.memref_slice %arg4[%add3A_1530, %dma_wait3A_1627, %dma_wait3A_1628] : memref<1024x50x1000xf32, #tpu.memory_space<hbm>> -> memref<1x50x1000xf32, #tpu.memory_space<hbm>>
    %dma_wait3A_1630 = arith.constant 0 : i32
    %dma_wait3A_1631 = arith.constant 0 : i32
    %dma_wait3A_1632 = tpu.memref_slice %arg4[%add3A_1530, %dma_wait3A_1630, %dma_wait3A_1631] : memref<1024x50x1000xf32, #tpu.memory_space<hbm>> -> memref<1x50x1000xf32, #tpu.memory_space<hbm>>
    tpu.wait_dma2 semaphore(%arg9 : memref<!tpu.dma_semaphore, #tpu.memory_space<semaphore_mem>>) src(%arg7 : memref<1x50x1000xf32, #tpu.memory_space<vmem>>) dst(%dma_wait3A_1632 : memref<1x50x1000xf32, #tpu.memory_space<hbm>>)
    %add3A_1633 = arith.constant 0 : i32
    %add3A_1634 = vector.broadcast %add3A_1633 : i32 to vector<16xi32>
    %add3A_1635 = arith.addi %iota3A, %add3A_1634 : vector<16xi32>
    %lt3A_1636 = arith.constant 50 : i32
    %lt3A_1637 = vector.broadcast %lt3A_1636 : i32 to vector<16xi32>
    %lt3A_1638 = arith.cmpi slt, %add3A_1635, %lt3A_1637 : vector<16xi32>
    %get3A_1639 = arith.constant 850 : index
    %get3A_1640 = tpu.vector_load %arg5[%get3A_1639] {strides = array<i32>} : memref<1600xi32, #tpu.memory_space<vmem>>, vector<16xi32>,
    tpu.vector_store_idx %arg7[%broadcast_in_dim3A_9, %add3A_1635, %get3A_1640], %broadcast_in_dim3A_7 masked %lt3A_1638 : memref<1x50x1000xf32, #tpu.memory_space<vmem>>[vector<16xi32>, vector<16xi32>, vector<16xi32>], vector<16xf32>, vector<16xi1>
    %add3A_1641 = arith.constant 16 : i32
    %add3A_1642 = vector.broadcast %add3A_1641 : i32 to vector<16xi32>
    %add3A_1643 = arith.addi %iota3A, %add3A_1642 : vector<16xi32>
    %lt3A_1644 = arith.constant 50 : i32
    %lt3A_1645 = vector.broadcast %lt3A_1644 : i32 to vector<16xi32>
    %lt3A_1646 = arith.cmpi slt, %add3A_1643, %lt3A_1645 : vector<16xi32>
    %get3A_1647 = arith.constant 866 : index
    %get3A_1648 = tpu.vector_load %arg5[%get3A_1647] {strides = array<i32>} : memref<1600xi32, #tpu.memory_space<vmem>>, vector<16xi32>,
    tpu.vector_store_idx %arg7[%broadcast_in_dim3A_9, %add3A_1643, %get3A_1648], %broadcast_in_dim3A_7 masked %lt3A_1646 : memref<1x50x1000xf32, #tpu.memory_space<vmem>>[vector<16xi32>, vector<16xi32>, vector<16xi32>], vector<16xf32>, vector<16xi1>
    %add3A_1649 = arith.constant 32 : i32
    %add3A_1650 = vector.broadcast %add3A_1649 : i32 to vector<16xi32>
    %add3A_1651 = arith.addi %iota3A, %add3A_1650 : vector<16xi32>
    %lt3A_1652 = arith.constant 50 : i32
    %lt3A_1653 = vector.broadcast %lt3A_1652 : i32 to vector<16xi32>
    %lt3A_1654 = arith.cmpi slt, %add3A_1651, %lt3A_1653 : vector<16xi32>
    %get3A_1655 = arith.constant 882 : index
    %get3A_1656 = tpu.vector_load %arg5[%get3A_1655] {strides = array<i32>} : memref<1600xi32, #tpu.memory_space<vmem>>, vector<16xi32>,
    tpu.vector_store_idx %arg7[%broadcast_in_dim3A_9, %add3A_1651, %get3A_1656], %broadcast_in_dim3A_7 masked %lt3A_1654 : memref<1x50x1000xf32, #tpu.memory_space<vmem>>[vector<16xi32>, vector<16xi32>, vector<16xi32>], vector<16xf32>, vector<16xi1>
    %add3A_1657 = arith.constant 48 : i32
    %add3A_1658 = vector.broadcast %add3A_1657 : i32 to vector<16xi32>
    %add3A_1659 = arith.addi %iota3A, %add3A_1658 : vector<16xi32>
    %lt3A_1660 = arith.constant 50 : i32
    %lt3A_1661 = vector.broadcast %lt3A_1660 : i32 to vector<16xi32>
    %lt3A_1662 = arith.cmpi slt, %add3A_1659, %lt3A_1661 : vector<16xi32>
    %get3A_1663 = arith.constant 884 : index
    %get3A_1664 = tpu.vector_load %arg5[%get3A_1663] {strides = array<i32>} : memref<1600xi32, #tpu.memory_space<vmem>>, vector<16xi32>,
    %add3A_1665 = arith.constant 34 : i32
    %add3A_1666 = vector.broadcast %add3A_1665 : i32 to vector<16xi32>
    %add3A_1667 = arith.addi %iota3A, %add3A_1666 : vector<16xi32>
    %ge3A_1668 = arith.constant 14 : i32
    %ge3A_1669 = vector.broadcast %ge3A_1668 : i32 to vector<16xi32>
    %ge3A_1670 = arith.cmpi sge, %iota3A, %ge3A_1669 : vector<16xi32>
    tpu.vector_store_idx %arg7[%broadcast_in_dim3A_9, %add3A_1667, %get3A_1664], %broadcast_in_dim3A_7 masked %ge3A_1670 : memref<1x50x1000xf32, #tpu.memory_space<vmem>>[vector<16xi32>, vector<16xi32>, vector<16xi32>], vector<16xf32>, vector<16xi1>
    %add3A_1671 = arith.constant 0 : i32
    %add3A_1672 = vector.broadcast %add3A_1671 : i32 to vector<16xi32>
    %add3A_1673 = arith.addi %iota3A, %add3A_1672 : vector<16xi32>
    %lt3A_1674 = arith.constant 50 : i32
    %lt3A_1675 = vector.broadcast %lt3A_1674 : i32 to vector<16xi32>
    %lt3A_1676 = arith.cmpi slt, %add3A_1673, %lt3A_1675 : vector<16xi32>
    %get3A_1677 = arith.constant 950 : index
    %get3A_1678 = tpu.vector_load %arg5[%get3A_1677] {strides = array<i32>} : memref<1600xi32, #tpu.memory_space<vmem>>, vector<16xi32>,
    tpu.vector_store_idx %arg7[%broadcast_in_dim3A_9, %add3A_1673, %get3A_1678], %broadcast_in_dim3A_5 masked %lt3A_1676 : memref<1x50x1000xf32, #tpu.memory_space<vmem>>[vector<16xi32>, vector<16xi32>, vector<16xi32>], vector<16xf32>, vector<16xi1>
    %add3A_1679 = arith.constant 16 : i32
    %add3A_1680 = vector.broadcast %add3A_1679 : i32 to vector<16xi32>
    %add3A_1681 = arith.addi %iota3A, %add3A_1680 : vector<16xi32>
    %lt3A_1682 = arith.constant 50 : i32
    %lt3A_1683 = vector.broadcast %lt3A_1682 : i32 to vector<16xi32>
    %lt3A_1684 = arith.cmpi slt, %add3A_1681, %lt3A_1683 : vector<16xi32>
    %get3A_1685 = arith.constant 966 : index
    %get3A_1686 = tpu.vector_load %arg5[%get3A_1685] {strides = array<i32>} : memref<1600xi32, #tpu.memory_space<vmem>>, vector<16xi32>,
    tpu.vector_store_idx %arg7[%broadcast_in_dim3A_9, %add3A_1681, %get3A_1686], %broadcast_in_dim3A_5 masked %lt3A_1684 : memref<1x50x1000xf32, #tpu.memory_space<vmem>>[vector<16xi32>, vector<16xi32>, vector<16xi32>], vector<16xf32>, vector<16xi1>
    %add3A_1687 = arith.constant 32 : i32
    %add3A_1688 = vector.broadcast %add3A_1687 : i32 to vector<16xi32>
    %add3A_1689 = arith.addi %iota3A, %add3A_1688 : vector<16xi32>
    %lt3A_1690 = arith.constant 50 : i32
    %lt3A_1691 = vector.broadcast %lt3A_1690 : i32 to vector<16xi32>
    %lt3A_1692 = arith.cmpi slt, %add3A_1689, %lt3A_1691 : vector<16xi32>
    %get3A_1693 = arith.constant 982 : index
    %get3A_1694 = tpu.vector_load %arg5[%get3A_1693] {strides = array<i32>} : memref<1600xi32, #tpu.memory_space<vmem>>, vector<16xi32>,
    tpu.vector_store_idx %arg7[%broadcast_in_dim3A_9, %add3A_1689, %get3A_1694], %broadcast_in_dim3A_5 masked %lt3A_1692 : memref<1x50x1000xf32, #tpu.memory_space<vmem>>[vector<16xi32>, vector<16xi32>, vector<16xi32>], vector<16xf32>, vector<16xi1>
    %add3A_1695 = arith.constant 48 : i32
    %add3A_1696 = vector.broadcast %add3A_1695 : i32 to vector<16xi32>
    %add3A_1697 = arith.addi %iota3A, %add3A_1696 : vector<16xi32>
    %lt3A_1698 = arith.constant 50 : i32
    %lt3A_1699 = vector.broadcast %lt3A_1698 : i32 to vector<16xi32>
    %lt3A_1700 = arith.cmpi slt, %add3A_1697, %lt3A_1699 : vector<16xi32>
    %get3A_1701 = arith.constant 984 : index
    %get3A_1702 = tpu.vector_load %arg5[%get3A_1701] {strides = array<i32>} : memref<1600xi32, #tpu.memory_space<vmem>>, vector<16xi32>,
    %add3A_1703 = arith.constant 34 : i32
    %add3A_1704 = vector.broadcast %add3A_1703 : i32 to vector<16xi32>
    %add3A_1705 = arith.addi %iota3A, %add3A_1704 : vector<16xi32>
    %ge3A_1706 = arith.constant 14 : i32
    %ge3A_1707 = vector.broadcast %ge3A_1706 : i32 to vector<16xi32>
    %ge3A_1708 = arith.cmpi sge, %iota3A, %ge3A_1707 : vector<16xi32>
    tpu.vector_store_idx %arg7[%broadcast_in_dim3A_9, %add3A_1705, %get3A_1702], %broadcast_in_dim3A_5 masked %ge3A_1708 : memref<1x50x1000xf32, #tpu.memory_space<vmem>>[vector<16xi32>, vector<16xi32>, vector<16xi32>], vector<16xf32>, vector<16xi1>
    %add3A_1709 = arith.constant 19 : i32
    %add3A_1710 = arith.addi %mul3A_2, %add3A_1709 : i32
    %dma_start3A_1711 = arith.constant 0 : i32
    %dma_start3A_1712 = arith.constant 0 : i32
    %dma_start3A_1713 = tpu.memref_slice %arg4[%add3A_1710, %dma_start3A_1711, %dma_start3A_1712] : memref<1024x50x1000xf32, #tpu.memory_space<hbm>> -> memref<1x50x1000xf32, #tpu.memory_space<hbm>>
    %dma_start3A_1714 = arith.constant 0 : i32
    %dma_start3A_1715 = arith.constant 0 : i32
    %dma_start3A_1716 = tpu.memref_slice %arg4[%add3A_1710, %dma_start3A_1714, %dma_start3A_1715] : memref<1024x50x1000xf32, #tpu.memory_space<hbm>> -> memref<1x50x1000xf32, #tpu.memory_space<hbm>>
    tpu.enqueue_dma source(%arg7 : memref<1x50x1000xf32, #tpu.memory_space<vmem>>) target(%dma_start3A_1716 : memref<1x50x1000xf32, #tpu.memory_space<hbm>>) target_semaphore(%arg9 : memref<!tpu.dma_semaphore, #tpu.memory_space<semaphore_mem>>)
    %dma_wait3A_1717 = arith.constant 0 : i32
    %dma_wait3A_1718 = arith.constant 0 : i32
    %dma_wait3A_1719 = tpu.memref_slice %arg4[%add3A_1620, %dma_wait3A_1717, %dma_wait3A_1718] : memref<1024x50x1000xf32, #tpu.memory_space<hbm>> -> memref<1x50x1000xf32, #tpu.memory_space<hbm>>
    %dma_wait3A_1720 = arith.constant 0 : i32
    %dma_wait3A_1721 = arith.constant 0 : i32
    %dma_wait3A_1722 = tpu.memref_slice %arg4[%add3A_1620, %dma_wait3A_1720, %dma_wait3A_1721] : memref<1024x50x1000xf32, #tpu.memory_space<hbm>> -> memref<1x50x1000xf32, #tpu.memory_space<hbm>>
    tpu.wait_dma2 semaphore(%arg8 : memref<!tpu.dma_semaphore, #tpu.memory_space<semaphore_mem>>) src(%arg6 : memref<1x50x1000xf32, #tpu.memory_space<vmem>>) dst(%dma_wait3A_1722 : memref<1x50x1000xf32, #tpu.memory_space<hbm>>)
    %add3A_1723 = arith.constant 0 : i32
    %add3A_1724 = vector.broadcast %add3A_1723 : i32 to vector<16xi32>
    %add3A_1725 = arith.addi %iota3A, %add3A_1724 : vector<16xi32>
    %lt3A_1726 = arith.constant 50 : i32
    %lt3A_1727 = vector.broadcast %lt3A_1726 : i32 to vector<16xi32>
    %lt3A_1728 = arith.cmpi slt, %add3A_1725, %lt3A_1727 : vector<16xi32>
    %get3A_1729 = arith.constant 900 : index
    %get3A_1730 = tpu.vector_load %arg5[%get3A_1729] {strides = array<i32>} : memref<1600xi32, #tpu.memory_space<vmem>>, vector<16xi32>,
    tpu.vector_store_idx %arg6[%broadcast_in_dim3A_9, %add3A_1725, %get3A_1730], %broadcast_in_dim3A_7 masked %lt3A_1728 : memref<1x50x1000xf32, #tpu.memory_space<vmem>>[vector<16xi32>, vector<16xi32>, vector<16xi32>], vector<16xf32>, vector<16xi1>
    %add3A_1731 = arith.constant 16 : i32
    %add3A_1732 = vector.broadcast %add3A_1731 : i32 to vector<16xi32>
    %add3A_1733 = arith.addi %iota3A, %add3A_1732 : vector<16xi32>
    %lt3A_1734 = arith.constant 50 : i32
    %lt3A_1735 = vector.broadcast %lt3A_1734 : i32 to vector<16xi32>
    %lt3A_1736 = arith.cmpi slt, %add3A_1733, %lt3A_1735 : vector<16xi32>
    %get3A_1737 = arith.constant 916 : index
    %get3A_1738 = tpu.vector_load %arg5[%get3A_1737] {strides = array<i32>} : memref<1600xi32, #tpu.memory_space<vmem>>, vector<16xi32>,
    tpu.vector_store_idx %arg6[%broadcast_in_dim3A_9, %add3A_1733, %get3A_1738], %broadcast_in_dim3A_7 masked %lt3A_1736 : memref<1x50x1000xf32, #tpu.memory_space<vmem>>[vector<16xi32>, vector<16xi32>, vector<16xi32>], vector<16xf32>, vector<16xi1>
    %add3A_1739 = arith.constant 32 : i32
    %add3A_1740 = vector.broadcast %add3A_1739 : i32 to vector<16xi32>
    %add3A_1741 = arith.addi %iota3A, %add3A_1740 : vector<16xi32>
    %lt3A_1742 = arith.constant 50 : i32
    %lt3A_1743 = vector.broadcast %lt3A_1742 : i32 to vector<16xi32>
    %lt3A_1744 = arith.cmpi slt, %add3A_1741, %lt3A_1743 : vector<16xi32>
    %get3A_1745 = arith.constant 932 : index
    %get3A_1746 = tpu.vector_load %arg5[%get3A_1745] {strides = array<i32>} : memref<1600xi32, #tpu.memory_space<vmem>>, vector<16xi32>,
    tpu.vector_store_idx %arg6[%broadcast_in_dim3A_9, %add3A_1741, %get3A_1746], %broadcast_in_dim3A_7 masked %lt3A_1744 : memref<1x50x1000xf32, #tpu.memory_space<vmem>>[vector<16xi32>, vector<16xi32>, vector<16xi32>], vector<16xf32>, vector<16xi1>
    %add3A_1747 = arith.constant 48 : i32
    %add3A_1748 = vector.broadcast %add3A_1747 : i32 to vector<16xi32>
    %add3A_1749 = arith.addi %iota3A, %add3A_1748 : vector<16xi32>
    %lt3A_1750 = arith.constant 50 : i32
    %lt3A_1751 = vector.broadcast %lt3A_1750 : i32 to vector<16xi32>
    %lt3A_1752 = arith.cmpi slt, %add3A_1749, %lt3A_1751 : vector<16xi32>
    %get3A_1753 = arith.constant 934 : index
    %get3A_1754 = tpu.vector_load %arg5[%get3A_1753] {strides = array<i32>} : memref<1600xi32, #tpu.memory_space<vmem>>, vector<16xi32>,
    %add3A_1755 = arith.constant 34 : i32
    %add3A_1756 = vector.broadcast %add3A_1755 : i32 to vector<16xi32>
    %add3A_1757 = arith.addi %iota3A, %add3A_1756 : vector<16xi32>
    %ge3A_1758 = arith.constant 14 : i32
    %ge3A_1759 = vector.broadcast %ge3A_1758 : i32 to vector<16xi32>
    %ge3A_1760 = arith.cmpi sge, %iota3A, %ge3A_1759 : vector<16xi32>
    tpu.vector_store_idx %arg6[%broadcast_in_dim3A_9, %add3A_1757, %get3A_1754], %broadcast_in_dim3A_7 masked %ge3A_1760 : memref<1x50x1000xf32, #tpu.memory_space<vmem>>[vector<16xi32>, vector<16xi32>, vector<16xi32>], vector<16xf32>, vector<16xi1>
    %add3A_1761 = arith.constant 0 : i32
    %add3A_1762 = vector.broadcast %add3A_1761 : i32 to vector<16xi32>
    %add3A_1763 = arith.addi %iota3A, %add3A_1762 : vector<16xi32>
    %lt3A_1764 = arith.constant 50 : i32
    %lt3A_1765 = vector.broadcast %lt3A_1764 : i32 to vector<16xi32>
    %lt3A_1766 = arith.cmpi slt, %add3A_1763, %lt3A_1765 : vector<16xi32>
    %get3A_1767 = arith.constant 1000 : index
    %get3A_1768 = tpu.vector_load %arg5[%get3A_1767] {strides = array<i32>} : memref<1600xi32, #tpu.memory_space<vmem>>, vector<16xi32>,
    tpu.vector_store_idx %arg6[%broadcast_in_dim3A_9, %add3A_1763, %get3A_1768], %broadcast_in_dim3A_5 masked %lt3A_1766 : memref<1x50x1000xf32, #tpu.memory_space<vmem>>[vector<16xi32>, vector<16xi32>, vector<16xi32>], vector<16xf32>, vector<16xi1>
    %add3A_1769 = arith.constant 16 : i32
    %add3A_1770 = vector.broadcast %add3A_1769 : i32 to vector<16xi32>
    %add3A_1771 = arith.addi %iota3A, %add3A_1770 : vector<16xi32>
    %lt3A_1772 = arith.constant 50 : i32
    %lt3A_1773 = vector.broadcast %lt3A_1772 : i32 to vector<16xi32>
    %lt3A_1774 = arith.cmpi slt, %add3A_1771, %lt3A_1773 : vector<16xi32>
    %get3A_1775 = arith.constant 1016 : index
    %get3A_1776 = tpu.vector_load %arg5[%get3A_1775] {strides = array<i32>} : memref<1600xi32, #tpu.memory_space<vmem>>, vector<16xi32>,
    tpu.vector_store_idx %arg6[%broadcast_in_dim3A_9, %add3A_1771, %get3A_1776], %broadcast_in_dim3A_5 masked %lt3A_1774 : memref<1x50x1000xf32, #tpu.memory_space<vmem>>[vector<16xi32>, vector<16xi32>, vector<16xi32>], vector<16xf32>, vector<16xi1>
    %add3A_1777 = arith.constant 32 : i32
    %add3A_1778 = vector.broadcast %add3A_1777 : i32 to vector<16xi32>
    %add3A_1779 = arith.addi %iota3A, %add3A_1778 : vector<16xi32>
    %lt3A_1780 = arith.constant 50 : i32
    %lt3A_1781 = vector.broadcast %lt3A_1780 : i32 to vector<16xi32>
    %lt3A_1782 = arith.cmpi slt, %add3A_1779, %lt3A_1781 : vector<16xi32>
    %get3A_1783 = arith.constant 1032 : index
    %get3A_1784 = tpu.vector_load %arg5[%get3A_1783] {strides = array<i32>} : memref<1600xi32, #tpu.memory_space<vmem>>, vector<16xi32>,
    tpu.vector_store_idx %arg6[%broadcast_in_dim3A_9, %add3A_1779, %get3A_1784], %broadcast_in_dim3A_5 masked %lt3A_1782 : memref<1x50x1000xf32, #tpu.memory_space<vmem>>[vector<16xi32>, vector<16xi32>, vector<16xi32>], vector<16xf32>, vector<16xi1>
    %add3A_1785 = arith.constant 48 : i32
    %add3A_1786 = vector.broadcast %add3A_1785 : i32 to vector<16xi32>
    %add3A_1787 = arith.addi %iota3A, %add3A_1786 : vector<16xi32>
    %lt3A_1788 = arith.constant 50 : i32
    %lt3A_1789 = vector.broadcast %lt3A_1788 : i32 to vector<16xi32>
    %lt3A_1790 = arith.cmpi slt, %add3A_1787, %lt3A_1789 : vector<16xi32>
    %get3A_1791 = arith.constant 1034 : index
    %get3A_1792 = tpu.vector_load %arg5[%get3A_1791] {strides = array<i32>} : memref<1600xi32, #tpu.memory_space<vmem>>, vector<16xi32>,
    %add3A_1793 = arith.constant 34 : i32
    %add3A_1794 = vector.broadcast %add3A_1793 : i32 to vector<16xi32>
    %add3A_1795 = arith.addi %iota3A, %add3A_1794 : vector<16xi32>
    %ge3A_1796 = arith.constant 14 : i32
    %ge3A_1797 = vector.broadcast %ge3A_1796 : i32 to vector<16xi32>
    %ge3A_1798 = arith.cmpi sge, %iota3A, %ge3A_1797 : vector<16xi32>
    tpu.vector_store_idx %arg6[%broadcast_in_dim3A_9, %add3A_1795, %get3A_1792], %broadcast_in_dim3A_5 masked %ge3A_1798 : memref<1x50x1000xf32, #tpu.memory_space<vmem>>[vector<16xi32>, vector<16xi32>, vector<16xi32>], vector<16xf32>, vector<16xi1>
    %add3A_1799 = arith.constant 20 : i32
    %add3A_1800 = arith.addi %mul3A_2, %add3A_1799 : i32
    %dma_start3A_1801 = arith.constant 0 : i32
    %dma_start3A_1802 = arith.constant 0 : i32
    %dma_start3A_1803 = tpu.memref_slice %arg4[%add3A_1800, %dma_start3A_1801, %dma_start3A_1802] : memref<1024x50x1000xf32, #tpu.memory_space<hbm>> -> memref<1x50x1000xf32, #tpu.memory_space<hbm>>
    %dma_start3A_1804 = arith.constant 0 : i32
    %dma_start3A_1805 = arith.constant 0 : i32
    %dma_start3A_1806 = tpu.memref_slice %arg4[%add3A_1800, %dma_start3A_1804, %dma_start3A_1805] : memref<1024x50x1000xf32, #tpu.memory_space<hbm>> -> memref<1x50x1000xf32, #tpu.memory_space<hbm>>
    tpu.enqueue_dma source(%arg6 : memref<1x50x1000xf32, #tpu.memory_space<vmem>>) target(%dma_start3A_1806 : memref<1x50x1000xf32, #tpu.memory_space<hbm>>) target_semaphore(%arg8 : memref<!tpu.dma_semaphore, #tpu.memory_space<semaphore_mem>>)
    %dma_wait3A_1807 = arith.constant 0 : i32
    %dma_wait3A_1808 = arith.constant 0 : i32
    %dma_wait3A_1809 = tpu.memref_slice %arg4[%add3A_1710, %dma_wait3A_1807, %dma_wait3A_1808] : memref<1024x50x1000xf32, #tpu.memory_space<hbm>> -> memref<1x50x1000xf32, #tpu.memory_space<hbm>>
    %dma_wait3A_1810 = arith.constant 0 : i32
    %dma_wait3A_1811 = arith.constant 0 : i32
    %dma_wait3A_1812 = tpu.memref_slice %arg4[%add3A_1710, %dma_wait3A_1810, %dma_wait3A_1811] : memref<1024x50x1000xf32, #tpu.memory_space<hbm>> -> memref<1x50x1000xf32, #tpu.memory_space<hbm>>
    tpu.wait_dma2 semaphore(%arg9 : memref<!tpu.dma_semaphore, #tpu.memory_space<semaphore_mem>>) src(%arg7 : memref<1x50x1000xf32, #tpu.memory_space<vmem>>) dst(%dma_wait3A_1812 : memref<1x50x1000xf32, #tpu.memory_space<hbm>>)
    %add3A_1813 = arith.constant 0 : i32
    %add3A_1814 = vector.broadcast %add3A_1813 : i32 to vector<16xi32>
    %add3A_1815 = arith.addi %iota3A, %add3A_1814 : vector<16xi32>
    %lt3A_1816 = arith.constant 50 : i32
    %lt3A_1817 = vector.broadcast %lt3A_1816 : i32 to vector<16xi32>
    %lt3A_1818 = arith.cmpi slt, %add3A_1815, %lt3A_1817 : vector<16xi32>
    %get3A_1819 = arith.constant 950 : index
    %get3A_1820 = tpu.vector_load %arg5[%get3A_1819] {strides = array<i32>} : memref<1600xi32, #tpu.memory_space<vmem>>, vector<16xi32>,
    tpu.vector_store_idx %arg7[%broadcast_in_dim3A_9, %add3A_1815, %get3A_1820], %broadcast_in_dim3A_7 masked %lt3A_1818 : memref<1x50x1000xf32, #tpu.memory_space<vmem>>[vector<16xi32>, vector<16xi32>, vector<16xi32>], vector<16xf32>, vector<16xi1>
    %add3A_1821 = arith.constant 16 : i32
    %add3A_1822 = vector.broadcast %add3A_1821 : i32 to vector<16xi32>
    %add3A_1823 = arith.addi %iota3A, %add3A_1822 : vector<16xi32>
    %lt3A_1824 = arith.constant 50 : i32
    %lt3A_1825 = vector.broadcast %lt3A_1824 : i32 to vector<16xi32>
    %lt3A_1826 = arith.cmpi slt, %add3A_1823, %lt3A_1825 : vector<16xi32>
    %get3A_1827 = arith.constant 966 : index
    %get3A_1828 = tpu.vector_load %arg5[%get3A_1827] {strides = array<i32>} : memref<1600xi32, #tpu.memory_space<vmem>>, vector<16xi32>,
    tpu.vector_store_idx %arg7[%broadcast_in_dim3A_9, %add3A_1823, %get3A_1828], %broadcast_in_dim3A_7 masked %lt3A_1826 : memref<1x50x1000xf32, #tpu.memory_space<vmem>>[vector<16xi32>, vector<16xi32>, vector<16xi32>], vector<16xf32>, vector<16xi1>
    %add3A_1829 = arith.constant 32 : i32
    %add3A_1830 = vector.broadcast %add3A_1829 : i32 to vector<16xi32>
    %add3A_1831 = arith.addi %iota3A, %add3A_1830 : vector<16xi32>
    %lt3A_1832 = arith.constant 50 : i32
    %lt3A_1833 = vector.broadcast %lt3A_1832 : i32 to vector<16xi32>
    %lt3A_1834 = arith.cmpi slt, %add3A_1831, %lt3A_1833 : vector<16xi32>
    %get3A_1835 = arith.constant 982 : index
    %get3A_1836 = tpu.vector_load %arg5[%get3A_1835] {strides = array<i32>} : memref<1600xi32, #tpu.memory_space<vmem>>, vector<16xi32>,
    tpu.vector_store_idx %arg7[%broadcast_in_dim3A_9, %add3A_1831, %get3A_1836], %broadcast_in_dim3A_7 masked %lt3A_1834 : memref<1x50x1000xf32, #tpu.memory_space<vmem>>[vector<16xi32>, vector<16xi32>, vector<16xi32>], vector<16xf32>, vector<16xi1>
    %add3A_1837 = arith.constant 48 : i32
    %add3A_1838 = vector.broadcast %add3A_1837 : i32 to vector<16xi32>
    %add3A_1839 = arith.addi %iota3A, %add3A_1838 : vector<16xi32>
    %lt3A_1840 = arith.constant 50 : i32
    %lt3A_1841 = vector.broadcast %lt3A_1840 : i32 to vector<16xi32>
    %lt3A_1842 = arith.cmpi slt, %add3A_1839, %lt3A_1841 : vector<16xi32>
    %get3A_1843 = arith.constant 984 : index
    %get3A_1844 = tpu.vector_load %arg5[%get3A_1843] {strides = array<i32>} : memref<1600xi32, #tpu.memory_space<vmem>>, vector<16xi32>,
    %add3A_1845 = arith.constant 34 : i32
    %add3A_1846 = vector.broadcast %add3A_1845 : i32 to vector<16xi32>
    %add3A_1847 = arith.addi %iota3A, %add3A_1846 : vector<16xi32>
    %ge3A_1848 = arith.constant 14 : i32
    %ge3A_1849 = vector.broadcast %ge3A_1848 : i32 to vector<16xi32>
    %ge3A_1850 = arith.cmpi sge, %iota3A, %ge3A_1849 : vector<16xi32>
    tpu.vector_store_idx %arg7[%broadcast_in_dim3A_9, %add3A_1847, %get3A_1844], %broadcast_in_dim3A_7 masked %ge3A_1850 : memref<1x50x1000xf32, #tpu.memory_space<vmem>>[vector<16xi32>, vector<16xi32>, vector<16xi32>], vector<16xf32>, vector<16xi1>
    %add3A_1851 = arith.constant 0 : i32
    %add3A_1852 = vector.broadcast %add3A_1851 : i32 to vector<16xi32>
    %add3A_1853 = arith.addi %iota3A, %add3A_1852 : vector<16xi32>
    %lt3A_1854 = arith.constant 50 : i32
    %lt3A_1855 = vector.broadcast %lt3A_1854 : i32 to vector<16xi32>
    %lt3A_1856 = arith.cmpi slt, %add3A_1853, %lt3A_1855 : vector<16xi32>
    %get3A_1857 = arith.constant 1050 : index
    %get3A_1858 = tpu.vector_load %arg5[%get3A_1857] {strides = array<i32>} : memref<1600xi32, #tpu.memory_space<vmem>>, vector<16xi32>,
    tpu.vector_store_idx %arg7[%broadcast_in_dim3A_9, %add3A_1853, %get3A_1858], %broadcast_in_dim3A_5 masked %lt3A_1856 : memref<1x50x1000xf32, #tpu.memory_space<vmem>>[vector<16xi32>, vector<16xi32>, vector<16xi32>], vector<16xf32>, vector<16xi1>
    %add3A_1859 = arith.constant 16 : i32
    %add3A_1860 = vector.broadcast %add3A_1859 : i32 to vector<16xi32>
    %add3A_1861 = arith.addi %iota3A, %add3A_1860 : vector<16xi32>
    %lt3A_1862 = arith.constant 50 : i32
    %lt3A_1863 = vector.broadcast %lt3A_1862 : i32 to vector<16xi32>
    %lt3A_1864 = arith.cmpi slt, %add3A_1861, %lt3A_1863 : vector<16xi32>
    %get3A_1865 = arith.constant 1066 : index
    %get3A_1866 = tpu.vector_load %arg5[%get3A_1865] {strides = array<i32>} : memref<1600xi32, #tpu.memory_space<vmem>>, vector<16xi32>,
    tpu.vector_store_idx %arg7[%broadcast_in_dim3A_9, %add3A_1861, %get3A_1866], %broadcast_in_dim3A_5 masked %lt3A_1864 : memref<1x50x1000xf32, #tpu.memory_space<vmem>>[vector<16xi32>, vector<16xi32>, vector<16xi32>], vector<16xf32>, vector<16xi1>
    %add3A_1867 = arith.constant 32 : i32
    %add3A_1868 = vector.broadcast %add3A_1867 : i32 to vector<16xi32>
    %add3A_1869 = arith.addi %iota3A, %add3A_1868 : vector<16xi32>
    %lt3A_1870 = arith.constant 50 : i32
    %lt3A_1871 = vector.broadcast %lt3A_1870 : i32 to vector<16xi32>
    %lt3A_1872 = arith.cmpi slt, %add3A_1869, %lt3A_1871 : vector<16xi32>
    %get3A_1873 = arith.constant 1082 : index
    %get3A_1874 = tpu.vector_load %arg5[%get3A_1873] {strides = array<i32>} : memref<1600xi32, #tpu.memory_space<vmem>>, vector<16xi32>,
    tpu.vector_store_idx %arg7[%broadcast_in_dim3A_9, %add3A_1869, %get3A_1874], %broadcast_in_dim3A_5 masked %lt3A_1872 : memref<1x50x1000xf32, #tpu.memory_space<vmem>>[vector<16xi32>, vector<16xi32>, vector<16xi32>], vector<16xf32>, vector<16xi1>
    %add3A_1875 = arith.constant 48 : i32
    %add3A_1876 = vector.broadcast %add3A_1875 : i32 to vector<16xi32>
    %add3A_1877 = arith.addi %iota3A, %add3A_1876 : vector<16xi32>
    %lt3A_1878 = arith.constant 50 : i32
    %lt3A_1879 = vector.broadcast %lt3A_1878 : i32 to vector<16xi32>
    %lt3A_1880 = arith.cmpi slt, %add3A_1877, %lt3A_1879 : vector<16xi32>
    %get3A_1881 = arith.constant 1084 : index
    %get3A_1882 = tpu.vector_load %arg5[%get3A_1881] {strides = array<i32>} : memref<1600xi32, #tpu.memory_space<vmem>>, vector<16xi32>,
    %add3A_1883 = arith.constant 34 : i32
    %add3A_1884 = vector.broadcast %add3A_1883 : i32 to vector<16xi32>
    %add3A_1885 = arith.addi %iota3A, %add3A_1884 : vector<16xi32>
    %ge3A_1886 = arith.constant 14 : i32
    %ge3A_1887 = vector.broadcast %ge3A_1886 : i32 to vector<16xi32>
    %ge3A_1888 = arith.cmpi sge, %iota3A, %ge3A_1887 : vector<16xi32>
    tpu.vector_store_idx %arg7[%broadcast_in_dim3A_9, %add3A_1885, %get3A_1882], %broadcast_in_dim3A_5 masked %ge3A_1888 : memref<1x50x1000xf32, #tpu.memory_space<vmem>>[vector<16xi32>, vector<16xi32>, vector<16xi32>], vector<16xf32>, vector<16xi1>
    %add3A_1889 = arith.constant 21 : i32
    %add3A_1890 = arith.addi %mul3A_2, %add3A_1889 : i32
    %dma_start3A_1891 = arith.constant 0 : i32
    %dma_start3A_1892 = arith.constant 0 : i32
    %dma_start3A_1893 = tpu.memref_slice %arg4[%add3A_1890, %dma_start3A_1891, %dma_start3A_1892] : memref<1024x50x1000xf32, #tpu.memory_space<hbm>> -> memref<1x50x1000xf32, #tpu.memory_space<hbm>>
    %dma_start3A_1894 = arith.constant 0 : i32
    %dma_start3A_1895 = arith.constant 0 : i32
    %dma_start3A_1896 = tpu.memref_slice %arg4[%add3A_1890, %dma_start3A_1894, %dma_start3A_1895] : memref<1024x50x1000xf32, #tpu.memory_space<hbm>> -> memref<1x50x1000xf32, #tpu.memory_space<hbm>>
    tpu.enqueue_dma source(%arg7 : memref<1x50x1000xf32, #tpu.memory_space<vmem>>) target(%dma_start3A_1896 : memref<1x50x1000xf32, #tpu.memory_space<hbm>>) target_semaphore(%arg9 : memref<!tpu.dma_semaphore, #tpu.memory_space<semaphore_mem>>)
    %dma_wait3A_1897 = arith.constant 0 : i32
    %dma_wait3A_1898 = arith.constant 0 : i32
    %dma_wait3A_1899 = tpu.memref_slice %arg4[%add3A_1800, %dma_wait3A_1897, %dma_wait3A_1898] : memref<1024x50x1000xf32, #tpu.memory_space<hbm>> -> memref<1x50x1000xf32, #tpu.memory_space<hbm>>
    %dma_wait3A_1900 = arith.constant 0 : i32
    %dma_wait3A_1901 = arith.constant 0 : i32
    %dma_wait3A_1902 = tpu.memref_slice %arg4[%add3A_1800, %dma_wait3A_1900, %dma_wait3A_1901] : memref<1024x50x1000xf32, #tpu.memory_space<hbm>> -> memref<1x50x1000xf32, #tpu.memory_space<hbm>>
    tpu.wait_dma2 semaphore(%arg8 : memref<!tpu.dma_semaphore, #tpu.memory_space<semaphore_mem>>) src(%arg6 : memref<1x50x1000xf32, #tpu.memory_space<vmem>>) dst(%dma_wait3A_1902 : memref<1x50x1000xf32, #tpu.memory_space<hbm>>)
    %add3A_1903 = arith.constant 0 : i32
    %add3A_1904 = vector.broadcast %add3A_1903 : i32 to vector<16xi32>
    %add3A_1905 = arith.addi %iota3A, %add3A_1904 : vector<16xi32>
    %lt3A_1906 = arith.constant 50 : i32
    %lt3A_1907 = vector.broadcast %lt3A_1906 : i32 to vector<16xi32>
    %lt3A_1908 = arith.cmpi slt, %add3A_1905, %lt3A_1907 : vector<16xi32>
    %get3A_1909 = arith.constant 1000 : index
    %get3A_1910 = tpu.vector_load %arg5[%get3A_1909] {strides = array<i32>} : memref<1600xi32, #tpu.memory_space<vmem>>, vector<16xi32>,
    tpu.vector_store_idx %arg6[%broadcast_in_dim3A_9, %add3A_1905, %get3A_1910], %broadcast_in_dim3A_7 masked %lt3A_1908 : memref<1x50x1000xf32, #tpu.memory_space<vmem>>[vector<16xi32>, vector<16xi32>, vector<16xi32>], vector<16xf32>, vector<16xi1>
    %add3A_1911 = arith.constant 16 : i32
    %add3A_1912 = vector.broadcast %add3A_1911 : i32 to vector<16xi32>
    %add3A_1913 = arith.addi %iota3A, %add3A_1912 : vector<16xi32>
    %lt3A_1914 = arith.constant 50 : i32
    %lt3A_1915 = vector.broadcast %lt3A_1914 : i32 to vector<16xi32>
    %lt3A_1916 = arith.cmpi slt, %add3A_1913, %lt3A_1915 : vector<16xi32>
    %get3A_1917 = arith.constant 1016 : index
    %get3A_1918 = tpu.vector_load %arg5[%get3A_1917] {strides = array<i32>} : memref<1600xi32, #tpu.memory_space<vmem>>, vector<16xi32>,
    tpu.vector_store_idx %arg6[%broadcast_in_dim3A_9, %add3A_1913, %get3A_1918], %broadcast_in_dim3A_7 masked %lt3A_1916 : memref<1x50x1000xf32, #tpu.memory_space<vmem>>[vector<16xi32>, vector<16xi32>, vector<16xi32>], vector<16xf32>, vector<16xi1>
    %add3A_1919 = arith.constant 32 : i32
    %add3A_1920 = vector.broadcast %add3A_1919 : i32 to vector<16xi32>
    %add3A_1921 = arith.addi %iota3A, %add3A_1920 : vector<16xi32>
    %lt3A_1922 = arith.constant 50 : i32
    %lt3A_1923 = vector.broadcast %lt3A_1922 : i32 to vector<16xi32>
    %lt3A_1924 = arith.cmpi slt, %add3A_1921, %lt3A_1923 : vector<16xi32>
    %get3A_1925 = arith.constant 1032 : index
    %get3A_1926 = tpu.vector_load %arg5[%get3A_1925] {strides = array<i32>} : memref<1600xi32, #tpu.memory_space<vmem>>, vector<16xi32>,
    tpu.vector_store_idx %arg6[%broadcast_in_dim3A_9, %add3A_1921, %get3A_1926], %broadcast_in_dim3A_7 masked %lt3A_1924 : memref<1x50x1000xf32, #tpu.memory_space<vmem>>[vector<16xi32>, vector<16xi32>, vector<16xi32>], vector<16xf32>, vector<16xi1>
    %add3A_1927 = arith.constant 48 : i32
    %add3A_1928 = vector.broadcast %add3A_1927 : i32 to vector<16xi32>
    %add3A_1929 = arith.addi %iota3A, %add3A_1928 : vector<16xi32>
    %lt3A_1930 = arith.constant 50 : i32
    %lt3A_1931 = vector.broadcast %lt3A_1930 : i32 to vector<16xi32>
    %lt3A_1932 = arith.cmpi slt, %add3A_1929, %lt3A_1931 : vector<16xi32>
    %get3A_1933 = arith.constant 1034 : index
    %get3A_1934 = tpu.vector_load %arg5[%get3A_1933] {strides = array<i32>} : memref<1600xi32, #tpu.memory_space<vmem>>, vector<16xi32>,
    %add3A_1935 = arith.constant 34 : i32
    %add3A_1936 = vector.broadcast %add3A_1935 : i32 to vector<16xi32>
    %add3A_1937 = arith.addi %iota3A, %add3A_1936 : vector<16xi32>
    %ge3A_1938 = arith.constant 14 : i32
    %ge3A_1939 = vector.broadcast %ge3A_1938 : i32 to vector<16xi32>
    %ge3A_1940 = arith.cmpi sge, %iota3A, %ge3A_1939 : vector<16xi32>
    tpu.vector_store_idx %arg6[%broadcast_in_dim3A_9, %add3A_1937, %get3A_1934], %broadcast_in_dim3A_7 masked %ge3A_1940 : memref<1x50x1000xf32, #tpu.memory_space<vmem>>[vector<16xi32>, vector<16xi32>, vector<16xi32>], vector<16xf32>, vector<16xi1>
    %add3A_1941 = arith.constant 0 : i32
    %add3A_1942 = vector.broadcast %add3A_1941 : i32 to vector<16xi32>
    %add3A_1943 = arith.addi %iota3A, %add3A_1942 : vector<16xi32>
    %lt3A_1944 = arith.constant 50 : i32
    %lt3A_1945 = vector.broadcast %lt3A_1944 : i32 to vector<16xi32>
    %lt3A_1946 = arith.cmpi slt, %add3A_1943, %lt3A_1945 : vector<16xi32>
    %get3A_1947 = arith.constant 1100 : index
    %get3A_1948 = tpu.vector_load %arg5[%get3A_1947] {strides = array<i32>} : memref<1600xi32, #tpu.memory_space<vmem>>, vector<16xi32>,
    tpu.vector_store_idx %arg6[%broadcast_in_dim3A_9, %add3A_1943, %get3A_1948], %broadcast_in_dim3A_5 masked %lt3A_1946 : memref<1x50x1000xf32, #tpu.memory_space<vmem>>[vector<16xi32>, vector<16xi32>, vector<16xi32>], vector<16xf32>, vector<16xi1>
    %add3A_1949 = arith.constant 16 : i32
    %add3A_1950 = vector.broadcast %add3A_1949 : i32 to vector<16xi32>
    %add3A_1951 = arith.addi %iota3A, %add3A_1950 : vector<16xi32>
    %lt3A_1952 = arith.constant 50 : i32
    %lt3A_1953 = vector.broadcast %lt3A_1952 : i32 to vector<16xi32>
    %lt3A_1954 = arith.cmpi slt, %add3A_1951, %lt3A_1953 : vector<16xi32>
    %get3A_1955 = arith.constant 1116 : index
    %get3A_1956 = tpu.vector_load %arg5[%get3A_1955] {strides = array<i32>} : memref<1600xi32, #tpu.memory_space<vmem>>, vector<16xi32>,
    tpu.vector_store_idx %arg6[%broadcast_in_dim3A_9, %add3A_1951, %get3A_1956], %broadcast_in_dim3A_5 masked %lt3A_1954 : memref<1x50x1000xf32, #tpu.memory_space<vmem>>[vector<16xi32>, vector<16xi32>, vector<16xi32>], vector<16xf32>, vector<16xi1>
    %add3A_1957 = arith.constant 32 : i32
    %add3A_1958 = vector.broadcast %add3A_1957 : i32 to vector<16xi32>
    %add3A_1959 = arith.addi %iota3A, %add3A_1958 : vector<16xi32>
    %lt3A_1960 = arith.constant 50 : i32
    %lt3A_1961 = vector.broadcast %lt3A_1960 : i32 to vector<16xi32>
    %lt3A_1962 = arith.cmpi slt, %add3A_1959, %lt3A_1961 : vector<16xi32>
    %get3A_1963 = arith.constant 1132 : index
    %get3A_1964 = tpu.vector_load %arg5[%get3A_1963] {strides = array<i32>} : memref<1600xi32, #tpu.memory_space<vmem>>, vector<16xi32>,
    tpu.vector_store_idx %arg6[%broadcast_in_dim3A_9, %add3A_1959, %get3A_1964], %broadcast_in_dim3A_5 masked %lt3A_1962 : memref<1x50x1000xf32, #tpu.memory_space<vmem>>[vector<16xi32>, vector<16xi32>, vector<16xi32>], vector<16xf32>, vector<16xi1>
    %add3A_1965 = arith.constant 48 : i32
    %add3A_1966 = vector.broadcast %add3A_1965 : i32 to vector<16xi32>
    %add3A_1967 = arith.addi %iota3A, %add3A_1966 : vector<16xi32>
    %lt3A_1968 = arith.constant 50 : i32
    %lt3A_1969 = vector.broadcast %lt3A_1968 : i32 to vector<16xi32>
    %lt3A_1970 = arith.cmpi slt, %add3A_1967, %lt3A_1969 : vector<16xi32>
    %get3A_1971 = arith.constant 1134 : index
    %get3A_1972 = tpu.vector_load %arg5[%get3A_1971] {strides = array<i32>} : memref<1600xi32, #tpu.memory_space<vmem>>, vector<16xi32>,
    %add3A_1973 = arith.constant 34 : i32
    %add3A_1974 = vector.broadcast %add3A_1973 : i32 to vector<16xi32>
    %add3A_1975 = arith.addi %iota3A, %add3A_1974 : vector<16xi32>
    %ge3A_1976 = arith.constant 14 : i32
    %ge3A_1977 = vector.broadcast %ge3A_1976 : i32 to vector<16xi32>
    %ge3A_1978 = arith.cmpi sge, %iota3A, %ge3A_1977 : vector<16xi32>
    tpu.vector_store_idx %arg6[%broadcast_in_dim3A_9, %add3A_1975, %get3A_1972], %broadcast_in_dim3A_5 masked %ge3A_1978 : memref<1x50x1000xf32, #tpu.memory_space<vmem>>[vector<16xi32>, vector<16xi32>, vector<16xi32>], vector<16xf32>, vector<16xi1>
    %add3A_1979 = arith.constant 22 : i32
    %add3A_1980 = arith.addi %mul3A_2, %add3A_1979 : i32
    %dma_start3A_1981 = arith.constant 0 : i32
    %dma_start3A_1982 = arith.constant 0 : i32
    %dma_start3A_1983 = tpu.memref_slice %arg4[%add3A_1980, %dma_start3A_1981, %dma_start3A_1982] : memref<1024x50x1000xf32, #tpu.memory_space<hbm>> -> memref<1x50x1000xf32, #tpu.memory_space<hbm>>
    %dma_start3A_1984 = arith.constant 0 : i32
    %dma_start3A_1985 = arith.constant 0 : i32
    %dma_start3A_1986 = tpu.memref_slice %arg4[%add3A_1980, %dma_start3A_1984, %dma_start3A_1985] : memref<1024x50x1000xf32, #tpu.memory_space<hbm>> -> memref<1x50x1000xf32, #tpu.memory_space<hbm>>
    tpu.enqueue_dma source(%arg6 : memref<1x50x1000xf32, #tpu.memory_space<vmem>>) target(%dma_start3A_1986 : memref<1x50x1000xf32, #tpu.memory_space<hbm>>) target_semaphore(%arg8 : memref<!tpu.dma_semaphore, #tpu.memory_space<semaphore_mem>>)
    %dma_wait3A_1987 = arith.constant 0 : i32
    %dma_wait3A_1988 = arith.constant 0 : i32
    %dma_wait3A_1989 = tpu.memref_slice %arg4[%add3A_1890, %dma_wait3A_1987, %dma_wait3A_1988] : memref<1024x50x1000xf32, #tpu.memory_space<hbm>> -> memref<1x50x1000xf32, #tpu.memory_space<hbm>>
    %dma_wait3A_1990 = arith.constant 0 : i32
    %dma_wait3A_1991 = arith.constant 0 : i32
    %dma_wait3A_1992 = tpu.memref_slice %arg4[%add3A_1890, %dma_wait3A_1990, %dma_wait3A_1991] : memref<1024x50x1000xf32, #tpu.memory_space<hbm>> -> memref<1x50x1000xf32, #tpu.memory_space<hbm>>
    tpu.wait_dma2 semaphore(%arg9 : memref<!tpu.dma_semaphore, #tpu.memory_space<semaphore_mem>>) src(%arg7 : memref<1x50x1000xf32, #tpu.memory_space<vmem>>) dst(%dma_wait3A_1992 : memref<1x50x1000xf32, #tpu.memory_space<hbm>>)
    %add3A_1993 = arith.constant 0 : i32
    %add3A_1994 = vector.broadcast %add3A_1993 : i32 to vector<16xi32>
    %add3A_1995 = arith.addi %iota3A, %add3A_1994 : vector<16xi32>
    %lt3A_1996 = arith.constant 50 : i32
    %lt3A_1997 = vector.broadcast %lt3A_1996 : i32 to vector<16xi32>
    %lt3A_1998 = arith.cmpi slt, %add3A_1995, %lt3A_1997 : vector<16xi32>
    %get3A_1999 = arith.constant 1050 : index
    %get3A_2000 = tpu.vector_load %arg5[%get3A_1999] {strides = array<i32>} : memref<1600xi32, #tpu.memory_space<vmem>>, vector<16xi32>,
    tpu.vector_store_idx %arg7[%broadcast_in_dim3A_9, %add3A_1995, %get3A_2000], %broadcast_in_dim3A_7 masked %lt3A_1998 : memref<1x50x1000xf32, #tpu.memory_space<vmem>>[vector<16xi32>, vector<16xi32>, vector<16xi32>], vector<16xf32>, vector<16xi1>
    %add3A_2001 = arith.constant 16 : i32
    %add3A_2002 = vector.broadcast %add3A_2001 : i32 to vector<16xi32>
    %add3A_2003 = arith.addi %iota3A, %add3A_2002 : vector<16xi32>
    %lt3A_2004 = arith.constant 50 : i32
    %lt3A_2005 = vector.broadcast %lt3A_2004 : i32 to vector<16xi32>
    %lt3A_2006 = arith.cmpi slt, %add3A_2003, %lt3A_2005 : vector<16xi32>
    %get3A_2007 = arith.constant 1066 : index
    %get3A_2008 = tpu.vector_load %arg5[%get3A_2007] {strides = array<i32>} : memref<1600xi32, #tpu.memory_space<vmem>>, vector<16xi32>,
    tpu.vector_store_idx %arg7[%broadcast_in_dim3A_9, %add3A_2003, %get3A_2008], %broadcast_in_dim3A_7 masked %lt3A_2006 : memref<1x50x1000xf32, #tpu.memory_space<vmem>>[vector<16xi32>, vector<16xi32>, vector<16xi32>], vector<16xf32>, vector<16xi1>
    %add3A_2009 = arith.constant 32 : i32
    %add3A_2010 = vector.broadcast %add3A_2009 : i32 to vector<16xi32>
    %add3A_2011 = arith.addi %iota3A, %add3A_2010 : vector<16xi32>
    %lt3A_2012 = arith.constant 50 : i32
    %lt3A_2013 = vector.broadcast %lt3A_2012 : i32 to vector<16xi32>
    %lt3A_2014 = arith.cmpi slt, %add3A_2011, %lt3A_2013 : vector<16xi32>
    %get3A_2015 = arith.constant 1082 : index
    %get3A_2016 = tpu.vector_load %arg5[%get3A_2015] {strides = array<i32>} : memref<1600xi32, #tpu.memory_space<vmem>>, vector<16xi32>,
    tpu.vector_store_idx %arg7[%broadcast_in_dim3A_9, %add3A_2011, %get3A_2016], %broadcast_in_dim3A_7 masked %lt3A_2014 : memref<1x50x1000xf32, #tpu.memory_space<vmem>>[vector<16xi32>, vector<16xi32>, vector<16xi32>], vector<16xf32>, vector<16xi1>
    %add3A_2017 = arith.constant 48 : i32
    %add3A_2018 = vector.broadcast %add3A_2017 : i32 to vector<16xi32>
    %add3A_2019 = arith.addi %iota3A, %add3A_2018 : vector<16xi32>
    %lt3A_2020 = arith.constant 50 : i32
    %lt3A_2021 = vector.broadcast %lt3A_2020 : i32 to vector<16xi32>
    %lt3A_2022 = arith.cmpi slt, %add3A_2019, %lt3A_2021 : vector<16xi32>
    %get3A_2023 = arith.constant 1084 : index
    %get3A_2024 = tpu.vector_load %arg5[%get3A_2023] {strides = array<i32>} : memref<1600xi32, #tpu.memory_space<vmem>>, vector<16xi32>,
    %add3A_2025 = arith.constant 34 : i32
    %add3A_2026 = vector.broadcast %add3A_2025 : i32 to vector<16xi32>
    %add3A_2027 = arith.addi %iota3A, %add3A_2026 : vector<16xi32>
    %ge3A_2028 = arith.constant 14 : i32
    %ge3A_2029 = vector.broadcast %ge3A_2028 : i32 to vector<16xi32>
    %ge3A_2030 = arith.cmpi sge, %iota3A, %ge3A_2029 : vector<16xi32>
    tpu.vector_store_idx %arg7[%broadcast_in_dim3A_9, %add3A_2027, %get3A_2024], %broadcast_in_dim3A_7 masked %ge3A_2030 : memref<1x50x1000xf32, #tpu.memory_space<vmem>>[vector<16xi32>, vector<16xi32>, vector<16xi32>], vector<16xf32>, vector<16xi1>
    %add3A_2031 = arith.constant 0 : i32
    %add3A_2032 = vector.broadcast %add3A_2031 : i32 to vector<16xi32>
    %add3A_2033 = arith.addi %iota3A, %add3A_2032 : vector<16xi32>
    %lt3A_2034 = arith.constant 50 : i32
    %lt3A_2035 = vector.broadcast %lt3A_2034 : i32 to vector<16xi32>
    %lt3A_2036 = arith.cmpi slt, %add3A_2033, %lt3A_2035 : vector<16xi32>
    %get3A_2037 = arith.constant 1150 : index
    %get3A_2038 = tpu.vector_load %arg5[%get3A_2037] {strides = array<i32>} : memref<1600xi32, #tpu.memory_space<vmem>>, vector<16xi32>,
    tpu.vector_store_idx %arg7[%broadcast_in_dim3A_9, %add3A_2033, %get3A_2038], %broadcast_in_dim3A_5 masked %lt3A_2036 : memref<1x50x1000xf32, #tpu.memory_space<vmem>>[vector<16xi32>, vector<16xi32>, vector<16xi32>], vector<16xf32>, vector<16xi1>
    %add3A_2039 = arith.constant 16 : i32
    %add3A_2040 = vector.broadcast %add3A_2039 : i32 to vector<16xi32>
    %add3A_2041 = arith.addi %iota3A, %add3A_2040 : vector<16xi32>
    %lt3A_2042 = arith.constant 50 : i32
    %lt3A_2043 = vector.broadcast %lt3A_2042 : i32 to vector<16xi32>
    %lt3A_2044 = arith.cmpi slt, %add3A_2041, %lt3A_2043 : vector<16xi32>
    %get3A_2045 = arith.constant 1166 : index
    %get3A_2046 = tpu.vector_load %arg5[%get3A_2045] {strides = array<i32>} : memref<1600xi32, #tpu.memory_space<vmem>>, vector<16xi32>,
    tpu.vector_store_idx %arg7[%broadcast_in_dim3A_9, %add3A_2041, %get3A_2046], %broadcast_in_dim3A_5 masked %lt3A_2044 : memref<1x50x1000xf32, #tpu.memory_space<vmem>>[vector<16xi32>, vector<16xi32>, vector<16xi32>], vector<16xf32>, vector<16xi1>
    %add3A_2047 = arith.constant 32 : i32
    %add3A_2048 = vector.broadcast %add3A_2047 : i32 to vector<16xi32>
    %add3A_2049 = arith.addi %iota3A, %add3A_2048 : vector<16xi32>
    %lt3A_2050 = arith.constant 50 : i32
    %lt3A_2051 = vector.broadcast %lt3A_2050 : i32 to vector<16xi32>
    %lt3A_2052 = arith.cmpi slt, %add3A_2049, %lt3A_2051 : vector<16xi32>
    %get3A_2053 = arith.constant 1182 : index
    %get3A_2054 = tpu.vector_load %arg5[%get3A_2053] {strides = array<i32>} : memref<1600xi32, #tpu.memory_space<vmem>>, vector<16xi32>,
    tpu.vector_store_idx %arg7[%broadcast_in_dim3A_9, %add3A_2049, %get3A_2054], %broadcast_in_dim3A_5 masked %lt3A_2052 : memref<1x50x1000xf32, #tpu.memory_space<vmem>>[vector<16xi32>, vector<16xi32>, vector<16xi32>], vector<16xf32>, vector<16xi1>
    %add3A_2055 = arith.constant 48 : i32
    %add3A_2056 = vector.broadcast %add3A_2055 : i32 to vector<16xi32>
    %add3A_2057 = arith.addi %iota3A, %add3A_2056 : vector<16xi32>
    %lt3A_2058 = arith.constant 50 : i32
    %lt3A_2059 = vector.broadcast %lt3A_2058 : i32 to vector<16xi32>
    %lt3A_2060 = arith.cmpi slt, %add3A_2057, %lt3A_2059 : vector<16xi32>
    %get3A_2061 = arith.constant 1184 : index
    %get3A_2062 = tpu.vector_load %arg5[%get3A_2061] {strides = array<i32>} : memref<1600xi32, #tpu.memory_space<vmem>>, vector<16xi32>,
    %add3A_2063 = arith.constant 34 : i32
    %add3A_2064 = vector.broadcast %add3A_2063 : i32 to vector<16xi32>
    %add3A_2065 = arith.addi %iota3A, %add3A_2064 : vector<16xi32>
    %ge3A_2066 = arith.constant 14 : i32
    %ge3A_2067 = vector.broadcast %ge3A_2066 : i32 to vector<16xi32>
    %ge3A_2068 = arith.cmpi sge, %iota3A, %ge3A_2067 : vector<16xi32>
    tpu.vector_store_idx %arg7[%broadcast_in_dim3A_9, %add3A_2065, %get3A_2062], %broadcast_in_dim3A_5 masked %ge3A_2068 : memref<1x50x1000xf32, #tpu.memory_space<vmem>>[vector<16xi32>, vector<16xi32>, vector<16xi32>], vector<16xf32>, vector<16xi1>
    %add3A_2069 = arith.constant 23 : i32
    %add3A_2070 = arith.addi %mul3A_2, %add3A_2069 : i32
    %dma_start3A_2071 = arith.constant 0 : i32
    %dma_start3A_2072 = arith.constant 0 : i32
    %dma_start3A_2073 = tpu.memref_slice %arg4[%add3A_2070, %dma_start3A_2071, %dma_start3A_2072] : memref<1024x50x1000xf32, #tpu.memory_space<hbm>> -> memref<1x50x1000xf32, #tpu.memory_space<hbm>>
    %dma_start3A_2074 = arith.constant 0 : i32
    %dma_start3A_2075 = arith.constant 0 : i32
    %dma_start3A_2076 = tpu.memref_slice %arg4[%add3A_2070, %dma_start3A_2074, %dma_start3A_2075] : memref<1024x50x1000xf32, #tpu.memory_space<hbm>> -> memref<1x50x1000xf32, #tpu.memory_space<hbm>>
    tpu.enqueue_dma source(%arg7 : memref<1x50x1000xf32, #tpu.memory_space<vmem>>) target(%dma_start3A_2076 : memref<1x50x1000xf32, #tpu.memory_space<hbm>>) target_semaphore(%arg9 : memref<!tpu.dma_semaphore, #tpu.memory_space<semaphore_mem>>)
    %dma_wait3A_2077 = arith.constant 0 : i32
    %dma_wait3A_2078 = arith.constant 0 : i32
    %dma_wait3A_2079 = tpu.memref_slice %arg4[%add3A_1980, %dma_wait3A_2077, %dma_wait3A_2078] : memref<1024x50x1000xf32, #tpu.memory_space<hbm>> -> memref<1x50x1000xf32, #tpu.memory_space<hbm>>
    %dma_wait3A_2080 = arith.constant 0 : i32
    %dma_wait3A_2081 = arith.constant 0 : i32
    %dma_wait3A_2082 = tpu.memref_slice %arg4[%add3A_1980, %dma_wait3A_2080, %dma_wait3A_2081] : memref<1024x50x1000xf32, #tpu.memory_space<hbm>> -> memref<1x50x1000xf32, #tpu.memory_space<hbm>>
    tpu.wait_dma2 semaphore(%arg8 : memref<!tpu.dma_semaphore, #tpu.memory_space<semaphore_mem>>) src(%arg6 : memref<1x50x1000xf32, #tpu.memory_space<vmem>>) dst(%dma_wait3A_2082 : memref<1x50x1000xf32, #tpu.memory_space<hbm>>)
    %add3A_2083 = arith.constant 0 : i32
    %add3A_2084 = vector.broadcast %add3A_2083 : i32 to vector<16xi32>
    %add3A_2085 = arith.addi %iota3A, %add3A_2084 : vector<16xi32>
    %lt3A_2086 = arith.constant 50 : i32
    %lt3A_2087 = vector.broadcast %lt3A_2086 : i32 to vector<16xi32>
    %lt3A_2088 = arith.cmpi slt, %add3A_2085, %lt3A_2087 : vector<16xi32>
    %get3A_2089 = arith.constant 1100 : index
    %get3A_2090 = tpu.vector_load %arg5[%get3A_2089] {strides = array<i32>} : memref<1600xi32, #tpu.memory_space<vmem>>, vector<16xi32>,
    tpu.vector_store_idx %arg6[%broadcast_in_dim3A_9, %add3A_2085, %get3A_2090], %broadcast_in_dim3A_7 masked %lt3A_2088 : memref<1x50x1000xf32, #tpu.memory_space<vmem>>[vector<16xi32>, vector<16xi32>, vector<16xi32>], vector<16xf32>, vector<16xi1>
    %add3A_2091 = arith.constant 16 : i32
    %add3A_2092 = vector.broadcast %add3A_2091 : i32 to vector<16xi32>
    %add3A_2093 = arith.addi %iota3A, %add3A_2092 : vector<16xi32>
    %lt3A_2094 = arith.constant 50 : i32
    %lt3A_2095 = vector.broadcast %lt3A_2094 : i32 to vector<16xi32>
    %lt3A_2096 = arith.cmpi slt, %add3A_2093, %lt3A_2095 : vector<16xi32>
    %get3A_2097 = arith.constant 1116 : index
    %get3A_2098 = tpu.vector_load %arg5[%get3A_2097] {strides = array<i32>} : memref<1600xi32, #tpu.memory_space<vmem>>, vector<16xi32>,
    tpu.vector_store_idx %arg6[%broadcast_in_dim3A_9, %add3A_2093, %get3A_2098], %broadcast_in_dim3A_7 masked %lt3A_2096 : memref<1x50x1000xf32, #tpu.memory_space<vmem>>[vector<16xi32>, vector<16xi32>, vector<16xi32>], vector<16xf32>, vector<16xi1>
    %add3A_2099 = arith.constant 32 : i32
    %add3A_2100 = vector.broadcast %add3A_2099 : i32 to vector<16xi32>
    %add3A_2101 = arith.addi %iota3A, %add3A_2100 : vector<16xi32>
    %lt3A_2102 = arith.constant 50 : i32
    %lt3A_2103 = vector.broadcast %lt3A_2102 : i32 to vector<16xi32>
    %lt3A_2104 = arith.cmpi slt, %add3A_2101, %lt3A_2103 : vector<16xi32>
    %get3A_2105 = arith.constant 1132 : index
    %get3A_2106 = tpu.vector_load %arg5[%get3A_2105] {strides = array<i32>} : memref<1600xi32, #tpu.memory_space<vmem>>, vector<16xi32>,
    tpu.vector_store_idx %arg6[%broadcast_in_dim3A_9, %add3A_2101, %get3A_2106], %broadcast_in_dim3A_7 masked %lt3A_2104 : memref<1x50x1000xf32, #tpu.memory_space<vmem>>[vector<16xi32>, vector<16xi32>, vector<16xi32>], vector<16xf32>, vector<16xi1>
    %add3A_2107 = arith.constant 48 : i32
    %add3A_2108 = vector.broadcast %add3A_2107 : i32 to vector<16xi32>
    %add3A_2109 = arith.addi %iota3A, %add3A_2108 : vector<16xi32>
    %lt3A_2110 = arith.constant 50 : i32
    %lt3A_2111 = vector.broadcast %lt3A_2110 : i32 to vector<16xi32>
    %lt3A_2112 = arith.cmpi slt, %add3A_2109, %lt3A_2111 : vector<16xi32>
    %get3A_2113 = arith.constant 1134 : index
    %get3A_2114 = tpu.vector_load %arg5[%get3A_2113] {strides = array<i32>} : memref<1600xi32, #tpu.memory_space<vmem>>, vector<16xi32>,
    %add3A_2115 = arith.constant 34 : i32
    %add3A_2116 = vector.broadcast %add3A_2115 : i32 to vector<16xi32>
    %add3A_2117 = arith.addi %iota3A, %add3A_2116 : vector<16xi32>
    %ge3A_2118 = arith.constant 14 : i32
    %ge3A_2119 = vector.broadcast %ge3A_2118 : i32 to vector<16xi32>
    %ge3A_2120 = arith.cmpi sge, %iota3A, %ge3A_2119 : vector<16xi32>
    tpu.vector_store_idx %arg6[%broadcast_in_dim3A_9, %add3A_2117, %get3A_2114], %broadcast_in_dim3A_7 masked %ge3A_2120 : memref<1x50x1000xf32, #tpu.memory_space<vmem>>[vector<16xi32>, vector<16xi32>, vector<16xi32>], vector<16xf32>, vector<16xi1>
    %add3A_2121 = arith.constant 0 : i32
    %add3A_2122 = vector.broadcast %add3A_2121 : i32 to vector<16xi32>
    %add3A_2123 = arith.addi %iota3A, %add3A_2122 : vector<16xi32>
    %lt3A_2124 = arith.constant 50 : i32
    %lt3A_2125 = vector.broadcast %lt3A_2124 : i32 to vector<16xi32>
    %lt3A_2126 = arith.cmpi slt, %add3A_2123, %lt3A_2125 : vector<16xi32>
    %get3A_2127 = arith.constant 1200 : index
    %get3A_2128 = tpu.vector_load %arg5[%get3A_2127] {strides = array<i32>} : memref<1600xi32, #tpu.memory_space<vmem>>, vector<16xi32>,
    tpu.vector_store_idx %arg6[%broadcast_in_dim3A_9, %add3A_2123, %get3A_2128], %broadcast_in_dim3A_5 masked %lt3A_2126 : memref<1x50x1000xf32, #tpu.memory_space<vmem>>[vector<16xi32>, vector<16xi32>, vector<16xi32>], vector<16xf32>, vector<16xi1>
    %add3A_2129 = arith.constant 16 : i32
    %add3A_2130 = vector.broadcast %add3A_2129 : i32 to vector<16xi32>
    %add3A_2131 = arith.addi %iota3A, %add3A_2130 : vector<16xi32>
    %lt3A_2132 = arith.constant 50 : i32
    %lt3A_2133 = vector.broadcast %lt3A_2132 : i32 to vector<16xi32>
    %lt3A_2134 = arith.cmpi slt, %add3A_2131, %lt3A_2133 : vector<16xi32>
    %get3A_2135 = arith.constant 1216 : index
    %get3A_2136 = tpu.vector_load %arg5[%get3A_2135] {strides = array<i32>} : memref<1600xi32, #tpu.memory_space<vmem>>, vector<16xi32>,
    tpu.vector_store_idx %arg6[%broadcast_in_dim3A_9, %add3A_2131, %get3A_2136], %broadcast_in_dim3A_5 masked %lt3A_2134 : memref<1x50x1000xf32, #tpu.memory_space<vmem>>[vector<16xi32>, vector<16xi32>, vector<16xi32>], vector<16xf32>, vector<16xi1>
    %add3A_2137 = arith.constant 32 : i32
    %add3A_2138 = vector.broadcast %add3A_2137 : i32 to vector<16xi32>
    %add3A_2139 = arith.addi %iota3A, %add3A_2138 : vector<16xi32>
    %lt3A_2140 = arith.constant 50 : i32
    %lt3A_2141 = vector.broadcast %lt3A_2140 : i32 to vector<16xi32>
    %lt3A_2142 = arith.cmpi slt, %add3A_2139, %lt3A_2141 : vector<16xi32>
    %get3A_2143 = arith.constant 1232 : index
    %get3A_2144 = tpu.vector_load %arg5[%get3A_2143] {strides = array<i32>} : memref<1600xi32, #tpu.memory_space<vmem>>, vector<16xi32>,
    tpu.vector_store_idx %arg6[%broadcast_in_dim3A_9, %add3A_2139, %get3A_2144], %broadcast_in_dim3A_5 masked %lt3A_2142 : memref<1x50x1000xf32, #tpu.memory_space<vmem>>[vector<16xi32>, vector<16xi32>, vector<16xi32>], vector<16xf32>, vector<16xi1>
    %add3A_2145 = arith.constant 48 : i32
    %add3A_2146 = vector.broadcast %add3A_2145 : i32 to vector<16xi32>
    %add3A_2147 = arith.addi %iota3A, %add3A_2146 : vector<16xi32>
    %lt3A_2148 = arith.constant 50 : i32
    %lt3A_2149 = vector.broadcast %lt3A_2148 : i32 to vector<16xi32>
    %lt3A_2150 = arith.cmpi slt, %add3A_2147, %lt3A_2149 : vector<16xi32>
    %get3A_2151 = arith.constant 1234 : index
    %get3A_2152 = tpu.vector_load %arg5[%get3A_2151] {strides = array<i32>} : memref<1600xi32, #tpu.memory_space<vmem>>, vector<16xi32>,
    %add3A_2153 = arith.constant 34 : i32
    %add3A_2154 = vector.broadcast %add3A_2153 : i32 to vector<16xi32>
    %add3A_2155 = arith.addi %iota3A, %add3A_2154 : vector<16xi32>
    %ge3A_2156 = arith.constant 14 : i32
    %ge3A_2157 = vector.broadcast %ge3A_2156 : i32 to vector<16xi32>
    %ge3A_2158 = arith.cmpi sge, %iota3A, %ge3A_2157 : vector<16xi32>
    tpu.vector_store_idx %arg6[%broadcast_in_dim3A_9, %add3A_2155, %get3A_2152], %broadcast_in_dim3A_5 masked %ge3A_2158 : memref<1x50x1000xf32, #tpu.memory_space<vmem>>[vector<16xi32>, vector<16xi32>, vector<16xi32>], vector<16xf32>, vector<16xi1>
    %add3A_2159 = arith.constant 24 : i32
    %add3A_2160 = arith.addi %mul3A_2, %add3A_2159 : i32
    %dma_start3A_2161 = arith.constant 0 : i32
    %dma_start3A_2162 = arith.constant 0 : i32
    %dma_start3A_2163 = tpu.memref_slice %arg4[%add3A_2160, %dma_start3A_2161, %dma_start3A_2162] : memref<1024x50x1000xf32, #tpu.memory_space<hbm>> -> memref<1x50x1000xf32, #tpu.memory_space<hbm>>
    %dma_start3A_2164 = arith.constant 0 : i32
    %dma_start3A_2165 = arith.constant 0 : i32
    %dma_start3A_2166 = tpu.memref_slice %arg4[%add3A_2160, %dma_start3A_2164, %dma_start3A_2165] : memref<1024x50x1000xf32, #tpu.memory_space<hbm>> -> memref<1x50x1000xf32, #tpu.memory_space<hbm>>
    tpu.enqueue_dma source(%arg6 : memref<1x50x1000xf32, #tpu.memory_space<vmem>>) target(%dma_start3A_2166 : memref<1x50x1000xf32, #tpu.memory_space<hbm>>) target_semaphore(%arg8 : memref<!tpu.dma_semaphore, #tpu.memory_space<semaphore_mem>>)
    %dma_wait3A_2167 = arith.constant 0 : i32
    %dma_wait3A_2168 = arith.constant 0 : i32
    %dma_wait3A_2169 = tpu.memref_slice %arg4[%add3A_2070, %dma_wait3A_2167, %dma_wait3A_2168] : memref<1024x50x1000xf32, #tpu.memory_space<hbm>> -> memref<1x50x1000xf32, #tpu.memory_space<hbm>>
    %dma_wait3A_2170 = arith.constant 0 : i32
    %dma_wait3A_2171 = arith.constant 0 : i32
    %dma_wait3A_2172 = tpu.memref_slice %arg4[%add3A_2070, %dma_wait3A_2170, %dma_wait3A_2171] : memref<1024x50x1000xf32, #tpu.memory_space<hbm>> -> memref<1x50x1000xf32, #tpu.memory_space<hbm>>
    tpu.wait_dma2 semaphore(%arg9 : memref<!tpu.dma_semaphore, #tpu.memory_space<semaphore_mem>>) src(%arg7 : memref<1x50x1000xf32, #tpu.memory_space<vmem>>) dst(%dma_wait3A_2172 : memref<1x50x1000xf32, #tpu.memory_space<hbm>>)
    %add3A_2173 = arith.constant 0 : i32
    %add3A_2174 = vector.broadcast %add3A_2173 : i32 to vector<16xi32>
    %add3A_2175 = arith.addi %iota3A, %add3A_2174 : vector<16xi32>
    %lt3A_2176 = arith.constant 50 : i32
    %lt3A_2177 = vector.broadcast %lt3A_2176 : i32 to vector<16xi32>
    %lt3A_2178 = arith.cmpi slt, %add3A_2175, %lt3A_2177 : vector<16xi32>
    %get3A_2179 = arith.constant 1150 : index
    %get3A_2180 = tpu.vector_load %arg5[%get3A_2179] {strides = array<i32>} : memref<1600xi32, #tpu.memory_space<vmem>>, vector<16xi32>,
    tpu.vector_store_idx %arg7[%broadcast_in_dim3A_9, %add3A_2175, %get3A_2180], %broadcast_in_dim3A_7 masked %lt3A_2178 : memref<1x50x1000xf32, #tpu.memory_space<vmem>>[vector<16xi32>, vector<16xi32>, vector<16xi32>], vector<16xf32>, vector<16xi1>
    %add3A_2181 = arith.constant 16 : i32
    %add3A_2182 = vector.broadcast %add3A_2181 : i32 to vector<16xi32>
    %add3A_2183 = arith.addi %iota3A, %add3A_2182 : vector<16xi32>
    %lt3A_2184 = arith.constant 50 : i32
    %lt3A_2185 = vector.broadcast %lt3A_2184 : i32 to vector<16xi32>
    %lt3A_2186 = arith.cmpi slt, %add3A_2183, %lt3A_2185 : vector<16xi32>
    %get3A_2187 = arith.constant 1166 : index
    %get3A_2188 = tpu.vector_load %arg5[%get3A_2187] {strides = array<i32>} : memref<1600xi32, #tpu.memory_space<vmem>>, vector<16xi32>,
    tpu.vector_store_idx %arg7[%broadcast_in_dim3A_9, %add3A_2183, %get3A_2188], %broadcast_in_dim3A_7 masked %lt3A_2186 : memref<1x50x1000xf32, #tpu.memory_space<vmem>>[vector<16xi32>, vector<16xi32>, vector<16xi32>], vector<16xf32>, vector<16xi1>
    %add3A_2189 = arith.constant 32 : i32
    %add3A_2190 = vector.broadcast %add3A_2189 : i32 to vector<16xi32>
    %add3A_2191 = arith.addi %iota3A, %add3A_2190 : vector<16xi32>
    %lt3A_2192 = arith.constant 50 : i32
    %lt3A_2193 = vector.broadcast %lt3A_2192 : i32 to vector<16xi32>
    %lt3A_2194 = arith.cmpi slt, %add3A_2191, %lt3A_2193 : vector<16xi32>
    %get3A_2195 = arith.constant 1182 : index
    %get3A_2196 = tpu.vector_load %arg5[%get3A_2195] {strides = array<i32>} : memref<1600xi32, #tpu.memory_space<vmem>>, vector<16xi32>,
    tpu.vector_store_idx %arg7[%broadcast_in_dim3A_9, %add3A_2191, %get3A_2196], %broadcast_in_dim3A_7 masked %lt3A_2194 : memref<1x50x1000xf32, #tpu.memory_space<vmem>>[vector<16xi32>, vector<16xi32>, vector<16xi32>], vector<16xf32>, vector<16xi1>
    %add3A_2197 = arith.constant 48 : i32
    %add3A_2198 = vector.broadcast %add3A_2197 : i32 to vector<16xi32>
    %add3A_2199 = arith.addi %iota3A, %add3A_2198 : vector<16xi32>
    %lt3A_2200 = arith.constant 50 : i32
    %lt3A_2201 = vector.broadcast %lt3A_2200 : i32 to vector<16xi32>
    %lt3A_2202 = arith.cmpi slt, %add3A_2199, %lt3A_2201 : vector<16xi32>
    %get3A_2203 = arith.constant 1184 : index
    %get3A_2204 = tpu.vector_load %arg5[%get3A_2203] {strides = array<i32>} : memref<1600xi32, #tpu.memory_space<vmem>>, vector<16xi32>,
    %add3A_2205 = arith.constant 34 : i32
    %add3A_2206 = vector.broadcast %add3A_2205 : i32 to vector<16xi32>
    %add3A_2207 = arith.addi %iota3A, %add3A_2206 : vector<16xi32>
    %ge3A_2208 = arith.constant 14 : i32
    %ge3A_2209 = vector.broadcast %ge3A_2208 : i32 to vector<16xi32>
    %ge3A_2210 = arith.cmpi sge, %iota3A, %ge3A_2209 : vector<16xi32>
    tpu.vector_store_idx %arg7[%broadcast_in_dim3A_9, %add3A_2207, %get3A_2204], %broadcast_in_dim3A_7 masked %ge3A_2210 : memref<1x50x1000xf32, #tpu.memory_space<vmem>>[vector<16xi32>, vector<16xi32>, vector<16xi32>], vector<16xf32>, vector<16xi1>
    %add3A_2211 = arith.constant 0 : i32
    %add3A_2212 = vector.broadcast %add3A_2211 : i32 to vector<16xi32>
    %add3A_2213 = arith.addi %iota3A, %add3A_2212 : vector<16xi32>
    %lt3A_2214 = arith.constant 50 : i32
    %lt3A_2215 = vector.broadcast %lt3A_2214 : i32 to vector<16xi32>
    %lt3A_2216 = arith.cmpi slt, %add3A_2213, %lt3A_2215 : vector<16xi32>
    %get3A_2217 = arith.constant 1250 : index
    %get3A_2218 = tpu.vector_load %arg5[%get3A_2217] {strides = array<i32>} : memref<1600xi32, #tpu.memory_space<vmem>>, vector<16xi32>,
    tpu.vector_store_idx %arg7[%broadcast_in_dim3A_9, %add3A_2213, %get3A_2218], %broadcast_in_dim3A_5 masked %lt3A_2216 : memref<1x50x1000xf32, #tpu.memory_space<vmem>>[vector<16xi32>, vector<16xi32>, vector<16xi32>], vector<16xf32>, vector<16xi1>
    %add3A_2219 = arith.constant 16 : i32
    %add3A_2220 = vector.broadcast %add3A_2219 : i32 to vector<16xi32>
    %add3A_2221 = arith.addi %iota3A, %add3A_2220 : vector<16xi32>
    %lt3A_2222 = arith.constant 50 : i32
    %lt3A_2223 = vector.broadcast %lt3A_2222 : i32 to vector<16xi32>
    %lt3A_2224 = arith.cmpi slt, %add3A_2221, %lt3A_2223 : vector<16xi32>
    %get3A_2225 = arith.constant 1266 : index
    %get3A_2226 = tpu.vector_load %arg5[%get3A_2225] {strides = array<i32>} : memref<1600xi32, #tpu.memory_space<vmem>>, vector<16xi32>,
    tpu.vector_store_idx %arg7[%broadcast_in_dim3A_9, %add3A_2221, %get3A_2226], %broadcast_in_dim3A_5 masked %lt3A_2224 : memref<1x50x1000xf32, #tpu.memory_space<vmem>>[vector<16xi32>, vector<16xi32>, vector<16xi32>], vector<16xf32>, vector<16xi1>
    %add3A_2227 = arith.constant 32 : i32
    %add3A_2228 = vector.broadcast %add3A_2227 : i32 to vector<16xi32>
    %add3A_2229 = arith.addi %iota3A, %add3A_2228 : vector<16xi32>
    %lt3A_2230 = arith.constant 50 : i32
    %lt3A_2231 = vector.broadcast %lt3A_2230 : i32 to vector<16xi32>
    %lt3A_2232 = arith.cmpi slt, %add3A_2229, %lt3A_2231 : vector<16xi32>
    %get3A_2233 = arith.constant 1282 : index
    %get3A_2234 = tpu.vector_load %arg5[%get3A_2233] {strides = array<i32>} : memref<1600xi32, #tpu.memory_space<vmem>>, vector<16xi32>,
    tpu.vector_store_idx %arg7[%broadcast_in_dim3A_9, %add3A_2229, %get3A_2234], %broadcast_in_dim3A_5 masked %lt3A_2232 : memref<1x50x1000xf32, #tpu.memory_space<vmem>>[vector<16xi32>, vector<16xi32>, vector<16xi32>], vector<16xf32>, vector<16xi1>
    %add3A_2235 = arith.constant 48 : i32
    %add3A_2236 = vector.broadcast %add3A_2235 : i32 to vector<16xi32>
    %add3A_2237 = arith.addi %iota3A, %add3A_2236 : vector<16xi32>
    %lt3A_2238 = arith.constant 50 : i32
    %lt3A_2239 = vector.broadcast %lt3A_2238 : i32 to vector<16xi32>
    %lt3A_2240 = arith.cmpi slt, %add3A_2237, %lt3A_2239 : vector<16xi32>
    %get3A_2241 = arith.constant 1284 : index
    %get3A_2242 = tpu.vector_load %arg5[%get3A_2241] {strides = array<i32>} : memref<1600xi32, #tpu.memory_space<vmem>>, vector<16xi32>,
    %add3A_2243 = arith.constant 34 : i32
    %add3A_2244 = vector.broadcast %add3A_2243 : i32 to vector<16xi32>
    %add3A_2245 = arith.addi %iota3A, %add3A_2244 : vector<16xi32>
    %ge3A_2246 = arith.constant 14 : i32
    %ge3A_2247 = vector.broadcast %ge3A_2246 : i32 to vector<16xi32>
    %ge3A_2248 = arith.cmpi sge, %iota3A, %ge3A_2247 : vector<16xi32>
    tpu.vector_store_idx %arg7[%broadcast_in_dim3A_9, %add3A_2245, %get3A_2242], %broadcast_in_dim3A_5 masked %ge3A_2248 : memref<1x50x1000xf32, #tpu.memory_space<vmem>>[vector<16xi32>, vector<16xi32>, vector<16xi32>], vector<16xf32>, vector<16xi1>
    %add3A_2249 = arith.constant 25 : i32
    %add3A_2250 = arith.addi %mul3A_2, %add3A_2249 : i32
    %dma_start3A_2251 = arith.constant 0 : i32
    %dma_start3A_2252 = arith.constant 0 : i32
    %dma_start3A_2253 = tpu.memref_slice %arg4[%add3A_2250, %dma_start3A_2251, %dma_start3A_2252] : memref<1024x50x1000xf32, #tpu.memory_space<hbm>> -> memref<1x50x1000xf32, #tpu.memory_space<hbm>>
    %dma_start3A_2254 = arith.constant 0 : i32
    %dma_start3A_2255 = arith.constant 0 : i32
    %dma_start3A_2256 = tpu.memref_slice %arg4[%add3A_2250, %dma_start3A_2254, %dma_start3A_2255] : memref<1024x50x1000xf32, #tpu.memory_space<hbm>> -> memref<1x50x1000xf32, #tpu.memory_space<hbm>>
    tpu.enqueue_dma source(%arg7 : memref<1x50x1000xf32, #tpu.memory_space<vmem>>) target(%dma_start3A_2256 : memref<1x50x1000xf32, #tpu.memory_space<hbm>>) target_semaphore(%arg9 : memref<!tpu.dma_semaphore, #tpu.memory_space<semaphore_mem>>)
    %dma_wait3A_2257 = arith.constant 0 : i32
    %dma_wait3A_2258 = arith.constant 0 : i32
    %dma_wait3A_2259 = tpu.memref_slice %arg4[%add3A_2160, %dma_wait3A_2257, %dma_wait3A_2258] : memref<1024x50x1000xf32, #tpu.memory_space<hbm>> -> memref<1x50x1000xf32, #tpu.memory_space<hbm>>
    %dma_wait3A_2260 = arith.constant 0 : i32
    %dma_wait3A_2261 = arith.constant 0 : i32
    %dma_wait3A_2262 = tpu.memref_slice %arg4[%add3A_2160, %dma_wait3A_2260, %dma_wait3A_2261] : memref<1024x50x1000xf32, #tpu.memory_space<hbm>> -> memref<1x50x1000xf32, #tpu.memory_space<hbm>>
    tpu.wait_dma2 semaphore(%arg8 : memref<!tpu.dma_semaphore, #tpu.memory_space<semaphore_mem>>) src(%arg6 : memref<1x50x1000xf32, #tpu.memory_space<vmem>>) dst(%dma_wait3A_2262 : memref<1x50x1000xf32, #tpu.memory_space<hbm>>)
    %add3A_2263 = arith.constant 0 : i32
    %add3A_2264 = vector.broadcast %add3A_2263 : i32 to vector<16xi32>
    %add3A_2265 = arith.addi %iota3A, %add3A_2264 : vector<16xi32>
    %lt3A_2266 = arith.constant 50 : i32
    %lt3A_2267 = vector.broadcast %lt3A_2266 : i32 to vector<16xi32>
    %lt3A_2268 = arith.cmpi slt, %add3A_2265, %lt3A_2267 : vector<16xi32>
    %get3A_2269 = arith.constant 1200 : index
    %get3A_2270 = tpu.vector_load %arg5[%get3A_2269] {strides = array<i32>} : memref<1600xi32, #tpu.memory_space<vmem>>, vector<16xi32>,
    tpu.vector_store_idx %arg6[%broadcast_in_dim3A_9, %add3A_2265, %get3A_2270], %broadcast_in_dim3A_7 masked %lt3A_2268 : memref<1x50x1000xf32, #tpu.memory_space<vmem>>[vector<16xi32>, vector<16xi32>, vector<16xi32>], vector<16xf32>, vector<16xi1>
    %add3A_2271 = arith.constant 16 : i32
    %add3A_2272 = vector.broadcast %add3A_2271 : i32 to vector<16xi32>
    %add3A_2273 = arith.addi %iota3A, %add3A_2272 : vector<16xi32>
    %lt3A_2274 = arith.constant 50 : i32
    %lt3A_2275 = vector.broadcast %lt3A_2274 : i32 to vector<16xi32>
    %lt3A_2276 = arith.cmpi slt, %add3A_2273, %lt3A_2275 : vector<16xi32>
    %get3A_2277 = arith.constant 1216 : index
    %get3A_2278 = tpu.vector_load %arg5[%get3A_2277] {strides = array<i32>} : memref<1600xi32, #tpu.memory_space<vmem>>, vector<16xi32>,
    tpu.vector_store_idx %arg6[%broadcast_in_dim3A_9, %add3A_2273, %get3A_2278], %broadcast_in_dim3A_7 masked %lt3A_2276 : memref<1x50x1000xf32, #tpu.memory_space<vmem>>[vector<16xi32>, vector<16xi32>, vector<16xi32>], vector<16xf32>, vector<16xi1>
    %add3A_2279 = arith.constant 32 : i32
    %add3A_2280 = vector.broadcast %add3A_2279 : i32 to vector<16xi32>
    %add3A_2281 = arith.addi %iota3A, %add3A_2280 : vector<16xi32>
    %lt3A_2282 = arith.constant 50 : i32
    %lt3A_2283 = vector.broadcast %lt3A_2282 : i32 to vector<16xi32>
    %lt3A_2284 = arith.cmpi slt, %add3A_2281, %lt3A_2283 : vector<16xi32>
    %get3A_2285 = arith.constant 1232 : index
    %get3A_2286 = tpu.vector_load %arg5[%get3A_2285] {strides = array<i32>} : memref<1600xi32, #tpu.memory_space<vmem>>, vector<16xi32>,
    tpu.vector_store_idx %arg6[%broadcast_in_dim3A_9, %add3A_2281, %get3A_2286], %broadcast_in_dim3A_7 masked %lt3A_2284 : memref<1x50x1000xf32, #tpu.memory_space<vmem>>[vector<16xi32>, vector<16xi32>, vector<16xi32>], vector<16xf32>, vector<16xi1>
    %add3A_2287 = arith.constant 48 : i32
    %add3A_2288 = vector.broadcast %add3A_2287 : i32 to vector<16xi32>
    %add3A_2289 = arith.addi %iota3A, %add3A_2288 : vector<16xi32>
    %lt3A_2290 = arith.constant 50 : i32
    %lt3A_2291 = vector.broadcast %lt3A_2290 : i32 to vector<16xi32>
    %lt3A_2292 = arith.cmpi slt, %add3A_2289, %lt3A_2291 : vector<16xi32>
    %get3A_2293 = arith.constant 1234 : index
    %get3A_2294 = tpu.vector_load %arg5[%get3A_2293] {strides = array<i32>} : memref<1600xi32, #tpu.memory_space<vmem>>, vector<16xi32>,
    %add3A_2295 = arith.constant 34 : i32
    %add3A_2296 = vector.broadcast %add3A_2295 : i32 to vector<16xi32>
    %add3A_2297 = arith.addi %iota3A, %add3A_2296 : vector<16xi32>
    %ge3A_2298 = arith.constant 14 : i32
    %ge3A_2299 = vector.broadcast %ge3A_2298 : i32 to vector<16xi32>
    %ge3A_2300 = arith.cmpi sge, %iota3A, %ge3A_2299 : vector<16xi32>
    tpu.vector_store_idx %arg6[%broadcast_in_dim3A_9, %add3A_2297, %get3A_2294], %broadcast_in_dim3A_7 masked %ge3A_2300 : memref<1x50x1000xf32, #tpu.memory_space<vmem>>[vector<16xi32>, vector<16xi32>, vector<16xi32>], vector<16xf32>, vector<16xi1>
    %add3A_2301 = arith.constant 0 : i32
    %add3A_2302 = vector.broadcast %add3A_2301 : i32 to vector<16xi32>
    %add3A_2303 = arith.addi %iota3A, %add3A_2302 : vector<16xi32>
    %lt3A_2304 = arith.constant 50 : i32
    %lt3A_2305 = vector.broadcast %lt3A_2304 : i32 to vector<16xi32>
    %lt3A_2306 = arith.cmpi slt, %add3A_2303, %lt3A_2305 : vector<16xi32>
    %get3A_2307 = arith.constant 1300 : index
    %get3A_2308 = tpu.vector_load %arg5[%get3A_2307] {strides = array<i32>} : memref<1600xi32, #tpu.memory_space<vmem>>, vector<16xi32>,
    tpu.vector_store_idx %arg6[%broadcast_in_dim3A_9, %add3A_2303, %get3A_2308], %broadcast_in_dim3A_5 masked %lt3A_2306 : memref<1x50x1000xf32, #tpu.memory_space<vmem>>[vector<16xi32>, vector<16xi32>, vector<16xi32>], vector<16xf32>, vector<16xi1>
    %add3A_2309 = arith.constant 16 : i32
    %add3A_2310 = vector.broadcast %add3A_2309 : i32 to vector<16xi32>
    %add3A_2311 = arith.addi %iota3A, %add3A_2310 : vector<16xi32>
    %lt3A_2312 = arith.constant 50 : i32
    %lt3A_2313 = vector.broadcast %lt3A_2312 : i32 to vector<16xi32>
    %lt3A_2314 = arith.cmpi slt, %add3A_2311, %lt3A_2313 : vector<16xi32>
    %get3A_2315 = arith.constant 1316 : index
    %get3A_2316 = tpu.vector_load %arg5[%get3A_2315] {strides = array<i32>} : memref<1600xi32, #tpu.memory_space<vmem>>, vector<16xi32>,
    tpu.vector_store_idx %arg6[%broadcast_in_dim3A_9, %add3A_2311, %get3A_2316], %broadcast_in_dim3A_5 masked %lt3A_2314 : memref<1x50x1000xf32, #tpu.memory_space<vmem>>[vector<16xi32>, vector<16xi32>, vector<16xi32>], vector<16xf32>, vector<16xi1>
    %add3A_2317 = arith.constant 32 : i32
    %add3A_2318 = vector.broadcast %add3A_2317 : i32 to vector<16xi32>
    %add3A_2319 = arith.addi %iota3A, %add3A_2318 : vector<16xi32>
    %lt3A_2320 = arith.constant 50 : i32
    %lt3A_2321 = vector.broadcast %lt3A_2320 : i32 to vector<16xi32>
    %lt3A_2322 = arith.cmpi slt, %add3A_2319, %lt3A_2321 : vector<16xi32>
    %get3A_2323 = arith.constant 1332 : index
    %get3A_2324 = tpu.vector_load %arg5[%get3A_2323] {strides = array<i32>} : memref<1600xi32, #tpu.memory_space<vmem>>, vector<16xi32>,
    tpu.vector_store_idx %arg6[%broadcast_in_dim3A_9, %add3A_2319, %get3A_2324], %broadcast_in_dim3A_5 masked %lt3A_2322 : memref<1x50x1000xf32, #tpu.memory_space<vmem>>[vector<16xi32>, vector<16xi32>, vector<16xi32>], vector<16xf32>, vector<16xi1>
    %add3A_2325 = arith.constant 48 : i32
    %add3A_2326 = vector.broadcast %add3A_2325 : i32 to vector<16xi32>
    %add3A_2327 = arith.addi %iota3A, %add3A_2326 : vector<16xi32>
    %lt3A_2328 = arith.constant 50 : i32
    %lt3A_2329 = vector.broadcast %lt3A_2328 : i32 to vector<16xi32>
    %lt3A_2330 = arith.cmpi slt, %add3A_2327, %lt3A_2329 : vector<16xi32>
    %get3A_2331 = arith.constant 1334 : index
    %get3A_2332 = tpu.vector_load %arg5[%get3A_2331] {strides = array<i32>} : memref<1600xi32, #tpu.memory_space<vmem>>, vector<16xi32>,
    %add3A_2333 = arith.constant 34 : i32
    %add3A_2334 = vector.broadcast %add3A_2333 : i32 to vector<16xi32>
    %add3A_2335 = arith.addi %iota3A, %add3A_2334 : vector<16xi32>
    %ge3A_2336 = arith.constant 14 : i32
    %ge3A_2337 = vector.broadcast %ge3A_2336 : i32 to vector<16xi32>
    %ge3A_2338 = arith.cmpi sge, %iota3A, %ge3A_2337 : vector<16xi32>
    tpu.vector_store_idx %arg6[%broadcast_in_dim3A_9, %add3A_2335, %get3A_2332], %broadcast_in_dim3A_5 masked %ge3A_2338 : memref<1x50x1000xf32, #tpu.memory_space<vmem>>[vector<16xi32>, vector<16xi32>, vector<16xi32>], vector<16xf32>, vector<16xi1>
    %add3A_2339 = arith.constant 26 : i32
    %add3A_2340 = arith.addi %mul3A_2, %add3A_2339 : i32
    %dma_start3A_2341 = arith.constant 0 : i32
    %dma_start3A_2342 = arith.constant 0 : i32
    %dma_start3A_2343 = tpu.memref_slice %arg4[%add3A_2340, %dma_start3A_2341, %dma_start3A_2342] : memref<1024x50x1000xf32, #tpu.memory_space<hbm>> -> memref<1x50x1000xf32, #tpu.memory_space<hbm>>
    %dma_start3A_2344 = arith.constant 0 : i32
    %dma_start3A_2345 = arith.constant 0 : i32
    %dma_start3A_2346 = tpu.memref_slice %arg4[%add3A_2340, %dma_start3A_2344, %dma_start3A_2345] : memref<1024x50x1000xf32, #tpu.memory_space<hbm>> -> memref<1x50x1000xf32, #tpu.memory_space<hbm>>
    tpu.enqueue_dma source(%arg6 : memref<1x50x1000xf32, #tpu.memory_space<vmem>>) target(%dma_start3A_2346 : memref<1x50x1000xf32, #tpu.memory_space<hbm>>) target_semaphore(%arg8 : memref<!tpu.dma_semaphore, #tpu.memory_space<semaphore_mem>>)
    %dma_wait3A_2347 = arith.constant 0 : i32
    %dma_wait3A_2348 = arith.constant 0 : i32
    %dma_wait3A_2349 = tpu.memref_slice %arg4[%add3A_2250, %dma_wait3A_2347, %dma_wait3A_2348] : memref<1024x50x1000xf32, #tpu.memory_space<hbm>> -> memref<1x50x1000xf32, #tpu.memory_space<hbm>>
    %dma_wait3A_2350 = arith.constant 0 : i32
    %dma_wait3A_2351 = arith.constant 0 : i32
    %dma_wait3A_2352 = tpu.memref_slice %arg4[%add3A_2250, %dma_wait3A_2350, %dma_wait3A_2351] : memref<1024x50x1000xf32, #tpu.memory_space<hbm>> -> memref<1x50x1000xf32, #tpu.memory_space<hbm>>
    tpu.wait_dma2 semaphore(%arg9 : memref<!tpu.dma_semaphore, #tpu.memory_space<semaphore_mem>>) src(%arg7 : memref<1x50x1000xf32, #tpu.memory_space<vmem>>) dst(%dma_wait3A_2352 : memref<1x50x1000xf32, #tpu.memory_space<hbm>>)
    %add3A_2353 = arith.constant 0 : i32
    %add3A_2354 = vector.broadcast %add3A_2353 : i32 to vector<16xi32>
    %add3A_2355 = arith.addi %iota3A, %add3A_2354 : vector<16xi32>
    %lt3A_2356 = arith.constant 50 : i32
    %lt3A_2357 = vector.broadcast %lt3A_2356 : i32 to vector<16xi32>
    %lt3A_2358 = arith.cmpi slt, %add3A_2355, %lt3A_2357 : vector<16xi32>
    %get3A_2359 = arith.constant 1250 : index
    %get3A_2360 = tpu.vector_load %arg5[%get3A_2359] {strides = array<i32>} : memref<1600xi32, #tpu.memory_space<vmem>>, vector<16xi32>,
    tpu.vector_store_idx %arg7[%broadcast_in_dim3A_9, %add3A_2355, %get3A_2360], %broadcast_in_dim3A_7 masked %lt3A_2358 : memref<1x50x1000xf32, #tpu.memory_space<vmem>>[vector<16xi32>, vector<16xi32>, vector<16xi32>], vector<16xf32>, vector<16xi1>
    %add3A_2361 = arith.constant 16 : i32
    %add3A_2362 = vector.broadcast %add3A_2361 : i32 to vector<16xi32>
    %add3A_2363 = arith.addi %iota3A, %add3A_2362 : vector<16xi32>
    %lt3A_2364 = arith.constant 50 : i32
    %lt3A_2365 = vector.broadcast %lt3A_2364 : i32 to vector<16xi32>
    %lt3A_2366 = arith.cmpi slt, %add3A_2363, %lt3A_2365 : vector<16xi32>
    %get3A_2367 = arith.constant 1266 : index
    %get3A_2368 = tpu.vector_load %arg5[%get3A_2367] {strides = array<i32>} : memref<1600xi32, #tpu.memory_space<vmem>>, vector<16xi32>,
    tpu.vector_store_idx %arg7[%broadcast_in_dim3A_9, %add3A_2363, %get3A_2368], %broadcast_in_dim3A_7 masked %lt3A_2366 : memref<1x50x1000xf32, #tpu.memory_space<vmem>>[vector<16xi32>, vector<16xi32>, vector<16xi32>], vector<16xf32>, vector<16xi1>
    %add3A_2369 = arith.constant 32 : i32
    %add3A_2370 = vector.broadcast %add3A_2369 : i32 to vector<16xi32>
    %add3A_2371 = arith.addi %iota3A, %add3A_2370 : vector<16xi32>
    %lt3A_2372 = arith.constant 50 : i32
    %lt3A_2373 = vector.broadcast %lt3A_2372 : i32 to vector<16xi32>
    %lt3A_2374 = arith.cmpi slt, %add3A_2371, %lt3A_2373 : vector<16xi32>
    %get3A_2375 = arith.constant 1282 : index
    %get3A_2376 = tpu.vector_load %arg5[%get3A_2375] {strides = array<i32>} : memref<1600xi32, #tpu.memory_space<vmem>>, vector<16xi32>,
    tpu.vector_store_idx %arg7[%broadcast_in_dim3A_9, %add3A_2371, %get3A_2376], %broadcast_in_dim3A_7 masked %lt3A_2374 : memref<1x50x1000xf32, #tpu.memory_space<vmem>>[vector<16xi32>, vector<16xi32>, vector<16xi32>], vector<16xf32>, vector<16xi1>
    %add3A_2377 = arith.constant 48 : i32
    %add3A_2378 = vector.broadcast %add3A_2377 : i32 to vector<16xi32>
    %add3A_2379 = arith.addi %iota3A, %add3A_2378 : vector<16xi32>
    %lt3A_2380 = arith.constant 50 : i32
    %lt3A_2381 = vector.broadcast %lt3A_2380 : i32 to vector<16xi32>
    %lt3A_2382 = arith.cmpi slt, %add3A_2379, %lt3A_2381 : vector<16xi32>
    %get3A_2383 = arith.constant 1284 : index
    %get3A_2384 = tpu.vector_load %arg5[%get3A_2383] {strides = array<i32>} : memref<1600xi32, #tpu.memory_space<vmem>>, vector<16xi32>,
    %add3A_2385 = arith.constant 34 : i32
    %add3A_2386 = vector.broadcast %add3A_2385 : i32 to vector<16xi32>
    %add3A_2387 = arith.addi %iota3A, %add3A_2386 : vector<16xi32>
    %ge3A_2388 = arith.constant 14 : i32
    %ge3A_2389 = vector.broadcast %ge3A_2388 : i32 to vector<16xi32>
    %ge3A_2390 = arith.cmpi sge, %iota3A, %ge3A_2389 : vector<16xi32>
    tpu.vector_store_idx %arg7[%broadcast_in_dim3A_9, %add3A_2387, %get3A_2384], %broadcast_in_dim3A_7 masked %ge3A_2390 : memref<1x50x1000xf32, #tpu.memory_space<vmem>>[vector<16xi32>, vector<16xi32>, vector<16xi32>], vector<16xf32>, vector<16xi1>
    %add3A_2391 = arith.constant 0 : i32
    %add3A_2392 = vector.broadcast %add3A_2391 : i32 to vector<16xi32>
    %add3A_2393 = arith.addi %iota3A, %add3A_2392 : vector<16xi32>
    %lt3A_2394 = arith.constant 50 : i32
    %lt3A_2395 = vector.broadcast %lt3A_2394 : i32 to vector<16xi32>
    %lt3A_2396 = arith.cmpi slt, %add3A_2393, %lt3A_2395 : vector<16xi32>
    %get3A_2397 = arith.constant 1350 : index
    %get3A_2398 = tpu.vector_load %arg5[%get3A_2397] {strides = array<i32>} : memref<1600xi32, #tpu.memory_space<vmem>>, vector<16xi32>,
    tpu.vector_store_idx %arg7[%broadcast_in_dim3A_9, %add3A_2393, %get3A_2398], %broadcast_in_dim3A_5 masked %lt3A_2396 : memref<1x50x1000xf32, #tpu.memory_space<vmem>>[vector<16xi32>, vector<16xi32>, vector<16xi32>], vector<16xf32>, vector<16xi1>
    %add3A_2399 = arith.constant 16 : i32
    %add3A_2400 = vector.broadcast %add3A_2399 : i32 to vector<16xi32>
    %add3A_2401 = arith.addi %iota3A, %add3A_2400 : vector<16xi32>
    %lt3A_2402 = arith.constant 50 : i32
    %lt3A_2403 = vector.broadcast %lt3A_2402 : i32 to vector<16xi32>
    %lt3A_2404 = arith.cmpi slt, %add3A_2401, %lt3A_2403 : vector<16xi32>
    %get3A_2405 = arith.constant 1366 : index
    %get3A_2406 = tpu.vector_load %arg5[%get3A_2405] {strides = array<i32>} : memref<1600xi32, #tpu.memory_space<vmem>>, vector<16xi32>,
    tpu.vector_store_idx %arg7[%broadcast_in_dim3A_9, %add3A_2401, %get3A_2406], %broadcast_in_dim3A_5 masked %lt3A_2404 : memref<1x50x1000xf32, #tpu.memory_space<vmem>>[vector<16xi32>, vector<16xi32>, vector<16xi32>], vector<16xf32>, vector<16xi1>
    %add3A_2407 = arith.constant 32 : i32
    %add3A_2408 = vector.broadcast %add3A_2407 : i32 to vector<16xi32>
    %add3A_2409 = arith.addi %iota3A, %add3A_2408 : vector<16xi32>
    %lt3A_2410 = arith.constant 50 : i32
    %lt3A_2411 = vector.broadcast %lt3A_2410 : i32 to vector<16xi32>
    %lt3A_2412 = arith.cmpi slt, %add3A_2409, %lt3A_2411 : vector<16xi32>
    %get3A_2413 = arith.constant 1382 : index
    %get3A_2414 = tpu.vector_load %arg5[%get3A_2413] {strides = array<i32>} : memref<1600xi32, #tpu.memory_space<vmem>>, vector<16xi32>,
    tpu.vector_store_idx %arg7[%broadcast_in_dim3A_9, %add3A_2409, %get3A_2414], %broadcast_in_dim3A_5 masked %lt3A_2412 : memref<1x50x1000xf32, #tpu.memory_space<vmem>>[vector<16xi32>, vector<16xi32>, vector<16xi32>], vector<16xf32>, vector<16xi1>
    %add3A_2415 = arith.constant 48 : i32
    %add3A_2416 = vector.broadcast %add3A_2415 : i32 to vector<16xi32>
    %add3A_2417 = arith.addi %iota3A, %add3A_2416 : vector<16xi32>
    %lt3A_2418 = arith.constant 50 : i32
    %lt3A_2419 = vector.broadcast %lt3A_2418 : i32 to vector<16xi32>
    %lt3A_2420 = arith.cmpi slt, %add3A_2417, %lt3A_2419 : vector<16xi32>
    %get3A_2421 = arith.constant 1384 : index
    %get3A_2422 = tpu.vector_load %arg5[%get3A_2421] {strides = array<i32>} : memref<1600xi32, #tpu.memory_space<vmem>>, vector<16xi32>,
    %add3A_2423 = arith.constant 34 : i32
    %add3A_2424 = vector.broadcast %add3A_2423 : i32 to vector<16xi32>
    %add3A_2425 = arith.addi %iota3A, %add3A_2424 : vector<16xi32>
    %ge3A_2426 = arith.constant 14 : i32
    %ge3A_2427 = vector.broadcast %ge3A_2426 : i32 to vector<16xi32>
    %ge3A_2428 = arith.cmpi sge, %iota3A, %ge3A_2427 : vector<16xi32>
    tpu.vector_store_idx %arg7[%broadcast_in_dim3A_9, %add3A_2425, %get3A_2422], %broadcast_in_dim3A_5 masked %ge3A_2428 : memref<1x50x1000xf32, #tpu.memory_space<vmem>>[vector<16xi32>, vector<16xi32>, vector<16xi32>], vector<16xf32>, vector<16xi1>
    %add3A_2429 = arith.constant 27 : i32
    %add3A_2430 = arith.addi %mul3A_2, %add3A_2429 : i32
    %dma_start3A_2431 = arith.constant 0 : i32
    %dma_start3A_2432 = arith.constant 0 : i32
    %dma_start3A_2433 = tpu.memref_slice %arg4[%add3A_2430, %dma_start3A_2431, %dma_start3A_2432] : memref<1024x50x1000xf32, #tpu.memory_space<hbm>> -> memref<1x50x1000xf32, #tpu.memory_space<hbm>>
    %dma_start3A_2434 = arith.constant 0 : i32
    %dma_start3A_2435 = arith.constant 0 : i32
    %dma_start3A_2436 = tpu.memref_slice %arg4[%add3A_2430, %dma_start3A_2434, %dma_start3A_2435] : memref<1024x50x1000xf32, #tpu.memory_space<hbm>> -> memref<1x50x1000xf32, #tpu.memory_space<hbm>>
    tpu.enqueue_dma source(%arg7 : memref<1x50x1000xf32, #tpu.memory_space<vmem>>) target(%dma_start3A_2436 : memref<1x50x1000xf32, #tpu.memory_space<hbm>>) target_semaphore(%arg9 : memref<!tpu.dma_semaphore, #tpu.memory_space<semaphore_mem>>)
    %dma_wait3A_2437 = arith.constant 0 : i32
    %dma_wait3A_2438 = arith.constant 0 : i32
    %dma_wait3A_2439 = tpu.memref_slice %arg4[%add3A_2340, %dma_wait3A_2437, %dma_wait3A_2438] : memref<1024x50x1000xf32, #tpu.memory_space<hbm>> -> memref<1x50x1000xf32, #tpu.memory_space<hbm>>
    %dma_wait3A_2440 = arith.constant 0 : i32
    %dma_wait3A_2441 = arith.constant 0 : i32
    %dma_wait3A_2442 = tpu.memref_slice %arg4[%add3A_2340, %dma_wait3A_2440, %dma_wait3A_2441] : memref<1024x50x1000xf32, #tpu.memory_space<hbm>> -> memref<1x50x1000xf32, #tpu.memory_space<hbm>>
    tpu.wait_dma2 semaphore(%arg8 : memref<!tpu.dma_semaphore, #tpu.memory_space<semaphore_mem>>) src(%arg6 : memref<1x50x1000xf32, #tpu.memory_space<vmem>>) dst(%dma_wait3A_2442 : memref<1x50x1000xf32, #tpu.memory_space<hbm>>)
    %add3A_2443 = arith.constant 0 : i32
    %add3A_2444 = vector.broadcast %add3A_2443 : i32 to vector<16xi32>
    %add3A_2445 = arith.addi %iota3A, %add3A_2444 : vector<16xi32>
    %lt3A_2446 = arith.constant 50 : i32
    %lt3A_2447 = vector.broadcast %lt3A_2446 : i32 to vector<16xi32>
    %lt3A_2448 = arith.cmpi slt, %add3A_2445, %lt3A_2447 : vector<16xi32>
    %get3A_2449 = arith.constant 1300 : index
    %get3A_2450 = tpu.vector_load %arg5[%get3A_2449] {strides = array<i32>} : memref<1600xi32, #tpu.memory_space<vmem>>, vector<16xi32>,
    tpu.vector_store_idx %arg6[%broadcast_in_dim3A_9, %add3A_2445, %get3A_2450], %broadcast_in_dim3A_7 masked %lt3A_2448 : memref<1x50x1000xf32, #tpu.memory_space<vmem>>[vector<16xi32>, vector<16xi32>, vector<16xi32>], vector<16xf32>, vector<16xi1>
    %add3A_2451 = arith.constant 16 : i32
    %add3A_2452 = vector.broadcast %add3A_2451 : i32 to vector<16xi32>
    %add3A_2453 = arith.addi %iota3A, %add3A_2452 : vector<16xi32>
    %lt3A_2454 = arith.constant 50 : i32
    %lt3A_2455 = vector.broadcast %lt3A_2454 : i32 to vector<16xi32>
    %lt3A_2456 = arith.cmpi slt, %add3A_2453, %lt3A_2455 : vector<16xi32>
    %get3A_2457 = arith.constant 1316 : index
    %get3A_2458 = tpu.vector_load %arg5[%get3A_2457] {strides = array<i32>} : memref<1600xi32, #tpu.memory_space<vmem>>, vector<16xi32>,
    tpu.vector_store_idx %arg6[%broadcast_in_dim3A_9, %add3A_2453, %get3A_2458], %broadcast_in_dim3A_7 masked %lt3A_2456 : memref<1x50x1000xf32, #tpu.memory_space<vmem>>[vector<16xi32>, vector<16xi32>, vector<16xi32>], vector<16xf32>, vector<16xi1>
    %add3A_2459 = arith.constant 32 : i32
    %add3A_2460 = vector.broadcast %add3A_2459 : i32 to vector<16xi32>
    %add3A_2461 = arith.addi %iota3A, %add3A_2460 : vector<16xi32>
    %lt3A_2462 = arith.constant 50 : i32
    %lt3A_2463 = vector.broadcast %lt3A_2462 : i32 to vector<16xi32>
    %lt3A_2464 = arith.cmpi slt, %add3A_2461, %lt3A_2463 : vector<16xi32>
    %get3A_2465 = arith.constant 1332 : index
    %get3A_2466 = tpu.vector_load %arg5[%get3A_2465] {strides = array<i32>} : memref<1600xi32, #tpu.memory_space<vmem>>, vector<16xi32>,
    tpu.vector_store_idx %arg6[%broadcast_in_dim3A_9, %add3A_2461, %get3A_2466], %broadcast_in_dim3A_7 masked %lt3A_2464 : memref<1x50x1000xf32, #tpu.memory_space<vmem>>[vector<16xi32>, vector<16xi32>, vector<16xi32>], vector<16xf32>, vector<16xi1>
    %add3A_2467 = arith.constant 48 : i32
    %add3A_2468 = vector.broadcast %add3A_2467 : i32 to vector<16xi32>
    %add3A_2469 = arith.addi %iota3A, %add3A_2468 : vector<16xi32>
    %lt3A_2470 = arith.constant 50 : i32
    %lt3A_2471 = vector.broadcast %lt3A_2470 : i32 to vector<16xi32>
    %lt3A_2472 = arith.cmpi slt, %add3A_2469, %lt3A_2471 : vector<16xi32>
    %get3A_2473 = arith.constant 1334 : index
    %get3A_2474 = tpu.vector_load %arg5[%get3A_2473] {strides = array<i32>} : memref<1600xi32, #tpu.memory_space<vmem>>, vector<16xi32>,
    %add3A_2475 = arith.constant 34 : i32
    %add3A_2476 = vector.broadcast %add3A_2475 : i32 to vector<16xi32>
    %add3A_2477 = arith.addi %iota3A, %add3A_2476 : vector<16xi32>
    %ge3A_2478 = arith.constant 14 : i32
    %ge3A_2479 = vector.broadcast %ge3A_2478 : i32 to vector<16xi32>
    %ge3A_2480 = arith.cmpi sge, %iota3A, %ge3A_2479 : vector<16xi32>
    tpu.vector_store_idx %arg6[%broadcast_in_dim3A_9, %add3A_2477, %get3A_2474], %broadcast_in_dim3A_7 masked %ge3A_2480 : memref<1x50x1000xf32, #tpu.memory_space<vmem>>[vector<16xi32>, vector<16xi32>, vector<16xi32>], vector<16xf32>, vector<16xi1>
    %add3A_2481 = arith.constant 0 : i32
    %add3A_2482 = vector.broadcast %add3A_2481 : i32 to vector<16xi32>
    %add3A_2483 = arith.addi %iota3A, %add3A_2482 : vector<16xi32>
    %lt3A_2484 = arith.constant 50 : i32
    %lt3A_2485 = vector.broadcast %lt3A_2484 : i32 to vector<16xi32>
    %lt3A_2486 = arith.cmpi slt, %add3A_2483, %lt3A_2485 : vector<16xi32>
    %get3A_2487 = arith.constant 1400 : index
    %get3A_2488 = tpu.vector_load %arg5[%get3A_2487] {strides = array<i32>} : memref<1600xi32, #tpu.memory_space<vmem>>, vector<16xi32>,
    tpu.vector_store_idx %arg6[%broadcast_in_dim3A_9, %add3A_2483, %get3A_2488], %broadcast_in_dim3A_5 masked %lt3A_2486 : memref<1x50x1000xf32, #tpu.memory_space<vmem>>[vector<16xi32>, vector<16xi32>, vector<16xi32>], vector<16xf32>, vector<16xi1>
    %add3A_2489 = arith.constant 16 : i32
    %add3A_2490 = vector.broadcast %add3A_2489 : i32 to vector<16xi32>
    %add3A_2491 = arith.addi %iota3A, %add3A_2490 : vector<16xi32>
    %lt3A_2492 = arith.constant 50 : i32
    %lt3A_2493 = vector.broadcast %lt3A_2492 : i32 to vector<16xi32>
    %lt3A_2494 = arith.cmpi slt, %add3A_2491, %lt3A_2493 : vector<16xi32>
    %get3A_2495 = arith.constant 1416 : index
    %get3A_2496 = tpu.vector_load %arg5[%get3A_2495] {strides = array<i32>} : memref<1600xi32, #tpu.memory_space<vmem>>, vector<16xi32>,
    tpu.vector_store_idx %arg6[%broadcast_in_dim3A_9, %add3A_2491, %get3A_2496], %broadcast_in_dim3A_5 masked %lt3A_2494 : memref<1x50x1000xf32, #tpu.memory_space<vmem>>[vector<16xi32>, vector<16xi32>, vector<16xi32>], vector<16xf32>, vector<16xi1>
    %add3A_2497 = arith.constant 32 : i32
    %add3A_2498 = vector.broadcast %add3A_2497 : i32 to vector<16xi32>
    %add3A_2499 = arith.addi %iota3A, %add3A_2498 : vector<16xi32>
    %lt3A_2500 = arith.constant 50 : i32
    %lt3A_2501 = vector.broadcast %lt3A_2500 : i32 to vector<16xi32>
    %lt3A_2502 = arith.cmpi slt, %add3A_2499, %lt3A_2501 : vector<16xi32>
    %get3A_2503 = arith.constant 1432 : index
    %get3A_2504 = tpu.vector_load %arg5[%get3A_2503] {strides = array<i32>} : memref<1600xi32, #tpu.memory_space<vmem>>, vector<16xi32>,
    tpu.vector_store_idx %arg6[%broadcast_in_dim3A_9, %add3A_2499, %get3A_2504], %broadcast_in_dim3A_5 masked %lt3A_2502 : memref<1x50x1000xf32, #tpu.memory_space<vmem>>[vector<16xi32>, vector<16xi32>, vector<16xi32>], vector<16xf32>, vector<16xi1>
    %add3A_2505 = arith.constant 48 : i32
    %add3A_2506 = vector.broadcast %add3A_2505 : i32 to vector<16xi32>
    %add3A_2507 = arith.addi %iota3A, %add3A_2506 : vector<16xi32>
    %lt3A_2508 = arith.constant 50 : i32
    %lt3A_2509 = vector.broadcast %lt3A_2508 : i32 to vector<16xi32>
    %lt3A_2510 = arith.cmpi slt, %add3A_2507, %lt3A_2509 : vector<16xi32>
    %get3A_2511 = arith.constant 1434 : index
    %get3A_2512 = tpu.vector_load %arg5[%get3A_2511] {strides = array<i32>} : memref<1600xi32, #tpu.memory_space<vmem>>, vector<16xi32>,
    %add3A_2513 = arith.constant 34 : i32
    %add3A_2514 = vector.broadcast %add3A_2513 : i32 to vector<16xi32>
    %add3A_2515 = arith.addi %iota3A, %add3A_2514 : vector<16xi32>
    %ge3A_2516 = arith.constant 14 : i32
    %ge3A_2517 = vector.broadcast %ge3A_2516 : i32 to vector<16xi32>
    %ge3A_2518 = arith.cmpi sge, %iota3A, %ge3A_2517 : vector<16xi32>
    tpu.vector_store_idx %arg6[%broadcast_in_dim3A_9, %add3A_2515, %get3A_2512], %broadcast_in_dim3A_5 masked %ge3A_2518 : memref<1x50x1000xf32, #tpu.memory_space<vmem>>[vector<16xi32>, vector<16xi32>, vector<16xi32>], vector<16xf32>, vector<16xi1>
    %add3A_2519 = arith.constant 28 : i32
    %add3A_2520 = arith.addi %mul3A_2, %add3A_2519 : i32
    %dma_start3A_2521 = arith.constant 0 : i32
    %dma_start3A_2522 = arith.constant 0 : i32
    %dma_start3A_2523 = tpu.memref_slice %arg4[%add3A_2520, %dma_start3A_2521, %dma_start3A_2522] : memref<1024x50x1000xf32, #tpu.memory_space<hbm>> -> memref<1x50x1000xf32, #tpu.memory_space<hbm>>
    %dma_start3A_2524 = arith.constant 0 : i32
    %dma_start3A_2525 = arith.constant 0 : i32
    %dma_start3A_2526 = tpu.memref_slice %arg4[%add3A_2520, %dma_start3A_2524, %dma_start3A_2525] : memref<1024x50x1000xf32, #tpu.memory_space<hbm>> -> memref<1x50x1000xf32, #tpu.memory_space<hbm>>
    tpu.enqueue_dma source(%arg6 : memref<1x50x1000xf32, #tpu.memory_space<vmem>>) target(%dma_start3A_2526 : memref<1x50x1000xf32, #tpu.memory_space<hbm>>) target_semaphore(%arg8 : memref<!tpu.dma_semaphore, #tpu.memory_space<semaphore_mem>>)
    %dma_wait3A_2527 = arith.constant 0 : i32
    %dma_wait3A_2528 = arith.constant 0 : i32
    %dma_wait3A_2529 = tpu.memref_slice %arg4[%add3A_2430, %dma_wait3A_2527, %dma_wait3A_2528] : memref<1024x50x1000xf32, #tpu.memory_space<hbm>> -> memref<1x50x1000xf32, #tpu.memory_space<hbm>>
    %dma_wait3A_2530 = arith.constant 0 : i32
    %dma_wait3A_2531 = arith.constant 0 : i32
    %dma_wait3A_2532 = tpu.memref_slice %arg4[%add3A_2430, %dma_wait3A_2530, %dma_wait3A_2531] : memref<1024x50x1000xf32, #tpu.memory_space<hbm>> -> memref<1x50x1000xf32, #tpu.memory_space<hbm>>
    tpu.wait_dma2 semaphore(%arg9 : memref<!tpu.dma_semaphore, #tpu.memory_space<semaphore_mem>>) src(%arg7 : memref<1x50x1000xf32, #tpu.memory_space<vmem>>) dst(%dma_wait3A_2532 : memref<1x50x1000xf32, #tpu.memory_space<hbm>>)
    %add3A_2533 = arith.constant 0 : i32
    %add3A_2534 = vector.broadcast %add3A_2533 : i32 to vector<16xi32>
    %add3A_2535 = arith.addi %iota3A, %add3A_2534 : vector<16xi32>
    %lt3A_2536 = arith.constant 50 : i32
    %lt3A_2537 = vector.broadcast %lt3A_2536 : i32 to vector<16xi32>
    %lt3A_2538 = arith.cmpi slt, %add3A_2535, %lt3A_2537 : vector<16xi32>
    %get3A_2539 = arith.constant 1350 : index
    %get3A_2540 = tpu.vector_load %arg5[%get3A_2539] {strides = array<i32>} : memref<1600xi32, #tpu.memory_space<vmem>>, vector<16xi32>,
    tpu.vector_store_idx %arg7[%broadcast_in_dim3A_9, %add3A_2535, %get3A_2540], %broadcast_in_dim3A_7 masked %lt3A_2538 : memref<1x50x1000xf32, #tpu.memory_space<vmem>>[vector<16xi32>, vector<16xi32>, vector<16xi32>], vector<16xf32>, vector<16xi1>
    %add3A_2541 = arith.constant 16 : i32
    %add3A_2542 = vector.broadcast %add3A_2541 : i32 to vector<16xi32>
    %add3A_2543 = arith.addi %iota3A, %add3A_2542 : vector<16xi32>
    %lt3A_2544 = arith.constant 50 : i32
    %lt3A_2545 = vector.broadcast %lt3A_2544 : i32 to vector<16xi32>
    %lt3A_2546 = arith.cmpi slt, %add3A_2543, %lt3A_2545 : vector<16xi32>
    %get3A_2547 = arith.constant 1366 : index
    %get3A_2548 = tpu.vector_load %arg5[%get3A_2547] {strides = array<i32>} : memref<1600xi32, #tpu.memory_space<vmem>>, vector<16xi32>,
    tpu.vector_store_idx %arg7[%broadcast_in_dim3A_9, %add3A_2543, %get3A_2548], %broadcast_in_dim3A_7 masked %lt3A_2546 : memref<1x50x1000xf32, #tpu.memory_space<vmem>>[vector<16xi32>, vector<16xi32>, vector<16xi32>], vector<16xf32>, vector<16xi1>
    %add3A_2549 = arith.constant 32 : i32
    %add3A_2550 = vector.broadcast %add3A_2549 : i32 to vector<16xi32>
    %add3A_2551 = arith.addi %iota3A, %add3A_2550 : vector<16xi32>
    %lt3A_2552 = arith.constant 50 : i32
    %lt3A_2553 = vector.broadcast %lt3A_2552 : i32 to vector<16xi32>
    %lt3A_2554 = arith.cmpi slt, %add3A_2551, %lt3A_2553 : vector<16xi32>
    %get3A_2555 = arith.constant 1382 : index
    %get3A_2556 = tpu.vector_load %arg5[%get3A_2555] {strides = array<i32>} : memref<1600xi32, #tpu.memory_space<vmem>>, vector<16xi32>,
    tpu.vector_store_idx %arg7[%broadcast_in_dim3A_9, %add3A_2551, %get3A_2556], %broadcast_in_dim3A_7 masked %lt3A_2554 : memref<1x50x1000xf32, #tpu.memory_space<vmem>>[vector<16xi32>, vector<16xi32>, vector<16xi32>], vector<16xf32>, vector<16xi1>
    %add3A_2557 = arith.constant 48 : i32
    %add3A_2558 = vector.broadcast %add3A_2557 : i32 to vector<16xi32>
    %add3A_2559 = arith.addi %iota3A, %add3A_2558 : vector<16xi32>
    %lt3A_2560 = arith.constant 50 : i32
    %lt3A_2561 = vector.broadcast %lt3A_2560 : i32 to vector<16xi32>
    %lt3A_2562 = arith.cmpi slt, %add3A_2559, %lt3A_2561 : vector<16xi32>
    %get3A_2563 = arith.constant 1384 : index
    %get3A_2564 = tpu.vector_load %arg5[%get3A_2563] {strides = array<i32>} : memref<1600xi32, #tpu.memory_space<vmem>>, vector<16xi32>,
    %add3A_2565 = arith.constant 34 : i32
    %add3A_2566 = vector.broadcast %add3A_2565 : i32 to vector<16xi32>
    %add3A_2567 = arith.addi %iota3A, %add3A_2566 : vector<16xi32>
    %ge3A_2568 = arith.constant 14 : i32
    %ge3A_2569 = vector.broadcast %ge3A_2568 : i32 to vector<16xi32>
    %ge3A_2570 = arith.cmpi sge, %iota3A, %ge3A_2569 : vector<16xi32>
    tpu.vector_store_idx %arg7[%broadcast_in_dim3A_9, %add3A_2567, %get3A_2564], %broadcast_in_dim3A_7 masked %ge3A_2570 : memref<1x50x1000xf32, #tpu.memory_space<vmem>>[vector<16xi32>, vector<16xi32>, vector<16xi32>], vector<16xf32>, vector<16xi1>
    %add3A_2571 = arith.constant 0 : i32
    %add3A_2572 = vector.broadcast %add3A_2571 : i32 to vector<16xi32>
    %add3A_2573 = arith.addi %iota3A, %add3A_2572 : vector<16xi32>
    %lt3A_2574 = arith.constant 50 : i32
    %lt3A_2575 = vector.broadcast %lt3A_2574 : i32 to vector<16xi32>
    %lt3A_2576 = arith.cmpi slt, %add3A_2573, %lt3A_2575 : vector<16xi32>
    %get3A_2577 = arith.constant 1450 : index
    %get3A_2578 = tpu.vector_load %arg5[%get3A_2577] {strides = array<i32>} : memref<1600xi32, #tpu.memory_space<vmem>>, vector<16xi32>,
    tpu.vector_store_idx %arg7[%broadcast_in_dim3A_9, %add3A_2573, %get3A_2578], %broadcast_in_dim3A_5 masked %lt3A_2576 : memref<1x50x1000xf32, #tpu.memory_space<vmem>>[vector<16xi32>, vector<16xi32>, vector<16xi32>], vector<16xf32>, vector<16xi1>
    %add3A_2579 = arith.constant 16 : i32
    %add3A_2580 = vector.broadcast %add3A_2579 : i32 to vector<16xi32>
    %add3A_2581 = arith.addi %iota3A, %add3A_2580 : vector<16xi32>
    %lt3A_2582 = arith.constant 50 : i32
    %lt3A_2583 = vector.broadcast %lt3A_2582 : i32 to vector<16xi32>
    %lt3A_2584 = arith.cmpi slt, %add3A_2581, %lt3A_2583 : vector<16xi32>
    %get3A_2585 = arith.constant 1466 : index
    %get3A_2586 = tpu.vector_load %arg5[%get3A_2585] {strides = array<i32>} : memref<1600xi32, #tpu.memory_space<vmem>>, vector<16xi32>,
    tpu.vector_store_idx %arg7[%broadcast_in_dim3A_9, %add3A_2581, %get3A_2586], %broadcast_in_dim3A_5 masked %lt3A_2584 : memref<1x50x1000xf32, #tpu.memory_space<vmem>>[vector<16xi32>, vector<16xi32>, vector<16xi32>], vector<16xf32>, vector<16xi1>
    %add3A_2587 = arith.constant 32 : i32
    %add3A_2588 = vector.broadcast %add3A_2587 : i32 to vector<16xi32>
    %add3A_2589 = arith.addi %iota3A, %add3A_2588 : vector<16xi32>
    %lt3A_2590 = arith.constant 50 : i32
    %lt3A_2591 = vector.broadcast %lt3A_2590 : i32 to vector<16xi32>
    %lt3A_2592 = arith.cmpi slt, %add3A_2589, %lt3A_2591 : vector<16xi32>
    %get3A_2593 = arith.constant 1482 : index
    %get3A_2594 = tpu.vector_load %arg5[%get3A_2593] {strides = array<i32>} : memref<1600xi32, #tpu.memory_space<vmem>>, vector<16xi32>,
    tpu.vector_store_idx %arg7[%broadcast_in_dim3A_9, %add3A_2589, %get3A_2594], %broadcast_in_dim3A_5 masked %lt3A_2592 : memref<1x50x1000xf32, #tpu.memory_space<vmem>>[vector<16xi32>, vector<16xi32>, vector<16xi32>], vector<16xf32>, vector<16xi1>
    %add3A_2595 = arith.constant 48 : i32
    %add3A_2596 = vector.broadcast %add3A_2595 : i32 to vector<16xi32>
    %add3A_2597 = arith.addi %iota3A, %add3A_2596 : vector<16xi32>
    %lt3A_2598 = arith.constant 50 : i32
    %lt3A_2599 = vector.broadcast %lt3A_2598 : i32 to vector<16xi32>
    %lt3A_2600 = arith.cmpi slt, %add3A_2597, %lt3A_2599 : vector<16xi32>
    %get3A_2601 = arith.constant 1484 : index
    %get3A_2602 = tpu.vector_load %arg5[%get3A_2601] {strides = array<i32>} : memref<1600xi32, #tpu.memory_space<vmem>>, vector<16xi32>,
    %add3A_2603 = arith.constant 34 : i32
    %add3A_2604 = vector.broadcast %add3A_2603 : i32 to vector<16xi32>
    %add3A_2605 = arith.addi %iota3A, %add3A_2604 : vector<16xi32>
    %ge3A_2606 = arith.constant 14 : i32
    %ge3A_2607 = vector.broadcast %ge3A_2606 : i32 to vector<16xi32>
    %ge3A_2608 = arith.cmpi sge, %iota3A, %ge3A_2607 : vector<16xi32>
    tpu.vector_store_idx %arg7[%broadcast_in_dim3A_9, %add3A_2605, %get3A_2602], %broadcast_in_dim3A_5 masked %ge3A_2608 : memref<1x50x1000xf32, #tpu.memory_space<vmem>>[vector<16xi32>, vector<16xi32>, vector<16xi32>], vector<16xf32>, vector<16xi1>
    %add3A_2609 = arith.constant 29 : i32
    %add3A_2610 = arith.addi %mul3A_2, %add3A_2609 : i32
    %dma_start3A_2611 = arith.constant 0 : i32
    %dma_start3A_2612 = arith.constant 0 : i32
    %dma_start3A_2613 = tpu.memref_slice %arg4[%add3A_2610, %dma_start3A_2611, %dma_start3A_2612] : memref<1024x50x1000xf32, #tpu.memory_space<hbm>> -> memref<1x50x1000xf32, #tpu.memory_space<hbm>>
    %dma_start3A_2614 = arith.constant 0 : i32
    %dma_start3A_2615 = arith.constant 0 : i32
    %dma_start3A_2616 = tpu.memref_slice %arg4[%add3A_2610, %dma_start3A_2614, %dma_start3A_2615] : memref<1024x50x1000xf32, #tpu.memory_space<hbm>> -> memref<1x50x1000xf32, #tpu.memory_space<hbm>>
    tpu.enqueue_dma source(%arg7 : memref<1x50x1000xf32, #tpu.memory_space<vmem>>) target(%dma_start3A_2616 : memref<1x50x1000xf32, #tpu.memory_space<hbm>>) target_semaphore(%arg9 : memref<!tpu.dma_semaphore, #tpu.memory_space<semaphore_mem>>)
    %dma_wait3A_2617 = arith.constant 0 : i32
    %dma_wait3A_2618 = arith.constant 0 : i32
    %dma_wait3A_2619 = tpu.memref_slice %arg4[%add3A_2520, %dma_wait3A_2617, %dma_wait3A_2618] : memref<1024x50x1000xf32, #tpu.memory_space<hbm>> -> memref<1x50x1000xf32, #tpu.memory_space<hbm>>
    %dma_wait3A_2620 = arith.constant 0 : i32
    %dma_wait3A_2621 = arith.constant 0 : i32
    %dma_wait3A_2622 = tpu.memref_slice %arg4[%add3A_2520, %dma_wait3A_2620, %dma_wait3A_2621] : memref<1024x50x1000xf32, #tpu.memory_space<hbm>> -> memref<1x50x1000xf32, #tpu.memory_space<hbm>>
    tpu.wait_dma2 semaphore(%arg8 : memref<!tpu.dma_semaphore, #tpu.memory_space<semaphore_mem>>) src(%arg6 : memref<1x50x1000xf32, #tpu.memory_space<vmem>>) dst(%dma_wait3A_2622 : memref<1x50x1000xf32, #tpu.memory_space<hbm>>)
    %add3A_2623 = arith.constant 0 : i32
    %add3A_2624 = vector.broadcast %add3A_2623 : i32 to vector<16xi32>
    %add3A_2625 = arith.addi %iota3A, %add3A_2624 : vector<16xi32>
    %lt3A_2626 = arith.constant 50 : i32
    %lt3A_2627 = vector.broadcast %lt3A_2626 : i32 to vector<16xi32>
    %lt3A_2628 = arith.cmpi slt, %add3A_2625, %lt3A_2627 : vector<16xi32>
    %get3A_2629 = arith.constant 1400 : index
    %get3A_2630 = tpu.vector_load %arg5[%get3A_2629] {strides = array<i32>} : memref<1600xi32, #tpu.memory_space<vmem>>, vector<16xi32>,
    tpu.vector_store_idx %arg6[%broadcast_in_dim3A_9, %add3A_2625, %get3A_2630], %broadcast_in_dim3A_7 masked %lt3A_2628 : memref<1x50x1000xf32, #tpu.memory_space<vmem>>[vector<16xi32>, vector<16xi32>, vector<16xi32>], vector<16xf32>, vector<16xi1>
    %add3A_2631 = arith.constant 16 : i32
    %add3A_2632 = vector.broadcast %add3A_2631 : i32 to vector<16xi32>
    %add3A_2633 = arith.addi %iota3A, %add3A_2632 : vector<16xi32>
    %lt3A_2634 = arith.constant 50 : i32
    %lt3A_2635 = vector.broadcast %lt3A_2634 : i32 to vector<16xi32>
    %lt3A_2636 = arith.cmpi slt, %add3A_2633, %lt3A_2635 : vector<16xi32>
    %get3A_2637 = arith.constant 1416 : index
    %get3A_2638 = tpu.vector_load %arg5[%get3A_2637] {strides = array<i32>} : memref<1600xi32, #tpu.memory_space<vmem>>, vector<16xi32>,
    tpu.vector_store_idx %arg6[%broadcast_in_dim3A_9, %add3A_2633, %get3A_2638], %broadcast_in_dim3A_7 masked %lt3A_2636 : memref<1x50x1000xf32, #tpu.memory_space<vmem>>[vector<16xi32>, vector<16xi32>, vector<16xi32>], vector<16xf32>, vector<16xi1>
    %add3A_2639 = arith.constant 32 : i32
    %add3A_2640 = vector.broadcast %add3A_2639 : i32 to vector<16xi32>
    %add3A_2641 = arith.addi %iota3A, %add3A_2640 : vector<16xi32>
    %lt3A_2642 = arith.constant 50 : i32
    %lt3A_2643 = vector.broadcast %lt3A_2642 : i32 to vector<16xi32>
    %lt3A_2644 = arith.cmpi slt, %add3A_2641, %lt3A_2643 : vector<16xi32>
    %get3A_2645 = arith.constant 1432 : index
    %get3A_2646 = tpu.vector_load %arg5[%get3A_2645] {strides = array<i32>} : memref<1600xi32, #tpu.memory_space<vmem>>, vector<16xi32>,
    tpu.vector_store_idx %arg6[%broadcast_in_dim3A_9, %add3A_2641, %get3A_2646], %broadcast_in_dim3A_7 masked %lt3A_2644 : memref<1x50x1000xf32, #tpu.memory_space<vmem>>[vector<16xi32>, vector<16xi32>, vector<16xi32>], vector<16xf32>, vector<16xi1>
    %add3A_2647 = arith.constant 48 : i32
    %add3A_2648 = vector.broadcast %add3A_2647 : i32 to vector<16xi32>
    %add3A_2649 = arith.addi %iota3A, %add3A_2648 : vector<16xi32>
    %lt3A_2650 = arith.constant 50 : i32
    %lt3A_2651 = vector.broadcast %lt3A_2650 : i32 to vector<16xi32>
    %lt3A_2652 = arith.cmpi slt, %add3A_2649, %lt3A_2651 : vector<16xi32>
    %get3A_2653 = arith.constant 1434 : index
    %get3A_2654 = tpu.vector_load %arg5[%get3A_2653] {strides = array<i32>} : memref<1600xi32, #tpu.memory_space<vmem>>, vector<16xi32>,
    %add3A_2655 = arith.constant 34 : i32
    %add3A_2656 = vector.broadcast %add3A_2655 : i32 to vector<16xi32>
    %add3A_2657 = arith.addi %iota3A, %add3A_2656 : vector<16xi32>
    %ge3A_2658 = arith.constant 14 : i32
    %ge3A_2659 = vector.broadcast %ge3A_2658 : i32 to vector<16xi32>
    %ge3A_2660 = arith.cmpi sge, %iota3A, %ge3A_2659 : vector<16xi32>
    tpu.vector_store_idx %arg6[%broadcast_in_dim3A_9, %add3A_2657, %get3A_2654], %broadcast_in_dim3A_7 masked %ge3A_2660 : memref<1x50x1000xf32, #tpu.memory_space<vmem>>[vector<16xi32>, vector<16xi32>, vector<16xi32>], vector<16xf32>, vector<16xi1>
    %add3A_2661 = arith.constant 0 : i32
    %add3A_2662 = vector.broadcast %add3A_2661 : i32 to vector<16xi32>
    %add3A_2663 = arith.addi %iota3A, %add3A_2662 : vector<16xi32>
    %lt3A_2664 = arith.constant 50 : i32
    %lt3A_2665 = vector.broadcast %lt3A_2664 : i32 to vector<16xi32>
    %lt3A_2666 = arith.cmpi slt, %add3A_2663, %lt3A_2665 : vector<16xi32>
    %get3A_2667 = arith.constant 1500 : index
    %get3A_2668 = tpu.vector_load %arg5[%get3A_2667] {strides = array<i32>} : memref<1600xi32, #tpu.memory_space<vmem>>, vector<16xi32>,
    tpu.vector_store_idx %arg6[%broadcast_in_dim3A_9, %add3A_2663, %get3A_2668], %broadcast_in_dim3A_5 masked %lt3A_2666 : memref<1x50x1000xf32, #tpu.memory_space<vmem>>[vector<16xi32>, vector<16xi32>, vector<16xi32>], vector<16xf32>, vector<16xi1>
    %add3A_2669 = arith.constant 16 : i32
    %add3A_2670 = vector.broadcast %add3A_2669 : i32 to vector<16xi32>
    %add3A_2671 = arith.addi %iota3A, %add3A_2670 : vector<16xi32>
    %lt3A_2672 = arith.constant 50 : i32
    %lt3A_2673 = vector.broadcast %lt3A_2672 : i32 to vector<16xi32>
    %lt3A_2674 = arith.cmpi slt, %add3A_2671, %lt3A_2673 : vector<16xi32>
    %get3A_2675 = arith.constant 1516 : index
    %get3A_2676 = tpu.vector_load %arg5[%get3A_2675] {strides = array<i32>} : memref<1600xi32, #tpu.memory_space<vmem>>, vector<16xi32>,
    tpu.vector_store_idx %arg6[%broadcast_in_dim3A_9, %add3A_2671, %get3A_2676], %broadcast_in_dim3A_5 masked %lt3A_2674 : memref<1x50x1000xf32, #tpu.memory_space<vmem>>[vector<16xi32>, vector<16xi32>, vector<16xi32>], vector<16xf32>, vector<16xi1>
    %add3A_2677 = arith.constant 32 : i32
    %add3A_2678 = vector.broadcast %add3A_2677 : i32 to vector<16xi32>
    %add3A_2679 = arith.addi %iota3A, %add3A_2678 : vector<16xi32>
    %lt3A_2680 = arith.constant 50 : i32
    %lt3A_2681 = vector.broadcast %lt3A_2680 : i32 to vector<16xi32>
    %lt3A_2682 = arith.cmpi slt, %add3A_2679, %lt3A_2681 : vector<16xi32>
    %get3A_2683 = arith.constant 1532 : index
    %get3A_2684 = tpu.vector_load %arg5[%get3A_2683] {strides = array<i32>} : memref<1600xi32, #tpu.memory_space<vmem>>, vector<16xi32>,
    tpu.vector_store_idx %arg6[%broadcast_in_dim3A_9, %add3A_2679, %get3A_2684], %broadcast_in_dim3A_5 masked %lt3A_2682 : memref<1x50x1000xf32, #tpu.memory_space<vmem>>[vector<16xi32>, vector<16xi32>, vector<16xi32>], vector<16xf32>, vector<16xi1>
    %add3A_2685 = arith.constant 48 : i32
    %add3A_2686 = vector.broadcast %add3A_2685 : i32 to vector<16xi32>
    %add3A_2687 = arith.addi %iota3A, %add3A_2686 : vector<16xi32>
    %lt3A_2688 = arith.constant 50 : i32
    %lt3A_2689 = vector.broadcast %lt3A_2688 : i32 to vector<16xi32>
    %lt3A_2690 = arith.cmpi slt, %add3A_2687, %lt3A_2689 : vector<16xi32>
    %get3A_2691 = arith.constant 1534 : index
    %get3A_2692 = tpu.vector_load %arg5[%get3A_2691] {strides = array<i32>} : memref<1600xi32, #tpu.memory_space<vmem>>, vector<16xi32>,
    %add3A_2693 = arith.constant 34 : i32
    %add3A_2694 = vector.broadcast %add3A_2693 : i32 to vector<16xi32>
    %add3A_2695 = arith.addi %iota3A, %add3A_2694 : vector<16xi32>
    %ge3A_2696 = arith.constant 14 : i32
    %ge3A_2697 = vector.broadcast %ge3A_2696 : i32 to vector<16xi32>
    %ge3A_2698 = arith.cmpi sge, %iota3A, %ge3A_2697 : vector<16xi32>
    tpu.vector_store_idx %arg6[%broadcast_in_dim3A_9, %add3A_2695, %get3A_2692], %broadcast_in_dim3A_5 masked %ge3A_2698 : memref<1x50x1000xf32, #tpu.memory_space<vmem>>[vector<16xi32>, vector<16xi32>, vector<16xi32>], vector<16xf32>, vector<16xi1>
    %add3A_2699 = arith.constant 30 : i32
    %add3A_2700 = arith.addi %mul3A_2, %add3A_2699 : i32
    %dma_start3A_2701 = arith.constant 0 : i32
    %dma_start3A_2702 = arith.constant 0 : i32
    %dma_start3A_2703 = tpu.memref_slice %arg4[%add3A_2700, %dma_start3A_2701, %dma_start3A_2702] : memref<1024x50x1000xf32, #tpu.memory_space<hbm>> -> memref<1x50x1000xf32, #tpu.memory_space<hbm>>
    %dma_start3A_2704 = arith.constant 0 : i32
    %dma_start3A_2705 = arith.constant 0 : i32
    %dma_start3A_2706 = tpu.memref_slice %arg4[%add3A_2700, %dma_start3A_2704, %dma_start3A_2705] : memref<1024x50x1000xf32, #tpu.memory_space<hbm>> -> memref<1x50x1000xf32, #tpu.memory_space<hbm>>
    tpu.enqueue_dma source(%arg6 : memref<1x50x1000xf32, #tpu.memory_space<vmem>>) target(%dma_start3A_2706 : memref<1x50x1000xf32, #tpu.memory_space<hbm>>) target_semaphore(%arg8 : memref<!tpu.dma_semaphore, #tpu.memory_space<semaphore_mem>>)
    %dma_wait3A_2707 = arith.constant 0 : i32
    %dma_wait3A_2708 = arith.constant 0 : i32
    %dma_wait3A_2709 = tpu.memref_slice %arg4[%add3A_2610, %dma_wait3A_2707, %dma_wait3A_2708] : memref<1024x50x1000xf32, #tpu.memory_space<hbm>> -> memref<1x50x1000xf32, #tpu.memory_space<hbm>>
    %dma_wait3A_2710 = arith.constant 0 : i32
    %dma_wait3A_2711 = arith.constant 0 : i32
    %dma_wait3A_2712 = tpu.memref_slice %arg4[%add3A_2610, %dma_wait3A_2710, %dma_wait3A_2711] : memref<1024x50x1000xf32, #tpu.memory_space<hbm>> -> memref<1x50x1000xf32, #tpu.memory_space<hbm>>
    tpu.wait_dma2 semaphore(%arg9 : memref<!tpu.dma_semaphore, #tpu.memory_space<semaphore_mem>>) src(%arg7 : memref<1x50x1000xf32, #tpu.memory_space<vmem>>) dst(%dma_wait3A_2712 : memref<1x50x1000xf32, #tpu.memory_space<hbm>>)
    %add3A_2713 = arith.constant 0 : i32
    %add3A_2714 = vector.broadcast %add3A_2713 : i32 to vector<16xi32>
    %add3A_2715 = arith.addi %iota3A, %add3A_2714 : vector<16xi32>
    %lt3A_2716 = arith.constant 50 : i32
    %lt3A_2717 = vector.broadcast %lt3A_2716 : i32 to vector<16xi32>
    %lt3A_2718 = arith.cmpi slt, %add3A_2715, %lt3A_2717 : vector<16xi32>
    %get3A_2719 = arith.constant 1450 : index
    %get3A_2720 = tpu.vector_load %arg5[%get3A_2719] {strides = array<i32>} : memref<1600xi32, #tpu.memory_space<vmem>>, vector<16xi32>,
    tpu.vector_store_idx %arg7[%broadcast_in_dim3A_9, %add3A_2715, %get3A_2720], %broadcast_in_dim3A_7 masked %lt3A_2718 : memref<1x50x1000xf32, #tpu.memory_space<vmem>>[vector<16xi32>, vector<16xi32>, vector<16xi32>], vector<16xf32>, vector<16xi1>
    %add3A_2721 = arith.constant 16 : i32
    %add3A_2722 = vector.broadcast %add3A_2721 : i32 to vector<16xi32>
    %add3A_2723 = arith.addi %iota3A, %add3A_2722 : vector<16xi32>
    %lt3A_2724 = arith.constant 50 : i32
    %lt3A_2725 = vector.broadcast %lt3A_2724 : i32 to vector<16xi32>
    %lt3A_2726 = arith.cmpi slt, %add3A_2723, %lt3A_2725 : vector<16xi32>
    %get3A_2727 = arith.constant 1466 : index
    %get3A_2728 = tpu.vector_load %arg5[%get3A_2727] {strides = array<i32>} : memref<1600xi32, #tpu.memory_space<vmem>>, vector<16xi32>,
    tpu.vector_store_idx %arg7[%broadcast_in_dim3A_9, %add3A_2723, %get3A_2728], %broadcast_in_dim3A_7 masked %lt3A_2726 : memref<1x50x1000xf32, #tpu.memory_space<vmem>>[vector<16xi32>, vector<16xi32>, vector<16xi32>], vector<16xf32>, vector<16xi1>
    %add3A_2729 = arith.constant 32 : i32
    %add3A_2730 = vector.broadcast %add3A_2729 : i32 to vector<16xi32>
    %add3A_2731 = arith.addi %iota3A, %add3A_2730 : vector<16xi32>
    %lt3A_2732 = arith.constant 50 : i32
    %lt3A_2733 = vector.broadcast %lt3A_2732 : i32 to vector<16xi32>
    %lt3A_2734 = arith.cmpi slt, %add3A_2731, %lt3A_2733 : vector<16xi32>
    %get3A_2735 = arith.constant 1482 : index
    %get3A_2736 = tpu.vector_load %arg5[%get3A_2735] {strides = array<i32>} : memref<1600xi32, #tpu.memory_space<vmem>>, vector<16xi32>,
    tpu.vector_store_idx %arg7[%broadcast_in_dim3A_9, %add3A_2731, %get3A_2736], %broadcast_in_dim3A_7 masked %lt3A_2734 : memref<1x50x1000xf32, #tpu.memory_space<vmem>>[vector<16xi32>, vector<16xi32>, vector<16xi32>], vector<16xf32>, vector<16xi1>
    %add3A_2737 = arith.constant 48 : i32
    %add3A_2738 = vector.broadcast %add3A_2737 : i32 to vector<16xi32>
    %add3A_2739 = arith.addi %iota3A, %add3A_2738 : vector<16xi32>
    %lt3A_2740 = arith.constant 50 : i32
    %lt3A_2741 = vector.broadcast %lt3A_2740 : i32 to vector<16xi32>
    %lt3A_2742 = arith.cmpi slt, %add3A_2739, %lt3A_2741 : vector<16xi32>
    %get3A_2743 = arith.constant 1484 : index
    %get3A_2744 = tpu.vector_load %arg5[%get3A_2743] {strides = array<i32>} : memref<1600xi32, #tpu.memory_space<vmem>>, vector<16xi32>,
    %add3A_2745 = arith.constant 34 : i32
    %add3A_2746 = vector.broadcast %add3A_2745 : i32 to vector<16xi32>
    %add3A_2747 = arith.addi %iota3A, %add3A_2746 : vector<16xi32>
    %ge3A_2748 = arith.constant 14 : i32
    %ge3A_2749 = vector.broadcast %ge3A_2748 : i32 to vector<16xi32>
    %ge3A_2750 = arith.cmpi sge, %iota3A, %ge3A_2749 : vector<16xi32>
    tpu.vector_store_idx %arg7[%broadcast_in_dim3A_9, %add3A_2747, %get3A_2744], %broadcast_in_dim3A_7 masked %ge3A_2750 : memref<1x50x1000xf32, #tpu.memory_space<vmem>>[vector<16xi32>, vector<16xi32>, vector<16xi32>], vector<16xf32>, vector<16xi1>
    %add3A_2751 = arith.constant 0 : i32
    %add3A_2752 = vector.broadcast %add3A_2751 : i32 to vector<16xi32>
    %add3A_2753 = arith.addi %iota3A, %add3A_2752 : vector<16xi32>
    %lt3A_2754 = arith.constant 50 : i32
    %lt3A_2755 = vector.broadcast %lt3A_2754 : i32 to vector<16xi32>
    %lt3A_2756 = arith.cmpi slt, %add3A_2753, %lt3A_2755 : vector<16xi32>
    %get3A_2757 = arith.constant 1550 : index
    %get3A_2758 = tpu.vector_load %arg5[%get3A_2757] {strides = array<i32>} : memref<1600xi32, #tpu.memory_space<vmem>>, vector<16xi32>,
    tpu.vector_store_idx %arg7[%broadcast_in_dim3A_9, %add3A_2753, %get3A_2758], %broadcast_in_dim3A_5 masked %lt3A_2756 : memref<1x50x1000xf32, #tpu.memory_space<vmem>>[vector<16xi32>, vector<16xi32>, vector<16xi32>], vector<16xf32>, vector<16xi1>
    %add3A_2759 = arith.constant 16 : i32
    %add3A_2760 = vector.broadcast %add3A_2759 : i32 to vector<16xi32>
    %add3A_2761 = arith.addi %iota3A, %add3A_2760 : vector<16xi32>
    %lt3A_2762 = arith.constant 50 : i32
    %lt3A_2763 = vector.broadcast %lt3A_2762 : i32 to vector<16xi32>
    %lt3A_2764 = arith.cmpi slt, %add3A_2761, %lt3A_2763 : vector<16xi32>
    %get3A_2765 = arith.constant 1566 : index
    %get3A_2766 = tpu.vector_load %arg5[%get3A_2765] {strides = array<i32>} : memref<1600xi32, #tpu.memory_space<vmem>>, vector<16xi32>,
    tpu.vector_store_idx %arg7[%broadcast_in_dim3A_9, %add3A_2761, %get3A_2766], %broadcast_in_dim3A_5 masked %lt3A_2764 : memref<1x50x1000xf32, #tpu.memory_space<vmem>>[vector<16xi32>, vector<16xi32>, vector<16xi32>], vector<16xf32>, vector<16xi1>
    %add3A_2767 = arith.constant 32 : i32
    %add3A_2768 = vector.broadcast %add3A_2767 : i32 to vector<16xi32>
    %add3A_2769 = arith.addi %iota3A, %add3A_2768 : vector<16xi32>
    %lt3A_2770 = arith.constant 50 : i32
    %lt3A_2771 = vector.broadcast %lt3A_2770 : i32 to vector<16xi32>
    %lt3A_2772 = arith.cmpi slt, %add3A_2769, %lt3A_2771 : vector<16xi32>
    %get3A_2773 = arith.constant 1582 : index
    %get3A_2774 = tpu.vector_load %arg5[%get3A_2773] {strides = array<i32>} : memref<1600xi32, #tpu.memory_space<vmem>>, vector<16xi32>,
    tpu.vector_store_idx %arg7[%broadcast_in_dim3A_9, %add3A_2769, %get3A_2774], %broadcast_in_dim3A_5 masked %lt3A_2772 : memref<1x50x1000xf32, #tpu.memory_space<vmem>>[vector<16xi32>, vector<16xi32>, vector<16xi32>], vector<16xf32>, vector<16xi1>
    %add3A_2775 = arith.constant 48 : i32
    %add3A_2776 = vector.broadcast %add3A_2775 : i32 to vector<16xi32>
    %add3A_2777 = arith.addi %iota3A, %add3A_2776 : vector<16xi32>
    %lt3A_2778 = arith.constant 50 : i32
    %lt3A_2779 = vector.broadcast %lt3A_2778 : i32 to vector<16xi32>
    %lt3A_2780 = arith.cmpi slt, %add3A_2777, %lt3A_2779 : vector<16xi32>
    %get3A_2781 = arith.constant 1584 : index
    %get3A_2782 = tpu.vector_load %arg5[%get3A_2781] {strides = array<i32>} : memref<1600xi32, #tpu.memory_space<vmem>>, vector<16xi32>,
    %add3A_2783 = arith.constant 34 : i32
    %add3A_2784 = vector.broadcast %add3A_2783 : i32 to vector<16xi32>
    %add3A_2785 = arith.addi %iota3A, %add3A_2784 : vector<16xi32>
    %ge3A_2786 = arith.constant 14 : i32
    %ge3A_2787 = vector.broadcast %ge3A_2786 : i32 to vector<16xi32>
    %ge3A_2788 = arith.cmpi sge, %iota3A, %ge3A_2787 : vector<16xi32>
    tpu.vector_store_idx %arg7[%broadcast_in_dim3A_9, %add3A_2785, %get3A_2782], %broadcast_in_dim3A_5 masked %ge3A_2788 : memref<1x50x1000xf32, #tpu.memory_space<vmem>>[vector<16xi32>, vector<16xi32>, vector<16xi32>], vector<16xf32>, vector<16xi1>
    %add3A_2789 = arith.constant 31 : i32
    %add3A_2790 = arith.addi %mul3A_2, %add3A_2789 : i32
    %dma_start3A_2791 = arith.constant 0 : i32
    %dma_start3A_2792 = arith.constant 0 : i32
    %dma_start3A_2793 = tpu.memref_slice %arg4[%add3A_2790, %dma_start3A_2791, %dma_start3A_2792] : memref<1024x50x1000xf32, #tpu.memory_space<hbm>> -> memref<1x50x1000xf32, #tpu.memory_space<hbm>>
    %dma_start3A_2794 = arith.constant 0 : i32
    %dma_start3A_2795 = arith.constant 0 : i32
    %dma_start3A_2796 = tpu.memref_slice %arg4[%add3A_2790, %dma_start3A_2794, %dma_start3A_2795] : memref<1024x50x1000xf32, #tpu.memory_space<hbm>> -> memref<1x50x1000xf32, #tpu.memory_space<hbm>>
    tpu.enqueue_dma source(%arg7 : memref<1x50x1000xf32, #tpu.memory_space<vmem>>) target(%dma_start3A_2796 : memref<1x50x1000xf32, #tpu.memory_space<hbm>>) target_semaphore(%arg9 : memref<!tpu.dma_semaphore, #tpu.memory_space<semaphore_mem>>)
    %dma_wait3A_2797 = arith.constant 0 : i32
    %dma_wait3A_2798 = arith.constant 0 : i32
    %dma_wait3A_2799 = tpu.memref_slice %arg4[%add3A_2700, %dma_wait3A_2797, %dma_wait3A_2798] : memref<1024x50x1000xf32, #tpu.memory_space<hbm>> -> memref<1x50x1000xf32, #tpu.memory_space<hbm>>
    %dma_wait3A_2800 = arith.constant 0 : i32
    %dma_wait3A_2801 = arith.constant 0 : i32
    %dma_wait3A_2802 = tpu.memref_slice %arg4[%add3A_2700, %dma_wait3A_2800, %dma_wait3A_2801] : memref<1024x50x1000xf32, #tpu.memory_space<hbm>> -> memref<1x50x1000xf32, #tpu.memory_space<hbm>>
    tpu.wait_dma2 semaphore(%arg8 : memref<!tpu.dma_semaphore, #tpu.memory_space<semaphore_mem>>) src(%arg6 : memref<1x50x1000xf32, #tpu.memory_space<vmem>>) dst(%dma_wait3A_2802 : memref<1x50x1000xf32, #tpu.memory_space<hbm>>)
    %dma_wait3A_2803 = arith.constant 0 : i32
    %dma_wait3A_2804 = arith.constant 0 : i32
    %dma_wait3A_2805 = tpu.memref_slice %arg4[%add3A_2790, %dma_wait3A_2803, %dma_wait3A_2804] : memref<1024x50x1000xf32, #tpu.memory_space<hbm>> -> memref<1x50x1000xf32, #tpu.memory_space<hbm>>
    %dma_wait3A_2806 = arith.constant 0 : i32
    %dma_wait3A_2807 = arith.constant 0 : i32
    %dma_wait3A_2808 = tpu.memref_slice %arg4[%add3A_2790, %dma_wait3A_2806, %dma_wait3A_2807] : memref<1024x50x1000xf32, #tpu.memory_space<hbm>> -> memref<1x50x1000xf32, #tpu.memory_space<hbm>>
    tpu.wait_dma2 semaphore(%arg9 : memref<!tpu.dma_semaphore, #tpu.memory_space<semaphore_mem>>) src(%arg7 : memref<1x50x1000xf32, #tpu.memory_space<vmem>>) dst(%dma_wait3A_2808 : memref<1x50x1000xf32, #tpu.memory_space<hbm>>)
    return
  }
}

</mosaic_0001>

<sc_bundles>
// kernel: kernel.3.cloned.1.call-start
scs
__scs_entry_jumppad:
0x0: {  	(pc) =	sbr.rel $0x88, $3  }
0x1: {  	(tag) =	ssettag $0x0;
	lr =	simm.s32 $0x1  }
0x2: {  	[smem:$0x3FA0] =	sst lr;
	_ =	strace $0xD0000000  }
0x3: {  	_ = 	snop  }
0x4: {  	_ = 	snop  }
0x5: {  	_ = 	snop  }
0x6: {  	_ = 	snop  }
0x7: {  	_ = 	snop  }
__scs_overlays_trampoline_lowered:
0x8: {  	[smem:$0x3FAF] =	sst s0  }
0x9: {  	[smem:$0x3FB0] =	sst s1  }
0xa: {  	[smem:$0x3FB1] =	sst s2  }
0xb: {  	[smem:$0x3FB2] =	sst s3  }
0xc: {  	[smem:$0x3FB3] =	sst s4  }
0xd: {  	[smem:$0x3FB4] =	sst s5  }
0xe: {  	[smem:$0x3FB5] =	sst s6  }
0xf: {  	[smem:$0x3FB6] =	sst s7  }
0x10: {  	[smem:$0x3FB7] =	sst s8  }
0x11: {  	[smem:$0x3FB8] =	sst s9;
	s0 =	simm.s32 @!p0 $0x0  }
0x12: {  	s1 =	sld [smem:$0x3F9E];
	s0 =	simm.s32 @p0 $0x1  }
0x13: {  	[smem:$0x3FB9] =	sst s0;
	s0 =	simm.s32 @!p1 $0x0  }
0x14: {  	s2 =	sld [smem:$0x3F9D];
	s0 =	simm.s32 @p1 $0x1  }
0x15: {  	[smem:$0x3FBA] =	sst s0;
	s0 =	simm.s32 @!p2 $0x0  }
0x16: {  	s3 =	sld [smem:$0x3FDB];
	s0 =	simm.s32 @p2 $0x1  }
0x17: {  	s4 =	simm.s32 $0x1BF5;
	[smem:$0x3FBC] =	sst s0  }
0x18: {  	s0 =	sld [smem:$0x3F9F];
	_ =	swait.ge [sflag:s4], $0x0  }
0x19: {  	s7 =	sld [smem:$0x3FA0]  }
0x1a: {  	s8 =	sadd.s32 $0xFFFFE003, lr  }
0x1b: {  	s9 =	sadd.s32 $0xFFFFFEF7, lr;
	s5 =	simm.s32 $0xFFFFFFFF;
	p2 =	slt.u32 s8, $0xFFFFF086  }
0x1c: {  	p1 =	slt.u32 s9, $0xF7A;
	s5 =	simm.s32 @!p2 $0x0  }
0x1d: {  	s5 =	simm.s32 @p1 $0x1;
	p0 =	seq.s32 s7, s2  }
0x1e: {  	s7 =	smul.u32 @!p0 $0xF7A, s2;
	p2 =	seq.s32 @!p0 s5, $0x0  }
0x1f: {  	s9 =	smul.u32 $0xF7A, s1;
	s8 =	simm.s32 @!p0 $0x1BF5;
	p2 =	por !p2, p0  }
0x20: {  	[sflag:s8] =	ssyncset.s32 @!p0 $0xFFFFF086;
	s6 =	sadd.s32 @!p0 s3, s7;
	s7 =	simm.s32 @!p0 $0x108  }
0x21: {  	s3 =	sadd.s32 s3, s9;
	s6 =	sadd.s32 @!p0 $0x88, s6;
	s7 =	simm.s32 @p2 $0x1082  }
0x22: {  	[simem:s7], [sflag:s8] =	dma.local @!p0 [hbm:s6], $0xF7A  }
0x23: {  	s9 =	sor.u32 $0xD0000000, s2;
	s6 =	simm.s32 $0x108;
	_ =	swait.ge @!p0 [sflag:s8], $0x0  }
0x24: {  	s3 =	sadd.s32 $0x88, s3;
	s6 =	simm.s32 @!p1 $0x1082;
	[sflag:s4] =	ssyncset.s32 $0xFFFFF086  }
0x25: {  	[simem:s6], [sflag:s4] =	dma.local [hbm:s3], $0xF7A  }
0x26: {  	[smem:$0x3FA0] =	sst s1;
	(tag) =	ssettag s2;
	_ =	strace s9  }
0x27: {  	s1 =	sld [smem:$0x3FB0]  }
0x28: {  	s2 =	sld [smem:$0x3FB1]  }
0x29: {  	s4 =	sld [smem:$0x3FB3]  }
0x2a: {  	p0 =	seq.s32 s5, $0x0;
	s5 =	sld [smem:$0x3FB4]  }
0x2b: {  	s6 =	sld [smem:$0x3FB5]  }
0x2c: {  	s7 =	sld [smem:$0x3FB6]  }
0x2d: {  	s3 =	simm.s32 $0x108;
	s8 =	sld [smem:$0x3FB7]  }
0x2e: {  	s3 =	simm.s32 @!p0 $0x1082;
	s9 =	sld [smem:$0x3FB8]  }
0x2f: {  	lr =	sadd.s32 s0, s3;
	s0 =	sld [smem:$0x3FAF]  }
0x30: {  	s3 =	sld [smem:$0x3FB2]  }
0x31: {  	[smem:$0x3FBB] =	sst s10  }
0x32: {  	s10 =	sld [smem:$0x3FB9];
	_ =	sdelay $0x3  }
0x33: {  	p0 =	seq.s32 s10, $0x1;
	s10 =	sld [smem:$0x3FBB];
	_ =	sdelay $0x3  }
0x34: {  	[smem:$0x3FBB] =	sst s10  }
0x35: {  	s10 =	sld [smem:$0x3FBA];
	_ =	sdelay $0x3  }
0x36: {  	p1 =	seq.s32 s10, $0x1;
	s10 =	sld [smem:$0x3FBB];
	_ =	sdelay $0x3  }
0x37: {  	[smem:$0x3FBB] =	sst s10  }
0x38: {  	s10 =	sld [smem:$0x3FBC]  }
0x39: {  	_ = 	snop;
	(pc) =	sbr.ind lr, $3  }
0x3a: {  	_ = 	snop  }
0x3b: {  	_ = 	snop  }
0x3c: {  	p2 =	seq.s32 s10, $0x1;
	s10 =	sld [smem:$0x3FBB]  }
0x3d: {  	_ =	shalt  }
0x3e: {  	_ =	shalt  }
0x3f: {  	_ =	shalt  }
0x40: {  	_ =	shalt  }
0x41: {  	_ =	shalt  }
0x42: {  	_ =	shalt  }
0x43: {  	_ =	shalt  }
0x44: {  	_ =	shalt  }
0x45: {  	_ =	shalt  }
0x46: {  	_ =	shalt  }
0x47: {  	_ =	shalt  }
0x48: {  	_ =	shalt  }
0x49: {  	_ =	shalt  }
0x4a: {  	_ =	shalt  }
0x4b: {  	_ =	shalt  }
0x4c: {  	_ =	shalt  }
0x4d: {  	_ =	shalt  }
0x4e: {  	_ =	shalt  }
0x4f: {  	_ =	shalt  }
0x50: {  	_ =	shalt  }
0x51: {  	_ =	shalt  }
0x52: {  	_ =	shalt  }
0x53: {  	_ =	shalt  }
0x54: {  	_ =	shalt  }
0x55: {  	_ =	shalt  }
0x56: {  	_ =	shalt  }
0x57: {  	_ =	shalt  }
0x58: {  	_ =	shalt  }
0x59: {  	_ =	shalt  }
0x5a: {  	_ =	shalt  }
0x5b: {  	_ =	shalt  }
0x5c: {  	_ =	shalt  }
0x5d: {  	_ =	shalt  }
0x5e: {  	_ =	shalt  }
0x5f: {  	_ =	shalt  }
0x60: {  	_ =	shalt  }
0x61: {  	_ =	shalt  }
0x62: {  	_ =	shalt  }
0x63: {  	_ =	shalt  }
0x64: {  	_ =	shalt  }
0x65: {  	_ =	shalt  }
0x66: {  	_ =	shalt  }
0x67: {  	_ =	shalt  }
0x68: {  	_ =	shalt  }
0x69: {  	_ =	shalt  }
0x6a: {  	_ =	shalt  }
0x6b: {  	_ =	shalt  }
0x6c: {  	_ =	shalt  }
0x6d: {  	_ =	shalt  }
0x6e: {  	_ =	shalt  }
0x6f: {  	_ =	shalt  }
0x70: {  	_ =	shalt  }
0x71: {  	_ =	shalt  }
0x72: {  	_ =	shalt  }
0x73: {  	_ =	shalt  }
0x74: {  	_ =	shalt  }
0x75: {  	_ =	shalt  }
0x76: {  	_ =	shalt  }
0x77: {  	_ =	shalt  }
0x78: {  	_ =	shalt  }
0x79: {  	_ =	shalt  }
0x7a: {  	_ =	shalt  }
0x7b: {  	_ =	shalt  }
0x7c: {  	_ =	shalt  }
0x7d: {  	_ =	shalt  }
0x7e: {  	_ =	shalt  }
0x7f: {  	_ =	shalt  }
0x80: {  	_ =	shalt  }
0x81: {  	_ =	shalt  }
0x82: {  	_ =	shalt  }
0x83: {  	_ =	shalt  }
0x84: {  	_ =	shalt  }
0x85: {  	_ =	shalt  }
0x86: {  	_ =	shalt  }
0x87: {  	_ =	shalt  }
.Lfunc_end0:
.L_simem_size_0:
called_computation_lowered:
.L_overlay_start_0:
0x88: {  	s2 =	sld [smem:$0x3FD9]  }
0x89: {  	s3 =	sld [smem:$0x3FFE];
	_ =	sdelay $0x1  }
0x8a: {  	s1 =	srdreg.scid  }
0x8b: {  	s0 =	sand.u32 $0x1, s1  }
0x8c: {  	s17 =	sshll.u32 s0, $0xA;
	s2 =	sadd.s32 s3, s2  }
0x8d: {  	s2 =	sadd.s32 s2, s17  }
0x8e: {  	[smem:$0x3FC7] =	sst s2  }
0x8f: {  	_ = 	snop  }
0x90: {  	s2 =	sld [smem:$0x3FD0];
	(tm) =	ssettm $0x1  }
0x91: {  	s18 =	sld [smem:$0x3FFB];
	_ =	sdelay $0x3  }
0x92: {  	_ =	strace s18  }
0x93: {  	s3 =	sld [smem:$0x3FFC];
	_ =	sdelay $0x3  }
0x94: {  	_ =	strace s3  }
0x95: {  	s3 =	sld [smem:$0x3FFD];
	_ =	sdelay $0x3  }
0x96: {  	_ =	strace s3  }
0x97: {  	_ =	strace $0x8FFFFFFF  }
0x98: {  	s19 =	sld [smem:$0x3FDB];
	_ =	sdelay $0x1  }
0x99: {  	s4 =	simm.s32 $_scs_section_size  }
0x9a: {  	s5 =	simm.s32 $_size__tile_overlayer_lowered;
	s6 =	simm.s32 $_tile_overlayer_lowered  }
0x9b: {  	s22 =	simm.s32 $0x1BFF;
	s21 =	sshll.u32 s6, $0x1;
	s3 =	sadd.s32 s4, s19  }
0x9c: {  	s7 =	simm.s32 $0x0;
	s20 =	sshll.u32 s5, $0x1;
	s5 =	sadd.s32 s21, s3  }
0x9d: {  	[timem:s7], [sflag:s22] =	dma.local [hbm:s5], s20  }
0x9e: {  	_ =	swait.ge [sflag:s22], s20  }
0x9f: {  	s4 =	ssub.s32 $0x0, s20;
	[sflag:s22] =	ssyncset.done $0x0  }
0xa0: {  	[sflag:s22] =	ssyncadd.s32 s4;
	_ =	sdelay $0x1  }
0xa1: {  	s23 =	simm.s32 $0x1B8B  }
0xa2: {  	_ =	swait.ge [sflag:s23], $0x1  }
0xa3: {  	[sflag:s23] =	ssyncset.done $0x0  }
0xa4: {  	s25 =	simm.s32 $0x1B8E;
	s24 =	sld [smem:$0x3FFE];
	[sflag:s23] =	ssyncadd.s32 $0xFFFFFFFF  }
0xa5: {  	s26 =	simm.s32 $execute0_lowered;
	[smem:$0x3FD2] =	sst s25  }
0xa6: {  	s5 =	sshll.u32 s26, $0x1;
	_ =	strace $0x80000046;
	[dreg:$0x1] =	wrdreg $0xFFFFFFFF  }
0xa7: {  	s28 =	simm.s32 $_size_execute0_lowered;
	s3 =	sadd.s32 s3, s5;
	[dreg:$0x0] =	wrdreg $0x0  }
0xa8: {  	s5 =	sshll.u32 s28, $0x1;
	[dreg:$0x2] =	wrdreg s3  }
0xa9: {  	[dreg:$0x3] =	wrdreg s5  }
0xaa: {  	[dreg:$0x4] =	wrdreg $0xC0  }
0xab: {  	_ =	task [dreg:s7], $0x5FFFF  }
0xac: {  	[dreg:$0x1] =	wrdreg $0xFFFFFFFF  }
0xad: {  	[dreg:$0x0] =	wrdreg $0x60  }
0xae: {  	[dreg:$0x2] =	wrdreg s24  }
0xaf: {  	[dreg:$0x3] =	wrdreg s2  }
0xb0: {  	[dreg:$0x4] =	wrdreg $0x9  }
0xb1: {  	_ =	task.clear_ibuf [dreg:s7], $0x5FFFF;
	_ =	strace $0x90000046  }
0xb2: {  	s29 =	simm.s32 $0x9;
	_ =	strace $0x80000048  }
0xb3: {  	_ =	swait.ge [sflag:s29], $0x1  }
0xb4: {  	[sflag:s29] =	ssyncadd.s32 $0xFFFFFFFF  }
0xb5: {  	_ =	strace $0x90000048  }
0xb6: {  	_ =	sfence  }
0xb7: {  	s30 =	sld [smem:$0x0];
	_ =	sdelay $0x2  }
0xb8: {  	s31 =	sshll.u32 s1, $0xD;
	s1 =	sshrl.u32 s1, $0x2  }
0xb9: {  	s3 =	sand.u32 $0x4000, s31;
	s1 =	sadd.s32 s1, s30  }
0xba: {  	s0 =	sor.u32 s3, s0;
	s1 =	sshll.u32 s1, $0x11  }
0xbb: {  	s0 =	sor.u32 s1, s0  }
0xbc: {  	s0 =	sadd.s32 $0x8F2B, s0  }
0xbd: {  	[sflag:s0] =	ssyncadd.remote.s32 $0x1  }
0xbe: {  	_ =	sfence.sel $0xFFFF  }
0xbf: {  	[dreg:$0x0] =	wrdreg $0xFFFFFFFF;
	(pc) =	sbr.abs _section_cstart, $3  }
0xc0: {  	[dreg:$0x1] =	wrdreg $0xFFFFFFFF  }
0xc1: {  	_ =	task.clear_ibuf [dreg:s7], $0x2FFFF;
	_ =	strace $0x9FFFFFFF  }
0xc2: {  	(tm) =	ssettm $0x7FFFFFFF  }
0xc3: {  	_ =	shalt  }
tec
execute0_lowered:
.L_overlay_start_1:
0x0: {  	(tag) =	ssettag $0x1  }
0x1: {  	v0 =	vimm.s32 $0x2380  }
0x2: {  	vm14 =	vcmask $0x300;
	vm13 =	vcmask $0x704;
	vm12 =	vcmask $0xB08  }
0x3: {  	vm11 =	vcmask $0xF0C;
	vm10 =	vcmask $0x1310;
	vm9 =	vcmask $0x1714  }
0x4: {  	vm8 =	vcmask $0x1B18;
	vm7 =	vcmask $0x1F1C;
	vm6 =	vcmask $0x2320  }
0x5: {  	s1 =	srdreg.scid;
	s4 =	rddreg [dreg:$0x0];
	vm5 =	vcmask $0x2724;
	vm3 =	vcmask $0x2B28;
	vm1 =	vcmask $0x2F2C  }
0x6: {  	s0 =	stileid.u32;
	s2 =	rddreg [dreg:$0x1];
	vm0 =	vcmask $0x3330;
	vm2 =	vcmask $0x3734;
	vm4 =	vcmask $0x3B38  }
0x7: {  	s3 =	simm.s32 $0x0;
	v1 =	vimm.f32 $1.000000000e+00;
	v2 =	vimm.s32 $0x6380;
	v3 =	vimm.s32 $0xA380;
	s5 =	sand.u32 $0x1, s1;
	s14 =	sshll.u32 s0, $0x1  }
0x8: {  	v4 =	vimm.s32 $0xC080;
	s28 =	simm.s32 $0x3;
	s29 =	simm.s32 $0x680;
	v5 =	vimm.f32 $0.0e+00;
	v0 =	vsel vm14, $0x0, v0;
	s1 =	sor.u32 s5, s14  }
0x9: {  	s30 =	simm.s32 $0xE680;
	s31 =	simm.s32 $0x1;
	v2 =	vsel vm14, $0x4000, v2;
	v3 =	vsel vm14, $0x8000, v3;
	v4 =	vsel vm14, $0x8100, v4;
	s6 =	smul.u32 $0xC8, s1  }
0xa: {  	[smem:$0x7FF] =	sst s3;
	s8 =	sadd.s32 $0x1E00, s4;
	v0 =	vsel vm13, $0x80, v0;
	v2 =	vsel vm13, $0x4080, v2;
	v3 =	vsel vm13, $0x8080, v3;
	s7 =	smul.u32 $0x38000, s1  }
0xb: {  	_ =	strace $0x80000047;
	v4 =	vsel vm13, $0x8180, v4;
	s5 =	ssub.s32 $0x2, s5;
	v0 =	vsel vm12, $0x100, v0;
	v2 =	vsel vm12, $0x4100, v2;
	s6 =	sadd.s32 s6, s4  }
0xc: {  	s1 =	smul.u32 $0x1C0000, s1;
	v3 =	vsel vm12, $0x8100, v3;
	v4 =	vsel vm12, $0x8200, v4;
	v0 =	vsel vm11, $0x180, v0;
	s4 =	sadd.s32 s8, s7;
	s6 =	sadd.s32 $0x400, s6  }
0xd: {  	s24 =	sshrl.u32 s5, $0x1;
	v2 =	vsel vm11, $0x4180, v2;
	v3 =	vsel vm11, $0x8180, v3;
	v4 =	vsel vm11, $0x8280, v4;
	s15 =	sadd.s32 $0x1C00, s4;
	[dreg:$0x3] =	wrdreg s6  }
0xe: {  	s26 =	ssub.s32 s5, s24;
	v0 =	vsel vm10, $0x200, v0;
	v2 =	vsel vm10, $0x4200, v2;
	v3 =	vsel vm10, $0x8200, v3;
	s16 =	sadd.s32 $0x3800, s4;
	[dreg:$0x4] =	wrdreg s15  }
0xf: {  	s1 =	sshrl.u32 s1, $0x3;
	v4 =	vsel vm10, $0x8300, v4;
	v0 =	vsel vm9, $0x280, v0;
	s17 =	sadd.s32 $0x5400, s4;
	v2 =	vsel vm9, $0x4280, v2;
	[dreg:$0x5] =	wrdreg s16  }
0x10: {  	s18 =	sadd.s32 $0x7000, s4;
	s1 =	sadd.s32 s8, s1;
	v3 =	vsel vm9, $0x8280, v3;
	v4 =	vsel vm9, $0x8380, v4;
	v0 =	vsel vm8, $0x300, v0;
	[dreg:$0x6] =	wrdreg s17  }
0x11: {  	s26 =	smax.u32 s26, $0x1;
	[dreg:$0x7] =	wrdreg s18;
	s19 =	sadd.s32 $0x8C00, s1;
	v2 =	vsel vm8, $0x4300, v2;
	v3 =	vsel vm8, $0x8300, v3;
	v4 =	vsel vm8, $0xA000, v4  }
0x12: {  	s20 =	sadd.s32 $0xA800, s1;
	s21 =	sadd.s32 $0xC400, s1;
	s22 =	sadd.s32 $0xE000, s1;
	v0 =	vsel vm7, $0x380, v0;
	v2 =	vsel vm7, $0x4380, v2;
	v3 =	vsel vm7, $0x8380, v3  }
0x13: {  	s23 =	sadd.s32 $0xFC00, s1;
	s25 =	sadd.s32 $0x11800, s1;
	s5 =	sadd.s32 $0x13400, s1;
	v4 =	vsel vm7, $0xA080, v4;
	v0 =	vsel vm6, $0x2000, v0;
	v2 =	vsel vm6, $0x6000, v2  }
0x14: {  	s6 =	sadd.s32 $0x15000, s1;
	s7 =	sadd.s32 $0x16C00, s1;
	s8 =	sadd.s32 $0x18800, s1;
	v3 =	vsel vm6, $0xA000, v3;
	v4 =	vsel vm6, $0xA100, v4;
	v0 =	vsel vm5, $0x2080, v0  }
0x15: {  	s9 =	sadd.s32 $0x1A400, s1;
	s10 =	sadd.s32 $0x1C000, s1;
	[dreg:$0x8] =	wrdreg s19;
	v2 =	vsel vm5, $0x6080, v2;
	v3 =	vsel vm5, $0xA080, v3;
	v4 =	vsel vm5, $0xA180, v4  }
0x16: {  	s11 =	sadd.s32 $0x1DC00, s1;
	s12 =	sadd.s32 $0x1F800, s1;
	[dreg:$0x9] =	wrdreg s20;
	v0 =	vsel vm3, $0x2100, v0;
	v2 =	vsel vm3, $0x6100, v2;
	v3 =	vsel vm3, $0xA100, v3  }
0x17: {  	s13 =	sadd.s32 $0x21400, s1;
	s14 =	sadd.s32 $0x23000, s1;
	[dreg:$0xa] =	wrdreg s21;
	v4 =	vsel vm3, $0xA200, v4;
	v0 =	vsel vm1, $0x2180, v0;
	v2 =	vsel vm1, $0x6180, v2  }
0x18: {  	s15 =	sadd.s32 $0x24C00, s1;
	s16 =	sadd.s32 $0x26800, s1;
	[dreg:$0xb] =	wrdreg s22;
	v3 =	vsel vm1, $0xA180, v3;
	v4 =	vsel vm1, $0xA280, v4;
	v0 =	vsel vm0, $0x2200, v0  }
0x19: {  	s17 =	sadd.s32 $0x28400, s1;
	s18 =	sadd.s32 $0x2A000, s1;
	[dreg:$0xc] =	wrdreg s23;
	v2 =	vsel vm0, $0x6200, v2;
	v3 =	vsel vm0, $0xA200, v3;
	v4 =	vsel vm0, $0xA300, v4  }
0x1a: {  	s24 =	sadd.s32 $0x34800, s1;
	[dreg:$0xd] =	wrdreg s25;
	s19 =	sadd.s32 $0x2BC00, s1;
	vm0 =	vcmask $0x3F38;
	v0 =	vsel vm2, $0x2280, v0;
	v2 =	vsel vm2, $0x6280, v2  }
0x1b: {  	s20 =	sadd.s32 $0x2D800, s1;
	s21 =	sadd.s32 $0x2F400, s1;
	s22 =	sadd.s32 $0x31000, s1;
	v3 =	vsel vm2, $0xA280, v3;
	v4 =	vsel vm2, $0xA380, v4;
	v0 =	vsel vm4, $0x2300, v0  }
0x1c: {  	s23 =	sadd.s32 $0x32C00, s1;
	s25 =	sadd.s32 $0x36400, s1;
	s1 =	simm.s32 $0x2;
	v2 =	vsel vm4, $0x6300, v2;
	v3 =	vsel vm4, $0xA300, v3;
	v4 =	vsel vm4, $0xC000, v4  }
.LBB2_1:
0x1d: {  	s0 =	rddreg [dreg:$0x3]  }
0x1e: {  	[tilespmem:s3], [sflag:$0x3] =	stream.linear.gather [hbm4b:s0+s3], $0x640, $0x38;
	[tilespmem:$0x1C680] =	vst v63  }
0x1f: {  	_ =	swait.ge [sflag:s28], $0x640  }
0x20: {  	[sflag:s28] =	ssyncset.done $0x0  }
0x21: {  	[sflag:s28] =	ssyncadd.s32 $0xFFFFF9C0  }
0x22: {  	[tilespmem:s29], [sflag:$0x3] =	stream.linear.gather [hbm4b:s2+s3], $0xE000, $0x38;
	[tilespmem:$0x1C680] =	vst v63  }
0x23: {  	_ =	swait.ge [sflag:s28], $0xE000  }
0x24: {  	[sflag:s28] =	ssyncset.done $0x0  }
0x25: {  	[sflag:s28] =	ssyncadd.s32 $0xFFFF2000  }
0x26: {  	[tilespmem:s30], [sflag:$0x3] =	stream.linear.gather [hbm4b:s2+s3], $0xE000, $0x38;
	[tilespmem:$0x1C680] =	vst v63  }
0x27: {  	_ =	swait.ge [sflag:s28], $0xE000  }
0x28: {  	[sflag:s28] =	ssyncset.done $0x0  }
0x29: {  	[sflag:s28] =	ssyncadd.s32 $0xFFFF2000  }
0x2a: {  	v6 =	vld [tilespmem:$0x0];
	_ =	sdelay $0x4  }
0x2b: {  	v7 =	vshll.u32 v6, $0x3  }
0x2c: {  	v6 =	vand.u32 $0x7F, v6;
	v7 =	vand.u32 $0xFFFFFC00, v7  }
0x2d: {  	v6 =	vor.u32 v6, v7  }
0x2e: {  	v6 =	vadd.s32 v0, v6;
	_ =	sdelay $0x4  }
0x2f: {  	[tilespmem:v6+s29+$0x0] =	vst.idx.msk $0xffff, v1  }
0x30: {  	v6 =	vld [tilespmem:$0x10];
	_ =	sdelay $0x4  }
0x31: {  	v7 =	vshll.u32 v6, $0x3  }
0x32: {  	v6 =	vand.u32 $0x7F, v6;
	v7 =	vand.u32 $0xFFFFFC00, v7  }
0x33: {  	v6 =	vor.u32 v6, v7  }
0x34: {  	v6 =	vadd.s32 v2, v6;
	_ =	sdelay $0x4  }
0x35: {  	[tilespmem:v6+s29+$0x0] =	vst.idx.msk $0xffff, v1  }
0x36: {  	v6 =	vld [tilespmem:$0x20];
	_ =	sdelay $0x4  }
0x37: {  	v7 =	vshll.u32 v6, $0x3  }
0x38: {  	v6 =	vand.u32 $0x7F, v6;
	v7 =	vand.u32 $0xFFFFFC00, v7  }
0x39: {  	v6 =	vor.u32 v6, v7  }
0x3a: {  	v6 =	vadd.s32 v3, v6;
	_ =	sdelay $0x4  }
0x3b: {  	[tilespmem:v6+s29+$0x0] =	vst.idx.msk $0xffff, v1  }
0x3c: {  	v6 =	vld [tilespmem:$0x22];
	_ =	sdelay $0x4  }
0x3d: {  	v7 =	vshll.u32 v6, $0x3  }
0x3e: {  	v6 =	vand.u32 $0x7F, v6;
	v7 =	vand.u32 $0xFFFFFC00, v7  }
0x3f: {  	v6 =	vor.u32 v6, v7  }
0x40: {  	v6 =	vadd.s32 v4, v6;
	_ =	sdelay $0x4  }
0x41: {  	[tilespmem:v6+s29+$0x0] =	vst.idx.msk vm0, v1  }
0x42: {  	[hbm4b:s4+s3] =	stream.linear.scatter [tilespmem:s29], [sflag:$0x1], $0xE000, $0x38;
	[tilespmem:$0x1C680] =	vst v63  }
0x43: {  	v6 =	vld [tilespmem:$0x32];
	_ =	sdelay $0x4  }
0x44: {  	v7 =	vshll.u32 v6, $0x3  }
0x45: {  	v6 =	vand.u32 $0x7F, v6;
	v7 =	vand.u32 $0xFFFFFC00, v7  }
0x46: {  	v6 =	vor.u32 v6, v7  }
0x47: {  	v6 =	vadd.s32 v0, v6;
	_ =	sdelay $0x4  }
0x48: {  	[tilespmem:v6+s30+$0x0] =	vst.idx.msk $0xffff, v1  }
0x49: {  	v6 =	vld [tilespmem:$0x42];
	_ =	sdelay $0x4  }
0x4a: {  	v7 =	vshll.u32 v6, $0x3  }
0x4b: {  	v6 =	vand.u32 $0x7F, v6;
	v7 =	vand.u32 $0xFFFFFC00, v7  }
0x4c: {  	v6 =	vor.u32 v6, v7  }
0x4d: {  	v6 =	vadd.s32 v2, v6;
	_ =	sdelay $0x4  }
0x4e: {  	[tilespmem:v6+s30+$0x0] =	vst.idx.msk $0xffff, v1  }
0x4f: {  	v6 =	vld [tilespmem:$0x52];
	_ =	sdelay $0x4  }
0x50: {  	v7 =	vshll.u32 v6, $0x3  }
0x51: {  	v6 =	vand.u32 $0x7F, v6;
	v7 =	vand.u32 $0xFFFFFC00, v7  }
0x52: {  	v6 =	vor.u32 v6, v7  }
0x53: {  	v6 =	vadd.s32 v3, v6;
	_ =	sdelay $0x4  }
0x54: {  	[tilespmem:v6+s30+$0x0] =	vst.idx.msk $0xffff, v1  }
0x55: {  	v6 =	vld [tilespmem:$0x54];
	_ =	sdelay $0x4  }
0x56: {  	v7 =	vshll.u32 v6, $0x3  }
0x57: {  	v6 =	vand.u32 $0x7F, v6;
	v7 =	vand.u32 $0xFFFFFC00, v7  }
0x58: {  	v6 =	vor.u32 v6, v7  }
0x59: {  	v6 =	vadd.s32 v4, v6;
	_ =	sdelay $0x4  }
0x5a: {  	s0 =	rddreg [dreg:$0x4];
	[tilespmem:v6+s30+$0x0] =	vst.idx.msk vm0, v1  }
0x5b: {  	[hbm4b:s0+s3] =	stream.linear.scatter [tilespmem:s30], [sflag:$0x2], $0xE000, $0x38;
	[tilespmem:$0x1C680] =	vst v63  }
0x5c: {  	_ =	swait.ge [sflag:s31], $0xE000  }
0x5d: {  	[sflag:s31] =	ssyncset.done $0x0  }
0x5e: {  	[sflag:s31] =	ssyncadd.s32 $0xFFFF2000  }
0x5f: {  	v6 =	vld [tilespmem:$0x0];
	_ =	sdelay $0x4  }
0x60: {  	v7 =	vshll.u32 v6, $0x3  }
0x61: {  	v6 =	vand.u32 $0x7F, v6;
	v7 =	vand.u32 $0xFFFFFC00, v7  }
0x62: {  	v6 =	vor.u32 v6, v7  }
0x63: {  	v6 =	vadd.s32 v0, v6;
	_ =	sdelay $0x4  }
0x64: {  	[tilespmem:v6+s29+$0x0] =	vst.idx.msk $0xffff, v5  }
0x65: {  	v6 =	vld [tilespmem:$0x10];
	_ =	sdelay $0x4  }
0x66: {  	v7 =	vshll.u32 v6, $0x3  }
0x67: {  	v6 =	vand.u32 $0x7F, v6;
	v7 =	vand.u32 $0xFFFFFC00, v7  }
0x68: {  	v6 =	vor.u32 v6, v7  }
0x69: {  	v6 =	vadd.s32 v2, v6;
	_ =	sdelay $0x4  }
0x6a: {  	[tilespmem:v6+s29+$0x0] =	vst.idx.msk $0xffff, v5  }
0x6b: {  	v6 =	vld [tilespmem:$0x20];
	_ =	sdelay $0x4  }
0x6c: {  	v7 =	vshll.u32 v6, $0x3  }
0x6d: {  	v6 =	vand.u32 $0x7F, v6;
	v7 =	vand.u32 $0xFFFFFC00, v7  }
0x6e: {  	v6 =	vor.u32 v6, v7  }
0x6f: {  	v6 =	vadd.s32 v3, v6;
	_ =	sdelay $0x4  }
0x70: {  	[tilespmem:v6+s29+$0x0] =	vst.idx.msk $0xffff, v5  }
0x71: {  	v6 =	vld [tilespmem:$0x22];
	_ =	sdelay $0x4  }
0x72: {  	v7 =	vshll.u32 v6, $0x3  }
0x73: {  	v6 =	vand.u32 $0x7F, v6;
	v7 =	vand.u32 $0xFFFFFC00, v7  }
0x74: {  	v6 =	vor.u32 v6, v7  }
0x75: {  	v6 =	vadd.s32 v4, v6;
	_ =	sdelay $0x4  }
0x76: {  	[tilespmem:v6+s29+$0x0] =	vst.idx.msk vm0, v5  }
0x77: {  	v6 =	vld [tilespmem:$0x64];
	_ =	sdelay $0x4  }
0x78: {  	v7 =	vshll.u32 v6, $0x3  }
0x79: {  	v6 =	vand.u32 $0x7F, v6;
	v7 =	vand.u32 $0xFFFFFC00, v7  }
0x7a: {  	v6 =	vor.u32 v6, v7  }
0x7b: {  	v6 =	vadd.s32 v0, v6;
	_ =	sdelay $0x4  }
0x7c: {  	[tilespmem:v6+s29+$0x0] =	vst.idx.msk $0xffff, v1  }
0x7d: {  	v6 =	vld [tilespmem:$0x74];
	_ =	sdelay $0x4  }
0x7e: {  	v7 =	vshll.u32 v6, $0x3  }
0x7f: {  	v6 =	vand.u32 $0x7F, v6;
	v7 =	vand.u32 $0xFFFFFC00, v7  }
0x80: {  	v6 =	vor.u32 v6, v7  }
0x81: {  	v6 =	vadd.s32 v2, v6;
	_ =	sdelay $0x4  }
0x82: {  	[tilespmem:v6+s29+$0x0] =	vst.idx.msk $0xffff, v1  }
0x83: {  	v6 =	vld [tilespmem:$0x84];
	_ =	sdelay $0x4  }
0x84: {  	v7 =	vshll.u32 v6, $0x3  }
0x85: {  	v6 =	vand.u32 $0x7F, v6;
	v7 =	vand.u32 $0xFFFFFC00, v7  }
0x86: {  	v6 =	vor.u32 v6, v7  }
0x87: {  	v6 =	vadd.s32 v3, v6;
	_ =	sdelay $0x4  }
0x88: {  	[tilespmem:v6+s29+$0x0] =	vst.idx.msk $0xffff, v1  }
0x89: {  	v6 =	vld [tilespmem:$0x86];
	_ =	sdelay $0x4  }
0x8a: {  	v7 =	vshll.u32 v6, $0x3  }
0x8b: {  	v6 =	vand.u32 $0x7F, v6;
	v7 =	vand.u32 $0xFFFFFC00, v7  }
0x8c: {  	v6 =	vor.u32 v6, v7  }
0x8d: {  	v6 =	vadd.s32 v4, v6;
	_ =	sdelay $0x4  }
0x8e: {  	s0 =	rddreg [dreg:$0x5];
	[tilespmem:v6+s29+$0x0] =	vst.idx.msk vm0, v1  }
0x8f: {  	[hbm4b:s0+s3] =	stream.linear.scatter [tilespmem:s29], [sflag:$0x1], $0xE000, $0x38;
	[tilespmem:$0x1C680] =	vst v63  }
0x90: {  	_ =	swait.ge [sflag:s1], $0xE000  }
0x91: {  	[sflag:s1] =	ssyncset.done $0x0  }
0x92: {  	[sflag:s1] =	ssyncadd.s32 $0xFFFF2000  }
0x93: {  	v6 =	vld [tilespmem:$0x32];
	_ =	sdelay $0x4  }
0x94: {  	v7 =	vshll.u32 v6, $0x3  }
0x95: {  	v6 =	vand.u32 $0x7F, v6;
	v7 =	vand.u32 $0xFFFFFC00, v7  }
0x96: {  	v6 =	vor.u32 v6, v7  }
0x97: {  	v6 =	vadd.s32 v0, v6;
	_ =	sdelay $0x4  }
0x98: {  	[tilespmem:v6+s30+$0x0] =	vst.idx.msk $0xffff, v5  }
0x99: {  	v6 =	vld [tilespmem:$0x42];
	_ =	sdelay $0x4  }
0x9a: {  	v7 =	vshll.u32 v6, $0x3  }
0x9b: {  	v6 =	vand.u32 $0x7F, v6;
	v7 =	vand.u32 $0xFFFFFC00, v7  }
0x9c: {  	v6 =	vor.u32 v6, v7  }
0x9d: {  	v6 =	vadd.s32 v2, v6;
	_ =	sdelay $0x4  }
0x9e: {  	[tilespmem:v6+s30+$0x0] =	vst.idx.msk $0xffff, v5  }
0x9f: {  	v6 =	vld [tilespmem:$0x52];
	_ =	sdelay $0x4  }
0xa0: {  	v7 =	vshll.u32 v6, $0x3  }
0xa1: {  	v6 =	vand.u32 $0x7F, v6;
	v7 =	vand.u32 $0xFFFFFC00, v7  }
0xa2: {  	v6 =	vor.u32 v6, v7  }
0xa3: {  	v6 =	vadd.s32 v3, v6;
	_ =	sdelay $0x4  }
0xa4: {  	[tilespmem:v6+s30+$0x0] =	vst.idx.msk $0xffff, v5  }
0xa5: {  	v6 =	vld [tilespmem:$0x54];
	_ =	sdelay $0x4  }
0xa6: {  	v7 =	vshll.u32 v6, $0x3  }
0xa7: {  	v6 =	vand.u32 $0x7F, v6;
	v7 =	vand.u32 $0xFFFFFC00, v7  }
0xa8: {  	v6 =	vor.u32 v6, v7  }
0xa9: {  	v6 =	vadd.s32 v4, v6;
	_ =	sdelay $0x4  }
0xaa: {  	[tilespmem:v6+s30+$0x0] =	vst.idx.msk vm0, v5  }
0xab: {  	v6 =	vld [tilespmem:$0x96];
	_ =	sdelay $0x4  }
0xac: {  	v7 =	vshll.u32 v6, $0x3  }
0xad: {  	v6 =	vand.u32 $0x7F, v6;
	v7 =	vand.u32 $0xFFFFFC00, v7  }
0xae: {  	v6 =	vor.u32 v6, v7  }
0xaf: {  	v6 =	vadd.s32 v0, v6;
	_ =	sdelay $0x4  }
0xb0: {  	[tilespmem:v6+s30+$0x0] =	vst.idx.msk $0xffff, v1  }
0xb1: {  	v6 =	vld [tilespmem:$0xA6];
	_ =	sdelay $0x4  }
0xb2: {  	v7 =	vshll.u32 v6, $0x3  }
0xb3: {  	v6 =	vand.u32 $0x7F, v6;
	v7 =	vand.u32 $0xFFFFFC00, v7  }
0xb4: {  	v6 =	vor.u32 v6, v7  }
0xb5: {  	v6 =	vadd.s32 v2, v6;
	_ =	sdelay $0x4  }
0xb6: {  	[tilespmem:v6+s30+$0x0] =	vst.idx.msk $0xffff, v1  }
0xb7: {  	v6 =	vld [tilespmem:$0xB6];
	_ =	sdelay $0x4  }
0xb8: {  	v7 =	vshll.u32 v6, $0x3  }
0xb9: {  	v6 =	vand.u32 $0x7F, v6;
	v7 =	vand.u32 $0xFFFFFC00, v7  }
0xba: {  	v6 =	vor.u32 v6, v7  }
0xbb: {  	v6 =	vadd.s32 v3, v6;
	_ =	sdelay $0x4  }
0xbc: {  	[tilespmem:v6+s30+$0x0] =	vst.idx.msk $0xffff, v1  }
0xbd: {  	v6 =	vld [tilespmem:$0xB8];
	_ =	sdelay $0x4  }
0xbe: {  	v7 =	vshll.u32 v6, $0x3  }
0xbf: {  	v6 =	vand.u32 $0x7F, v6;
	v7 =	vand.u32 $0xFFFFFC00, v7  }
0xc0: {  	v6 =	vor.u32 v6, v7  }
0xc1: {  	v6 =	vadd.s32 v4, v6;
	_ =	sdelay $0x4  }
0xc2: {  	s0 =	rddreg [dreg:$0x6];
	[tilespmem:v6+s30+$0x0] =	vst.idx.msk vm0, v1  }
0xc3: {  	[hbm4b:s0+s3] =	stream.linear.scatter [tilespmem:s30], [sflag:$0x2], $0xE000, $0x38;
	[tilespmem:$0x1C680] =	vst v63  }
0xc4: {  	_ =	swait.ge [sflag:s31], $0xE000  }
0xc5: {  	[sflag:s31] =	ssyncset.done $0x0  }
0xc6: {  	[sflag:s31] =	ssyncadd.s32 $0xFFFF2000  }
0xc7: {  	v6 =	vld [tilespmem:$0x64];
	_ =	sdelay $0x4  }
0xc8: {  	v7 =	vshll.u32 v6, $0x3  }
0xc9: {  	v6 =	vand.u32 $0x7F, v6;
	v7 =	vand.u32 $0xFFFFFC00, v7  }
0xca: {  	v6 =	vor.u32 v6, v7  }
0xcb: {  	v6 =	vadd.s32 v0, v6;
	_ =	sdelay $0x4  }
0xcc: {  	[tilespmem:v6+s29+$0x0] =	vst.idx.msk $0xffff, v5  }
0xcd: {  	v6 =	vld [tilespmem:$0x74];
	_ =	sdelay $0x4  }
0xce: {  	v7 =	vshll.u32 v6, $0x3  }
0xcf: {  	v6 =	vand.u32 $0x7F, v6;
	v7 =	vand.u32 $0xFFFFFC00, v7  }
0xd0: {  	v6 =	vor.u32 v6, v7  }
0xd1: {  	v6 =	vadd.s32 v2, v6;
	_ =	sdelay $0x4  }
0xd2: {  	[tilespmem:v6+s29+$0x0] =	vst.idx.msk $0xffff, v5  }
0xd3: {  	v6 =	vld [tilespmem:$0x84];
	_ =	sdelay $0x4  }
0xd4: {  	v7 =	vshll.u32 v6, $0x3  }
0xd5: {  	v6 =	vand.u32 $0x7F, v6;
	v7 =	vand.u32 $0xFFFFFC00, v7  }
0xd6: {  	v6 =	vor.u32 v6, v7  }
0xd7: {  	v6 =	vadd.s32 v3, v6;
	_ =	sdelay $0x4  }
0xd8: {  	[tilespmem:v6+s29+$0x0] =	vst.idx.msk $0xffff, v5  }
0xd9: {  	v6 =	vld [tilespmem:$0x86];
	_ =	sdelay $0x4  }
0xda: {  	v7 =	vshll.u32 v6, $0x3  }
0xdb: {  	v6 =	vand.u32 $0x7F, v6;
	v7 =	vand.u32 $0xFFFFFC00, v7  }
0xdc: {  	v6 =	vor.u32 v6, v7  }
0xdd: {  	v6 =	vadd.s32 v4, v6;
	_ =	sdelay $0x4  }
0xde: {  	[tilespmem:v6+s29+$0x0] =	vst.idx.msk vm0, v5  }
0xdf: {  	v6 =	vld [tilespmem:$0xC8];
	_ =	sdelay $0x4  }
0xe0: {  	v7 =	vshll.u32 v6, $0x3  }
0xe1: {  	v6 =	vand.u32 $0x7F, v6;
	v7 =	vand.u32 $0xFFFFFC00, v7  }
0xe2: {  	v6 =	vor.u32 v6, v7  }
0xe3: {  	v6 =	vadd.s32 v0, v6;
	_ =	sdelay $0x4  }
0xe4: {  	[tilespmem:v6+s29+$0x0] =	vst.idx.msk $0xffff, v1  }
0xe5: {  	v6 =	vld [tilespmem:$0xD8];
	_ =	sdelay $0x4  }
0xe6: {  	v7 =	vshll.u32 v6, $0x3  }
0xe7: {  	v6 =	vand.u32 $0x7F, v6;
	v7 =	vand.u32 $0xFFFFFC00, v7  }
0xe8: {  	v6 =	vor.u32 v6, v7  }
0xe9: {  	v6 =	vadd.s32 v2, v6;
	_ =	sdelay $0x4  }
0xea: {  	[tilespmem:v6+s29+$0x0] =	vst.idx.msk $0xffff, v1  }
0xeb: {  	v6 =	vld [tilespmem:$0xE8];
	_ =	sdelay $0x4  }
0xec: {  	v7 =	vshll.u32 v6, $0x3  }
0xed: {  	v6 =	vand.u32 $0x7F, v6;
	v7 =	vand.u32 $0xFFFFFC00, v7  }
0xee: {  	v6 =	vor.u32 v6, v7  }
0xef: {  	v6 =	vadd.s32 v3, v6;
	_ =	sdelay $0x4  }
0xf0: {  	[tilespmem:v6+s29+$0x0] =	vst.idx.msk $0xffff, v1  }
0xf1: {  	v6 =	vld [tilespmem:$0xEA];
	_ =	sdelay $0x4  }
0xf2: {  	v7 =	vshll.u32 v6, $0x3  }
0xf3: {  	v6 =	vand.u32 $0x7F, v6;
	v7 =	vand.u32 $0xFFFFFC00, v7  }
0xf4: {  	v6 =	vor.u32 v6, v7  }
0xf5: {  	v6 =	vadd.s32 v4, v6;
	_ =	sdelay $0x4  }
0xf6: {  	s0 =	rddreg [dreg:$0x7];
	[tilespmem:v6+s29+$0x0] =	vst.idx.msk vm0, v1  }
0xf7: {  	[hbm4b:s0+s3] =	stream.linear.scatter [tilespmem:s29], [sflag:$0x1], $0xE000, $0x38;
	[tilespmem:$0x1C680] =	vst v63  }
0xf8: {  	_ =	swait.ge [sflag:s1], $0xE000  }
0xf9: {  	[sflag:s1] =	ssyncset.done $0x0  }
0xfa: {  	[sflag:s1] =	ssyncadd.s32 $0xFFFF2000  }
0xfb: {  	v6 =	vld [tilespmem:$0x96];
	_ =	sdelay $0x4  }
0xfc: {  	v7 =	vshll.u32 v6, $0x3  }
0xfd: {  	v6 =	vand.u32 $0x7F, v6;
	v7 =	vand.u32 $0xFFFFFC00, v7  }
0xfe: {  	v6 =	vor.u32 v6, v7  }
0xff: {  	v6 =	vadd.s32 v0, v6;
	_ =	sdelay $0x4  }
0x100: {  	[tilespmem:v6+s30+$0x0] =	vst.idx.msk $0xffff, v5  }
0x101: {  	v6 =	vld [tilespmem:$0xA6];
	_ =	sdelay $0x4  }
0x102: {  	v7 =	vshll.u32 v6, $0x3  }
0x103: {  	v6 =	vand.u32 $0x7F, v6;
	v7 =	vand.u32 $0xFFFFFC00, v7  }
0x104: {  	v6 =	vor.u32 v6, v7  }
0x105: {  	v6 =	vadd.s32 v2, v6;
	_ =	sdelay $0x4  }
0x106: {  	[tilespmem:v6+s30+$0x0] =	vst.idx.msk $0xffff, v5  }
0x107: {  	v6 =	vld [tilespmem:$0xB6];
	_ =	sdelay $0x4  }
0x108: {  	v7 =	vshll.u32 v6, $0x3  }
0x109: {  	v6 =	vand.u32 $0x7F, v6;
	v7 =	vand.u32 $0xFFFFFC00, v7  }
0x10a: {  	v6 =	vor.u32 v6, v7  }
0x10b: {  	v6 =	vadd.s32 v3, v6;
	_ =	sdelay $0x4  }
0x10c: {  	[tilespmem:v6+s30+$0x0] =	vst.idx.msk $0xffff, v5  }
0x10d: {  	v6 =	vld [tilespmem:$0xB8];
	_ =	sdelay $0x4  }
0x10e: {  	v7 =	vshll.u32 v6, $0x3  }
0x10f: {  	v6 =	vand.u32 $0x7F, v6;
	v7 =	vand.u32 $0xFFFFFC00, v7  }
0x110: {  	v6 =	vor.u32 v6, v7  }
0x111: {  	v6 =	vadd.s32 v4, v6;
	_ =	sdelay $0x4  }
0x112: {  	[tilespmem:v6+s30+$0x0] =	vst.idx.msk vm0, v5  }
0x113: {  	v6 =	vld [tilespmem:$0xFA];
	_ =	sdelay $0x4  }
0x114: {  	v7 =	vshll.u32 v6, $0x3  }
0x115: {  	v6 =	vand.u32 $0x7F, v6;
	v7 =	vand.u32 $0xFFFFFC00, v7  }
0x116: {  	v6 =	vor.u32 v6, v7  }
0x117: {  	v6 =	vadd.s32 v0, v6;
	_ =	sdelay $0x4  }
0x118: {  	[tilespmem:v6+s30+$0x0] =	vst.idx.msk $0xffff, v1  }
0x119: {  	v6 =	vld [tilespmem:$0x10A];
	_ =	sdelay $0x4  }
0x11a: {  	v7 =	vshll.u32 v6, $0x3  }
0x11b: {  	v6 =	vand.u32 $0x7F, v6;
	v7 =	vand.u32 $0xFFFFFC00, v7  }
0x11c: {  	v6 =	vor.u32 v6, v7  }
0x11d: {  	v6 =	vadd.s32 v2, v6;
	_ =	sdelay $0x4  }
0x11e: {  	[tilespmem:v6+s30+$0x0] =	vst.idx.msk $0xffff, v1  }
0x11f: {  	v6 =	vld [tilespmem:$0x11A];
	_ =	sdelay $0x4  }
0x120: {  	v7 =	vshll.u32 v6, $0x3  }
0x121: {  	v6 =	vand.u32 $0x7F, v6;
	v7 =	vand.u32 $0xFFFFFC00, v7  }
0x122: {  	v6 =	vor.u32 v6, v7  }
0x123: {  	v6 =	vadd.s32 v3, v6;
	_ =	sdelay $0x4  }
0x124: {  	[tilespmem:v6+s30+$0x0] =	vst.idx.msk $0xffff, v1  }
0x125: {  	v6 =	vld [tilespmem:$0x11C];
	_ =	sdelay $0x4  }
0x126: {  	v7 =	vshll.u32 v6, $0x3  }
0x127: {  	v6 =	vand.u32 $0x7F, v6;
	v7 =	vand.u32 $0xFFFFFC00, v7  }
0x128: {  	v6 =	vor.u32 v6, v7  }
0x129: {  	v6 =	vadd.s32 v4, v6;
	_ =	sdelay $0x4  }
0x12a: {  	s0 =	rddreg [dreg:$0x8];
	[tilespmem:v6+s30+$0x0] =	vst.idx.msk vm0, v1  }
0x12b: {  	[hbm4b:s0+s3] =	stream.linear.scatter [tilespmem:s30], [sflag:$0x2], $0xE000, $0x38;
	[tilespmem:$0x1C680] =	vst v63  }
0x12c: {  	_ =	swait.ge [sflag:s31], $0xE000  }
0x12d: {  	[sflag:s31] =	ssyncset.done $0x0  }
0x12e: {  	[sflag:s31] =	ssyncadd.s32 $0xFFFF2000  }
0x12f: {  	v6 =	vld [tilespmem:$0xC8];
	_ =	sdelay $0x4  }
0x130: {  	v7 =	vshll.u32 v6, $0x3  }
0x131: {  	v6 =	vand.u32 $0x7F, v6;
	v7 =	vand.u32 $0xFFFFFC00, v7  }
0x132: {  	v6 =	vor.u32 v6, v7  }
0x133: {  	v6 =	vadd.s32 v0, v6;
	_ =	sdelay $0x4  }
0x134: {  	[tilespmem:v6+s29+$0x0] =	vst.idx.msk $0xffff, v5  }
0x135: {  	v6 =	vld [tilespmem:$0xD8];
	_ =	sdelay $0x4  }
0x136: {  	v7 =	vshll.u32 v6, $0x3  }
0x137: {  	v6 =	vand.u32 $0x7F, v6;
	v7 =	vand.u32 $0xFFFFFC00, v7  }
0x138: {  	v6 =	vor.u32 v6, v7  }
0x139: {  	v6 =	vadd.s32 v2, v6;
	_ =	sdelay $0x4  }
0x13a: {  	[tilespmem:v6+s29+$0x0] =	vst.idx.msk $0xffff, v5  }
0x13b: {  	v6 =	vld [tilespmem:$0xE8];
	_ =	sdelay $0x4  }
0x13c: {  	v7 =	vshll.u32 v6, $0x3  }
0x13d: {  	v6 =	vand.u32 $0x7F, v6;
	v7 =	vand.u32 $0xFFFFFC00, v7  }
0x13e: {  	v6 =	vor.u32 v6, v7  }
0x13f: {  	v6 =	vadd.s32 v3, v6;
	_ =	sdelay $0x4  }
0x140: {  	[tilespmem:v6+s29+$0x0] =	vst.idx.msk $0xffff, v5  }
0x141: {  	v6 =	vld [tilespmem:$0xEA];
	_ =	sdelay $0x4  }
0x142: {  	v7 =	vshll.u32 v6, $0x3  }
0x143: {  	v6 =	vand.u32 $0x7F, v6;
	v7 =	vand.u32 $0xFFFFFC00, v7  }
0x144: {  	v6 =	vor.u32 v6, v7  }
0x145: {  	v6 =	vadd.s32 v4, v6;
	_ =	sdelay $0x4  }
0x146: {  	[tilespmem:v6+s29+$0x0] =	vst.idx.msk vm0, v5  }
0x147: {  	v6 =	vld [tilespmem:$0x12C];
	_ =	sdelay $0x4  }
0x148: {  	v7 =	vshll.u32 v6, $0x3  }
0x149: {  	v6 =	vand.u32 $0x7F, v6;
	v7 =	vand.u32 $0xFFFFFC00, v7  }
0x14a: {  	v6 =	vor.u32 v6, v7  }
0x14b: {  	v6 =	vadd.s32 v0, v6;
	_ =	sdelay $0x4  }
0x14c: {  	[tilespmem:v6+s29+$0x0] =	vst.idx.msk $0xffff, v1  }
0x14d: {  	v6 =	vld [tilespmem:$0x13C];
	_ =	sdelay $0x4  }
0x14e: {  	v7 =	vshll.u32 v6, $0x3  }
0x14f: {  	v6 =	vand.u32 $0x7F, v6;
	v7 =	vand.u32 $0xFFFFFC00, v7  }
0x150: {  	v6 =	vor.u32 v6, v7  }
0x151: {  	v6 =	vadd.s32 v2, v6;
	_ =	sdelay $0x4  }
0x152: {  	[tilespmem:v6+s29+$0x0] =	vst.idx.msk $0xffff, v1  }
0x153: {  	v6 =	vld [tilespmem:$0x14C];
	_ =	sdelay $0x4  }
0x154: {  	v7 =	vshll.u32 v6, $0x3  }
0x155: {  	v6 =	vand.u32 $0x7F, v6;
	v7 =	vand.u32 $0xFFFFFC00, v7  }
0x156: {  	v6 =	vor.u32 v6, v7  }
0x157: {  	v6 =	vadd.s32 v3, v6;
	_ =	sdelay $0x4  }
0x158: {  	[tilespmem:v6+s29+$0x0] =	vst.idx.msk $0xffff, v1  }
0x159: {  	v6 =	vld [tilespmem:$0x14E];
	_ =	sdelay $0x4  }
0x15a: {  	v7 =	vshll.u32 v6, $0x3  }
0x15b: {  	v6 =	vand.u32 $0x7F, v6;
	v7 =	vand.u32 $0xFFFFFC00, v7  }
0x15c: {  	v6 =	vor.u32 v6, v7  }
0x15d: {  	v6 =	vadd.s32 v4, v6;
	_ =	sdelay $0x4  }
0x15e: {  	s0 =	rddreg [dreg:$0x9];
	[tilespmem:v6+s29+$0x0] =	vst.idx.msk vm0, v1  }
0x15f: {  	[hbm4b:s0+s3] =	stream.linear.scatter [tilespmem:s29], [sflag:$0x1], $0xE000, $0x38;
	[tilespmem:$0x1C680] =	vst v63  }
0x160: {  	_ =	swait.ge [sflag:s1], $0xE000  }
0x161: {  	[sflag:s1] =	ssyncset.done $0x0  }
0x162: {  	[sflag:s1] =	ssyncadd.s32 $0xFFFF2000  }
0x163: {  	v6 =	vld [tilespmem:$0xFA];
	_ =	sdelay $0x4  }
0x164: {  	v7 =	vshll.u32 v6, $0x3  }
0x165: {  	v6 =	vand.u32 $0x7F, v6;
	v7 =	vand.u32 $0xFFFFFC00, v7  }
0x166: {  	v6 =	vor.u32 v6, v7  }
0x167: {  	v6 =	vadd.s32 v0, v6;
	_ =	sdelay $0x4  }
0x168: {  	[tilespmem:v6+s30+$0x0] =	vst.idx.msk $0xffff, v5  }
0x169: {  	v6 =	vld [tilespmem:$0x10A];
	_ =	sdelay $0x4  }
0x16a: {  	v7 =	vshll.u32 v6, $0x3  }
0x16b: {  	v6 =	vand.u32 $0x7F, v6;
	v7 =	vand.u32 $0xFFFFFC00, v7  }
0x16c: {  	v6 =	vor.u32 v6, v7  }
0x16d: {  	v6 =	vadd.s32 v2, v6;
	_ =	sdelay $0x4  }
0x16e: {  	[tilespmem:v6+s30+$0x0] =	vst.idx.msk $0xffff, v5  }
0x16f: {  	v6 =	vld [tilespmem:$0x11A];
	_ =	sdelay $0x4  }
0x170: {  	v7 =	vshll.u32 v6, $0x3  }
0x171: {  	v6 =	vand.u32 $0x7F, v6;
	v7 =	vand.u32 $0xFFFFFC00, v7  }
0x172: {  	v6 =	vor.u32 v6, v7  }
0x173: {  	v6 =	vadd.s32 v3, v6;
	_ =	sdelay $0x4  }
0x174: {  	[tilespmem:v6+s30+$0x0] =	vst.idx.msk $0xffff, v5  }
0x175: {  	v6 =	vld [tilespmem:$0x11C];
	_ =	sdelay $0x4  }
0x176: {  	v7 =	vshll.u32 v6, $0x3  }
0x177: {  	v6 =	vand.u32 $0x7F, v6;
	v7 =	vand.u32 $0xFFFFFC00, v7  }
0x178: {  	v6 =	vor.u32 v6, v7  }
0x179: {  	v6 =	vadd.s32 v4, v6;
	_ =	sdelay $0x4  }
0x17a: {  	[tilespmem:v6+s30+$0x0] =	vst.idx.msk vm0, v5  }
0x17b: {  	v6 =	vld [tilespmem:$0x15E];
	_ =	sdelay $0x4  }
0x17c: {  	v7 =	vshll.u32 v6, $0x3  }
0x17d: {  	v6 =	vand.u32 $0x7F, v6;
	v7 =	vand.u32 $0xFFFFFC00, v7  }
0x17e: {  	v6 =	vor.u32 v6, v7  }
0x17f: {  	v6 =	vadd.s32 v0, v6;
	_ =	sdelay $0x4  }
0x180: {  	[tilespmem:v6+s30+$0x0] =	vst.idx.msk $0xffff, v1  }
0x181: {  	v6 =	vld [tilespmem:$0x16E];
	_ =	sdelay $0x4  }
0x182: {  	v7 =	vshll.u32 v6, $0x3  }
0x183: {  	v6 =	vand.u32 $0x7F, v6;
	v7 =	vand.u32 $0xFFFFFC00, v7  }
0x184: {  	v6 =	vor.u32 v6, v7  }
0x185: {  	v6 =	vadd.s32 v2, v6;
	_ =	sdelay $0x4  }
0x186: {  	[tilespmem:v6+s30+$0x0] =	vst.idx.msk $0xffff, v1  }
0x187: {  	v6 =	vld [tilespmem:$0x17E];
	_ =	sdelay $0x4  }
0x188: {  	v7 =	vshll.u32 v6, $0x3  }
0x189: {  	v6 =	vand.u32 $0x7F, v6;
	v7 =	vand.u32 $0xFFFFFC00, v7  }
0x18a: {  	v6 =	vor.u32 v6, v7  }
0x18b: {  	v6 =	vadd.s32 v3, v6;
	_ =	sdelay $0x4  }
0x18c: {  	[tilespmem:v6+s30+$0x0] =	vst.idx.msk $0xffff, v1  }
0x18d: {  	v6 =	vld [tilespmem:$0x180];
	_ =	sdelay $0x4  }
0x18e: {  	v7 =	vshll.u32 v6, $0x3  }
0x18f: {  	v6 =	vand.u32 $0x7F, v6;
	v7 =	vand.u32 $0xFFFFFC00, v7  }
0x190: {  	v6 =	vor.u32 v6, v7  }
0x191: {  	v6 =	vadd.s32 v4, v6;
	_ =	sdelay $0x4  }
0x192: {  	s0 =	rddreg [dreg:$0xa];
	[tilespmem:v6+s30+$0x0] =	vst.idx.msk vm0, v1  }
0x193: {  	[hbm4b:s0+s3] =	stream.linear.scatter [tilespmem:s30], [sflag:$0x2], $0xE000, $0x38;
	[tilespmem:$0x1C680] =	vst v63  }
0x194: {  	_ =	swait.ge [sflag:s31], $0xE000  }
0x195: {  	[sflag:s31] =	ssyncset.done $0x0  }
0x196: {  	[sflag:s31] =	ssyncadd.s32 $0xFFFF2000  }
0x197: {  	v6 =	vld [tilespmem:$0x12C];
	_ =	sdelay $0x4  }
0x198: {  	v7 =	vshll.u32 v6, $0x3  }
0x199: {  	v6 =	vand.u32 $0x7F, v6;
	v7 =	vand.u32 $0xFFFFFC00, v7  }
0x19a: {  	v6 =	vor.u32 v6, v7  }
0x19b: {  	v6 =	vadd.s32 v0, v6;
	_ =	sdelay $0x4  }
0x19c: {  	[tilespmem:v6+s29+$0x0] =	vst.idx.msk $0xffff, v5  }
0x19d: {  	v6 =	vld [tilespmem:$0x13C];
	_ =	sdelay $0x4  }
0x19e: {  	v7 =	vshll.u32 v6, $0x3  }
0x19f: {  	v6 =	vand.u32 $0x7F, v6;
	v7 =	vand.u32 $0xFFFFFC00, v7  }
0x1a0: {  	v6 =	vor.u32 v6, v7  }
0x1a1: {  	v6 =	vadd.s32 v2, v6;
	_ =	sdelay $0x4  }
0x1a2: {  	[tilespmem:v6+s29+$0x0] =	vst.idx.msk $0xffff, v5  }
0x1a3: {  	v6 =	vld [tilespmem:$0x14C];
	_ =	sdelay $0x4  }
0x1a4: {  	v7 =	vshll.u32 v6, $0x3  }
0x1a5: {  	v6 =	vand.u32 $0x7F, v6;
	v7 =	vand.u32 $0xFFFFFC00, v7  }
0x1a6: {  	v6 =	vor.u32 v6, v7  }
0x1a7: {  	v6 =	vadd.s32 v3, v6;
	_ =	sdelay $0x4  }
0x1a8: {  	[tilespmem:v6+s29+$0x0] =	vst.idx.msk $0xffff, v5  }
0x1a9: {  	v6 =	vld [tilespmem:$0x14E];
	_ =	sdelay $0x4  }
0x1aa: {  	v7 =	vshll.u32 v6, $0x3  }
0x1ab: {  	v6 =	vand.u32 $0x7F, v6;
	v7 =	vand.u32 $0xFFFFFC00, v7  }
0x1ac: {  	v6 =	vor.u32 v6, v7  }
0x1ad: {  	v6 =	vadd.s32 v4, v6;
	_ =	sdelay $0x4  }
0x1ae: {  	[tilespmem:v6+s29+$0x0] =	vst.idx.msk vm0, v5  }
0x1af: {  	v6 =	vld [tilespmem:$0x190];
	_ =	sdelay $0x4  }
0x1b0: {  	v7 =	vshll.u32 v6, $0x3  }
0x1b1: {  	v6 =	vand.u32 $0x7F, v6;
	v7 =	vand.u32 $0xFFFFFC00, v7  }
0x1b2: {  	v6 =	vor.u32 v6, v7  }
0x1b3: {  	v6 =	vadd.s32 v0, v6;
	_ =	sdelay $0x4  }
0x1b4: {  	[tilespmem:v6+s29+$0x0] =	vst.idx.msk $0xffff, v1  }
0x1b5: {  	v6 =	vld [tilespmem:$0x1A0];
	_ =	sdelay $0x4  }
0x1b6: {  	v7 =	vshll.u32 v6, $0x3  }
0x1b7: {  	v6 =	vand.u32 $0x7F, v6;
	v7 =	vand.u32 $0xFFFFFC00, v7  }
0x1b8: {  	v6 =	vor.u32 v6, v7  }
0x1b9: {  	v6 =	vadd.s32 v2, v6;
	_ =	sdelay $0x4  }
0x1ba: {  	[tilespmem:v6+s29+$0x0] =	vst.idx.msk $0xffff, v1  }
0x1bb: {  	v6 =	vld [tilespmem:$0x1B0];
	_ =	sdelay $0x4  }
0x1bc: {  	v7 =	vshll.u32 v6, $0x3  }
0x1bd: {  	v6 =	vand.u32 $0x7F, v6;
	v7 =	vand.u32 $0xFFFFFC00, v7  }
0x1be: {  	v6 =	vor.u32 v6, v7  }
0x1bf: {  	v6 =	vadd.s32 v3, v6;
	_ =	sdelay $0x4  }
0x1c0: {  	[tilespmem:v6+s29+$0x0] =	vst.idx.msk $0xffff, v1  }
0x1c1: {  	v6 =	vld [tilespmem:$0x1B2];
	_ =	sdelay $0x4  }
0x1c2: {  	v7 =	vshll.u32 v6, $0x3  }
0x1c3: {  	v6 =	vand.u32 $0x7F, v6;
	v7 =	vand.u32 $0xFFFFFC00, v7  }
0x1c4: {  	v6 =	vor.u32 v6, v7  }
0x1c5: {  	v6 =	vadd.s32 v4, v6;
	_ =	sdelay $0x4  }
0x1c6: {  	s0 =	rddreg [dreg:$0xb];
	[tilespmem:v6+s29+$0x0] =	vst.idx.msk vm0, v1  }
0x1c7: {  	[hbm4b:s0+s3] =	stream.linear.scatter [tilespmem:s29], [sflag:$0x1], $0xE000, $0x38;
	[tilespmem:$0x1C680] =	vst v63  }
0x1c8: {  	_ =	swait.ge [sflag:s1], $0xE000  }
0x1c9: {  	[sflag:s1] =	ssyncset.done $0x0  }
0x1ca: {  	[sflag:s1] =	ssyncadd.s32 $0xFFFF2000  }
0x1cb: {  	v6 =	vld [tilespmem:$0x15E];
	_ =	sdelay $0x4  }
0x1cc: {  	v7 =	vshll.u32 v6, $0x3  }
0x1cd: {  	v6 =	vand.u32 $0x7F, v6;
	v7 =	vand.u32 $0xFFFFFC00, v7  }
0x1ce: {  	v6 =	vor.u32 v6, v7  }
0x1cf: {  	v6 =	vadd.s32 v0, v6;
	_ =	sdelay $0x4  }
0x1d0: {  	[tilespmem:v6+s30+$0x0] =	vst.idx.msk $0xffff, v5  }
0x1d1: {  	v6 =	vld [tilespmem:$0x16E];
	_ =	sdelay $0x4  }
0x1d2: {  	v7 =	vshll.u32 v6, $0x3  }
0x1d3: {  	v6 =	vand.u32 $0x7F, v6;
	v7 =	vand.u32 $0xFFFFFC00, v7  }
0x1d4: {  	v6 =	vor.u32 v6, v7  }
0x1d5: {  	v6 =	vadd.s32 v2, v6;
	_ =	sdelay $0x4  }
0x1d6: {  	[tilespmem:v6+s30+$0x0] =	vst.idx.msk $0xffff, v5  }
0x1d7: {  	v6 =	vld [tilespmem:$0x17E];
	_ =	sdelay $0x4  }
0x1d8: {  	v7 =	vshll.u32 v6, $0x3  }
0x1d9: {  	v6 =	vand.u32 $0x7F, v6;
	v7 =	vand.u32 $0xFFFFFC00, v7  }
0x1da: {  	v6 =	vor.u32 v6, v7  }
0x1db: {  	v6 =	vadd.s32 v3, v6;
	_ =	sdelay $0x4  }
0x1dc: {  	[tilespmem:v6+s30+$0x0] =	vst.idx.msk $0xffff, v5  }
0x1dd: {  	v6 =	vld [tilespmem:$0x180];
	_ =	sdelay $0x4  }
0x1de: {  	v7 =	vshll.u32 v6, $0x3  }
0x1df: {  	v6 =	vand.u32 $0x7F, v6;
	v7 =	vand.u32 $0xFFFFFC00, v7  }
0x1e0: {  	v6 =	vor.u32 v6, v7  }
0x1e1: {  	v6 =	vadd.s32 v4, v6;
	_ =	sdelay $0x4  }
0x1e2: {  	[tilespmem:v6+s30+$0x0] =	vst.idx.msk vm0, v5  }
0x1e3: {  	v6 =	vld [tilespmem:$0x1C2];
	_ =	sdelay $0x4  }
0x1e4: {  	v7 =	vshll.u32 v6, $0x3  }
0x1e5: {  	v6 =	vand.u32 $0x7F, v6;
	v7 =	vand.u32 $0xFFFFFC00, v7  }
0x1e6: {  	v6 =	vor.u32 v6, v7  }
0x1e7: {  	v6 =	vadd.s32 v0, v6;
	_ =	sdelay $0x4  }
0x1e8: {  	[tilespmem:v6+s30+$0x0] =	vst.idx.msk $0xffff, v1  }
0x1e9: {  	v6 =	vld [tilespmem:$0x1D2];
	_ =	sdelay $0x4  }
0x1ea: {  	v7 =	vshll.u32 v6, $0x3  }
0x1eb: {  	v6 =	vand.u32 $0x7F, v6;
	v7 =	vand.u32 $0xFFFFFC00, v7  }
0x1ec: {  	v6 =	vor.u32 v6, v7  }
0x1ed: {  	v6 =	vadd.s32 v2, v6;
	_ =	sdelay $0x4  }
0x1ee: {  	[tilespmem:v6+s30+$0x0] =	vst.idx.msk $0xffff, v1  }
0x1ef: {  	v6 =	vld [tilespmem:$0x1E2];
	_ =	sdelay $0x4  }
0x1f0: {  	v7 =	vshll.u32 v6, $0x3  }
0x1f1: {  	v6 =	vand.u32 $0x7F, v6;
	v7 =	vand.u32 $0xFFFFFC00, v7  }
0x1f2: {  	v6 =	vor.u32 v6, v7  }
0x1f3: {  	v6 =	vadd.s32 v3, v6;
	_ =	sdelay $0x4  }
0x1f4: {  	[tilespmem:v6+s30+$0x0] =	vst.idx.msk $0xffff, v1  }
0x1f5: {  	v6 =	vld [tilespmem:$0x1E4];
	_ =	sdelay $0x4  }
0x1f6: {  	v7 =	vshll.u32 v6, $0x3  }
0x1f7: {  	v6 =	vand.u32 $0x7F, v6;
	v7 =	vand.u32 $0xFFFFFC00, v7  }
0x1f8: {  	v6 =	vor.u32 v6, v7  }
0x1f9: {  	v6 =	vadd.s32 v4, v6;
	_ =	sdelay $0x4  }
0x1fa: {  	s0 =	rddreg [dreg:$0xc];
	[tilespmem:v6+s30+$0x0] =	vst.idx.msk vm0, v1  }
0x1fb: {  	[hbm4b:s0+s3] =	stream.linear.scatter [tilespmem:s30], [sflag:$0x2], $0xE000, $0x38;
	[tilespmem:$0x1C680] =	vst v63  }
0x1fc: {  	_ =	swait.ge [sflag:s31], $0xE000  }
0x1fd: {  	[sflag:s31] =	ssyncset.done $0x0  }
0x1fe: {  	[sflag:s31] =	ssyncadd.s32 $0xFFFF2000  }
0x1ff: {  	v6 =	vld [tilespmem:$0x190];
	_ =	sdelay $0x4  }
0x200: {  	v7 =	vshll.u32 v6, $0x3  }
0x201: {  	v6 =	vand.u32 $0x7F, v6;
	v7 =	vand.u32 $0xFFFFFC00, v7  }
0x202: {  	v6 =	vor.u32 v6, v7  }
0x203: {  	v6 =	vadd.s32 v0, v6;
	_ =	sdelay $0x4  }
0x204: {  	[tilespmem:v6+s29+$0x0] =	vst.idx.msk $0xffff, v5  }
0x205: {  	v6 =	vld [tilespmem:$0x1A0];
	_ =	sdelay $0x4  }
0x206: {  	v7 =	vshll.u32 v6, $0x3  }
0x207: {  	v6 =	vand.u32 $0x7F, v6;
	v7 =	vand.u32 $0xFFFFFC00, v7  }
0x208: {  	v6 =	vor.u32 v6, v7  }
0x209: {  	v6 =	vadd.s32 v2, v6;
	_ =	sdelay $0x4  }
0x20a: {  	[tilespmem:v6+s29+$0x0] =	vst.idx.msk $0xffff, v5  }
0x20b: {  	v6 =	vld [tilespmem:$0x1B0];
	_ =	sdelay $0x4  }
0x20c: {  	v7 =	vshll.u32 v6, $0x3  }
0x20d: {  	v6 =	vand.u32 $0x7F, v6;
	v7 =	vand.u32 $0xFFFFFC00, v7  }
0x20e: {  	v6 =	vor.u32 v6, v7  }
0x20f: {  	v6 =	vadd.s32 v3, v6;
	_ =	sdelay $0x4  }
0x210: {  	[tilespmem:v6+s29+$0x0] =	vst.idx.msk $0xffff, v5  }
0x211: {  	v6 =	vld [tilespmem:$0x1B2];
	_ =	sdelay $0x4  }
0x212: {  	v7 =	vshll.u32 v6, $0x3  }
0x213: {  	v6 =	vand.u32 $0x7F, v6;
	v7 =	vand.u32 $0xFFFFFC00, v7  }
0x214: {  	v6 =	vor.u32 v6, v7  }
0x215: {  	v6 =	vadd.s32 v4, v6;
	_ =	sdelay $0x4  }
0x216: {  	[tilespmem:v6+s29+$0x0] =	vst.idx.msk vm0, v5  }
0x217: {  	v6 =	vld [tilespmem:$0x1F4];
	_ =	sdelay $0x4  }
0x218: {  	v7 =	vshll.u32 v6, $0x3  }
0x219: {  	v6 =	vand.u32 $0x7F, v6;
	v7 =	vand.u32 $0xFFFFFC00, v7  }
0x21a: {  	v6 =	vor.u32 v6, v7  }
0x21b: {  	v6 =	vadd.s32 v0, v6;
	_ =	sdelay $0x4  }
0x21c: {  	[tilespmem:v6+s29+$0x0] =	vst.idx.msk $0xffff, v1  }
0x21d: {  	v6 =	vld [tilespmem:$0x204];
	_ =	sdelay $0x4  }
0x21e: {  	v7 =	vshll.u32 v6, $0x3  }
0x21f: {  	v6 =	vand.u32 $0x7F, v6;
	v7 =	vand.u32 $0xFFFFFC00, v7  }
0x220: {  	v6 =	vor.u32 v6, v7  }
0x221: {  	v6 =	vadd.s32 v2, v6;
	_ =	sdelay $0x4  }
0x222: {  	[tilespmem:v6+s29+$0x0] =	vst.idx.msk $0xffff, v1  }
0x223: {  	v6 =	vld [tilespmem:$0x214];
	_ =	sdelay $0x4  }
0x224: {  	v7 =	vshll.u32 v6, $0x3  }
0x225: {  	v6 =	vand.u32 $0x7F, v6;
	v7 =	vand.u32 $0xFFFFFC00, v7  }
0x226: {  	v6 =	vor.u32 v6, v7  }
0x227: {  	v6 =	vadd.s32 v3, v6;
	_ =	sdelay $0x4  }
0x228: {  	[tilespmem:v6+s29+$0x0] =	vst.idx.msk $0xffff, v1  }
0x229: {  	v6 =	vld [tilespmem:$0x216];
	_ =	sdelay $0x4  }
0x22a: {  	v7 =	vshll.u32 v6, $0x3  }
0x22b: {  	v6 =	vand.u32 $0x7F, v6;
	v7 =	vand.u32 $0xFFFFFC00, v7  }
0x22c: {  	v6 =	vor.u32 v6, v7  }
0x22d: {  	v6 =	vadd.s32 v4, v6;
	_ =	sdelay $0x4  }
0x22e: {  	s0 =	rddreg [dreg:$0xd];
	[tilespmem:v6+s29+$0x0] =	vst.idx.msk vm0, v1  }
0x22f: {  	[hbm4b:s0+s3] =	stream.linear.scatter [tilespmem:s29], [sflag:$0x1], $0xE000, $0x38;
	[tilespmem:$0x1C680] =	vst v63  }
0x230: {  	_ =	swait.ge [sflag:s1], $0xE000  }
0x231: {  	[sflag:s1] =	ssyncset.done $0x0  }
0x232: {  	[sflag:s1] =	ssyncadd.s32 $0xFFFF2000  }
0x233: {  	v6 =	vld [tilespmem:$0x1C2];
	_ =	sdelay $0x4  }
0x234: {  	v7 =	vshll.u32 v6, $0x3  }
0x235: {  	v6 =	vand.u32 $0x7F, v6;
	v7 =	vand.u32 $0xFFFFFC00, v7  }
0x236: {  	v6 =	vor.u32 v6, v7  }
0x237: {  	v6 =	vadd.s32 v0, v6;
	_ =	sdelay $0x4  }
0x238: {  	[tilespmem:v6+s30+$0x0] =	vst.idx.msk $0xffff, v5  }
0x239: {  	v6 =	vld [tilespmem:$0x1D2];
	_ =	sdelay $0x4  }
0x23a: {  	v7 =	vshll.u32 v6, $0x3  }
0x23b: {  	v6 =	vand.u32 $0x7F, v6;
	v7 =	vand.u32 $0xFFFFFC00, v7  }
0x23c: {  	v6 =	vor.u32 v6, v7  }
0x23d: {  	v6 =	vadd.s32 v2, v6;
	_ =	sdelay $0x4  }
0x23e: {  	[tilespmem:v6+s30+$0x0] =	vst.idx.msk $0xffff, v5  }
0x23f: {  	v6 =	vld [tilespmem:$0x1E2];
	_ =	sdelay $0x4  }
0x240: {  	v7 =	vshll.u32 v6, $0x3  }
0x241: {  	v6 =	vand.u32 $0x7F, v6;
	v7 =	vand.u32 $0xFFFFFC00, v7  }
0x242: {  	v6 =	vor.u32 v6, v7  }
0x243: {  	v6 =	vadd.s32 v3, v6;
	_ =	sdelay $0x4  }
0x244: {  	[tilespmem:v6+s30+$0x0] =	vst.idx.msk $0xffff, v5  }
0x245: {  	v6 =	vld [tilespmem:$0x1E4];
	_ =	sdelay $0x4  }
0x246: {  	v7 =	vshll.u32 v6, $0x3  }
0x247: {  	v6 =	vand.u32 $0x7F, v6;
	v7 =	vand.u32 $0xFFFFFC00, v7  }
0x248: {  	v6 =	vor.u32 v6, v7  }
0x249: {  	v6 =	vadd.s32 v4, v6;
	_ =	sdelay $0x4  }
0x24a: {  	[tilespmem:v6+s30+$0x0] =	vst.idx.msk vm0, v5  }
0x24b: {  	v6 =	vld [tilespmem:$0x226];
	_ =	sdelay $0x4  }
0x24c: {  	v7 =	vshll.u32 v6, $0x3  }
0x24d: {  	v6 =	vand.u32 $0x7F, v6;
	v7 =	vand.u32 $0xFFFFFC00, v7  }
0x24e: {  	v6 =	vor.u32 v6, v7  }
0x24f: {  	v6 =	vadd.s32 v0, v6;
	_ =	sdelay $0x4  }
0x250: {  	[tilespmem:v6+s30+$0x0] =	vst.idx.msk $0xffff, v1  }
0x251: {  	v6 =	vld [tilespmem:$0x236];
	_ =	sdelay $0x4  }
0x252: {  	v7 =	vshll.u32 v6, $0x3  }
0x253: {  	v6 =	vand.u32 $0x7F, v6;
	v7 =	vand.u32 $0xFFFFFC00, v7  }
0x254: {  	v6 =	vor.u32 v6, v7  }
0x255: {  	v6 =	vadd.s32 v2, v6;
	_ =	sdelay $0x4  }
0x256: {  	[tilespmem:v6+s30+$0x0] =	vst.idx.msk $0xffff, v1  }
0x257: {  	v6 =	vld [tilespmem:$0x246];
	_ =	sdelay $0x4  }
0x258: {  	v7 =	vshll.u32 v6, $0x3  }
0x259: {  	v6 =	vand.u32 $0x7F, v6;
	v7 =	vand.u32 $0xFFFFFC00, v7  }
0x25a: {  	v6 =	vor.u32 v6, v7  }
0x25b: {  	v6 =	vadd.s32 v3, v6;
	_ =	sdelay $0x4  }
0x25c: {  	[tilespmem:v6+s30+$0x0] =	vst.idx.msk $0xffff, v1  }
0x25d: {  	v6 =	vld [tilespmem:$0x248];
	_ =	sdelay $0x4  }
0x25e: {  	v7 =	vshll.u32 v6, $0x3  }
0x25f: {  	v6 =	vand.u32 $0x7F, v6;
	v7 =	vand.u32 $0xFFFFFC00, v7  }
0x260: {  	v6 =	vor.u32 v6, v7  }
0x261: {  	v6 =	vadd.s32 v4, v6;
	_ =	sdelay $0x4  }
0x262: {  	[tilespmem:v6+s30+$0x0] =	vst.idx.msk vm0, v1  }
0x263: {  	[hbm4b:s5+s3] =	stream.linear.scatter [tilespmem:s30], [sflag:$0x2], $0xE000, $0x38;
	[tilespmem:$0x1C680] =	vst v63  }
0x264: {  	_ =	swait.ge [sflag:s31], $0xE000  }
0x265: {  	[sflag:s31] =	ssyncset.done $0x0  }
0x266: {  	[sflag:s31] =	ssyncadd.s32 $0xFFFF2000  }
0x267: {  	v6 =	vld [tilespmem:$0x1F4];
	_ =	sdelay $0x4  }
0x268: {  	v7 =	vshll.u32 v6, $0x3  }
0x269: {  	v6 =	vand.u32 $0x7F, v6;
	v7 =	vand.u32 $0xFFFFFC00, v7  }
0x26a: {  	v6 =	vor.u32 v6, v7  }
0x26b: {  	v6 =	vadd.s32 v0, v6;
	_ =	sdelay $0x4  }
0x26c: {  	[tilespmem:v6+s29+$0x0] =	vst.idx.msk $0xffff, v5  }
0x26d: {  	v6 =	vld [tilespmem:$0x204];
	_ =	sdelay $0x4  }
0x26e: {  	v7 =	vshll.u32 v6, $0x3  }
0x26f: {  	v6 =	vand.u32 $0x7F, v6;
	v7 =	vand.u32 $0xFFFFFC00, v7  }
0x270: {  	v6 =	vor.u32 v6, v7  }
0x271: {  	v6 =	vadd.s32 v2, v6;
	_ =	sdelay $0x4  }
0x272: {  	[tilespmem:v6+s29+$0x0] =	vst.idx.msk $0xffff, v5  }
0x273: {  	v6 =	vld [tilespmem:$0x214];
	_ =	sdelay $0x4  }
0x274: {  	v7 =	vshll.u32 v6, $0x3  }
0x275: {  	v6 =	vand.u32 $0x7F, v6;
	v7 =	vand.u32 $0xFFFFFC00, v7  }
0x276: {  	v6 =	vor.u32 v6, v7  }
0x277: {  	v6 =	vadd.s32 v3, v6;
	_ =	sdelay $0x4  }
0x278: {  	[tilespmem:v6+s29+$0x0] =	vst.idx.msk $0xffff, v5  }
0x279: {  	v6 =	vld [tilespmem:$0x216];
	_ =	sdelay $0x4  }
0x27a: {  	v7 =	vshll.u32 v6, $0x3  }
0x27b: {  	v6 =	vand.u32 $0x7F, v6;
	v7 =	vand.u32 $0xFFFFFC00, v7  }
0x27c: {  	v6 =	vor.u32 v6, v7  }
0x27d: {  	v6 =	vadd.s32 v4, v6;
	_ =	sdelay $0x4  }
0x27e: {  	[tilespmem:v6+s29+$0x0] =	vst.idx.msk vm0, v5  }
0x27f: {  	v6 =	vld [tilespmem:$0x258];
	_ =	sdelay $0x4  }
0x280: {  	v7 =	vshll.u32 v6, $0x3  }
0x281: {  	v6 =	vand.u32 $0x7F, v6;
	v7 =	vand.u32 $0xFFFFFC00, v7  }
0x282: {  	v6 =	vor.u32 v6, v7  }
0x283: {  	v6 =	vadd.s32 v0, v6;
	_ =	sdelay $0x4  }
0x284: {  	[tilespmem:v6+s29+$0x0] =	vst.idx.msk $0xffff, v1  }
0x285: {  	v6 =	vld [tilespmem:$0x268];
	_ =	sdelay $0x4  }
0x286: {  	v7 =	vshll.u32 v6, $0x3  }
0x287: {  	v6 =	vand.u32 $0x7F, v6;
	v7 =	vand.u32 $0xFFFFFC00, v7  }
0x288: {  	v6 =	vor.u32 v6, v7  }
0x289: {  	v6 =	vadd.s32 v2, v6;
	_ =	sdelay $0x4  }
0x28a: {  	[tilespmem:v6+s29+$0x0] =	vst.idx.msk $0xffff, v1  }
0x28b: {  	v6 =	vld [tilespmem:$0x278];
	_ =	sdelay $0x4  }
0x28c: {  	v7 =	vshll.u32 v6, $0x3  }
0x28d: {  	v6 =	vand.u32 $0x7F, v6;
	v7 =	vand.u32 $0xFFFFFC00, v7  }
0x28e: {  	v6 =	vor.u32 v6, v7  }
0x28f: {  	v6 =	vadd.s32 v3, v6;
	_ =	sdelay $0x4  }
0x290: {  	[tilespmem:v6+s29+$0x0] =	vst.idx.msk $0xffff, v1  }
0x291: {  	v6 =	vld [tilespmem:$0x27A];
	_ =	sdelay $0x4  }
0x292: {  	v7 =	vshll.u32 v6, $0x3  }
0x293: {  	v6 =	vand.u32 $0x7F, v6;
	v7 =	vand.u32 $0xFFFFFC00, v7  }
0x294: {  	v6 =	vor.u32 v6, v7  }
0x295: {  	v6 =	vadd.s32 v4, v6;
	_ =	sdelay $0x4  }
0x296: {  	[tilespmem:v6+s29+$0x0] =	vst.idx.msk vm0, v1  }
0x297: {  	[hbm4b:s6+s3] =	stream.linear.scatter [tilespmem:s29], [sflag:$0x1], $0xE000, $0x38;
	[tilespmem:$0x1C680] =	vst v63  }
0x298: {  	_ =	swait.ge [sflag:s1], $0xE000  }
0x299: {  	[sflag:s1] =	ssyncset.done $0x0  }
0x29a: {  	[sflag:s1] =	ssyncadd.s32 $0xFFFF2000  }
0x29b: {  	v6 =	vld [tilespmem:$0x226];
	_ =	sdelay $0x4  }
0x29c: {  	v7 =	vshll.u32 v6, $0x3  }
0x29d: {  	v6 =	vand.u32 $0x7F, v6;
	v7 =	vand.u32 $0xFFFFFC00, v7  }
0x29e: {  	v6 =	vor.u32 v6, v7  }
0x29f: {  	v6 =	vadd.s32 v0, v6;
	_ =	sdelay $0x4  }
0x2a0: {  	[tilespmem:v6+s30+$0x0] =	vst.idx.msk $0xffff, v5  }
0x2a1: {  	v6 =	vld [tilespmem:$0x236];
	_ =	sdelay $0x4  }
0x2a2: {  	v7 =	vshll.u32 v6, $0x3  }
0x2a3: {  	v6 =	vand.u32 $0x7F, v6;
	v7 =	vand.u32 $0xFFFFFC00, v7  }
0x2a4: {  	v6 =	vor.u32 v6, v7  }
0x2a5: {  	v6 =	vadd.s32 v2, v6;
	_ =	sdelay $0x4  }
0x2a6: {  	[tilespmem:v6+s30+$0x0] =	vst.idx.msk $0xffff, v5  }
0x2a7: {  	v6 =	vld [tilespmem:$0x246];
	_ =	sdelay $0x4  }
0x2a8: {  	v7 =	vshll.u32 v6, $0x3  }
0x2a9: {  	v6 =	vand.u32 $0x7F, v6;
	v7 =	vand.u32 $0xFFFFFC00, v7  }
0x2aa: {  	v6 =	vor.u32 v6, v7  }
0x2ab: {  	v6 =	vadd.s32 v3, v6;
	_ =	sdelay $0x4  }
0x2ac: {  	[tilespmem:v6+s30+$0x0] =	vst.idx.msk $0xffff, v5  }
0x2ad: {  	v6 =	vld [tilespmem:$0x248];
	_ =	sdelay $0x4  }
0x2ae: {  	v7 =	vshll.u32 v6, $0x3  }
0x2af: {  	v6 =	vand.u32 $0x7F, v6;
	v7 =	vand.u32 $0xFFFFFC00, v7  }
0x2b0: {  	v6 =	vor.u32 v6, v7  }
0x2b1: {  	v6 =	vadd.s32 v4, v6;
	_ =	sdelay $0x4  }
0x2b2: {  	[tilespmem:v6+s30+$0x0] =	vst.idx.msk vm0, v5  }
0x2b3: {  	v6 =	vld [tilespmem:$0x28A];
	_ =	sdelay $0x4  }
0x2b4: {  	v7 =	vshll.u32 v6, $0x3  }
0x2b5: {  	v6 =	vand.u32 $0x7F, v6;
	v7 =	vand.u32 $0xFFFFFC00, v7  }
0x2b6: {  	v6 =	vor.u32 v6, v7  }
0x2b7: {  	v6 =	vadd.s32 v0, v6;
	_ =	sdelay $0x4  }
0x2b8: {  	[tilespmem:v6+s30+$0x0] =	vst.idx.msk $0xffff, v1  }
0x2b9: {  	v6 =	vld [tilespmem:$0x29A];
	_ =	sdelay $0x4  }
0x2ba: {  	v7 =	vshll.u32 v6, $0x3  }
0x2bb: {  	v6 =	vand.u32 $0x7F, v6;
	v7 =	vand.u32 $0xFFFFFC00, v7  }
0x2bc: {  	v6 =	vor.u32 v6, v7  }
0x2bd: {  	v6 =	vadd.s32 v2, v6;
	_ =	sdelay $0x4  }
0x2be: {  	[tilespmem:v6+s30+$0x0] =	vst.idx.msk $0xffff, v1  }
0x2bf: {  	v6 =	vld [tilespmem:$0x2AA];
	_ =	sdelay $0x4  }
0x2c0: {  	v7 =	vshll.u32 v6, $0x3  }
0x2c1: {  	v6 =	vand.u32 $0x7F, v6;
	v7 =	vand.u32 $0xFFFFFC00, v7  }
0x2c2: {  	v6 =	vor.u32 v6, v7  }
0x2c3: {  	v6 =	vadd.s32 v3, v6;
	_ =	sdelay $0x4  }
0x2c4: {  	[tilespmem:v6+s30+$0x0] =	vst.idx.msk $0xffff, v1  }
0x2c5: {  	v6 =	vld [tilespmem:$0x2AC];
	_ =	sdelay $0x4  }
0x2c6: {  	v7 =	vshll.u32 v6, $0x3  }
0x2c7: {  	v6 =	vand.u32 $0x7F, v6;
	v7 =	vand.u32 $0xFFFFFC00, v7  }
0x2c8: {  	v6 =	vor.u32 v6, v7  }
0x2c9: {  	v6 =	vadd.s32 v4, v6;
	_ =	sdelay $0x4  }
0x2ca: {  	[tilespmem:v6+s30+$0x0] =	vst.idx.msk vm0, v1  }
0x2cb: {  	[hbm4b:s7+s3] =	stream.linear.scatter [tilespmem:s30], [sflag:$0x2], $0xE000, $0x38;
	[tilespmem:$0x1C680] =	vst v63  }
0x2cc: {  	_ =	swait.ge [sflag:s31], $0xE000  }
0x2cd: {  	[sflag:s31] =	ssyncset.done $0x0  }
0x2ce: {  	[sflag:s31] =	ssyncadd.s32 $0xFFFF2000  }
0x2cf: {  	v6 =	vld [tilespmem:$0x258];
	_ =	sdelay $0x4  }
0x2d0: {  	v7 =	vshll.u32 v6, $0x3  }
0x2d1: {  	v6 =	vand.u32 $0x7F, v6;
	v7 =	vand.u32 $0xFFFFFC00, v7  }
0x2d2: {  	v6 =	vor.u32 v6, v7  }
0x2d3: {  	v6 =	vadd.s32 v0, v6;
	_ =	sdelay $0x4  }
0x2d4: {  	[tilespmem:v6+s29+$0x0] =	vst.idx.msk $0xffff, v5  }
0x2d5: {  	v6 =	vld [tilespmem:$0x268];
	_ =	sdelay $0x4  }
0x2d6: {  	v7 =	vshll.u32 v6, $0x3  }
0x2d7: {  	v6 =	vand.u32 $0x7F, v6;
	v7 =	vand.u32 $0xFFFFFC00, v7  }
0x2d8: {  	v6 =	vor.u32 v6, v7  }
0x2d9: {  	v6 =	vadd.s32 v2, v6;
	_ =	sdelay $0x4  }
0x2da: {  	[tilespmem:v6+s29+$0x0] =	vst.idx.msk $0xffff, v5  }
0x2db: {  	v6 =	vld [tilespmem:$0x278];
	_ =	sdelay $0x4  }
0x2dc: {  	v7 =	vshll.u32 v6, $0x3  }
0x2dd: {  	v6 =	vand.u32 $0x7F, v6;
	v7 =	vand.u32 $0xFFFFFC00, v7  }
0x2de: {  	v6 =	vor.u32 v6, v7  }
0x2df: {  	v6 =	vadd.s32 v3, v6;
	_ =	sdelay $0x4  }
0x2e0: {  	[tilespmem:v6+s29+$0x0] =	vst.idx.msk $0xffff, v5  }
0x2e1: {  	v6 =	vld [tilespmem:$0x27A];
	_ =	sdelay $0x4  }
0x2e2: {  	v7 =	vshll.u32 v6, $0x3  }
0x2e3: {  	v6 =	vand.u32 $0x7F, v6;
	v7 =	vand.u32 $0xFFFFFC00, v7  }
0x2e4: {  	v6 =	vor.u32 v6, v7  }
0x2e5: {  	v6 =	vadd.s32 v4, v6;
	_ =	sdelay $0x4  }
0x2e6: {  	[tilespmem:v6+s29+$0x0] =	vst.idx.msk vm0, v5  }
0x2e7: {  	v6 =	vld [tilespmem:$0x2BC];
	_ =	sdelay $0x4  }
0x2e8: {  	v7 =	vshll.u32 v6, $0x3  }
0x2e9: {  	v6 =	vand.u32 $0x7F, v6;
	v7 =	vand.u32 $0xFFFFFC00, v7  }
0x2ea: {  	v6 =	vor.u32 v6, v7  }
0x2eb: {  	v6 =	vadd.s32 v0, v6;
	_ =	sdelay $0x4  }
0x2ec: {  	[tilespmem:v6+s29+$0x0] =	vst.idx.msk $0xffff, v1  }
0x2ed: {  	v6 =	vld [tilespmem:$0x2CC];
	_ =	sdelay $0x4  }
0x2ee: {  	v7 =	vshll.u32 v6, $0x3  }
0x2ef: {  	v6 =	vand.u32 $0x7F, v6;
	v7 =	vand.u32 $0xFFFFFC00, v7  }
0x2f0: {  	v6 =	vor.u32 v6, v7  }
0x2f1: {  	v6 =	vadd.s32 v2, v6;
	_ =	sdelay $0x4  }
0x2f2: {  	[tilespmem:v6+s29+$0x0] =	vst.idx.msk $0xffff, v1  }
0x2f3: {  	v6 =	vld [tilespmem:$0x2DC];
	_ =	sdelay $0x4  }
0x2f4: {  	v7 =	vshll.u32 v6, $0x3  }
0x2f5: {  	v6 =	vand.u32 $0x7F, v6;
	v7 =	vand.u32 $0xFFFFFC00, v7  }
0x2f6: {  	v6 =	vor.u32 v6, v7  }
0x2f7: {  	v6 =	vadd.s32 v3, v6;
	_ =	sdelay $0x4  }
0x2f8: {  	[tilespmem:v6+s29+$0x0] =	vst.idx.msk $0xffff, v1  }
0x2f9: {  	v6 =	vld [tilespmem:$0x2DE];
	_ =	sdelay $0x4  }
0x2fa: {  	v7 =	vshll.u32 v6, $0x3  }
0x2fb: {  	v6 =	vand.u32 $0x7F, v6;
	v7 =	vand.u32 $0xFFFFFC00, v7  }
0x2fc: {  	v6 =	vor.u32 v6, v7  }
0x2fd: {  	v6 =	vadd.s32 v4, v6;
	_ =	sdelay $0x4  }
0x2fe: {  	[tilespmem:v6+s29+$0x0] =	vst.idx.msk vm0, v1  }
0x2ff: {  	[hbm4b:s8+s3] =	stream.linear.scatter [tilespmem:s29], [sflag:$0x1], $0xE000, $0x38;
	[tilespmem:$0x1C680] =	vst v63  }
0x300: {  	_ =	swait.ge [sflag:s1], $0xE000  }
0x301: {  	[sflag:s1] =	ssyncset.done $0x0  }
0x302: {  	[sflag:s1] =	ssyncadd.s32 $0xFFFF2000  }
0x303: {  	v6 =	vld [tilespmem:$0x28A];
	_ =	sdelay $0x4  }
0x304: {  	v7 =	vshll.u32 v6, $0x3  }
0x305: {  	v6 =	vand.u32 $0x7F, v6;
	v7 =	vand.u32 $0xFFFFFC00, v7  }
0x306: {  	v6 =	vor.u32 v6, v7  }
0x307: {  	v6 =	vadd.s32 v0, v6;
	_ =	sdelay $0x4  }
0x308: {  	[tilespmem:v6+s30+$0x0] =	vst.idx.msk $0xffff, v5  }
0x309: {  	v6 =	vld [tilespmem:$0x29A];
	_ =	sdelay $0x4  }
0x30a: {  	v7 =	vshll.u32 v6, $0x3  }
0x30b: {  	v6 =	vand.u32 $0x7F, v6;
	v7 =	vand.u32 $0xFFFFFC00, v7  }
0x30c: {  	v6 =	vor.u32 v6, v7  }
0x30d: {  	v6 =	vadd.s32 v2, v6;
	_ =	sdelay $0x4  }
0x30e: {  	[tilespmem:v6+s30+$0x0] =	vst.idx.msk $0xffff, v5  }
0x30f: {  	v6 =	vld [tilespmem:$0x2AA];
	_ =	sdelay $0x4  }
0x310: {  	v7 =	vshll.u32 v6, $0x3  }
0x311: {  	v6 =	vand.u32 $0x7F, v6;
	v7 =	vand.u32 $0xFFFFFC00, v7  }
0x312: {  	v6 =	vor.u32 v6, v7  }
0x313: {  	v6 =	vadd.s32 v3, v6;
	_ =	sdelay $0x4  }
0x314: {  	[tilespmem:v6+s30+$0x0] =	vst.idx.msk $0xffff, v5  }
0x315: {  	v6 =	vld [tilespmem:$0x2AC];
	_ =	sdelay $0x4  }
0x316: {  	v7 =	vshll.u32 v6, $0x3  }
0x317: {  	v6 =	vand.u32 $0x7F, v6;
	v7 =	vand.u32 $0xFFFFFC00, v7  }
0x318: {  	v6 =	vor.u32 v6, v7  }
0x319: {  	v6 =	vadd.s32 v4, v6;
	_ =	sdelay $0x4  }
0x31a: {  	[tilespmem:v6+s30+$0x0] =	vst.idx.msk vm0, v5  }
0x31b: {  	v6 =	vld [tilespmem:$0x2EE];
	_ =	sdelay $0x4  }
0x31c: {  	v7 =	vshll.u32 v6, $0x3  }
0x31d: {  	v6 =	vand.u32 $0x7F, v6;
	v7 =	vand.u32 $0xFFFFFC00, v7  }
0x31e: {  	v6 =	vor.u32 v6, v7  }
0x31f: {  	v6 =	vadd.s32 v0, v6;
	_ =	sdelay $0x4  }
0x320: {  	[tilespmem:v6+s30+$0x0] =	vst.idx.msk $0xffff, v1  }
0x321: {  	v6 =	vld [tilespmem:$0x2FE];
	_ =	sdelay $0x4  }
0x322: {  	v7 =	vshll.u32 v6, $0x3  }
0x323: {  	v6 =	vand.u32 $0x7F, v6;
	v7 =	vand.u32 $0xFFFFFC00, v7  }
0x324: {  	v6 =	vor.u32 v6, v7  }
0x325: {  	v6 =	vadd.s32 v2, v6;
	_ =	sdelay $0x4  }
0x326: {  	[tilespmem:v6+s30+$0x0] =	vst.idx.msk $0xffff, v1  }
0x327: {  	v6 =	vld [tilespmem:$0x30E];
	_ =	sdelay $0x4  }
0x328: {  	v7 =	vshll.u32 v6, $0x3  }
0x329: {  	v6 =	vand.u32 $0x7F, v6;
	v7 =	vand.u32 $0xFFFFFC00, v7  }
0x32a: {  	v6 =	vor.u32 v6, v7  }
0x32b: {  	v6 =	vadd.s32 v3, v6;
	_ =	sdelay $0x4  }
0x32c: {  	[tilespmem:v6+s30+$0x0] =	vst.idx.msk $0xffff, v1  }
0x32d: {  	v6 =	vld [tilespmem:$0x310];
	_ =	sdelay $0x4  }
0x32e: {  	v7 =	vshll.u32 v6, $0x3  }
0x32f: {  	v6 =	vand.u32 $0x7F, v6;
	v7 =	vand.u32 $0xFFFFFC00, v7  }
0x330: {  	v6 =	vor.u32 v6, v7  }
0x331: {  	v6 =	vadd.s32 v4, v6;
	_ =	sdelay $0x4  }
0x332: {  	[tilespmem:v6+s30+$0x0] =	vst.idx.msk vm0, v1  }
0x333: {  	[hbm4b:s9+s3] =	stream.linear.scatter [tilespmem:s30], [sflag:$0x2], $0xE000, $0x38;
	[tilespmem:$0x1C680] =	vst v63  }
0x334: {  	_ =	swait.ge [sflag:s31], $0xE000  }
0x335: {  	[sflag:s31] =	ssyncset.done $0x0  }
0x336: {  	[sflag:s31] =	ssyncadd.s32 $0xFFFF2000  }
0x337: {  	v6 =	vld [tilespmem:$0x2BC];
	_ =	sdelay $0x4  }
0x338: {  	v7 =	vshll.u32 v6, $0x3  }
0x339: {  	v6 =	vand.u32 $0x7F, v6;
	v7 =	vand.u32 $0xFFFFFC00, v7  }
0x33a: {  	v6 =	vor.u32 v6, v7  }
0x33b: {  	v6 =	vadd.s32 v0, v6;
	_ =	sdelay $0x4  }
0x33c: {  	[tilespmem:v6+s29+$0x0] =	vst.idx.msk $0xffff, v5  }
0x33d: {  	v6 =	vld [tilespmem:$0x2CC];
	_ =	sdelay $0x4  }
0x33e: {  	v7 =	vshll.u32 v6, $0x3  }
0x33f: {  	v6 =	vand.u32 $0x7F, v6;
	v7 =	vand.u32 $0xFFFFFC00, v7  }
0x340: {  	v6 =	vor.u32 v6, v7  }
0x341: {  	v6 =	vadd.s32 v2, v6;
	_ =	sdelay $0x4  }
0x342: {  	[tilespmem:v6+s29+$0x0] =	vst.idx.msk $0xffff, v5  }
0x343: {  	v6 =	vld [tilespmem:$0x2DC];
	_ =	sdelay $0x4  }
0x344: {  	v7 =	vshll.u32 v6, $0x3  }
0x345: {  	v6 =	vand.u32 $0x7F, v6;
	v7 =	vand.u32 $0xFFFFFC00, v7  }
0x346: {  	v6 =	vor.u32 v6, v7  }
0x347: {  	v6 =	vadd.s32 v3, v6;
	_ =	sdelay $0x4  }
0x348: {  	[tilespmem:v6+s29+$0x0] =	vst.idx.msk $0xffff, v5  }
0x349: {  	v6 =	vld [tilespmem:$0x2DE];
	_ =	sdelay $0x4  }
0x34a: {  	v7 =	vshll.u32 v6, $0x3  }
0x34b: {  	v6 =	vand.u32 $0x7F, v6;
	v7 =	vand.u32 $0xFFFFFC00, v7  }
0x34c: {  	v6 =	vor.u32 v6, v7  }
0x34d: {  	v6 =	vadd.s32 v4, v6;
	_ =	sdelay $0x4  }
0x34e: {  	[tilespmem:v6+s29+$0x0] =	vst.idx.msk vm0, v5  }
0x34f: {  	v6 =	vld [tilespmem:$0x320];
	_ =	sdelay $0x4  }
0x350: {  	v7 =	vshll.u32 v6, $0x3  }
0x351: {  	v6 =	vand.u32 $0x7F, v6;
	v7 =	vand.u32 $0xFFFFFC00, v7  }
0x352: {  	v6 =	vor.u32 v6, v7  }
0x353: {  	v6 =	vadd.s32 v0, v6;
	_ =	sdelay $0x4  }
0x354: {  	[tilespmem:v6+s29+$0x0] =	vst.idx.msk $0xffff, v1  }
0x355: {  	v6 =	vld [tilespmem:$0x330];
	_ =	sdelay $0x4  }
0x356: {  	v7 =	vshll.u32 v6, $0x3  }
0x357: {  	v6 =	vand.u32 $0x7F, v6;
	v7 =	vand.u32 $0xFFFFFC00, v7  }
0x358: {  	v6 =	vor.u32 v6, v7  }
0x359: {  	v6 =	vadd.s32 v2, v6;
	_ =	sdelay $0x4  }
0x35a: {  	[tilespmem:v6+s29+$0x0] =	vst.idx.msk $0xffff, v1  }
0x35b: {  	v6 =	vld [tilespmem:$0x340];
	_ =	sdelay $0x4  }
0x35c: {  	v7 =	vshll.u32 v6, $0x3  }
0x35d: {  	v6 =	vand.u32 $0x7F, v6;
	v7 =	vand.u32 $0xFFFFFC00, v7  }
0x35e: {  	v6 =	vor.u32 v6, v7  }
0x35f: {  	v6 =	vadd.s32 v3, v6;
	_ =	sdelay $0x4  }
0x360: {  	[tilespmem:v6+s29+$0x0] =	vst.idx.msk $0xffff, v1  }
0x361: {  	v6 =	vld [tilespmem:$0x342];
	_ =	sdelay $0x4  }
0x362: {  	v7 =	vshll.u32 v6, $0x3  }
0x363: {  	v6 =	vand.u32 $0x7F, v6;
	v7 =	vand.u32 $0xFFFFFC00, v7  }
0x364: {  	v6 =	vor.u32 v6, v7  }
0x365: {  	v6 =	vadd.s32 v4, v6;
	_ =	sdelay $0x4  }
0x366: {  	[tilespmem:v6+s29+$0x0] =	vst.idx.msk vm0, v1  }
0x367: {  	[hbm4b:s10+s3] =	stream.linear.scatter [tilespmem:s29], [sflag:$0x1], $0xE000, $0x38;
	[tilespmem:$0x1C680] =	vst v63  }
0x368: {  	_ =	swait.ge [sflag:s1], $0xE000  }
0x369: {  	[sflag:s1] =	ssyncset.done $0x0  }
0x36a: {  	[sflag:s1] =	ssyncadd.s32 $0xFFFF2000  }
0x36b: {  	v6 =	vld [tilespmem:$0x2EE];
	_ =	sdelay $0x4  }
0x36c: {  	v7 =	vshll.u32 v6, $0x3  }
0x36d: {  	v6 =	vand.u32 $0x7F, v6;
	v7 =	vand.u32 $0xFFFFFC00, v7  }
0x36e: {  	v6 =	vor.u32 v6, v7  }
0x36f: {  	v6 =	vadd.s32 v0, v6;
	_ =	sdelay $0x4  }
0x370: {  	[tilespmem:v6+s30+$0x0] =	vst.idx.msk $0xffff, v5  }
0x371: {  	v6 =	vld [tilespmem:$0x2FE];
	_ =	sdelay $0x4  }
0x372: {  	v7 =	vshll.u32 v6, $0x3  }
0x373: {  	v6 =	vand.u32 $0x7F, v6;
	v7 =	vand.u32 $0xFFFFFC00, v7  }
0x374: {  	v6 =	vor.u32 v6, v7  }
0x375: {  	v6 =	vadd.s32 v2, v6;
	_ =	sdelay $0x4  }
0x376: {  	[tilespmem:v6+s30+$0x0] =	vst.idx.msk $0xffff, v5  }
0x377: {  	v6 =	vld [tilespmem:$0x30E];
	_ =	sdelay $0x4  }
0x378: {  	v7 =	vshll.u32 v6, $0x3  }
0x379: {  	v6 =	vand.u32 $0x7F, v6;
	v7 =	vand.u32 $0xFFFFFC00, v7  }
0x37a: {  	v6 =	vor.u32 v6, v7  }
0x37b: {  	v6 =	vadd.s32 v3, v6;
	_ =	sdelay $0x4  }
0x37c: {  	[tilespmem:v6+s30+$0x0] =	vst.idx.msk $0xffff, v5  }
0x37d: {  	v6 =	vld [tilespmem:$0x310];
	_ =	sdelay $0x4  }
0x37e: {  	v7 =	vshll.u32 v6, $0x3  }
0x37f: {  	v6 =	vand.u32 $0x7F, v6;
	v7 =	vand.u32 $0xFFFFFC00, v7  }
0x380: {  	v6 =	vor.u32 v6, v7  }
0x381: {  	v6 =	vadd.s32 v4, v6;
	_ =	sdelay $0x4  }
0x382: {  	[tilespmem:v6+s30+$0x0] =	vst.idx.msk vm0, v5  }
0x383: {  	v6 =	vld [tilespmem:$0x352];
	_ =	sdelay $0x4  }
0x384: {  	v7 =	vshll.u32 v6, $0x3  }
0x385: {  	v6 =	vand.u32 $0x7F, v6;
	v7 =	vand.u32 $0xFFFFFC00, v7  }
0x386: {  	v6 =	vor.u32 v6, v7  }
0x387: {  	v6 =	vadd.s32 v0, v6;
	_ =	sdelay $0x4  }
0x388: {  	[tilespmem:v6+s30+$0x0] =	vst.idx.msk $0xffff, v1  }
0x389: {  	v6 =	vld [tilespmem:$0x362];
	_ =	sdelay $0x4  }
0x38a: {  	v7 =	vshll.u32 v6, $0x3  }
0x38b: {  	v6 =	vand.u32 $0x7F, v6;
	v7 =	vand.u32 $0xFFFFFC00, v7  }
0x38c: {  	v6 =	vor.u32 v6, v7  }
0x38d: {  	v6 =	vadd.s32 v2, v6;
	_ =	sdelay $0x4  }
0x38e: {  	[tilespmem:v6+s30+$0x0] =	vst.idx.msk $0xffff, v1  }
0x38f: {  	v6 =	vld [tilespmem:$0x372];
	_ =	sdelay $0x4  }
0x390: {  	v7 =	vshll.u32 v6, $0x3  }
0x391: {  	v6 =	vand.u32 $0x7F, v6;
	v7 =	vand.u32 $0xFFFFFC00, v7  }
0x392: {  	v6 =	vor.u32 v6, v7  }
0x393: {  	v6 =	vadd.s32 v3, v6;
	_ =	sdelay $0x4  }
0x394: {  	[tilespmem:v6+s30+$0x0] =	vst.idx.msk $0xffff, v1  }
0x395: {  	v6 =	vld [tilespmem:$0x374];
	_ =	sdelay $0x4  }
0x396: {  	v7 =	vshll.u32 v6, $0x3  }
0x397: {  	v6 =	vand.u32 $0x7F, v6;
	v7 =	vand.u32 $0xFFFFFC00, v7  }
0x398: {  	v6 =	vor.u32 v6, v7  }
0x399: {  	v6 =	vadd.s32 v4, v6;
	_ =	sdelay $0x4  }
0x39a: {  	[tilespmem:v6+s30+$0x0] =	vst.idx.msk vm0, v1  }
0x39b: {  	[hbm4b:s11+s3] =	stream.linear.scatter [tilespmem:s30], [sflag:$0x2], $0xE000, $0x38;
	[tilespmem:$0x1C680] =	vst v63  }
0x39c: {  	_ =	swait.ge [sflag:s31], $0xE000  }
0x39d: {  	[sflag:s31] =	ssyncset.done $0x0  }
0x39e: {  	[sflag:s31] =	ssyncadd.s32 $0xFFFF2000  }
0x39f: {  	v6 =	vld [tilespmem:$0x320];
	_ =	sdelay $0x4  }
0x3a0: {  	v7 =	vshll.u32 v6, $0x3  }
0x3a1: {  	v6 =	vand.u32 $0x7F, v6;
	v7 =	vand.u32 $0xFFFFFC00, v7  }
0x3a2: {  	v6 =	vor.u32 v6, v7  }
0x3a3: {  	v6 =	vadd.s32 v0, v6;
	_ =	sdelay $0x4  }
0x3a4: {  	[tilespmem:v6+s29+$0x0] =	vst.idx.msk $0xffff, v5  }
0x3a5: {  	v6 =	vld [tilespmem:$0x330];
	_ =	sdelay $0x4  }
0x3a6: {  	v7 =	vshll.u32 v6, $0x3  }
0x3a7: {  	v6 =	vand.u32 $0x7F, v6;
	v7 =	vand.u32 $0xFFFFFC00, v7  }
0x3a8: {  	v6 =	vor.u32 v6, v7  }
0x3a9: {  	v6 =	vadd.s32 v2, v6;
	_ =	sdelay $0x4  }
0x3aa: {  	[tilespmem:v6+s29+$0x0] =	vst.idx.msk $0xffff, v5  }
0x3ab: {  	v6 =	vld [tilespmem:$0x340];
	_ =	sdelay $0x4  }
0x3ac: {  	v7 =	vshll.u32 v6, $0x3  }
0x3ad: {  	v6 =	vand.u32 $0x7F, v6;
	v7 =	vand.u32 $0xFFFFFC00, v7  }
0x3ae: {  	v6 =	vor.u32 v6, v7  }
0x3af: {  	v6 =	vadd.s32 v3, v6;
	_ =	sdelay $0x4  }
0x3b0: {  	[tilespmem:v6+s29+$0x0] =	vst.idx.msk $0xffff, v5  }
0x3b1: {  	v6 =	vld [tilespmem:$0x342];
	_ =	sdelay $0x4  }
0x3b2: {  	v7 =	vshll.u32 v6, $0x3  }
0x3b3: {  	v6 =	vand.u32 $0x7F, v6;
	v7 =	vand.u32 $0xFFFFFC00, v7  }
0x3b4: {  	v6 =	vor.u32 v6, v7  }
0x3b5: {  	v6 =	vadd.s32 v4, v6;
	_ =	sdelay $0x4  }
0x3b6: {  	[tilespmem:v6+s29+$0x0] =	vst.idx.msk vm0, v5  }
0x3b7: {  	v6 =	vld [tilespmem:$0x384];
	_ =	sdelay $0x4  }
0x3b8: {  	v7 =	vshll.u32 v6, $0x3  }
0x3b9: {  	v6 =	vand.u32 $0x7F, v6;
	v7 =	vand.u32 $0xFFFFFC00, v7  }
0x3ba: {  	v6 =	vor.u32 v6, v7  }
0x3bb: {  	v6 =	vadd.s32 v0, v6;
	_ =	sdelay $0x4  }
0x3bc: {  	[tilespmem:v6+s29+$0x0] =	vst.idx.msk $0xffff, v1  }
0x3bd: {  	v6 =	vld [tilespmem:$0x394];
	_ =	sdelay $0x4  }
0x3be: {  	v7 =	vshll.u32 v6, $0x3  }
0x3bf: {  	v6 =	vand.u32 $0x7F, v6;
	v7 =	vand.u32 $0xFFFFFC00, v7  }
0x3c0: {  	v6 =	vor.u32 v6, v7  }
0x3c1: {  	v6 =	vadd.s32 v2, v6;
	_ =	sdelay $0x4  }
0x3c2: {  	[tilespmem:v6+s29+$0x0] =	vst.idx.msk $0xffff, v1  }
0x3c3: {  	v6 =	vld [tilespmem:$0x3A4];
	_ =	sdelay $0x4  }
0x3c4: {  	v7 =	vshll.u32 v6, $0x3  }
0x3c5: {  	v6 =	vand.u32 $0x7F, v6;
	v7 =	vand.u32 $0xFFFFFC00, v7  }
0x3c6: {  	v6 =	vor.u32 v6, v7  }
0x3c7: {  	v6 =	vadd.s32 v3, v6;
	_ =	sdelay $0x4  }
0x3c8: {  	[tilespmem:v6+s29+$0x0] =	vst.idx.msk $0xffff, v1  }
0x3c9: {  	v6 =	vld [tilespmem:$0x3A6];
	_ =	sdelay $0x4  }
0x3ca: {  	v7 =	vshll.u32 v6, $0x3  }
0x3cb: {  	v6 =	vand.u32 $0x7F, v6;
	v7 =	vand.u32 $0xFFFFFC00, v7  }
0x3cc: {  	v6 =	vor.u32 v6, v7  }
0x3cd: {  	v6 =	vadd.s32 v4, v6;
	_ =	sdelay $0x4  }
0x3ce: {  	[tilespmem:v6+s29+$0x0] =	vst.idx.msk vm0, v1  }
0x3cf: {  	[hbm4b:s12+s3] =	stream.linear.scatter [tilespmem:s29], [sflag:$0x1], $0xE000, $0x38;
	[tilespmem:$0x1C680] =	vst v63  }
0x3d0: {  	_ =	swait.ge [sflag:s1], $0xE000  }
0x3d1: {  	[sflag:s1] =	ssyncset.done $0x0  }
0x3d2: {  	[sflag:s1] =	ssyncadd.s32 $0xFFFF2000  }
0x3d3: {  	v6 =	vld [tilespmem:$0x352];
	_ =	sdelay $0x4  }
0x3d4: {  	v7 =	vshll.u32 v6, $0x3  }
0x3d5: {  	v6 =	vand.u32 $0x7F, v6;
	v7 =	vand.u32 $0xFFFFFC00, v7  }
0x3d6: {  	v6 =	vor.u32 v6, v7  }
0x3d7: {  	v6 =	vadd.s32 v0, v6;
	_ =	sdelay $0x4  }
0x3d8: {  	[tilespmem:v6+s30+$0x0] =	vst.idx.msk $0xffff, v5  }
0x3d9: {  	v6 =	vld [tilespmem:$0x362];
	_ =	sdelay $0x4  }
0x3da: {  	v7 =	vshll.u32 v6, $0x3  }
0x3db: {  	v6 =	vand.u32 $0x7F, v6;
	v7 =	vand.u32 $0xFFFFFC00, v7  }
0x3dc: {  	v6 =	vor.u32 v6, v7  }
0x3dd: {  	v6 =	vadd.s32 v2, v6;
	_ =	sdelay $0x4  }
0x3de: {  	[tilespmem:v6+s30+$0x0] =	vst.idx.msk $0xffff, v5  }
0x3df: {  	v6 =	vld [tilespmem:$0x372];
	_ =	sdelay $0x4  }
0x3e0: {  	v7 =	vshll.u32 v6, $0x3  }
0x3e1: {  	v6 =	vand.u32 $0x7F, v6;
	v7 =	vand.u32 $0xFFFFFC00, v7  }
0x3e2: {  	v6 =	vor.u32 v6, v7  }
0x3e3: {  	v6 =	vadd.s32 v3, v6;
	_ =	sdelay $0x4  }
0x3e4: {  	[tilespmem:v6+s30+$0x0] =	vst.idx.msk $0xffff, v5  }
0x3e5: {  	v6 =	vld [tilespmem:$0x374];
	_ =	sdelay $0x4  }
0x3e6: {  	v7 =	vshll.u32 v6, $0x3  }
0x3e7: {  	v6 =	vand.u32 $0x7F, v6;
	v7 =	vand.u32 $0xFFFFFC00, v7  }
0x3e8: {  	v6 =	vor.u32 v6, v7  }
0x3e9: {  	v6 =	vadd.s32 v4, v6;
	_ =	sdelay $0x4  }
0x3ea: {  	[tilespmem:v6+s30+$0x0] =	vst.idx.msk vm0, v5  }
0x3eb: {  	v6 =	vld [tilespmem:$0x3B6];
	_ =	sdelay $0x4  }
0x3ec: {  	v7 =	vshll.u32 v6, $0x3  }
0x3ed: {  	v6 =	vand.u32 $0x7F, v6;
	v7 =	vand.u32 $0xFFFFFC00, v7  }
0x3ee: {  	v6 =	vor.u32 v6, v7  }
0x3ef: {  	v6 =	vadd.s32 v0, v6;
	_ =	sdelay $0x4  }
0x3f0: {  	[tilespmem:v6+s30+$0x0] =	vst.idx.msk $0xffff, v1  }
0x3f1: {  	v6 =	vld [tilespmem:$0x3C6];
	_ =	sdelay $0x4  }
0x3f2: {  	v7 =	vshll.u32 v6, $0x3  }
0x3f3: {  	v6 =	vand.u32 $0x7F, v6;
	v7 =	vand.u32 $0xFFFFFC00, v7  }
0x3f4: {  	v6 =	vor.u32 v6, v7  }
0x3f5: {  	v6 =	vadd.s32 v2, v6;
	_ =	sdelay $0x4  }
0x3f6: {  	[tilespmem:v6+s30+$0x0] =	vst.idx.msk $0xffff, v1  }
0x3f7: {  	v6 =	vld [tilespmem:$0x3D6];
	_ =	sdelay $0x4  }
0x3f8: {  	v7 =	vshll.u32 v6, $0x3  }
0x3f9: {  	v6 =	vand.u32 $0x7F, v6;
	v7 =	vand.u32 $0xFFFFFC00, v7  }
0x3fa: {  	v6 =	vor.u32 v6, v7  }
0x3fb: {  	v6 =	vadd.s32 v3, v6;
	_ =	sdelay $0x4  }
0x3fc: {  	[tilespmem:v6+s30+$0x0] =	vst.idx.msk $0xffff, v1  }
0x3fd: {  	v6 =	vld [tilespmem:$0x3D8];
	_ =	sdelay $0x4  }
0x3fe: {  	v7 =	vshll.u32 v6, $0x3  }
0x3ff: {  	v6 =	vand.u32 $0x7F, v6;
	v7 =	vand.u32 $0xFFFFFC00, v7  }
0x400: {  	v6 =	vor.u32 v6, v7  }
0x401: {  	v6 =	vadd.s32 v4, v6;
	_ =	sdelay $0x4  }
0x402: {  	[tilespmem:v6+s30+$0x0] =	vst.idx.msk vm0, v1  }
0x403: {  	[hbm4b:s13+s3] =	stream.linear.scatter [tilespmem:s30], [sflag:$0x2], $0xE000, $0x38;
	[tilespmem:$0x1C680] =	vst v63  }
0x404: {  	_ =	swait.ge [sflag:s31], $0xE000  }
0x405: {  	[sflag:s31] =	ssyncset.done $0x0  }
0x406: {  	[sflag:s31] =	ssyncadd.s32 $0xFFFF2000  }
0x407: {  	v6 =	vld [tilespmem:$0x384];
	_ =	sdelay $0x4  }
0x408: {  	v7 =	vshll.u32 v6, $0x3  }
0x409: {  	v6 =	vand.u32 $0x7F, v6;
	v7 =	vand.u32 $0xFFFFFC00, v7  }
0x40a: {  	v6 =	vor.u32 v6, v7  }
0x40b: {  	v6 =	vadd.s32 v0, v6;
	_ =	sdelay $0x4  }
0x40c: {  	[tilespmem:v6+s29+$0x0] =	vst.idx.msk $0xffff, v5  }
0x40d: {  	v6 =	vld [tilespmem:$0x394];
	_ =	sdelay $0x4  }
0x40e: {  	v7 =	vshll.u32 v6, $0x3  }
0x40f: {  	v6 =	vand.u32 $0x7F, v6;
	v7 =	vand.u32 $0xFFFFFC00, v7  }
0x410: {  	v6 =	vor.u32 v6, v7  }
0x411: {  	v6 =	vadd.s32 v2, v6;
	_ =	sdelay $0x4  }
0x412: {  	[tilespmem:v6+s29+$0x0] =	vst.idx.msk $0xffff, v5  }
0x413: {  	v6 =	vld [tilespmem:$0x3A4];
	_ =	sdelay $0x4  }
0x414: {  	v7 =	vshll.u32 v6, $0x3  }
0x415: {  	v6 =	vand.u32 $0x7F, v6;
	v7 =	vand.u32 $0xFFFFFC00, v7  }
0x416: {  	v6 =	vor.u32 v6, v7  }
0x417: {  	v6 =	vadd.s32 v3, v6;
	_ =	sdelay $0x4  }
0x418: {  	[tilespmem:v6+s29+$0x0] =	vst.idx.msk $0xffff, v5  }
0x419: {  	v6 =	vld [tilespmem:$0x3A6];
	_ =	sdelay $0x4  }
0x41a: {  	v7 =	vshll.u32 v6, $0x3  }
0x41b: {  	v6 =	vand.u32 $0x7F, v6;
	v7 =	vand.u32 $0xFFFFFC00, v7  }
0x41c: {  	v6 =	vor.u32 v6, v7  }
0x41d: {  	v6 =	vadd.s32 v4, v6;
	_ =	sdelay $0x4  }
0x41e: {  	[tilespmem:v6+s29+$0x0] =	vst.idx.msk vm0, v5  }
0x41f: {  	v6 =	vld [tilespmem:$0x3E8];
	_ =	sdelay $0x4  }
0x420: {  	v7 =	vshll.u32 v6, $0x3  }
0x421: {  	v6 =	vand.u32 $0x7F, v6;
	v7 =	vand.u32 $0xFFFFFC00, v7  }
0x422: {  	v6 =	vor.u32 v6, v7  }
0x423: {  	v6 =	vadd.s32 v0, v6;
	_ =	sdelay $0x4  }
0x424: {  	[tilespmem:v6+s29+$0x0] =	vst.idx.msk $0xffff, v1  }
0x425: {  	v6 =	vld [tilespmem:$0x3F8];
	_ =	sdelay $0x4  }
0x426: {  	v7 =	vshll.u32 v6, $0x3  }
0x427: {  	v6 =	vand.u32 $0x7F, v6;
	v7 =	vand.u32 $0xFFFFFC00, v7  }
0x428: {  	v6 =	vor.u32 v6, v7  }
0x429: {  	v6 =	vadd.s32 v2, v6;
	_ =	sdelay $0x4  }
0x42a: {  	[tilespmem:v6+s29+$0x0] =	vst.idx.msk $0xffff, v1  }
0x42b: {  	v6 =	vld [tilespmem:$0x408];
	_ =	sdelay $0x4  }
0x42c: {  	v7 =	vshll.u32 v6, $0x3  }
0x42d: {  	v6 =	vand.u32 $0x7F, v6;
	v7 =	vand.u32 $0xFFFFFC00, v7  }
0x42e: {  	v6 =	vor.u32 v6, v7  }
0x42f: {  	v6 =	vadd.s32 v3, v6;
	_ =	sdelay $0x4  }
0x430: {  	[tilespmem:v6+s29+$0x0] =	vst.idx.msk $0xffff, v1  }
0x431: {  	v6 =	vld [tilespmem:$0x40A];
	_ =	sdelay $0x4  }
0x432: {  	v7 =	vshll.u32 v6, $0x3  }
0x433: {  	v6 =	vand.u32 $0x7F, v6;
	v7 =	vand.u32 $0xFFFFFC00, v7  }
0x434: {  	v6 =	vor.u32 v6, v7  }
0x435: {  	v6 =	vadd.s32 v4, v6;
	_ =	sdelay $0x4  }
0x436: {  	[tilespmem:v6+s29+$0x0] =	vst.idx.msk vm0, v1  }
0x437: {  	[hbm4b:s14+s3] =	stream.linear.scatter [tilespmem:s29], [sflag:$0x1], $0xE000, $0x38;
	[tilespmem:$0x1C680] =	vst v63  }
0x438: {  	_ =	swait.ge [sflag:s1], $0xE000  }
0x439: {  	[sflag:s1] =	ssyncset.done $0x0  }
0x43a: {  	[sflag:s1] =	ssyncadd.s32 $0xFFFF2000  }
0x43b: {  	v6 =	vld [tilespmem:$0x3B6];
	_ =	sdelay $0x4  }
0x43c: {  	v7 =	vshll.u32 v6, $0x3  }
0x43d: {  	v6 =	vand.u32 $0x7F, v6;
	v7 =	vand.u32 $0xFFFFFC00, v7  }
0x43e: {  	v6 =	vor.u32 v6, v7  }
0x43f: {  	v6 =	vadd.s32 v0, v6;
	_ =	sdelay $0x4  }
0x440: {  	[tilespmem:v6+s30+$0x0] =	vst.idx.msk $0xffff, v5  }
0x441: {  	v6 =	vld [tilespmem:$0x3C6];
	_ =	sdelay $0x4  }
0x442: {  	v7 =	vshll.u32 v6, $0x3  }
0x443: {  	v6 =	vand.u32 $0x7F, v6;
	v7 =	vand.u32 $0xFFFFFC00, v7  }
0x444: {  	v6 =	vor.u32 v6, v7  }
0x445: {  	v6 =	vadd.s32 v2, v6;
	_ =	sdelay $0x4  }
0x446: {  	[tilespmem:v6+s30+$0x0] =	vst.idx.msk $0xffff, v5  }
0x447: {  	v6 =	vld [tilespmem:$0x3D6];
	_ =	sdelay $0x4  }
0x448: {  	v7 =	vshll.u32 v6, $0x3  }
0x449: {  	v6 =	vand.u32 $0x7F, v6;
	v7 =	vand.u32 $0xFFFFFC00, v7  }
0x44a: {  	v6 =	vor.u32 v6, v7  }
0x44b: {  	v6 =	vadd.s32 v3, v6;
	_ =	sdelay $0x4  }
0x44c: {  	[tilespmem:v6+s30+$0x0] =	vst.idx.msk $0xffff, v5  }
0x44d: {  	v6 =	vld [tilespmem:$0x3D8];
	_ =	sdelay $0x4  }
0x44e: {  	v7 =	vshll.u32 v6, $0x3  }
0x44f: {  	v6 =	vand.u32 $0x7F, v6;
	v7 =	vand.u32 $0xFFFFFC00, v7  }
0x450: {  	v6 =	vor.u32 v6, v7  }
0x451: {  	v6 =	vadd.s32 v4, v6;
	_ =	sdelay $0x4  }
0x452: {  	[tilespmem:v6+s30+$0x0] =	vst.idx.msk vm0, v5  }
0x453: {  	v6 =	vld [tilespmem:$0x41A];
	_ =	sdelay $0x4  }
0x454: {  	v7 =	vshll.u32 v6, $0x3  }
0x455: {  	v6 =	vand.u32 $0x7F, v6;
	v7 =	vand.u32 $0xFFFFFC00, v7  }
0x456: {  	v6 =	vor.u32 v6, v7  }
0x457: {  	v6 =	vadd.s32 v0, v6;
	_ =	sdelay $0x4  }
0x458: {  	[tilespmem:v6+s30+$0x0] =	vst.idx.msk $0xffff, v1  }
0x459: {  	v6 =	vld [tilespmem:$0x42A];
	_ =	sdelay $0x4  }
0x45a: {  	v7 =	vshll.u32 v6, $0x3  }
0x45b: {  	v6 =	vand.u32 $0x7F, v6;
	v7 =	vand.u32 $0xFFFFFC00, v7  }
0x45c: {  	v6 =	vor.u32 v6, v7  }
0x45d: {  	v6 =	vadd.s32 v2, v6;
	_ =	sdelay $0x4  }
0x45e: {  	[tilespmem:v6+s30+$0x0] =	vst.idx.msk $0xffff, v1  }
0x45f: {  	v6 =	vld [tilespmem:$0x43A];
	_ =	sdelay $0x4  }
0x460: {  	v7 =	vshll.u32 v6, $0x3  }
0x461: {  	v6 =	vand.u32 $0x7F, v6;
	v7 =	vand.u32 $0xFFFFFC00, v7  }
0x462: {  	v6 =	vor.u32 v6, v7  }
0x463: {  	v6 =	vadd.s32 v3, v6;
	_ =	sdelay $0x4  }
0x464: {  	[tilespmem:v6+s30+$0x0] =	vst.idx.msk $0xffff, v1  }
0x465: {  	v6 =	vld [tilespmem:$0x43C];
	_ =	sdelay $0x4  }
0x466: {  	v7 =	vshll.u32 v6, $0x3  }
0x467: {  	v6 =	vand.u32 $0x7F, v6;
	v7 =	vand.u32 $0xFFFFFC00, v7  }
0x468: {  	v6 =	vor.u32 v6, v7  }
0x469: {  	v6 =	vadd.s32 v4, v6;
	_ =	sdelay $0x4  }
0x46a: {  	[tilespmem:v6+s30+$0x0] =	vst.idx.msk vm0, v1  }
0x46b: {  	[hbm4b:s15+s3] =	stream.linear.scatter [tilespmem:s30], [sflag:$0x2], $0xE000, $0x38;
	[tilespmem:$0x1C680] =	vst v63  }
0x46c: {  	_ =	swait.ge [sflag:s31], $0xE000  }
0x46d: {  	[sflag:s31] =	ssyncset.done $0x0  }
0x46e: {  	[sflag:s31] =	ssyncadd.s32 $0xFFFF2000  }
0x46f: {  	v6 =	vld [tilespmem:$0x3E8];
	_ =	sdelay $0x4  }
0x470: {  	v7 =	vshll.u32 v6, $0x3  }
0x471: {  	v6 =	vand.u32 $0x7F, v6;
	v7 =	vand.u32 $0xFFFFFC00, v7  }
0x472: {  	v6 =	vor.u32 v6, v7  }
0x473: {  	v6 =	vadd.s32 v0, v6;
	_ =	sdelay $0x4  }
0x474: {  	[tilespmem:v6+s29+$0x0] =	vst.idx.msk $0xffff, v5  }
0x475: {  	v6 =	vld [tilespmem:$0x3F8];
	_ =	sdelay $0x4  }
0x476: {  	v7 =	vshll.u32 v6, $0x3  }
0x477: {  	v6 =	vand.u32 $0x7F, v6;
	v7 =	vand.u32 $0xFFFFFC00, v7  }
0x478: {  	v6 =	vor.u32 v6, v7  }
0x479: {  	v6 =	vadd.s32 v2, v6;
	_ =	sdelay $0x4  }
0x47a: {  	[tilespmem:v6+s29+$0x0] =	vst.idx.msk $0xffff, v5  }
0x47b: {  	v6 =	vld [tilespmem:$0x408];
	_ =	sdelay $0x4  }
0x47c: {  	v7 =	vshll.u32 v6, $0x3  }
0x47d: {  	v6 =	vand.u32 $0x7F, v6;
	v7 =	vand.u32 $0xFFFFFC00, v7  }
0x47e: {  	v6 =	vor.u32 v6, v7  }
0x47f: {  	v6 =	vadd.s32 v3, v6;
	_ =	sdelay $0x4  }
0x480: {  	[tilespmem:v6+s29+$0x0] =	vst.idx.msk $0xffff, v5  }
0x481: {  	v6 =	vld [tilespmem:$0x40A];
	_ =	sdelay $0x4  }
0x482: {  	v7 =	vshll.u32 v6, $0x3  }
0x483: {  	v6 =	vand.u32 $0x7F, v6;
	v7 =	vand.u32 $0xFFFFFC00, v7  }
0x484: {  	v6 =	vor.u32 v6, v7  }
0x485: {  	v6 =	vadd.s32 v4, v6;
	_ =	sdelay $0x4  }
0x486: {  	[tilespmem:v6+s29+$0x0] =	vst.idx.msk vm0, v5  }
0x487: {  	v6 =	vld [tilespmem:$0x44C];
	_ =	sdelay $0x4  }
0x488: {  	v7 =	vshll.u32 v6, $0x3  }
0x489: {  	v6 =	vand.u32 $0x7F, v6;
	v7 =	vand.u32 $0xFFFFFC00, v7  }
0x48a: {  	v6 =	vor.u32 v6, v7  }
0x48b: {  	v6 =	vadd.s32 v0, v6;
	_ =	sdelay $0x4  }
0x48c: {  	[tilespmem:v6+s29+$0x0] =	vst.idx.msk $0xffff, v1  }
0x48d: {  	v6 =	vld [tilespmem:$0x45C];
	_ =	sdelay $0x4  }
0x48e: {  	v7 =	vshll.u32 v6, $0x3  }
0x48f: {  	v6 =	vand.u32 $0x7F, v6;
	v7 =	vand.u32 $0xFFFFFC00, v7  }
0x490: {  	v6 =	vor.u32 v6, v7  }
0x491: {  	v6 =	vadd.s32 v2, v6;
	_ =	sdelay $0x4  }
0x492: {  	[tilespmem:v6+s29+$0x0] =	vst.idx.msk $0xffff, v1  }
0x493: {  	v6 =	vld [tilespmem:$0x46C];
	_ =	sdelay $0x4  }
0x494: {  	v7 =	vshll.u32 v6, $0x3  }
0x495: {  	v6 =	vand.u32 $0x7F, v6;
	v7 =	vand.u32 $0xFFFFFC00, v7  }
0x496: {  	v6 =	vor.u32 v6, v7  }
0x497: {  	v6 =	vadd.s32 v3, v6;
	_ =	sdelay $0x4  }
0x498: {  	[tilespmem:v6+s29+$0x0] =	vst.idx.msk $0xffff, v1  }
0x499: {  	v6 =	vld [tilespmem:$0x46E];
	_ =	sdelay $0x4  }
0x49a: {  	v7 =	vshll.u32 v6, $0x3  }
0x49b: {  	v6 =	vand.u32 $0x7F, v6;
	v7 =	vand.u32 $0xFFFFFC00, v7  }
0x49c: {  	v6 =	vor.u32 v6, v7  }
0x49d: {  	v6 =	vadd.s32 v4, v6;
	_ =	sdelay $0x4  }
0x49e: {  	[tilespmem:v6+s29+$0x0] =	vst.idx.msk vm0, v1  }
0x49f: {  	[hbm4b:s16+s3] =	stream.linear.scatter [tilespmem:s29], [sflag:$0x1], $0xE000, $0x38;
	[tilespmem:$0x1C680] =	vst v63  }
0x4a0: {  	_ =	swait.ge [sflag:s1], $0xE000  }
0x4a1: {  	[sflag:s1] =	ssyncset.done $0x0  }
0x4a2: {  	[sflag:s1] =	ssyncadd.s32 $0xFFFF2000  }
0x4a3: {  	v6 =	vld [tilespmem:$0x41A];
	_ =	sdelay $0x4  }
0x4a4: {  	v7 =	vshll.u32 v6, $0x3  }
0x4a5: {  	v6 =	vand.u32 $0x7F, v6;
	v7 =	vand.u32 $0xFFFFFC00, v7  }
0x4a6: {  	v6 =	vor.u32 v6, v7  }
0x4a7: {  	v6 =	vadd.s32 v0, v6;
	_ =	sdelay $0x4  }
0x4a8: {  	[tilespmem:v6+s30+$0x0] =	vst.idx.msk $0xffff, v5  }
0x4a9: {  	v6 =	vld [tilespmem:$0x42A];
	_ =	sdelay $0x4  }
0x4aa: {  	v7 =	vshll.u32 v6, $0x3  }
0x4ab: {  	v6 =	vand.u32 $0x7F, v6;
	v7 =	vand.u32 $0xFFFFFC00, v7  }
0x4ac: {  	v6 =	vor.u32 v6, v7  }
0x4ad: {  	v6 =	vadd.s32 v2, v6;
	_ =	sdelay $0x4  }
0x4ae: {  	[tilespmem:v6+s30+$0x0] =	vst.idx.msk $0xffff, v5  }
0x4af: {  	v6 =	vld [tilespmem:$0x43A];
	_ =	sdelay $0x4  }
0x4b0: {  	v7 =	vshll.u32 v6, $0x3  }
0x4b1: {  	v6 =	vand.u32 $0x7F, v6;
	v7 =	vand.u32 $0xFFFFFC00, v7  }
0x4b2: {  	v6 =	vor.u32 v6, v7  }
0x4b3: {  	v6 =	vadd.s32 v3, v6;
	_ =	sdelay $0x4  }
0x4b4: {  	[tilespmem:v6+s30+$0x0] =	vst.idx.msk $0xffff, v5  }
0x4b5: {  	v6 =	vld [tilespmem:$0x43C];
	_ =	sdelay $0x4  }
0x4b6: {  	v7 =	vshll.u32 v6, $0x3  }
0x4b7: {  	v6 =	vand.u32 $0x7F, v6;
	v7 =	vand.u32 $0xFFFFFC00, v7  }
0x4b8: {  	v6 =	vor.u32 v6, v7  }
0x4b9: {  	v6 =	vadd.s32 v4, v6;
	_ =	sdelay $0x4  }
0x4ba: {  	[tilespmem:v6+s30+$0x0] =	vst.idx.msk vm0, v5  }
0x4bb: {  	v6 =	vld [tilespmem:$0x47E];
	_ =	sdelay $0x4  }
0x4bc: {  	v7 =	vshll.u32 v6, $0x3  }
0x4bd: {  	v6 =	vand.u32 $0x7F, v6;
	v7 =	vand.u32 $0xFFFFFC00, v7  }
0x4be: {  	v6 =	vor.u32 v6, v7  }
0x4bf: {  	v6 =	vadd.s32 v0, v6;
	_ =	sdelay $0x4  }
0x4c0: {  	[tilespmem:v6+s30+$0x0] =	vst.idx.msk $0xffff, v1  }
0x4c1: {  	v6 =	vld [tilespmem:$0x48E];
	_ =	sdelay $0x4  }
0x4c2: {  	v7 =	vshll.u32 v6, $0x3  }
0x4c3: {  	v6 =	vand.u32 $0x7F, v6;
	v7 =	vand.u32 $0xFFFFFC00, v7  }
0x4c4: {  	v6 =	vor.u32 v6, v7  }
0x4c5: {  	v6 =	vadd.s32 v2, v6;
	_ =	sdelay $0x4  }
0x4c6: {  	[tilespmem:v6+s30+$0x0] =	vst.idx.msk $0xffff, v1  }
0x4c7: {  	v6 =	vld [tilespmem:$0x49E];
	_ =	sdelay $0x4  }
0x4c8: {  	v7 =	vshll.u32 v6, $0x3  }
0x4c9: {  	v6 =	vand.u32 $0x7F, v6;
	v7 =	vand.u32 $0xFFFFFC00, v7  }
0x4ca: {  	v6 =	vor.u32 v6, v7  }
0x4cb: {  	v6 =	vadd.s32 v3, v6;
	_ =	sdelay $0x4  }
0x4cc: {  	[tilespmem:v6+s30+$0x0] =	vst.idx.msk $0xffff, v1  }
0x4cd: {  	v6 =	vld [tilespmem:$0x4A0];
	_ =	sdelay $0x4  }
0x4ce: {  	v7 =	vshll.u32 v6, $0x3  }
0x4cf: {  	v6 =	vand.u32 $0x7F, v6;
	v7 =	vand.u32 $0xFFFFFC00, v7  }
0x4d0: {  	v6 =	vor.u32 v6, v7  }
0x4d1: {  	v6 =	vadd.s32 v4, v6;
	_ =	sdelay $0x4  }
0x4d2: {  	[tilespmem:v6+s30+$0x0] =	vst.idx.msk vm0, v1  }
0x4d3: {  	[hbm4b:s17+s3] =	stream.linear.scatter [tilespmem:s30], [sflag:$0x2], $0xE000, $0x38;
	[tilespmem:$0x1C680] =	vst v63  }
0x4d4: {  	_ =	swait.ge [sflag:s31], $0xE000  }
0x4d5: {  	[sflag:s31] =	ssyncset.done $0x0  }
0x4d6: {  	[sflag:s31] =	ssyncadd.s32 $0xFFFF2000  }
0x4d7: {  	v6 =	vld [tilespmem:$0x44C];
	_ =	sdelay $0x4  }
0x4d8: {  	v7 =	vshll.u32 v6, $0x3  }
0x4d9: {  	v6 =	vand.u32 $0x7F, v6;
	v7 =	vand.u32 $0xFFFFFC00, v7  }
0x4da: {  	v6 =	vor.u32 v6, v7  }
0x4db: {  	v6 =	vadd.s32 v0, v6;
	_ =	sdelay $0x4  }
0x4dc: {  	[tilespmem:v6+s29+$0x0] =	vst.idx.msk $0xffff, v5  }
0x4dd: {  	v6 =	vld [tilespmem:$0x45C];
	_ =	sdelay $0x4  }
0x4de: {  	v7 =	vshll.u32 v6, $0x3  }
0x4df: {  	v6 =	vand.u32 $0x7F, v6;
	v7 =	vand.u32 $0xFFFFFC00, v7  }
0x4e0: {  	v6 =	vor.u32 v6, v7  }
0x4e1: {  	v6 =	vadd.s32 v2, v6;
	_ =	sdelay $0x4  }
0x4e2: {  	[tilespmem:v6+s29+$0x0] =	vst.idx.msk $0xffff, v5  }
0x4e3: {  	v6 =	vld [tilespmem:$0x46C];
	_ =	sdelay $0x4  }
0x4e4: {  	v7 =	vshll.u32 v6, $0x3  }
0x4e5: {  	v6 =	vand.u32 $0x7F, v6;
	v7 =	vand.u32 $0xFFFFFC00, v7  }
0x4e6: {  	v6 =	vor.u32 v6, v7  }
0x4e7: {  	v6 =	vadd.s32 v3, v6;
	_ =	sdelay $0x4  }
0x4e8: {  	[tilespmem:v6+s29+$0x0] =	vst.idx.msk $0xffff, v5  }
0x4e9: {  	v6 =	vld [tilespmem:$0x46E];
	_ =	sdelay $0x4  }
0x4ea: {  	v7 =	vshll.u32 v6, $0x3  }
0x4eb: {  	v6 =	vand.u32 $0x7F, v6;
	v7 =	vand.u32 $0xFFFFFC00, v7  }
0x4ec: {  	v6 =	vor.u32 v6, v7  }
0x4ed: {  	v6 =	vadd.s32 v4, v6;
	_ =	sdelay $0x4  }
0x4ee: {  	[tilespmem:v6+s29+$0x0] =	vst.idx.msk vm0, v5  }
0x4ef: {  	v6 =	vld [tilespmem:$0x4B0];
	_ =	sdelay $0x4  }
0x4f0: {  	v7 =	vshll.u32 v6, $0x3  }
0x4f1: {  	v6 =	vand.u32 $0x7F, v6;
	v7 =	vand.u32 $0xFFFFFC00, v7  }
0x4f2: {  	v6 =	vor.u32 v6, v7  }
0x4f3: {  	v6 =	vadd.s32 v0, v6;
	_ =	sdelay $0x4  }
0x4f4: {  	[tilespmem:v6+s29+$0x0] =	vst.idx.msk $0xffff, v1  }
0x4f5: {  	v6 =	vld [tilespmem:$0x4C0];
	_ =	sdelay $0x4  }
0x4f6: {  	v7 =	vshll.u32 v6, $0x3  }
0x4f7: {  	v6 =	vand.u32 $0x7F, v6;
	v7 =	vand.u32 $0xFFFFFC00, v7  }
0x4f8: {  	v6 =	vor.u32 v6, v7  }
0x4f9: {  	v6 =	vadd.s32 v2, v6;
	_ =	sdelay $0x4  }
0x4fa: {  	[tilespmem:v6+s29+$0x0] =	vst.idx.msk $0xffff, v1  }
0x4fb: {  	v6 =	vld [tilespmem:$0x4D0];
	_ =	sdelay $0x4  }
0x4fc: {  	v7 =	vshll.u32 v6, $0x3  }
0x4fd: {  	v6 =	vand.u32 $0x7F, v6;
	v7 =	vand.u32 $0xFFFFFC00, v7  }
0x4fe: {  	v6 =	vor.u32 v6, v7  }
0x4ff: {  	v6 =	vadd.s32 v3, v6;
	_ =	sdelay $0x4  }
0x500: {  	[tilespmem:v6+s29+$0x0] =	vst.idx.msk $0xffff, v1  }
0x501: {  	v6 =	vld [tilespmem:$0x4D2];
	_ =	sdelay $0x4  }
0x502: {  	v7 =	vshll.u32 v6, $0x3  }
0x503: {  	v6 =	vand.u32 $0x7F, v6;
	v7 =	vand.u32 $0xFFFFFC00, v7  }
0x504: {  	v6 =	vor.u32 v6, v7  }
0x505: {  	v6 =	vadd.s32 v4, v6;
	_ =	sdelay $0x4  }
0x506: {  	[tilespmem:v6+s29+$0x0] =	vst.idx.msk vm0, v1  }
0x507: {  	[hbm4b:s18+s3] =	stream.linear.scatter [tilespmem:s29], [sflag:$0x1], $0xE000, $0x38;
	[tilespmem:$0x1C680] =	vst v63  }
0x508: {  	_ =	swait.ge [sflag:s1], $0xE000  }
0x509: {  	[sflag:s1] =	ssyncset.done $0x0  }
0x50a: {  	[sflag:s1] =	ssyncadd.s32 $0xFFFF2000  }
0x50b: {  	v6 =	vld [tilespmem:$0x47E];
	_ =	sdelay $0x4  }
0x50c: {  	v7 =	vshll.u32 v6, $0x3  }
0x50d: {  	v6 =	vand.u32 $0x7F, v6;
	v7 =	vand.u32 $0xFFFFFC00, v7  }
0x50e: {  	v6 =	vor.u32 v6, v7  }
0x50f: {  	v6 =	vadd.s32 v0, v6;
	_ =	sdelay $0x4  }
0x510: {  	[tilespmem:v6+s30+$0x0] =	vst.idx.msk $0xffff, v5  }
0x511: {  	v6 =	vld [tilespmem:$0x48E];
	_ =	sdelay $0x4  }
0x512: {  	v7 =	vshll.u32 v6, $0x3  }
0x513: {  	v6 =	vand.u32 $0x7F, v6;
	v7 =	vand.u32 $0xFFFFFC00, v7  }
0x514: {  	v6 =	vor.u32 v6, v7  }
0x515: {  	v6 =	vadd.s32 v2, v6;
	_ =	sdelay $0x4  }
0x516: {  	[tilespmem:v6+s30+$0x0] =	vst.idx.msk $0xffff, v5  }
0x517: {  	v6 =	vld [tilespmem:$0x49E];
	_ =	sdelay $0x4  }
0x518: {  	v7 =	vshll.u32 v6, $0x3  }
0x519: {  	v6 =	vand.u32 $0x7F, v6;
	v7 =	vand.u32 $0xFFFFFC00, v7  }
0x51a: {  	v6 =	vor.u32 v6, v7  }
0x51b: {  	v6 =	vadd.s32 v3, v6;
	_ =	sdelay $0x4  }
0x51c: {  	[tilespmem:v6+s30+$0x0] =	vst.idx.msk $0xffff, v5  }
0x51d: {  	v6 =	vld [tilespmem:$0x4A0];
	_ =	sdelay $0x4  }
0x51e: {  	v7 =	vshll.u32 v6, $0x3  }
0x51f: {  	v6 =	vand.u32 $0x7F, v6;
	v7 =	vand.u32 $0xFFFFFC00, v7  }
0x520: {  	v6 =	vor.u32 v6, v7  }
0x521: {  	v6 =	vadd.s32 v4, v6;
	_ =	sdelay $0x4  }
0x522: {  	[tilespmem:v6+s30+$0x0] =	vst.idx.msk vm0, v5  }
0x523: {  	v6 =	vld [tilespmem:$0x4E2];
	_ =	sdelay $0x4  }
0x524: {  	v7 =	vshll.u32 v6, $0x3  }
0x525: {  	v6 =	vand.u32 $0x7F, v6;
	v7 =	vand.u32 $0xFFFFFC00, v7  }
0x526: {  	v6 =	vor.u32 v6, v7  }
0x527: {  	v6 =	vadd.s32 v0, v6;
	_ =	sdelay $0x4  }
0x528: {  	[tilespmem:v6+s30+$0x0] =	vst.idx.msk $0xffff, v1  }
0x529: {  	v6 =	vld [tilespmem:$0x4F2];
	_ =	sdelay $0x4  }
0x52a: {  	v7 =	vshll.u32 v6, $0x3  }
0x52b: {  	v6 =	vand.u32 $0x7F, v6;
	v7 =	vand.u32 $0xFFFFFC00, v7  }
0x52c: {  	v6 =	vor.u32 v6, v7  }
0x52d: {  	v6 =	vadd.s32 v2, v6;
	_ =	sdelay $0x4  }
0x52e: {  	[tilespmem:v6+s30+$0x0] =	vst.idx.msk $0xffff, v1  }
0x52f: {  	v6 =	vld [tilespmem:$0x502];
	_ =	sdelay $0x4  }
0x530: {  	v7 =	vshll.u32 v6, $0x3  }
0x531: {  	v6 =	vand.u32 $0x7F, v6;
	v7 =	vand.u32 $0xFFFFFC00, v7  }
0x532: {  	v6 =	vor.u32 v6, v7  }
0x533: {  	v6 =	vadd.s32 v3, v6;
	_ =	sdelay $0x4  }
0x534: {  	[tilespmem:v6+s30+$0x0] =	vst.idx.msk $0xffff, v1  }
0x535: {  	v6 =	vld [tilespmem:$0x504];
	_ =	sdelay $0x4  }
0x536: {  	v7 =	vshll.u32 v6, $0x3  }
0x537: {  	v6 =	vand.u32 $0x7F, v6;
	v7 =	vand.u32 $0xFFFFFC00, v7  }
0x538: {  	v6 =	vor.u32 v6, v7  }
0x539: {  	v6 =	vadd.s32 v4, v6;
	_ =	sdelay $0x4  }
0x53a: {  	[tilespmem:v6+s30+$0x0] =	vst.idx.msk vm0, v1  }
0x53b: {  	[hbm4b:s19+s3] =	stream.linear.scatter [tilespmem:s30], [sflag:$0x2], $0xE000, $0x38;
	[tilespmem:$0x1C680] =	vst v63  }
0x53c: {  	_ =	swait.ge [sflag:s31], $0xE000  }
0x53d: {  	[sflag:s31] =	ssyncset.done $0x0  }
0x53e: {  	[sflag:s31] =	ssyncadd.s32 $0xFFFF2000  }
0x53f: {  	v6 =	vld [tilespmem:$0x4B0];
	_ =	sdelay $0x4  }
0x540: {  	v7 =	vshll.u32 v6, $0x3  }
0x541: {  	v6 =	vand.u32 $0x7F, v6;
	v7 =	vand.u32 $0xFFFFFC00, v7  }
0x542: {  	v6 =	vor.u32 v6, v7  }
0x543: {  	v6 =	vadd.s32 v0, v6;
	_ =	sdelay $0x4  }
0x544: {  	[tilespmem:v6+s29+$0x0] =	vst.idx.msk $0xffff, v5  }
0x545: {  	v6 =	vld [tilespmem:$0x4C0];
	_ =	sdelay $0x4  }
0x546: {  	v7 =	vshll.u32 v6, $0x3  }
0x547: {  	v6 =	vand.u32 $0x7F, v6;
	v7 =	vand.u32 $0xFFFFFC00, v7  }
0x548: {  	v6 =	vor.u32 v6, v7  }
0x549: {  	v6 =	vadd.s32 v2, v6;
	_ =	sdelay $0x4  }
0x54a: {  	[tilespmem:v6+s29+$0x0] =	vst.idx.msk $0xffff, v5  }
0x54b: {  	v6 =	vld [tilespmem:$0x4D0];
	_ =	sdelay $0x4  }
0x54c: {  	v7 =	vshll.u32 v6, $0x3  }
0x54d: {  	v6 =	vand.u32 $0x7F, v6;
	v7 =	vand.u32 $0xFFFFFC00, v7  }
0x54e: {  	v6 =	vor.u32 v6, v7  }
0x54f: {  	v6 =	vadd.s32 v3, v6;
	_ =	sdelay $0x4  }
0x550: {  	[tilespmem:v6+s29+$0x0] =	vst.idx.msk $0xffff, v5  }
0x551: {  	v6 =	vld [tilespmem:$0x4D2];
	_ =	sdelay $0x4  }
0x552: {  	v7 =	vshll.u32 v6, $0x3  }
0x553: {  	v6 =	vand.u32 $0x7F, v6;
	v7 =	vand.u32 $0xFFFFFC00, v7  }
0x554: {  	v6 =	vor.u32 v6, v7  }
0x555: {  	v6 =	vadd.s32 v4, v6;
	_ =	sdelay $0x4  }
0x556: {  	[tilespmem:v6+s29+$0x0] =	vst.idx.msk vm0, v5  }
0x557: {  	v6 =	vld [tilespmem:$0x514];
	_ =	sdelay $0x4  }
0x558: {  	v7 =	vshll.u32 v6, $0x3  }
0x559: {  	v6 =	vand.u32 $0x7F, v6;
	v7 =	vand.u32 $0xFFFFFC00, v7  }
0x55a: {  	v6 =	vor.u32 v6, v7  }
0x55b: {  	v6 =	vadd.s32 v0, v6;
	_ =	sdelay $0x4  }
0x55c: {  	[tilespmem:v6+s29+$0x0] =	vst.idx.msk $0xffff, v1  }
0x55d: {  	v6 =	vld [tilespmem:$0x524];
	_ =	sdelay $0x4  }
0x55e: {  	v7 =	vshll.u32 v6, $0x3  }
0x55f: {  	v6 =	vand.u32 $0x7F, v6;
	v7 =	vand.u32 $0xFFFFFC00, v7  }
0x560: {  	v6 =	vor.u32 v6, v7  }
0x561: {  	v6 =	vadd.s32 v2, v6;
	_ =	sdelay $0x4  }
0x562: {  	[tilespmem:v6+s29+$0x0] =	vst.idx.msk $0xffff, v1  }
0x563: {  	v6 =	vld [tilespmem:$0x534];
	_ =	sdelay $0x4  }
0x564: {  	v7 =	vshll.u32 v6, $0x3  }
0x565: {  	v6 =	vand.u32 $0x7F, v6;
	v7 =	vand.u32 $0xFFFFFC00, v7  }
0x566: {  	v6 =	vor.u32 v6, v7  }
0x567: {  	v6 =	vadd.s32 v3, v6;
	_ =	sdelay $0x4  }
0x568: {  	[tilespmem:v6+s29+$0x0] =	vst.idx.msk $0xffff, v1  }
0x569: {  	v6 =	vld [tilespmem:$0x536];
	_ =	sdelay $0x4  }
0x56a: {  	v7 =	vshll.u32 v6, $0x3  }
0x56b: {  	v6 =	vand.u32 $0x7F, v6;
	v7 =	vand.u32 $0xFFFFFC00, v7  }
0x56c: {  	v6 =	vor.u32 v6, v7  }
0x56d: {  	v6 =	vadd.s32 v4, v6;
	_ =	sdelay $0x4  }
0x56e: {  	[tilespmem:v6+s29+$0x0] =	vst.idx.msk vm0, v1  }
0x56f: {  	[hbm4b:s20+s3] =	stream.linear.scatter [tilespmem:s29], [sflag:$0x1], $0xE000, $0x38;
	[tilespmem:$0x1C680] =	vst v63  }
0x570: {  	_ =	swait.ge [sflag:s1], $0xE000  }
0x571: {  	[sflag:s1] =	ssyncset.done $0x0  }
0x572: {  	[sflag:s1] =	ssyncadd.s32 $0xFFFF2000  }
0x573: {  	v6 =	vld [tilespmem:$0x4E2];
	_ =	sdelay $0x4  }
0x574: {  	v7 =	vshll.u32 v6, $0x3  }
0x575: {  	v6 =	vand.u32 $0x7F, v6;
	v7 =	vand.u32 $0xFFFFFC00, v7  }
0x576: {  	v6 =	vor.u32 v6, v7  }
0x577: {  	v6 =	vadd.s32 v0, v6;
	_ =	sdelay $0x4  }
0x578: {  	[tilespmem:v6+s30+$0x0] =	vst.idx.msk $0xffff, v5  }
0x579: {  	v6 =	vld [tilespmem:$0x4F2];
	_ =	sdelay $0x4  }
0x57a: {  	v7 =	vshll.u32 v6, $0x3  }
0x57b: {  	v6 =	vand.u32 $0x7F, v6;
	v7 =	vand.u32 $0xFFFFFC00, v7  }
0x57c: {  	v6 =	vor.u32 v6, v7  }
0x57d: {  	v6 =	vadd.s32 v2, v6;
	_ =	sdelay $0x4  }
0x57e: {  	[tilespmem:v6+s30+$0x0] =	vst.idx.msk $0xffff, v5  }
0x57f: {  	v6 =	vld [tilespmem:$0x502];
	_ =	sdelay $0x4  }
0x580: {  	v7 =	vshll.u32 v6, $0x3  }
0x581: {  	v6 =	vand.u32 $0x7F, v6;
	v7 =	vand.u32 $0xFFFFFC00, v7  }
0x582: {  	v6 =	vor.u32 v6, v7  }
0x583: {  	v6 =	vadd.s32 v3, v6;
	_ =	sdelay $0x4  }
0x584: {  	[tilespmem:v6+s30+$0x0] =	vst.idx.msk $0xffff, v5  }
0x585: {  	v6 =	vld [tilespmem:$0x504];
	_ =	sdelay $0x4  }
0x586: {  	v7 =	vshll.u32 v6, $0x3  }
0x587: {  	v6 =	vand.u32 $0x7F, v6;
	v7 =	vand.u32 $0xFFFFFC00, v7  }
0x588: {  	v6 =	vor.u32 v6, v7  }
0x589: {  	v6 =	vadd.s32 v4, v6;
	_ =	sdelay $0x4  }
0x58a: {  	[tilespmem:v6+s30+$0x0] =	vst.idx.msk vm0, v5  }
0x58b: {  	v6 =	vld [tilespmem:$0x546];
	_ =	sdelay $0x4  }
0x58c: {  	v7 =	vshll.u32 v6, $0x3  }
0x58d: {  	v6 =	vand.u32 $0x7F, v6;
	v7 =	vand.u32 $0xFFFFFC00, v7  }
0x58e: {  	v6 =	vor.u32 v6, v7  }
0x58f: {  	v6 =	vadd.s32 v0, v6;
	_ =	sdelay $0x4  }
0x590: {  	[tilespmem:v6+s30+$0x0] =	vst.idx.msk $0xffff, v1  }
0x591: {  	v6 =	vld [tilespmem:$0x556];
	_ =	sdelay $0x4  }
0x592: {  	v7 =	vshll.u32 v6, $0x3  }
0x593: {  	v6 =	vand.u32 $0x7F, v6;
	v7 =	vand.u32 $0xFFFFFC00, v7  }
0x594: {  	v6 =	vor.u32 v6, v7  }
0x595: {  	v6 =	vadd.s32 v2, v6;
	_ =	sdelay $0x4  }
0x596: {  	[tilespmem:v6+s30+$0x0] =	vst.idx.msk $0xffff, v1  }
0x597: {  	v6 =	vld [tilespmem:$0x566];
	_ =	sdelay $0x4  }
0x598: {  	v7 =	vshll.u32 v6, $0x3  }
0x599: {  	v6 =	vand.u32 $0x7F, v6;
	v7 =	vand.u32 $0xFFFFFC00, v7  }
0x59a: {  	v6 =	vor.u32 v6, v7  }
0x59b: {  	v6 =	vadd.s32 v3, v6;
	_ =	sdelay $0x4  }
0x59c: {  	[tilespmem:v6+s30+$0x0] =	vst.idx.msk $0xffff, v1  }
0x59d: {  	v6 =	vld [tilespmem:$0x568];
	_ =	sdelay $0x4  }
0x59e: {  	v7 =	vshll.u32 v6, $0x3  }
0x59f: {  	v6 =	vand.u32 $0x7F, v6;
	v7 =	vand.u32 $0xFFFFFC00, v7  }
0x5a0: {  	v6 =	vor.u32 v6, v7  }
0x5a1: {  	v6 =	vadd.s32 v4, v6;
	_ =	sdelay $0x4  }
0x5a2: {  	[tilespmem:v6+s30+$0x0] =	vst.idx.msk vm0, v1  }
0x5a3: {  	[hbm4b:s21+s3] =	stream.linear.scatter [tilespmem:s30], [sflag:$0x2], $0xE000, $0x38;
	[tilespmem:$0x1C680] =	vst v63  }
0x5a4: {  	_ =	swait.ge [sflag:s31], $0xE000  }
0x5a5: {  	[sflag:s31] =	ssyncset.done $0x0  }
0x5a6: {  	[sflag:s31] =	ssyncadd.s32 $0xFFFF2000  }
0x5a7: {  	v6 =	vld [tilespmem:$0x514];
	_ =	sdelay $0x4  }
0x5a8: {  	v7 =	vshll.u32 v6, $0x3  }
0x5a9: {  	v6 =	vand.u32 $0x7F, v6;
	v7 =	vand.u32 $0xFFFFFC00, v7  }
0x5aa: {  	v6 =	vor.u32 v6, v7  }
0x5ab: {  	v6 =	vadd.s32 v0, v6;
	_ =	sdelay $0x4  }
0x5ac: {  	[tilespmem:v6+s29+$0x0] =	vst.idx.msk $0xffff, v5  }
0x5ad: {  	v6 =	vld [tilespmem:$0x524];
	_ =	sdelay $0x4  }
0x5ae: {  	v7 =	vshll.u32 v6, $0x3  }
0x5af: {  	v6 =	vand.u32 $0x7F, v6;
	v7 =	vand.u32 $0xFFFFFC00, v7  }
0x5b0: {  	v6 =	vor.u32 v6, v7  }
0x5b1: {  	v6 =	vadd.s32 v2, v6;
	_ =	sdelay $0x4  }
0x5b2: {  	[tilespmem:v6+s29+$0x0] =	vst.idx.msk $0xffff, v5  }
0x5b3: {  	v6 =	vld [tilespmem:$0x534];
	_ =	sdelay $0x4  }
0x5b4: {  	v7 =	vshll.u32 v6, $0x3  }
0x5b5: {  	v6 =	vand.u32 $0x7F, v6;
	v7 =	vand.u32 $0xFFFFFC00, v7  }
0x5b6: {  	v6 =	vor.u32 v6, v7  }
0x5b7: {  	v6 =	vadd.s32 v3, v6;
	_ =	sdelay $0x4  }
0x5b8: {  	[tilespmem:v6+s29+$0x0] =	vst.idx.msk $0xffff, v5  }
0x5b9: {  	v6 =	vld [tilespmem:$0x536];
	_ =	sdelay $0x4  }
0x5ba: {  	v7 =	vshll.u32 v6, $0x3  }
0x5bb: {  	v6 =	vand.u32 $0x7F, v6;
	v7 =	vand.u32 $0xFFFFFC00, v7  }
0x5bc: {  	v6 =	vor.u32 v6, v7  }
0x5bd: {  	v6 =	vadd.s32 v4, v6;
	_ =	sdelay $0x4  }
0x5be: {  	[tilespmem:v6+s29+$0x0] =	vst.idx.msk vm0, v5  }
0x5bf: {  	v6 =	vld [tilespmem:$0x578];
	_ =	sdelay $0x4  }
0x5c0: {  	v7 =	vshll.u32 v6, $0x3  }
0x5c1: {  	v6 =	vand.u32 $0x7F, v6;
	v7 =	vand.u32 $0xFFFFFC00, v7  }
0x5c2: {  	v6 =	vor.u32 v6, v7  }
0x5c3: {  	v6 =	vadd.s32 v0, v6;
	_ =	sdelay $0x4  }
0x5c4: {  	[tilespmem:v6+s29+$0x0] =	vst.idx.msk $0xffff, v1  }
0x5c5: {  	v6 =	vld [tilespmem:$0x588];
	_ =	sdelay $0x4  }
0x5c6: {  	v7 =	vshll.u32 v6, $0x3  }
0x5c7: {  	v6 =	vand.u32 $0x7F, v6;
	v7 =	vand.u32 $0xFFFFFC00, v7  }
0x5c8: {  	v6 =	vor.u32 v6, v7  }
0x5c9: {  	v6 =	vadd.s32 v2, v6;
	_ =	sdelay $0x4  }
0x5ca: {  	[tilespmem:v6+s29+$0x0] =	vst.idx.msk $0xffff, v1  }
0x5cb: {  	v6 =	vld [tilespmem:$0x598];
	_ =	sdelay $0x4  }
0x5cc: {  	v7 =	vshll.u32 v6, $0x3  }
0x5cd: {  	v6 =	vand.u32 $0x7F, v6;
	v7 =	vand.u32 $0xFFFFFC00, v7  }
0x5ce: {  	v6 =	vor.u32 v6, v7  }
0x5cf: {  	v6 =	vadd.s32 v3, v6;
	_ =	sdelay $0x4  }
0x5d0: {  	[tilespmem:v6+s29+$0x0] =	vst.idx.msk $0xffff, v1  }
0x5d1: {  	v6 =	vld [tilespmem:$0x59A];
	_ =	sdelay $0x4  }
0x5d2: {  	v7 =	vshll.u32 v6, $0x3  }
0x5d3: {  	v6 =	vand.u32 $0x7F, v6;
	v7 =	vand.u32 $0xFFFFFC00, v7  }
0x5d4: {  	v6 =	vor.u32 v6, v7  }
0x5d5: {  	v6 =	vadd.s32 v4, v6;
	_ =	sdelay $0x4  }
0x5d6: {  	[tilespmem:v6+s29+$0x0] =	vst.idx.msk vm0, v1  }
0x5d7: {  	[hbm4b:s22+s3] =	stream.linear.scatter [tilespmem:s29], [sflag:$0x1], $0xE000, $0x38;
	[tilespmem:$0x1C680] =	vst v63  }
0x5d8: {  	_ =	swait.ge [sflag:s1], $0xE000  }
0x5d9: {  	[sflag:s1] =	ssyncset.done $0x0  }
0x5da: {  	[sflag:s1] =	ssyncadd.s32 $0xFFFF2000  }
0x5db: {  	v6 =	vld [tilespmem:$0x546];
	_ =	sdelay $0x4  }
0x5dc: {  	v7 =	vshll.u32 v6, $0x3  }
0x5dd: {  	v6 =	vand.u32 $0x7F, v6;
	v7 =	vand.u32 $0xFFFFFC00, v7  }
0x5de: {  	v6 =	vor.u32 v6, v7  }
0x5df: {  	v6 =	vadd.s32 v0, v6;
	_ =	sdelay $0x4  }
0x5e0: {  	[tilespmem:v6+s30+$0x0] =	vst.idx.msk $0xffff, v5  }
0x5e1: {  	v6 =	vld [tilespmem:$0x556];
	_ =	sdelay $0x4  }
0x5e2: {  	v7 =	vshll.u32 v6, $0x3  }
0x5e3: {  	v6 =	vand.u32 $0x7F, v6;
	v7 =	vand.u32 $0xFFFFFC00, v7  }
0x5e4: {  	v6 =	vor.u32 v6, v7  }
0x5e5: {  	v6 =	vadd.s32 v2, v6;
	_ =	sdelay $0x4  }
0x5e6: {  	[tilespmem:v6+s30+$0x0] =	vst.idx.msk $0xffff, v5  }
0x5e7: {  	v6 =	vld [tilespmem:$0x566];
	_ =	sdelay $0x4  }
0x5e8: {  	v7 =	vshll.u32 v6, $0x3  }
0x5e9: {  	v6 =	vand.u32 $0x7F, v6;
	v7 =	vand.u32 $0xFFFFFC00, v7  }
0x5ea: {  	v6 =	vor.u32 v6, v7  }
0x5eb: {  	v6 =	vadd.s32 v3, v6;
	_ =	sdelay $0x4  }
0x5ec: {  	[tilespmem:v6+s30+$0x0] =	vst.idx.msk $0xffff, v5  }
0x5ed: {  	v6 =	vld [tilespmem:$0x568];
	_ =	sdelay $0x4  }
0x5ee: {  	v7 =	vshll.u32 v6, $0x3  }
0x5ef: {  	v6 =	vand.u32 $0x7F, v6;
	v7 =	vand.u32 $0xFFFFFC00, v7  }
0x5f0: {  	v6 =	vor.u32 v6, v7  }
0x5f1: {  	v6 =	vadd.s32 v4, v6;
	_ =	sdelay $0x4  }
0x5f2: {  	[tilespmem:v6+s30+$0x0] =	vst.idx.msk vm0, v5  }
0x5f3: {  	v6 =	vld [tilespmem:$0x5AA];
	_ =	sdelay $0x4  }
0x5f4: {  	v7 =	vshll.u32 v6, $0x3  }
0x5f5: {  	v6 =	vand.u32 $0x7F, v6;
	v7 =	vand.u32 $0xFFFFFC00, v7  }
0x5f6: {  	v6 =	vor.u32 v6, v7  }
0x5f7: {  	v6 =	vadd.s32 v0, v6;
	_ =	sdelay $0x4  }
0x5f8: {  	[tilespmem:v6+s30+$0x0] =	vst.idx.msk $0xffff, v1  }
0x5f9: {  	v6 =	vld [tilespmem:$0x5BA];
	_ =	sdelay $0x4  }
0x5fa: {  	v7 =	vshll.u32 v6, $0x3  }
0x5fb: {  	v6 =	vand.u32 $0x7F, v6;
	v7 =	vand.u32 $0xFFFFFC00, v7  }
0x5fc: {  	v6 =	vor.u32 v6, v7  }
0x5fd: {  	v6 =	vadd.s32 v2, v6;
	_ =	sdelay $0x4  }
0x5fe: {  	[tilespmem:v6+s30+$0x0] =	vst.idx.msk $0xffff, v1  }
0x5ff: {  	v6 =	vld [tilespmem:$0x5CA];
	_ =	sdelay $0x4  }
0x600: {  	v7 =	vshll.u32 v6, $0x3  }
0x601: {  	v6 =	vand.u32 $0x7F, v6;
	v7 =	vand.u32 $0xFFFFFC00, v7  }
0x602: {  	v6 =	vor.u32 v6, v7  }
0x603: {  	v6 =	vadd.s32 v3, v6;
	_ =	sdelay $0x4  }
0x604: {  	[tilespmem:v6+s30+$0x0] =	vst.idx.msk $0xffff, v1  }
0x605: {  	v6 =	vld [tilespmem:$0x5CC];
	_ =	sdelay $0x4  }
0x606: {  	v7 =	vshll.u32 v6, $0x3  }
0x607: {  	v6 =	vand.u32 $0x7F, v6;
	v7 =	vand.u32 $0xFFFFFC00, v7  }
0x608: {  	v6 =	vor.u32 v6, v7  }
0x609: {  	v6 =	vadd.s32 v4, v6;
	_ =	sdelay $0x4  }
0x60a: {  	[tilespmem:v6+s30+$0x0] =	vst.idx.msk vm0, v1  }
0x60b: {  	[hbm4b:s23+s3] =	stream.linear.scatter [tilespmem:s30], [sflag:$0x2], $0xE000, $0x38;
	[tilespmem:$0x1C680] =	vst v63  }
0x60c: {  	_ =	swait.ge [sflag:s31], $0xE000  }
0x60d: {  	[sflag:s31] =	ssyncset.done $0x0  }
0x60e: {  	[sflag:s31] =	ssyncadd.s32 $0xFFFF2000  }
0x60f: {  	v6 =	vld [tilespmem:$0x578];
	_ =	sdelay $0x4  }
0x610: {  	v7 =	vshll.u32 v6, $0x3  }
0x611: {  	v6 =	vand.u32 $0x7F, v6;
	v7 =	vand.u32 $0xFFFFFC00, v7  }
0x612: {  	v6 =	vor.u32 v6, v7  }
0x613: {  	v6 =	vadd.s32 v0, v6;
	_ =	sdelay $0x4  }
0x614: {  	[tilespmem:v6+s29+$0x0] =	vst.idx.msk $0xffff, v5  }
0x615: {  	v6 =	vld [tilespmem:$0x588];
	_ =	sdelay $0x4  }
0x616: {  	v7 =	vshll.u32 v6, $0x3  }
0x617: {  	v6 =	vand.u32 $0x7F, v6;
	v7 =	vand.u32 $0xFFFFFC00, v7  }
0x618: {  	v6 =	vor.u32 v6, v7  }
0x619: {  	v6 =	vadd.s32 v2, v6;
	_ =	sdelay $0x4  }
0x61a: {  	[tilespmem:v6+s29+$0x0] =	vst.idx.msk $0xffff, v5  }
0x61b: {  	v6 =	vld [tilespmem:$0x598];
	_ =	sdelay $0x4  }
0x61c: {  	v7 =	vshll.u32 v6, $0x3  }
0x61d: {  	v6 =	vand.u32 $0x7F, v6;
	v7 =	vand.u32 $0xFFFFFC00, v7  }
0x61e: {  	v6 =	vor.u32 v6, v7  }
0x61f: {  	v6 =	vadd.s32 v3, v6;
	_ =	sdelay $0x4  }
0x620: {  	[tilespmem:v6+s29+$0x0] =	vst.idx.msk $0xffff, v5  }
0x621: {  	v6 =	vld [tilespmem:$0x59A];
	_ =	sdelay $0x4  }
0x622: {  	v7 =	vshll.u32 v6, $0x3  }
0x623: {  	v6 =	vand.u32 $0x7F, v6;
	v7 =	vand.u32 $0xFFFFFC00, v7  }
0x624: {  	v6 =	vor.u32 v6, v7  }
0x625: {  	v6 =	vadd.s32 v4, v6;
	_ =	sdelay $0x4  }
0x626: {  	[tilespmem:v6+s29+$0x0] =	vst.idx.msk vm0, v5  }
0x627: {  	v6 =	vld [tilespmem:$0x5DC];
	_ =	sdelay $0x4  }
0x628: {  	v7 =	vshll.u32 v6, $0x3  }
0x629: {  	v6 =	vand.u32 $0x7F, v6;
	v7 =	vand.u32 $0xFFFFFC00, v7  }
0x62a: {  	v6 =	vor.u32 v6, v7  }
0x62b: {  	v6 =	vadd.s32 v0, v6;
	_ =	sdelay $0x4  }
0x62c: {  	[tilespmem:v6+s29+$0x0] =	vst.idx.msk $0xffff, v1  }
0x62d: {  	v6 =	vld [tilespmem:$0x5EC];
	_ =	sdelay $0x4  }
0x62e: {  	v7 =	vshll.u32 v6, $0x3  }
0x62f: {  	v6 =	vand.u32 $0x7F, v6;
	v7 =	vand.u32 $0xFFFFFC00, v7  }
0x630: {  	v6 =	vor.u32 v6, v7  }
0x631: {  	v6 =	vadd.s32 v2, v6;
	_ =	sdelay $0x4  }
0x632: {  	[tilespmem:v6+s29+$0x0] =	vst.idx.msk $0xffff, v1  }
0x633: {  	v6 =	vld [tilespmem:$0x5FC];
	_ =	sdelay $0x4  }
0x634: {  	v7 =	vshll.u32 v6, $0x3  }
0x635: {  	v6 =	vand.u32 $0x7F, v6;
	v7 =	vand.u32 $0xFFFFFC00, v7  }
0x636: {  	v6 =	vor.u32 v6, v7  }
0x637: {  	v6 =	vadd.s32 v3, v6;
	_ =	sdelay $0x4  }
0x638: {  	[tilespmem:v6+s29+$0x0] =	vst.idx.msk $0xffff, v1  }
0x639: {  	v6 =	vld [tilespmem:$0x5FE];
	_ =	sdelay $0x4  }
0x63a: {  	v7 =	vshll.u32 v6, $0x3  }
0x63b: {  	v6 =	vand.u32 $0x7F, v6;
	v7 =	vand.u32 $0xFFFFFC00, v7  }
0x63c: {  	v6 =	vor.u32 v6, v7  }
0x63d: {  	v6 =	vadd.s32 v4, v6;
	_ =	sdelay $0x4  }
0x63e: {  	[tilespmem:v6+s29+$0x0] =	vst.idx.msk vm0, v1  }
0x63f: {  	[hbm4b:s24+s3] =	stream.linear.scatter [tilespmem:s29], [sflag:$0x1], $0xE000, $0x38;
	[tilespmem:$0x1C680] =	vst v63  }
0x640: {  	_ =	swait.ge [sflag:s1], $0xE000  }
0x641: {  	[sflag:s1] =	ssyncset.done $0x0  }
0x642: {  	[sflag:s1] =	ssyncadd.s32 $0xFFFF2000  }
0x643: {  	v6 =	vld [tilespmem:$0x5AA];
	_ =	sdelay $0x4  }
0x644: {  	v7 =	vshll.u32 v6, $0x3  }
0x645: {  	v6 =	vand.u32 $0x7F, v6;
	v7 =	vand.u32 $0xFFFFFC00, v7  }
0x646: {  	v6 =	vor.u32 v6, v7  }
0x647: {  	v6 =	vadd.s32 v0, v6;
	_ =	sdelay $0x4  }
0x648: {  	[tilespmem:v6+s30+$0x0] =	vst.idx.msk $0xffff, v5  }
0x649: {  	v6 =	vld [tilespmem:$0x5BA];
	_ =	sdelay $0x4  }
0x64a: {  	v7 =	vshll.u32 v6, $0x3  }
0x64b: {  	v6 =	vand.u32 $0x7F, v6;
	v7 =	vand.u32 $0xFFFFFC00, v7  }
0x64c: {  	v6 =	vor.u32 v6, v7  }
0x64d: {  	v6 =	vadd.s32 v2, v6;
	_ =	sdelay $0x4  }
0x64e: {  	[tilespmem:v6+s30+$0x0] =	vst.idx.msk $0xffff, v5  }
0x64f: {  	v6 =	vld [tilespmem:$0x5CA];
	_ =	sdelay $0x4  }
0x650: {  	v7 =	vshll.u32 v6, $0x3  }
0x651: {  	v6 =	vand.u32 $0x7F, v6;
	v7 =	vand.u32 $0xFFFFFC00, v7  }
0x652: {  	v6 =	vor.u32 v6, v7  }
0x653: {  	v6 =	vadd.s32 v3, v6;
	_ =	sdelay $0x4  }
0x654: {  	[tilespmem:v6+s30+$0x0] =	vst.idx.msk $0xffff, v5  }
0x655: {  	v6 =	vld [tilespmem:$0x5CC];
	_ =	sdelay $0x4  }
0x656: {  	v7 =	vshll.u32 v6, $0x3  }
0x657: {  	v6 =	vand.u32 $0x7F, v6;
	v7 =	vand.u32 $0xFFFFFC00, v7  }
0x658: {  	v6 =	vor.u32 v6, v7  }
0x659: {  	v6 =	vadd.s32 v4, v6;
	_ =	sdelay $0x4  }
0x65a: {  	[tilespmem:v6+s30+$0x0] =	vst.idx.msk vm0, v5  }
0x65b: {  	v6 =	vld [tilespmem:$0x60E];
	_ =	sdelay $0x4  }
0x65c: {  	v7 =	vshll.u32 v6, $0x3  }
0x65d: {  	v6 =	vand.u32 $0x7F, v6;
	v7 =	vand.u32 $0xFFFFFC00, v7  }
0x65e: {  	v6 =	vor.u32 v6, v7  }
0x65f: {  	v6 =	vadd.s32 v0, v6;
	_ =	sdelay $0x4  }
0x660: {  	[tilespmem:v6+s30+$0x0] =	vst.idx.msk $0xffff, v1  }
0x661: {  	v6 =	vld [tilespmem:$0x61E];
	_ =	sdelay $0x4  }
0x662: {  	v7 =	vshll.u32 v6, $0x3  }
0x663: {  	v6 =	vand.u32 $0x7F, v6;
	v7 =	vand.u32 $0xFFFFFC00, v7  }
0x664: {  	v6 =	vor.u32 v6, v7  }
0x665: {  	v6 =	vadd.s32 v2, v6;
	_ =	sdelay $0x4  }
0x666: {  	[tilespmem:v6+s30+$0x0] =	vst.idx.msk $0xffff, v1  }
0x667: {  	v6 =	vld [tilespmem:$0x62E];
	_ =	sdelay $0x4  }
0x668: {  	v7 =	vshll.u32 v6, $0x3  }
0x669: {  	v6 =	vand.u32 $0x7F, v6;
	v7 =	vand.u32 $0xFFFFFC00, v7  }
0x66a: {  	v6 =	vor.u32 v6, v7  }
0x66b: {  	v6 =	vadd.s32 v3, v6;
	_ =	sdelay $0x4  }
0x66c: {  	[tilespmem:v6+s30+$0x0] =	vst.idx.msk $0xffff, v1  }
0x66d: {  	v6 =	vld [tilespmem:$0x630];
	_ =	sdelay $0x4  }
0x66e: {  	v7 =	vshll.u32 v6, $0x3  }
0x66f: {  	v6 =	vand.u32 $0x7F, v6;
	v7 =	vand.u32 $0xFFFFFC00, v7  }
0x670: {  	v6 =	vor.u32 v6, v7  }
0x671: {  	v6 =	vadd.s32 v4, v6;
	_ =	sdelay $0x4  }
0x672: {  	[tilespmem:v6+s30+$0x0] =	vst.idx.msk vm0, v1  }
0x673: {  	[hbm4b:s25+s3] =	stream.linear.scatter [tilespmem:s30], [sflag:$0x2], $0xE000, $0x38;
	[tilespmem:$0x1C680] =	vst v63  }
0x674: {  	p0 =	sne.s32 s26, $0x1;
	_ =	swait.ge [sflag:s31], $0xE000  }
.Ltmp0:
0x675: {  	[sflag:s31] =	ssyncset.done $0x0;
	(pc) =	sbr.rel @p0 .LBB2_1-.Ltmp0, $4  }
0x676: {  	[sflag:s31] =	ssyncadd.s32 $0xFFFF2000  }
0x677: {  	_ =	swait.ge [sflag:s1], $0xE000  }
0x678: {  	[sflag:s1] =	ssyncset.done $0x0  }
0x679: {  	s26 =	sadd.s32 $0xFFFFFFFF, s26;
	[sflag:s1] =	ssyncadd.s32 $0xFFFF2000  }
0x67a: {  	_ =	sfence.sel $0x180000  }
0x67b: {  	[bflag:$0x0] =	sbarrier.arrive $0xFFFF  }
0x67c: {  	_ =	strace $0x90000047  }
0x67d: {  	s0 =	stileid.u32;
	[bflag:$0x2] =	sbarrier.arrive $0xFFFF  }
0x67e: {  	p0 =	sne.s32 s0, $0x0;
	s0 =	rddreg [dreg:$0x2]  }
0x67f: {  	s0 =	sadd.s32 @!p0 $0x100000, s0  }
0x680: {  	[sflag:s0] =	ssyncadd.tile.s32 @!p0 $0x1;
	_ =	shalt  }
.Lfunc_end2:
_tile_overlayer_lowered:
.L_overlay_start_2:
0x681: {  	(tag) =	ssettag $0x2  }
0x682: {  	s0 =	rddreg [dreg:$0x0];
	s2 =	stileid.u32  }
0x683: {  	s1 =	rddreg [dreg:$0x1];
	p0 =	sne.s32 s2, $0x0  }
0x684: {  	s3 =	rddreg [dreg:$0x2];
	[bflag:$0x3] =	sbarrier.arrive $0xFFFF;
	s2 =	simm.s32 @!p0 $0x1C03  }
0x685: {  	[timem:s3], [sflag:s2] =	dma.local @!p0 [hbm:s0], s1  }
0x686: {  	s0 =	simm.s32 @!p0 $0x3  }
0x687: {  	_ =	swait.ge @!p0 [sflag:s0], s1  }
0x688: {  	s1 =	ssub.s32 @!p0 $0x0, s1;
	[sflag:s0] =	ssyncset.done @!p0 $0x0  }
0x689: {  	[sflag:s0] =	ssyncadd.s32 @!p0 s1  }
0x68a: {  	[bflag:$0x3] =	sbarrier.arrive $0xFFFF  }
0x68b: {  	_ =	shalt  }

</sc_bundles>
